<compile_context>
chip_gen: v7x
topology: tpu7x:2x2x1
jax: 0.10.2.dev20260603
libtpu: 0.0.44.dev20260713+nightly
codegen_flags: <defaults>
</compile_context>

<pallas_src>
import functools

import numpy as np
import jax
import jax.numpy as jnp
from jax import lax
from jax.experimental import pallas as pl
from jax.experimental.pallas import tpu as pltpu
from jax.experimental.pallas import tpu_sc as plsc

NC, NS = 2, 16
NW = NC * NS
CB = 128
NF = 6
BE = 640
BR = 1000
GU = 6


def _sc_gather(n_chunks, dim, dtype=jnp.float32):
    T = -(-n_chunks // NW)
    mesh = plsc.VectorSubcoreMesh(core_axis_name="c", subcore_axis_name="s")

    @functools.partial(
        pl.kernel,
        out_type=jax.ShapeDtypeStruct((n_chunks * CB, dim), dtype),
        mesh=mesh,
        scratch_types=(
            [pltpu.VMEM((CB,), jnp.int32)] * GU
            + [pltpu.VMEM((CB, dim), dtype)] * GU
            + [pltpu.SemaphoreType.DMA]
        ),
    )
    def k(table_hbm, idx_hbm, out_hbm, *scr):
        idx_v = scr[:GU]
        rows_v = scr[GU:2 * GU]
        sg = scr[2 * GU]
        w = lax.axis_index("s") * NC + lax.axis_index("c")

        @pl.loop(0, -(-T // GU))
        def _groups(g):
            dgs = []
            for u in range(GU):
                cid = (g * GU + u) * NW + w

                @pl.when(cid < n_chunks)
                def _(u=u, cid=cid):
                    pltpu.sync_copy(idx_hbm.at[cid], idx_v[u])
                    dgs.append(pltpu.async_copy(
                        table_hbm.at[idx_v[u]], rows_v[u], sg))

            for u in range(GU):
                cid = (g * GU + u) * NW + w

                @pl.when(cid < n_chunks)
                def _(u=u, cid=cid):
                    dgs[u].wait()
                    pltpu.sync_copy(
                        rows_v[u], out_hbm.at[pl.ds(cid * CB, CB)])

    return k


def _sc_scatter(n_chunks, np_rows, dim):
    T = -(-n_chunks // NW)
    rpt = np_rows // NS
    mesh = plsc.VectorSubcoreMesh(core_axis_name="c", subcore_axis_name="s")

    @functools.partial(
        pl.kernel,
        out_type=jax.ShapeDtypeStruct((NC * np_rows, dim), jnp.float32),
        mesh=mesh,
        scratch_types=[
            pltpu.VMEM((CB,), jnp.int32),
            pltpu.VMEM((CB, dim), jnp.float32),
            pltpu.VMEM((rpt, dim), jnp.float32),
            pltpu.VMEM_SHARED((np_rows, dim), jnp.float32),
            pltpu.SemaphoreType.DMA,
        ],
    )
    def k(vals_hbm, idx_hbm, out_hbm, idx_v, val_v, stage_v, acc_sh, sem):
        c = lax.axis_index("c")
        s = lax.axis_index("s")
        w = s * NC + c

        @pl.loop(0, rpt)
        def _zero(i):
            for j in range(dim // 16):
                stage_v[i, pl.ds(j * 16, 16)] = jnp.zeros((16,), jnp.float32)

        pltpu.sync_copy(stage_v, acc_sh.at[pl.ds(s * rpt, rpt)])
        plsc.subcore_barrier()

        @pl.loop(0, T)
        def _chunks(t):
            cid = t * NW + w

            @pl.when(cid < n_chunks)
            def _():
                pltpu.sync_copy(idx_hbm.at[cid], idx_v)
                pltpu.sync_copy(vals_hbm.at[pl.ds(cid * CB, CB)], val_v)
                pltpu.sync_copy(val_v, acc_sh.at[idx_v], add=True)

        plsc.subcore_barrier()
        pltpu.sync_copy(acc_sh.at[pl.ds(s * rpt, rpt)], stage_v)
        pltpu.sync_copy(
            stage_v, out_hbm.at[pl.ds(c * np_rows + s * rpt, rpt)])

    return k


def _tc_embed(np_rows, dim):

    def body(z0_r, z1_r, emb_r, y0_r, y1_r):
        cols = lax.broadcasted_iota(jnp.int32, (BE, dim), 1)
        emb = emb_r[...]
        oh0 = (z0_r[...] == cols).astype(jnp.float32)
        y0_r[...] = jnp.dot(oh0, emb, preferred_element_type=jnp.float32)
        oh1 = (z1_r[...] == cols).astype(jnp.float32)
        y1_r[...] = jnp.dot(oh1, emb, preferred_element_type=jnp.float32)

    zs = pl.BlockSpec((BE, 1), lambda i: (i, 0))
    ys = pl.BlockSpec((BE, dim), lambda i: (i, 0))
    return pl.pallas_call(
        body,
        grid=(np_rows // BE,),
        in_specs=[zs, zs, pl.BlockSpec((dim, dim), lambda i: (0, 0))],
        out_specs=[ys, ys],
        out_shape=[jax.ShapeDtypeStruct((np_rows, dim), jnp.float32)] * 2,
    )


def _tc_tp(e_rows, dim):
    mu = np.linspace(0.0, 8.0, 5)

    def body(rows_ref, r_ref, w_ref, out_ref):
        rows = rows_ref[...].astype(jnp.bfloat16)
        rr = r_ref[...]
        p = jnp.dot(rows, w_ref[...], preferred_element_type=jnp.float32)
        s = p[:, (NF - 1) * dim:]
        for i in range(5):
            ef = jnp.exp(-0.125 * (rr - mu[i]) ** 2)
            s = s + ef * p[:, i * dim:(i + 1) * dim]
        out_ref[...] = s * jax.nn.sigmoid(s)

    return pl.pallas_call(
        body,
        grid=(e_rows // BE,),
        in_specs=[
            pl.BlockSpec((BE, dim), lambda i: (i, 0)),
            pl.BlockSpec((BE, 1), lambda i: (i, 0)),
            pl.BlockSpec((dim, NF * dim), lambda i: (0, 0)),
        ],
        out_specs=pl.BlockSpec((BE, dim), lambda i: (i, 0)),
        out_shape=jax.ShapeDtypeStruct((e_rows, dim), jnp.float32),
    )


def _tc_update(np_rows, dim):

    def body(y0_r, a0_r, b0_r, y1_r, a1_r, b1_r, o0_r, o1_r):
        o0_r[...] = y0_r[...] + a0_r[...] + b0_r[...]
        o1_r[...] = y1_r[...] + a1_r[...] + b1_r[...]

    bs = pl.BlockSpec((BE, dim), lambda i: (i, 0))
    return pl.pallas_call(
        body,
        grid=(np_rows // BE,),
        in_specs=[bs] * 6,
        out_specs=[bs, bs],
        out_shape=[jax.ShapeDtypeStruct((np_rows, dim), jnp.float32)] * 2,
    )


def _tc_readout(na, dim):

    def body(y0_r, a0_r, b0_r, y1_r, a1_r, b1_r, wro_r, bro_r, out_ref):
        t0 = y0_r[...] + a0_r[...] + b0_r[...]
        t1 = y1_r[...] + a1_r[...] + b1_r[...]
        v = jnp.dot(jnp.concatenate([t0, t1], axis=0), wro_r[...],
                    preferred_element_type=jnp.float32) + bro_r[0, 0]
        ps = jnp.sum(v * jax.nn.sigmoid(v))

        @pl.when(pl.program_id(0) == 0)
        def _():
            out_ref[0, 0] = 0.0

        out_ref[0, 0] += ps

    bs = pl.BlockSpec((BR, dim), lambda i: (i, 0))
    return pl.pallas_call(
        body,
        grid=(na // BR,),
        in_specs=[bs] * 6 + [
            pl.BlockSpec((dim, 1), lambda i: (0, 0)),
            pl.BlockSpec(memory_space=pltpu.SMEM),
        ],
        out_specs=pl.BlockSpec(memory_space=pltpu.SMEM),
        out_shape=jax.ShapeDtypeStruct((1, 1), jnp.float32),
    )


def kernel(z0, z1, src, dst, r, r_hat, edges, natoms0, natoms1,
           W_emb, b_emb, Ws2d, Wd2s, W_ro, b_ro):
    E = src.shape[0]
    dim = W_emb.shape[1]
    na0, na1 = z0.shape[0], z1.shape[0]
    n_layers = Ws2d.shape[0]
    np_rows = -(-max(na0, na1) // CB) * CB

    i32 = jnp.int32
    srcc = src.astype(i32).reshape(E // CB, CB)
    dstc = dst.astype(i32).reshape(E // CB, CB)
    r_col = r.astype(jnp.float32).reshape(E, 1)
    emb = W_emb.astype(jnp.float32) + b_emb[None, :].astype(jnp.float32)
    emb_pad = jnp.zeros((dim, dim), jnp.float32).at[:emb.shape[0]].set(emb)
    z0p = jnp.concatenate(
        [z0.astype(i32), jnp.zeros((np_rows - na0,), i32)]).reshape(-1, 1)
    z1p = jnp.concatenate(
        [z1.astype(i32), jnp.zeros((np_rows - na1,), i32)]).reshape(-1, 1)

    scale = (1.0 / np.sqrt(NF * dim)) / jnp.sqrt(
        jnp.float32(natoms0 + natoms1))

    g = _sc_gather(E // CB, dim)
    scat = _sc_scatter(E // CB, np_rows, dim)
    tp = _tc_tp(E, dim)
    upd = _tc_update(np_rows, dim)

    y0, y1 = _tc_embed(np_rows, dim)(z0p, z1p, emb_pad)

    for l in range(n_layers):
        w_s2d = (Ws2d[l].transpose(1, 0, 2).reshape(dim, NF * dim)
                 * scale).astype(jnp.bfloat16)
        w_d2s = (Wd2s[l].transpose(1, 0, 2).reshape(dim, NF * dim)
                 * scale).astype(jnp.bfloat16)
        rows_s = g(y0, srcc)
        rows_d = g(y1, dstc)
        msg_s2d = tp(rows_s, r_col, w_s2d)
        msg_d2s = tp(rows_d, r_col, w_d2s)
        p1 = scat(msg_s2d, dstc)
        p0 = scat(msg_d2s, srcc)
        if l < n_layers - 1:
            y0, y1 = upd(y0, p0[:np_rows], p0[np_rows:],
                         y1, p1[:np_rows], p1[np_rows:])

    out = _tc_readout(na0, dim)(
        y0, p0[:np_rows], p0[np_rows:], y1, p1[:np_rows], p1[np_rows:],
        W_ro.astype(jnp.float32), b_ro.reshape(1, 1).astype(jnp.float32))
    return out.reshape(())

# --- scband reference (transcript-rebuilt; emitter-appended) ---
"""Pipeline reference for scband-dimer-interaction-energy-model-76897094467607 (READ-ONLY COPY).

The authoritative reference and input builder live on the scoring server;
editing this copy changes nothing except your own understanding.
"""

import jax, jax.numpy as jnp
import numpy as np

MAX_Z = 100
DIM = 128
N_GED = 5
N_FEAT = 6
N_LAYERS = 2
E = 160000
NA0 = 5000
NA1 = 5000


def setup_inputs(seed: int = 0):
    key = jax.random.key(seed)
    ks = jax.random.split(key, 14)
    z0 = jax.random.randint(ks[0], (NA0,), 0, MAX_Z)
    z1 = jax.random.randint(ks[1], (NA1,), 0, MAX_Z)
    src = jax.random.randint(ks[2], (E,), 0, NA0)
    dst = jax.random.randint(ks[3], (E,), 0, NA1)
    r = jax.random.uniform(ks[4], (E,), dtype=jnp.float32)
    r_hat = jax.random.normal(ks[5], (E, 3), dtype=jnp.float32)
    edges = jax.random.randint(ks[6], (2, E), 0, NA0)
    W_emb = jax.random.normal(ks[7], (MAX_Z, DIM), dtype=jnp.float32) / np.sqrt(MAX_Z)
    b_emb = jnp.zeros((DIM,), dtype=jnp.float32)
    Ws2d = jax.random.normal(ks[8], (N_LAYERS, N_FEAT, DIM, DIM), dtype=jnp.float32)
    Wd2s = jax.random.normal(ks[9], (N_LAYERS, N_FEAT, DIM, DIM), dtype=jnp.float32)
    W_ro = jax.random.normal(ks[10], (DIM, 1), dtype=jnp.float32) / np.sqrt(DIM)
    b_ro = jnp.zeros((1,), dtype=jnp.float32)
    return {"z0": z0, "z1": z1, "src": src, "dst": dst, "r": r, "r_hat": r_hat, "edges": edges, "natoms0": NA0, "natoms1": NA1, "W_emb": W_emb, "b_emb": b_emb, "Ws2d": Ws2d, "Wd2s": Wd2s, "W_ro": W_ro, "b_ro": b_ro}


def _tp(ef, y, W):
    # FullyConnectedTensorProduct over pure scalar (0e) irreps:
    # out[e, k] = sum_{i,j} ef[e, i] * y[e, j] * W[i, j, k] / sqrt(fan_in)
    out = jnp.zeros((ef.shape[0], W.shape[2]), dtype=y.dtype)
    for i in range(W.shape[0]):
        out = out + ef[:, i:i + 1] * (y @ W[i])
    return out / np.sqrt(W.shape[0] * W.shape[1])


def reference(z0, z1, src, dst, r, r_hat, edges, natoms0, natoms1, W_emb, b_emb, Ws2d, Wd2s, W_ro, b_ro):
    act = jax.nn.silu
    # AtomicEmbedding: one-hot then Linear
    x0 = jax.nn.one_hot(z0, MAX_Z, dtype=jnp.float32) @ W_emb + b_emb
    x1 = jax.nn.one_hot(z1, MAX_Z, dtype=jnp.float32) @ W_emb + b_emb
    y0, y1 = x0, x1
    # GaussianExpansion: mu_min=0, mu_max=8, step=2 -> 5 centers, sigma=step
    mu = jnp.linspace(0.0, 8.0, N_GED).reshape(1, -1)
    sigma = 2.0
    ged = jnp.exp(-0.5 * ((r[:, None] - mu) / sigma) ** 2)
    # spherical harmonics of irreps "1x0e" with component normalization == constant 1
    sh = jnp.ones((r.shape[0], 1), dtype=jnp.float32)
    ef = jnp.concatenate([ged, sh], axis=-1)
    N = natoms0 + natoms1
    for l in range(N_LAYERS):
        s2d = _tp(ef, y0[src], Ws2d[l])
        s2d = act(s2d / N ** 0.5)
        s2d = jnp.zeros_like(y1).at[dst].add(s2d)
        d2s = _tp(ef, y1[dst], Wd2s[l])
        d2s = act(d2s / N ** 0.5)
        d2s = jnp.zeros_like(y0).at[src].add(d2s)
        y0, y1 = y0 + d2s, y1 + s2d
    # ReadoutLayer
    out = act(jnp.concatenate([y0, y1], axis=0) @ W_ro + b_ro)
    return out.sum()

if __name__ == "__main__":
    import jax
    _d = setup_inputs()
    print(jax.jit(kernel)(*tuple(_d.values())))

</pallas_src>

<mosaic_0001>
#map = affine_map<(d0, d1) -> (0, 0)>
module attributes {stable_mosaic.version = 14 : i64} {
  func.func @k(%arg0: i32, %arg1: i32, %arg2: memref<160000x128xf32, #tpu.memory_space<hbm>>, %arg3: memref<1250x128xi32, #tpu.memory_space<hbm>>, %arg4: memref<10240x128xf32, #tpu.memory_space<hbm>>, %arg5: memref<128xi32, #tpu.memory_space<vmem>>, %arg6: memref<128x128xf32, #tpu.memory_space<vmem>>, %arg7: memref<320x128xf32, #tpu.memory_space<vmem>>, %arg8: memref<5120x128xf32, #tpu.memory_space<vmem_shared>>, %arg9: memref<!tpu.dma_semaphore, #tpu.memory_space<semaphore_mem>>) attributes {dimension_semantics = [#tpu.dimension_semantics<core_parallel>, #tpu.dimension_semantics<subcore_parallel>], iteration_bounds = array<i64: 2, 16>, scalar_prefetch = 0 : i64, scratch_operands = 5 : i64, tpu.core_type = #tpu.core_type<sc_vector_subcore>, window_params = [{transform_indices = #map}, {transform_indices = #map}, {transform_indices = #map}]} {
    %mul3A = arith.constant 2 : i32
    %mul3A_0 = arith.muli %arg1, %mul3A : i32
    %add3A = arith.addi %mul3A_0, %arg0 : i32
    %scan3A = arith.constant 0 : i32
    %scan3A_1 = arith.constant 320 : i32
    %scan3A_2 = arith.addi %scan3A, %scan3A_1 : i32
    %scan3A_3 = arith.constant 1 : i32
    scf.for %scan3A_20 = %scan3A to %scan3A_2 step %scan3A_3  : i32 {
      %mul3A_21 = arith.constant 1 : i32
      %mul3A_22 = arith.muli %scan3A_20, %mul3A_21 : i32
      %add3A_23 = arith.constant 0 : i32
      %add3A_24 = arith.addi %add3A_23, %mul3A_22 : i32
      %broadcast_in_dim3A = arith.constant 0.000000e+00 : f32
      %broadcast_in_dim3A_25 = vector.broadcast %broadcast_in_dim3A : f32 to vector<16xf32>
      %swap3A = arith.index_cast %add3A_24 : i32 to index
      %swap3A_26 = arith.constant 0 : index
      %swap3A_27 = tpu.vector_load %arg7[%swap3A, %swap3A_26] {strides = array<i32>} : memref<320x128xf32, #tpu.memory_space<vmem>>, vector<1x16xf32>,
      %swap3A_28 = vector.shape_cast %swap3A_27 : vector<1x16xf32> to vector<16xf32>
      %swap3A_29 = vector.shape_cast %broadcast_in_dim3A_25 : vector<16xf32> to vector<1x16xf32>
      tpu.vector_store %arg7[%swap3A, %swap3A_26], %swap3A_29 {strides = array<i32>} : memref<320x128xf32, #tpu.memory_space<vmem>>, vector<1x16xf32>,
      %broadcast_in_dim3A_30 = arith.constant 0.000000e+00 : f32
      %broadcast_in_dim3A_31 = vector.broadcast %broadcast_in_dim3A_30 : f32 to vector<16xf32>
      %swap3A_32 = arith.index_cast %add3A_24 : i32 to index
      %swap3A_33 = arith.constant 16 : index
      %swap3A_34 = tpu.vector_load %arg7[%swap3A_32, %swap3A_33] {strides = array<i32>} : memref<320x128xf32, #tpu.memory_space<vmem>>, vector<1x16xf32>,
      %swap3A_35 = vector.shape_cast %swap3A_34 : vector<1x16xf32> to vector<16xf32>
      %swap3A_36 = vector.shape_cast %broadcast_in_dim3A_31 : vector<16xf32> to vector<1x16xf32>
      tpu.vector_store %arg7[%swap3A_32, %swap3A_33], %swap3A_36 {strides = array<i32>} : memref<320x128xf32, #tpu.memory_space<vmem>>, vector<1x16xf32>,
      %broadcast_in_dim3A_37 = arith.constant 0.000000e+00 : f32
      %broadcast_in_dim3A_38 = vector.broadcast %broadcast_in_dim3A_37 : f32 to vector<16xf32>
      %swap3A_39 = arith.index_cast %add3A_24 : i32 to index
      %swap3A_40 = arith.constant 32 : index
      %swap3A_41 = tpu.vector_load %arg7[%swap3A_39, %swap3A_40] {strides = array<i32>} : memref<320x128xf32, #tpu.memory_space<vmem>>, vector<1x16xf32>,
      %swap3A_42 = vector.shape_cast %swap3A_41 : vector<1x16xf32> to vector<16xf32>
      %swap3A_43 = vector.shape_cast %broadcast_in_dim3A_38 : vector<16xf32> to vector<1x16xf32>
      tpu.vector_store %arg7[%swap3A_39, %swap3A_40], %swap3A_43 {strides = array<i32>} : memref<320x128xf32, #tpu.memory_space<vmem>>, vector<1x16xf32>,
      %broadcast_in_dim3A_44 = arith.constant 0.000000e+00 : f32
      %broadcast_in_dim3A_45 = vector.broadcast %broadcast_in_dim3A_44 : f32 to vector<16xf32>
      %swap3A_46 = arith.index_cast %add3A_24 : i32 to index
      %swap3A_47 = arith.constant 48 : index
      %swap3A_48 = tpu.vector_load %arg7[%swap3A_46, %swap3A_47] {strides = array<i32>} : memref<320x128xf32, #tpu.memory_space<vmem>>, vector<1x16xf32>,
      %swap3A_49 = vector.shape_cast %swap3A_48 : vector<1x16xf32> to vector<16xf32>
      %swap3A_50 = vector.shape_cast %broadcast_in_dim3A_45 : vector<16xf32> to vector<1x16xf32>
      tpu.vector_store %arg7[%swap3A_46, %swap3A_47], %swap3A_50 {strides = array<i32>} : memref<320x128xf32, #tpu.memory_space<vmem>>, vector<1x16xf32>,
      %broadcast_in_dim3A_51 = arith.constant 0.000000e+00 : f32
      %broadcast_in_dim3A_52 = vector.broadcast %broadcast_in_dim3A_51 : f32 to vector<16xf32>
      %swap3A_53 = arith.index_cast %add3A_24 : i32 to index
      %swap3A_54 = arith.constant 64 : index
      %swap3A_55 = tpu.vector_load %arg7[%swap3A_53, %swap3A_54] {strides = array<i32>} : memref<320x128xf32, #tpu.memory_space<vmem>>, vector<1x16xf32>,
      %swap3A_56 = vector.shape_cast %swap3A_55 : vector<1x16xf32> to vector<16xf32>
      %swap3A_57 = vector.shape_cast %broadcast_in_dim3A_52 : vector<16xf32> to vector<1x16xf32>
      tpu.vector_store %arg7[%swap3A_53, %swap3A_54], %swap3A_57 {strides = array<i32>} : memref<320x128xf32, #tpu.memory_space<vmem>>, vector<1x16xf32>,
      %broadcast_in_dim3A_58 = arith.constant 0.000000e+00 : f32
      %broadcast_in_dim3A_59 = vector.broadcast %broadcast_in_dim3A_58 : f32 to vector<16xf32>
      %swap3A_60 = arith.index_cast %add3A_24 : i32 to index
      %swap3A_61 = arith.constant 80 : index
      %swap3A_62 = tpu.vector_load %arg7[%swap3A_60, %swap3A_61] {strides = array<i32>} : memref<320x128xf32, #tpu.memory_space<vmem>>, vector<1x16xf32>,
      %swap3A_63 = vector.shape_cast %swap3A_62 : vector<1x16xf32> to vector<16xf32>
      %swap3A_64 = vector.shape_cast %broadcast_in_dim3A_59 : vector<16xf32> to vector<1x16xf32>
      tpu.vector_store %arg7[%swap3A_60, %swap3A_61], %swap3A_64 {strides = array<i32>} : memref<320x128xf32, #tpu.memory_space<vmem>>, vector<1x16xf32>,
      %broadcast_in_dim3A_65 = arith.constant 0.000000e+00 : f32
      %broadcast_in_dim3A_66 = vector.broadcast %broadcast_in_dim3A_65 : f32 to vector<16xf32>
      %swap3A_67 = arith.index_cast %add3A_24 : i32 to index
      %swap3A_68 = arith.constant 96 : index
      %swap3A_69 = tpu.vector_load %arg7[%swap3A_67, %swap3A_68] {strides = array<i32>} : memref<320x128xf32, #tpu.memory_space<vmem>>, vector<1x16xf32>,
      %swap3A_70 = vector.shape_cast %swap3A_69 : vector<1x16xf32> to vector<16xf32>
      %swap3A_71 = vector.shape_cast %broadcast_in_dim3A_66 : vector<16xf32> to vector<1x16xf32>
      tpu.vector_store %arg7[%swap3A_67, %swap3A_68], %swap3A_71 {strides = array<i32>} : memref<320x128xf32, #tpu.memory_space<vmem>>, vector<1x16xf32>,
      %broadcast_in_dim3A_72 = arith.constant 0.000000e+00 : f32
      %broadcast_in_dim3A_73 = vector.broadcast %broadcast_in_dim3A_72 : f32 to vector<16xf32>
      %swap3A_74 = arith.index_cast %add3A_24 : i32 to index
      %swap3A_75 = arith.constant 112 : index
      %swap3A_76 = tpu.vector_load %arg7[%swap3A_74, %swap3A_75] {strides = array<i32>} : memref<320x128xf32, #tpu.memory_space<vmem>>, vector<1x16xf32>,
      %swap3A_77 = vector.shape_cast %swap3A_76 : vector<1x16xf32> to vector<16xf32>
      %swap3A_78 = vector.shape_cast %broadcast_in_dim3A_73 : vector<16xf32> to vector<1x16xf32>
      tpu.vector_store %arg7[%swap3A_74, %swap3A_75], %swap3A_78 {strides = array<i32>} : memref<320x128xf32, #tpu.memory_space<vmem>>, vector<1x16xf32>,
    }
    %scan3A_4 = arith.constant 320 : i32
    %mul3A_5 = arith.constant 320 : i32
    %mul3A_6 = arith.muli %arg1, %mul3A_5 : i32
    "tpu.region"() ({
      %run_scoped3A = tpu.sem_alloc : memref<!tpu.dma_semaphore, #tpu.memory_space<semaphore_mem>>
      %dma_start3A = arith.constant 0 : i32
      %dma_start3A_20 = tpu.memref_slice %arg8[%mul3A_6, %dma_start3A] : memref<5120x128xf32, #tpu.memory_space<vmem_shared>> -> memref<320x128xf32, #tpu.memory_space<vmem_shared>>
      %dma_start3A_21 = arith.constant 0 : i32
      %dma_start3A_22 = tpu.memref_slice %arg8[%mul3A_6, %dma_start3A_21] : memref<5120x128xf32, #tpu.memory_space<vmem_shared>> -> memref<320x128xf32, #tpu.memory_space<vmem_shared>>
      tpu.enqueue_dma source(%arg7 : memref<320x128xf32, #tpu.memory_space<vmem>>) target(%dma_start3A_22 : memref<320x128xf32, #tpu.memory_space<vmem_shared>>) target_semaphore(%run_scoped3A : memref<!tpu.dma_semaphore, #tpu.memory_space<semaphore_mem>>)
      %dma_wait3A = arith.constant 0 : i32
      %dma_wait3A_23 = tpu.memref_slice %arg8[%mul3A_6, %dma_wait3A] : memref<5120x128xf32, #tpu.memory_space<vmem_shared>> -> memref<320x128xf32, #tpu.memory_space<vmem_shared>>
      %dma_wait3A_24 = arith.constant 0 : i32
      %dma_wait3A_25 = tpu.memref_slice %arg8[%mul3A_6, %dma_wait3A_24] : memref<5120x128xf32, #tpu.memory_space<vmem_shared>> -> memref<320x128xf32, #tpu.memory_space<vmem_shared>>
      tpu.wait_dma2 semaphore(%run_scoped3A : memref<!tpu.dma_semaphore, #tpu.memory_space<semaphore_mem>>) src(%arg7 : memref<320x128xf32, #tpu.memory_space<vmem>>) dst(%dma_wait3A_25 : memref<320x128xf32, #tpu.memory_space<vmem_shared>>)
      tpu.yield
    }) : () -> ()
    %barrier3A = arith.constant 0 : index
    tpu.barrier barrier_id(%barrier3A)
    %scan3A_7 = arith.constant 0 : i32
    %scan3A_8 = arith.constant 40 : i32
    %scan3A_9 = arith.addi %scan3A_7, %scan3A_8 : i32
    %scan3A_10 = arith.constant 1 : i32
    scf.for %scan3A_20 = %scan3A_7 to %scan3A_9 step %scan3A_10  : i32 {
      %mul3A_21 = arith.constant 1 : i32
      %mul3A_22 = arith.muli %scan3A_20, %mul3A_21 : i32
      %add3A_23 = arith.constant 0 : i32
      %add3A_24 = arith.addi %add3A_23, %mul3A_22 : i32
      %mul3A_25 = arith.constant 32 : i32
      %mul3A_26 = arith.muli %add3A_24, %mul3A_25 : i32
      %add3A_27 = arith.addi %mul3A_26, %add3A : i32
      %lt3A = arith.constant 1250 : i32
      %lt3A_28 = arith.cmpi slt, %add3A_27, %lt3A : i32
      %convert_element_type3A = arith.extui %lt3A_28 : i1 to i32
      %cond3A = arith.constant 0 : i32
      %cond3A_29 = arith.cmpi ne, %convert_element_type3A, %cond3A : i32
      scf.if %cond3A_29 {
        "tpu.region"() ({
          %run_scoped3A = tpu.sem_alloc : memref<!tpu.dma_semaphore, #tpu.memory_space<semaphore_mem>>
          %dma_start3A = arith.constant 0 : i32
          %dma_start3A_32 = tpu.memref_slice %arg3[%add3A_27, %dma_start3A] : memref<1250x128xi32, #tpu.memory_space<hbm>> -> memref<1x128xi32, #tpu.memory_space<hbm>>
          %dma_start3A_33 = tpu.memref_squeeze %dma_start3A_32 : memref<1x128xi32, #tpu.memory_space<hbm>> -> memref<128xi32, #tpu.memory_space<hbm>>
          %dma_start3A_34 = arith.constant 0 : i32
          %dma_start3A_35 = tpu.memref_slice %arg3[%add3A_27, %dma_start3A_34] : memref<1250x128xi32, #tpu.memory_space<hbm>> -> memref<1x128xi32, #tpu.memory_space<hbm>>
          %dma_start3A_36 = tpu.memref_squeeze %dma_start3A_35 : memref<1x128xi32, #tpu.memory_space<hbm>> -> memref<128xi32, #tpu.memory_space<hbm>>
          tpu.enqueue_dma source(%dma_start3A_36 : memref<128xi32, #tpu.memory_space<hbm>>) target(%arg5 : memref<128xi32, #tpu.memory_space<vmem>>) target_semaphore(%run_scoped3A : memref<!tpu.dma_semaphore, #tpu.memory_space<semaphore_mem>>)
          %dma_wait3A = arith.constant 0 : i32
          %dma_wait3A_37 = tpu.memref_slice %arg3[%add3A_27, %dma_wait3A] : memref<1250x128xi32, #tpu.memory_space<hbm>> -> memref<1x128xi32, #tpu.memory_space<hbm>>
          %dma_wait3A_38 = tpu.memref_squeeze %dma_wait3A_37 : memref<1x128xi32, #tpu.memory_space<hbm>> -> memref<128xi32, #tpu.memory_space<hbm>>
          %dma_wait3A_39 = arith.constant 0 : i32
          %dma_wait3A_40 = tpu.memref_slice %arg3[%add3A_27, %dma_wait3A_39] : memref<1250x128xi32, #tpu.memory_space<hbm>> -> memref<1x128xi32, #tpu.memory_space<hbm>>
          %dma_wait3A_41 = tpu.memref_squeeze %dma_wait3A_40 : memref<1x128xi32, #tpu.memory_space<hbm>> -> memref<128xi32, #tpu.memory_space<hbm>>
          tpu.wait_dma2 semaphore(%run_scoped3A : memref<!tpu.dma_semaphore, #tpu.memory_space<semaphore_mem>>) src(%dma_wait3A_41 : memref<128xi32, #tpu.memory_space<hbm>>) dst(%arg5 : memref<128xi32, #tpu.memory_space<vmem>>)
          tpu.yield
        }) : () -> ()
        %mul3A_30 = arith.constant 128 : i32
        %mul3A_31 = arith.muli %add3A_27, %mul3A_30 : i32
        "tpu.region"() ({
          %run_scoped3A = tpu.sem_alloc : memref<!tpu.dma_semaphore, #tpu.memory_space<semaphore_mem>>
          %dma_start3A = arith.constant 0 : i32
          %dma_start3A_32 = tpu.memref_slice %arg2[%mul3A_31, %dma_start3A] : memref<160000x128xf32, #tpu.memory_space<hbm>> -> memref<128x128xf32, #tpu.memory_space<hbm>>
          %dma_start3A_33 = arith.constant 0 : i32
          %dma_start3A_34 = tpu.memref_slice %arg2[%mul3A_31, %dma_start3A_33] : memref<160000x128xf32, #tpu.memory_space<hbm>> -> memref<128x128xf32, #tpu.memory_space<hbm>>
          tpu.enqueue_dma source(%dma_start3A_34 : memref<128x128xf32, #tpu.memory_space<hbm>>) target(%arg6 : memref<128x128xf32, #tpu.memory_space<vmem>>) target_semaphore(%run_scoped3A : memref<!tpu.dma_semaphore, #tpu.memory_space<semaphore_mem>>)
          %dma_wait3A = arith.constant 0 : i32
          %dma_wait3A_35 = tpu.memref_slice %arg2[%mul3A_31, %dma_wait3A] : memref<160000x128xf32, #tpu.memory_space<hbm>> -> memref<128x128xf32, #tpu.memory_space<hbm>>
          %dma_wait3A_36 = arith.constant 0 : i32
          %dma_wait3A_37 = tpu.memref_slice %arg2[%mul3A_31, %dma_wait3A_36] : memref<160000x128xf32, #tpu.memory_space<hbm>> -> memref<128x128xf32, #tpu.memory_space<hbm>>
          tpu.wait_dma2 semaphore(%run_scoped3A : memref<!tpu.dma_semaphore, #tpu.memory_space<semaphore_mem>>) src(%dma_wait3A_37 : memref<128x128xf32, #tpu.memory_space<hbm>>) dst(%arg6 : memref<128x128xf32, #tpu.memory_space<vmem>>)
          tpu.yield
        }) : () -> ()
        "tpu.region"() ({
          %run_scoped3A = tpu.sem_alloc : memref<!tpu.dma_semaphore, #tpu.memory_space<semaphore_mem>>
          %dma_start3A = arith.constant 0 : i32
          %dma_start3A_32 = arith.constant 0 : i32
          %dma_start3A_33 = tpu.memref_slice %arg8[%dma_start3A, %dma_start3A_32] : memref<5120x128xf32, #tpu.memory_space<vmem_shared>> -> memref<5120x128xf32, #tpu.memory_space<vmem_shared>>
          tpu.enqueue_indirect_dma source(%arg6 : memref<128x128xf32, #tpu.memory_space<vmem>>) target(%dma_start3A_33 : memref<5120x128xf32, #tpu.memory_space<vmem_shared>>) offsets(%arg5 : memref<128xi32, #tpu.memory_space<vmem>>) semaphore(%run_scoped3A : memref<!tpu.dma_semaphore, #tpu.memory_space<semaphore_mem>>) {add = true}
          %dma_wait3A = arith.constant 0 : i32
          %dma_wait3A_34 = arith.constant 0 : i32
          %dma_wait3A_35 = tpu.memref_slice %arg8[%dma_wait3A, %dma_wait3A_34] : memref<5120x128xf32, #tpu.memory_space<vmem_shared>> -> memref<5120x128xf32, #tpu.memory_space<vmem_shared>>
          tpu.wait_indirect_dma semaphore(%run_scoped3A : memref<!tpu.dma_semaphore, #tpu.memory_space<semaphore_mem>>) src(%arg6 : memref<128x128xf32, #tpu.memory_space<vmem>>) dst(%dma_wait3A_35 : memref<5120x128xf32, #tpu.memory_space<vmem_shared>>)
          tpu.yield
        }) : () -> ()
      } else {
      }
    }
    %scan3A_11 = arith.constant 40 : i32
    %barrier3A_12 = arith.constant 0 : index
    tpu.barrier barrier_id(%barrier3A_12)
    %mul3A_13 = arith.constant 320 : i32
    %mul3A_14 = arith.muli %arg1, %mul3A_13 : i32
    "tpu.region"() ({
      %run_scoped3A = tpu.sem_alloc : memref<!tpu.dma_semaphore, #tpu.memory_space<semaphore_mem>>
      %dma_start3A = arith.constant 0 : i32
      %dma_start3A_20 = tpu.memref_slice %arg8[%mul3A_14, %dma_start3A] : memref<5120x128xf32, #tpu.memory_space<vmem_shared>> -> memref<320x128xf32, #tpu.memory_space<vmem_shared>>
      %dma_start3A_21 = arith.constant 0 : i32
      %dma_start3A_22 = tpu.memref_slice %arg8[%mul3A_14, %dma_start3A_21] : memref<5120x128xf32, #tpu.memory_space<vmem_shared>> -> memref<320x128xf32, #tpu.memory_space<vmem_shared>>
      tpu.enqueue_dma source(%dma_start3A_22 : memref<320x128xf32, #tpu.memory_space<vmem_shared>>) target(%arg7 : memref<320x128xf32, #tpu.memory_space<vmem>>) target_semaphore(%run_scoped3A : memref<!tpu.dma_semaphore, #tpu.memory_space<semaphore_mem>>)
      %dma_wait3A = arith.constant 0 : i32
      %dma_wait3A_23 = tpu.memref_slice %arg8[%mul3A_14, %dma_wait3A] : memref<5120x128xf32, #tpu.memory_space<vmem_shared>> -> memref<320x128xf32, #tpu.memory_space<vmem_shared>>
      %dma_wait3A_24 = arith.constant 0 : i32
      %dma_wait3A_25 = tpu.memref_slice %arg8[%mul3A_14, %dma_wait3A_24] : memref<5120x128xf32, #tpu.memory_space<vmem_shared>> -> memref<320x128xf32, #tpu.memory_space<vmem_shared>>
      tpu.wait_dma2 semaphore(%run_scoped3A : memref<!tpu.dma_semaphore, #tpu.memory_space<semaphore_mem>>) src(%dma_wait3A_25 : memref<320x128xf32, #tpu.memory_space<vmem_shared>>) dst(%arg7 : memref<320x128xf32, #tpu.memory_space<vmem>>)
      tpu.yield
    }) : () -> ()
    %mul3A_15 = arith.constant 5120 : i32
    %mul3A_16 = arith.muli %arg0, %mul3A_15 : i32
    %mul3A_17 = arith.constant 320 : i32
    %mul3A_18 = arith.muli %arg1, %mul3A_17 : i32
    %add3A_19 = arith.addi %mul3A_16, %mul3A_18 : i32
    "tpu.region"() ({
      %run_scoped3A = tpu.sem_alloc : memref<!tpu.dma_semaphore, #tpu.memory_space<semaphore_mem>>
      %dma_start3A = arith.constant 0 : i32
      %dma_start3A_20 = tpu.memref_slice %arg4[%add3A_19, %dma_start3A] : memref<10240x128xf32, #tpu.memory_space<hbm>> -> memref<320x128xf32, #tpu.memory_space<hbm>>
      %dma_start3A_21 = arith.constant 0 : i32
      %dma_start3A_22 = tpu.memref_slice %arg4[%add3A_19, %dma_start3A_21] : memref<10240x128xf32, #tpu.memory_space<hbm>> -> memref<320x128xf32, #tpu.memory_space<hbm>>
      tpu.enqueue_dma source(%arg7 : memref<320x128xf32, #tpu.memory_space<vmem>>) target(%dma_start3A_22 : memref<320x128xf32, #tpu.memory_space<hbm>>) target_semaphore(%run_scoped3A : memref<!tpu.dma_semaphore, #tpu.memory_space<semaphore_mem>>)
      %dma_wait3A = arith.constant 0 : i32
      %dma_wait3A_23 = tpu.memref_slice %arg4[%add3A_19, %dma_wait3A] : memref<10240x128xf32, #tpu.memory_space<hbm>> -> memref<320x128xf32, #tpu.memory_space<hbm>>
      %dma_wait3A_24 = arith.constant 0 : i32
      %dma_wait3A_25 = tpu.memref_slice %arg4[%add3A_19, %dma_wait3A_24] : memref<10240x128xf32, #tpu.memory_space<hbm>> -> memref<320x128xf32, #tpu.memory_space<hbm>>
      tpu.wait_dma2 semaphore(%run_scoped3A : memref<!tpu.dma_semaphore, #tpu.memory_space<semaphore_mem>>) src(%arg7 : memref<320x128xf32, #tpu.memory_space<vmem>>) dst(%dma_wait3A_25 : memref<320x128xf32, #tpu.memory_space<hbm>>)
      tpu.yield
    }) : () -> ()
    return
  }
}

#map = affine_map<(d0, d1) -> (0, 0)>
module attributes {stable_mosaic.version = 14 : i64} {
  func.func @k(%arg0: i32, %arg1: i32, %arg2: memref<5120x128xf32, #tpu.memory_space<hbm>>, %arg3: memref<1250x128xi32, #tpu.memory_space<hbm>>, %arg4: memref<160000x128xf32, #tpu.memory_space<hbm>>, %arg5: memref<128xi32, #tpu.memory_space<vmem>>, %arg6: memref<128xi32, #tpu.memory_space<vmem>>, %arg7: memref<128xi32, #tpu.memory_space<vmem>>, %arg8: memref<128xi32, #tpu.memory_space<vmem>>, %arg9: memref<128xi32, #tpu.memory_space<vmem>>, %arg10: memref<128xi32, #tpu.memory_space<vmem>>, %arg11: memref<128x128xf32, #tpu.memory_space<vmem>>, %arg12: memref<128x128xf32, #tpu.memory_space<vmem>>, %arg13: memref<128x128xf32, #tpu.memory_space<vmem>>, %arg14: memref<128x128xf32, #tpu.memory_space<vmem>>, %arg15: memref<128x128xf32, #tpu.memory_space<vmem>>, %arg16: memref<128x128xf32, #tpu.memory_space<vmem>>, %arg17: memref<!tpu.dma_semaphore, #tpu.memory_space<semaphore_mem>>) attributes {dimension_semantics = [#tpu.dimension_semantics<core_parallel>, #tpu.dimension_semantics<subcore_parallel>], iteration_bounds = array<i64: 2, 16>, scalar_prefetch = 0 : i64, scratch_operands = 13 : i64, tpu.core_type = #tpu.core_type<sc_vector_subcore>, window_params = [{transform_indices = #map}, {transform_indices = #map}, {transform_indices = #map}]} {
    %mul3A = arith.constant 2 : i32
    %mul3A_0 = arith.muli %arg1, %mul3A : i32
    %add3A = arith.addi %mul3A_0, %arg0 : i32
    %scan3A = arith.constant 0 : i32
    %scan3A_1 = arith.constant 7 : i32
    %scan3A_2 = arith.addi %scan3A, %scan3A_1 : i32
    %scan3A_3 = arith.constant 1 : i32
    scf.for %scan3A_5 = %scan3A to %scan3A_2 step %scan3A_3  : i32 {
      %mul3A_6 = arith.constant 1 : i32
      %mul3A_7 = arith.muli %scan3A_5, %mul3A_6 : i32
      %add3A_8 = arith.constant 0 : i32
      %add3A_9 = arith.addi %add3A_8, %mul3A_7 : i32
      %mul3A_10 = arith.constant 6 : i32
      %mul3A_11 = arith.muli %add3A_9, %mul3A_10 : i32
      %add3A_12 = arith.constant 0 : i32
      %add3A_13 = arith.addi %mul3A_11, %add3A_12 : i32
      %mul3A_14 = arith.constant 32 : i32
      %mul3A_15 = arith.muli %add3A_13, %mul3A_14 : i32
      %add3A_16 = arith.addi %mul3A_15, %add3A : i32
      %lt3A = arith.constant 1250 : i32
      %lt3A_17 = arith.cmpi slt, %add3A_16, %lt3A : i32
      %convert_element_type3A = arith.extui %lt3A_17 : i1 to i32
      %cond3A = arith.constant 0 : i32
      %cond3A_18 = arith.cmpi ne, %convert_element_type3A, %cond3A : i32
      scf.if %cond3A_18 {
        "tpu.region"() ({
          %run_scoped3A = tpu.sem_alloc : memref<!tpu.dma_semaphore, #tpu.memory_space<semaphore_mem>>
          %dma_start3A_153 = arith.constant 0 : i32
          %dma_start3A_154 = tpu.memref_slice %arg3[%add3A_16, %dma_start3A_153] : memref<1250x128xi32, #tpu.memory_space<hbm>> -> memref<1x128xi32, #tpu.memory_space<hbm>>
          %dma_start3A_155 = tpu.memref_squeeze %dma_start3A_154 : memref<1x128xi32, #tpu.memory_space<hbm>> -> memref<128xi32, #tpu.memory_space<hbm>>
          %dma_start3A_156 = arith.constant 0 : i32
          %dma_start3A_157 = tpu.memref_slice %arg3[%add3A_16, %dma_start3A_156] : memref<1250x128xi32, #tpu.memory_space<hbm>> -> memref<1x128xi32, #tpu.memory_space<hbm>>
          %dma_start3A_158 = tpu.memref_squeeze %dma_start3A_157 : memref<1x128xi32, #tpu.memory_space<hbm>> -> memref<128xi32, #tpu.memory_space<hbm>>
          tpu.enqueue_dma source(%dma_start3A_158 : memref<128xi32, #tpu.memory_space<hbm>>) target(%arg5 : memref<128xi32, #tpu.memory_space<vmem>>) target_semaphore(%run_scoped3A : memref<!tpu.dma_semaphore, #tpu.memory_space<semaphore_mem>>)
          %dma_wait3A = arith.constant 0 : i32
          %dma_wait3A_159 = tpu.memref_slice %arg3[%add3A_16, %dma_wait3A] : memref<1250x128xi32, #tpu.memory_space<hbm>> -> memref<1x128xi32, #tpu.memory_space<hbm>>
          %dma_wait3A_160 = tpu.memref_squeeze %dma_wait3A_159 : memref<1x128xi32, #tpu.memory_space<hbm>> -> memref<128xi32, #tpu.memory_space<hbm>>
          %dma_wait3A_161 = arith.constant 0 : i32
          %dma_wait3A_162 = tpu.memref_slice %arg3[%add3A_16, %dma_wait3A_161] : memref<1250x128xi32, #tpu.memory_space<hbm>> -> memref<1x128xi32, #tpu.memory_space<hbm>>
          %dma_wait3A_163 = tpu.memref_squeeze %dma_wait3A_162 : memref<1x128xi32, #tpu.memory_space<hbm>> -> memref<128xi32, #tpu.memory_space<hbm>>
          tpu.wait_dma2 semaphore(%run_scoped3A : memref<!tpu.dma_semaphore, #tpu.memory_space<semaphore_mem>>) src(%dma_wait3A_163 : memref<128xi32, #tpu.memory_space<hbm>>) dst(%arg5 : memref<128xi32, #tpu.memory_space<vmem>>)
          tpu.yield
        }) : () -> ()
        %dma_start3A = arith.constant 0 : i32
        %dma_start3A_151 = arith.constant 0 : i32
        %dma_start3A_152 = tpu.memref_slice %arg2[%dma_start3A, %dma_start3A_151] : memref<5120x128xf32, #tpu.memory_space<hbm>> -> memref<5120x128xf32, #tpu.memory_space<hbm>>
        tpu.enqueue_indirect_dma source(%dma_start3A_152 : memref<5120x128xf32, #tpu.memory_space<hbm>>) target(%arg11 : memref<128x128xf32, #tpu.memory_space<vmem>>) offsets(%arg5 : memref<128xi32, #tpu.memory_space<vmem>>) semaphore(%arg17 : memref<!tpu.dma_semaphore, #tpu.memory_space<semaphore_mem>>)
      } else {
      }
      %mul3A_19 = arith.constant 6 : i32
      %mul3A_20 = arith.muli %add3A_9, %mul3A_19 : i32
      %add3A_21 = arith.constant 1 : i32
      %add3A_22 = arith.addi %mul3A_20, %add3A_21 : i32
      %mul3A_23 = arith.constant 32 : i32
      %mul3A_24 = arith.muli %add3A_22, %mul3A_23 : i32
      %add3A_25 = arith.addi %mul3A_24, %add3A : i32
      %lt3A_26 = arith.constant 1250 : i32
      %lt3A_27 = arith.cmpi slt, %add3A_25, %lt3A_26 : i32
      %convert_element_type3A_28 = arith.extui %lt3A_27 : i1 to i32
      %cond3A_29 = arith.constant 0 : i32
      %cond3A_30 = arith.cmpi ne, %convert_element_type3A_28, %cond3A_29 : i32
      scf.if %cond3A_30 {
        "tpu.region"() ({
          %run_scoped3A = tpu.sem_alloc : memref<!tpu.dma_semaphore, #tpu.memory_space<semaphore_mem>>
          %dma_start3A_153 = arith.constant 0 : i32
          %dma_start3A_154 = tpu.memref_slice %arg3[%add3A_25, %dma_start3A_153] : memref<1250x128xi32, #tpu.memory_space<hbm>> -> memref<1x128xi32, #tpu.memory_space<hbm>>
          %dma_start3A_155 = tpu.memref_squeeze %dma_start3A_154 : memref<1x128xi32, #tpu.memory_space<hbm>> -> memref<128xi32, #tpu.memory_space<hbm>>
          %dma_start3A_156 = arith.constant 0 : i32
          %dma_start3A_157 = tpu.memref_slice %arg3[%add3A_25, %dma_start3A_156] : memref<1250x128xi32, #tpu.memory_space<hbm>> -> memref<1x128xi32, #tpu.memory_space<hbm>>
          %dma_start3A_158 = tpu.memref_squeeze %dma_start3A_157 : memref<1x128xi32, #tpu.memory_space<hbm>> -> memref<128xi32, #tpu.memory_space<hbm>>
          tpu.enqueue_dma source(%dma_start3A_158 : memref<128xi32, #tpu.memory_space<hbm>>) target(%arg6 : memref<128xi32, #tpu.memory_space<vmem>>) target_semaphore(%run_scoped3A : memref<!tpu.dma_semaphore, #tpu.memory_space<semaphore_mem>>)
          %dma_wait3A = arith.constant 0 : i32
          %dma_wait3A_159 = tpu.memref_slice %arg3[%add3A_25, %dma_wait3A] : memref<1250x128xi32, #tpu.memory_space<hbm>> -> memref<1x128xi32, #tpu.memory_space<hbm>>
          %dma_wait3A_160 = tpu.memref_squeeze %dma_wait3A_159 : memref<1x128xi32, #tpu.memory_space<hbm>> -> memref<128xi32, #tpu.memory_space<hbm>>
          %dma_wait3A_161 = arith.constant 0 : i32
          %dma_wait3A_162 = tpu.memref_slice %arg3[%add3A_25, %dma_wait3A_161] : memref<1250x128xi32, #tpu.memory_space<hbm>> -> memref<1x128xi32, #tpu.memory_space<hbm>>
          %dma_wait3A_163 = tpu.memref_squeeze %dma_wait3A_162 : memref<1x128xi32, #tpu.memory_space<hbm>> -> memref<128xi32, #tpu.memory_space<hbm>>
          tpu.wait_dma2 semaphore(%run_scoped3A : memref<!tpu.dma_semaphore, #tpu.memory_space<semaphore_mem>>) src(%dma_wait3A_163 : memref<128xi32, #tpu.memory_space<hbm>>) dst(%arg6 : memref<128xi32, #tpu.memory_space<vmem>>)
          tpu.yield
        }) : () -> ()
        %dma_start3A = arith.constant 0 : i32
        %dma_start3A_151 = arith.constant 0 : i32
        %dma_start3A_152 = tpu.memref_slice %arg2[%dma_start3A, %dma_start3A_151] : memref<5120x128xf32, #tpu.memory_space<hbm>> -> memref<5120x128xf32, #tpu.memory_space<hbm>>
        tpu.enqueue_indirect_dma source(%dma_start3A_152 : memref<5120x128xf32, #tpu.memory_space<hbm>>) target(%arg12 : memref<128x128xf32, #tpu.memory_space<vmem>>) offsets(%arg6 : memref<128xi32, #tpu.memory_space<vmem>>) semaphore(%arg17 : memref<!tpu.dma_semaphore, #tpu.memory_space<semaphore_mem>>)
      } else {
      }
      %mul3A_31 = arith.constant 6 : i32
      %mul3A_32 = arith.muli %add3A_9, %mul3A_31 : i32
      %add3A_33 = arith.constant 2 : i32
      %add3A_34 = arith.addi %mul3A_32, %add3A_33 : i32
      %mul3A_35 = arith.constant 32 : i32
      %mul3A_36 = arith.muli %add3A_34, %mul3A_35 : i32
      %add3A_37 = arith.addi %mul3A_36, %add3A : i32
      %lt3A_38 = arith.constant 1250 : i32
      %lt3A_39 = arith.cmpi slt, %add3A_37, %lt3A_38 : i32
      %convert_element_type3A_40 = arith.extui %lt3A_39 : i1 to i32
      %cond3A_41 = arith.constant 0 : i32
      %cond3A_42 = arith.cmpi ne, %convert_element_type3A_40, %cond3A_41 : i32
      scf.if %cond3A_42 {
        "tpu.region"() ({
          %run_scoped3A = tpu.sem_alloc : memref<!tpu.dma_semaphore, #tpu.memory_space<semaphore_mem>>
          %dma_start3A_153 = arith.constant 0 : i32
          %dma_start3A_154 = tpu.memref_slice %arg3[%add3A_37, %dma_start3A_153] : memref<1250x128xi32, #tpu.memory_space<hbm>> -> memref<1x128xi32, #tpu.memory_space<hbm>>
          %dma_start3A_155 = tpu.memref_squeeze %dma_start3A_154 : memref<1x128xi32, #tpu.memory_space<hbm>> -> memref<128xi32, #tpu.memory_space<hbm>>
          %dma_start3A_156 = arith.constant 0 : i32
          %dma_start3A_157 = tpu.memref_slice %arg3[%add3A_37, %dma_start3A_156] : memref<1250x128xi32, #tpu.memory_space<hbm>> -> memref<1x128xi32, #tpu.memory_space<hbm>>
          %dma_start3A_158 = tpu.memref_squeeze %dma_start3A_157 : memref<1x128xi32, #tpu.memory_space<hbm>> -> memref<128xi32, #tpu.memory_space<hbm>>
          tpu.enqueue_dma source(%dma_start3A_158 : memref<128xi32, #tpu.memory_space<hbm>>) target(%arg7 : memref<128xi32, #tpu.memory_space<vmem>>) target_semaphore(%run_scoped3A : memref<!tpu.dma_semaphore, #tpu.memory_space<semaphore_mem>>)
          %dma_wait3A = arith.constant 0 : i32
          %dma_wait3A_159 = tpu.memref_slice %arg3[%add3A_37, %dma_wait3A] : memref<1250x128xi32, #tpu.memory_space<hbm>> -> memref<1x128xi32, #tpu.memory_space<hbm>>
          %dma_wait3A_160 = tpu.memref_squeeze %dma_wait3A_159 : memref<1x128xi32, #tpu.memory_space<hbm>> -> memref<128xi32, #tpu.memory_space<hbm>>
          %dma_wait3A_161 = arith.constant 0 : i32
          %dma_wait3A_162 = tpu.memref_slice %arg3[%add3A_37, %dma_wait3A_161] : memref<1250x128xi32, #tpu.memory_space<hbm>> -> memref<1x128xi32, #tpu.memory_space<hbm>>
          %dma_wait3A_163 = tpu.memref_squeeze %dma_wait3A_162 : memref<1x128xi32, #tpu.memory_space<hbm>> -> memref<128xi32, #tpu.memory_space<hbm>>
          tpu.wait_dma2 semaphore(%run_scoped3A : memref<!tpu.dma_semaphore, #tpu.memory_space<semaphore_mem>>) src(%dma_wait3A_163 : memref<128xi32, #tpu.memory_space<hbm>>) dst(%arg7 : memref<128xi32, #tpu.memory_space<vmem>>)
          tpu.yield
        }) : () -> ()
        %dma_start3A = arith.constant 0 : i32
        %dma_start3A_151 = arith.constant 0 : i32
        %dma_start3A_152 = tpu.memref_slice %arg2[%dma_start3A, %dma_start3A_151] : memref<5120x128xf32, #tpu.memory_space<hbm>> -> memref<5120x128xf32, #tpu.memory_space<hbm>>
        tpu.enqueue_indirect_dma source(%dma_start3A_152 : memref<5120x128xf32, #tpu.memory_space<hbm>>) target(%arg13 : memref<128x128xf32, #tpu.memory_space<vmem>>) offsets(%arg7 : memref<128xi32, #tpu.memory_space<vmem>>) semaphore(%arg17 : memref<!tpu.dma_semaphore, #tpu.memory_space<semaphore_mem>>)
      } else {
      }
      %mul3A_43 = arith.constant 6 : i32
      %mul3A_44 = arith.muli %add3A_9, %mul3A_43 : i32
      %add3A_45 = arith.constant 3 : i32
      %add3A_46 = arith.addi %mul3A_44, %add3A_45 : i32
      %mul3A_47 = arith.constant 32 : i32
      %mul3A_48 = arith.muli %add3A_46, %mul3A_47 : i32
      %add3A_49 = arith.addi %mul3A_48, %add3A : i32
      %lt3A_50 = arith.constant 1250 : i32
      %lt3A_51 = arith.cmpi slt, %add3A_49, %lt3A_50 : i32
      %convert_element_type3A_52 = arith.extui %lt3A_51 : i1 to i32
      %cond3A_53 = arith.constant 0 : i32
      %cond3A_54 = arith.cmpi ne, %convert_element_type3A_52, %cond3A_53 : i32
      scf.if %cond3A_54 {
        "tpu.region"() ({
          %run_scoped3A = tpu.sem_alloc : memref<!tpu.dma_semaphore, #tpu.memory_space<semaphore_mem>>
          %dma_start3A_153 = arith.constant 0 : i32
          %dma_start3A_154 = tpu.memref_slice %arg3[%add3A_49, %dma_start3A_153] : memref<1250x128xi32, #tpu.memory_space<hbm>> -> memref<1x128xi32, #tpu.memory_space<hbm>>
          %dma_start3A_155 = tpu.memref_squeeze %dma_start3A_154 : memref<1x128xi32, #tpu.memory_space<hbm>> -> memref<128xi32, #tpu.memory_space<hbm>>
          %dma_start3A_156 = arith.constant 0 : i32
          %dma_start3A_157 = tpu.memref_slice %arg3[%add3A_49, %dma_start3A_156] : memref<1250x128xi32, #tpu.memory_space<hbm>> -> memref<1x128xi32, #tpu.memory_space<hbm>>
          %dma_start3A_158 = tpu.memref_squeeze %dma_start3A_157 : memref<1x128xi32, #tpu.memory_space<hbm>> -> memref<128xi32, #tpu.memory_space<hbm>>
          tpu.enqueue_dma source(%dma_start3A_158 : memref<128xi32, #tpu.memory_space<hbm>>) target(%arg8 : memref<128xi32, #tpu.memory_space<vmem>>) target_semaphore(%run_scoped3A : memref<!tpu.dma_semaphore, #tpu.memory_space<semaphore_mem>>)
          %dma_wait3A = arith.constant 0 : i32
          %dma_wait3A_159 = tpu.memref_slice %arg3[%add3A_49, %dma_wait3A] : memref<1250x128xi32, #tpu.memory_space<hbm>> -> memref<1x128xi32, #tpu.memory_space<hbm>>
          %dma_wait3A_160 = tpu.memref_squeeze %dma_wait3A_159 : memref<1x128xi32, #tpu.memory_space<hbm>> -> memref<128xi32, #tpu.memory_space<hbm>>
          %dma_wait3A_161 = arith.constant 0 : i32
          %dma_wait3A_162 = tpu.memref_slice %arg3[%add3A_49, %dma_wait3A_161] : memref<1250x128xi32, #tpu.memory_space<hbm>> -> memref<1x128xi32, #tpu.memory_space<hbm>>
          %dma_wait3A_163 = tpu.memref_squeeze %dma_wait3A_162 : memref<1x128xi32, #tpu.memory_space<hbm>> -> memref<128xi32, #tpu.memory_space<hbm>>
          tpu.wait_dma2 semaphore(%run_scoped3A : memref<!tpu.dma_semaphore, #tpu.memory_space<semaphore_mem>>) src(%dma_wait3A_163 : memref<128xi32, #tpu.memory_space<hbm>>) dst(%arg8 : memref<128xi32, #tpu.memory_space<vmem>>)
          tpu.yield
        }) : () -> ()
        %dma_start3A = arith.constant 0 : i32
        %dma_start3A_151 = arith.constant 0 : i32
        %dma_start3A_152 = tpu.memref_slice %arg2[%dma_start3A, %dma_start3A_151] : memref<5120x128xf32, #tpu.memory_space<hbm>> -> memref<5120x128xf32, #tpu.memory_space<hbm>>
        tpu.enqueue_indirect_dma source(%dma_start3A_152 : memref<5120x128xf32, #tpu.memory_space<hbm>>) target(%arg14 : memref<128x128xf32, #tpu.memory_space<vmem>>) offsets(%arg8 : memref<128xi32, #tpu.memory_space<vmem>>) semaphore(%arg17 : memref<!tpu.dma_semaphore, #tpu.memory_space<semaphore_mem>>)
      } else {
      }
      %mul3A_55 = arith.constant 6 : i32
      %mul3A_56 = arith.muli %add3A_9, %mul3A_55 : i32
      %add3A_57 = arith.constant 4 : i32
      %add3A_58 = arith.addi %mul3A_56, %add3A_57 : i32
      %mul3A_59 = arith.constant 32 : i32
      %mul3A_60 = arith.muli %add3A_58, %mul3A_59 : i32
      %add3A_61 = arith.addi %mul3A_60, %add3A : i32
      %lt3A_62 = arith.constant 1250 : i32
      %lt3A_63 = arith.cmpi slt, %add3A_61, %lt3A_62 : i32
      %convert_element_type3A_64 = arith.extui %lt3A_63 : i1 to i32
      %cond3A_65 = arith.constant 0 : i32
      %cond3A_66 = arith.cmpi ne, %convert_element_type3A_64, %cond3A_65 : i32
      scf.if %cond3A_66 {
        "tpu.region"() ({
          %run_scoped3A = tpu.sem_alloc : memref<!tpu.dma_semaphore, #tpu.memory_space<semaphore_mem>>
          %dma_start3A_153 = arith.constant 0 : i32
          %dma_start3A_154 = tpu.memref_slice %arg3[%add3A_61, %dma_start3A_153] : memref<1250x128xi32, #tpu.memory_space<hbm>> -> memref<1x128xi32, #tpu.memory_space<hbm>>
          %dma_start3A_155 = tpu.memref_squeeze %dma_start3A_154 : memref<1x128xi32, #tpu.memory_space<hbm>> -> memref<128xi32, #tpu.memory_space<hbm>>
          %dma_start3A_156 = arith.constant 0 : i32
          %dma_start3A_157 = tpu.memref_slice %arg3[%add3A_61, %dma_start3A_156] : memref<1250x128xi32, #tpu.memory_space<hbm>> -> memref<1x128xi32, #tpu.memory_space<hbm>>
          %dma_start3A_158 = tpu.memref_squeeze %dma_start3A_157 : memref<1x128xi32, #tpu.memory_space<hbm>> -> memref<128xi32, #tpu.memory_space<hbm>>
          tpu.enqueue_dma source(%dma_start3A_158 : memref<128xi32, #tpu.memory_space<hbm>>) target(%arg9 : memref<128xi32, #tpu.memory_space<vmem>>) target_semaphore(%run_scoped3A : memref<!tpu.dma_semaphore, #tpu.memory_space<semaphore_mem>>)
          %dma_wait3A = arith.constant 0 : i32
          %dma_wait3A_159 = tpu.memref_slice %arg3[%add3A_61, %dma_wait3A] : memref<1250x128xi32, #tpu.memory_space<hbm>> -> memref<1x128xi32, #tpu.memory_space<hbm>>
          %dma_wait3A_160 = tpu.memref_squeeze %dma_wait3A_159 : memref<1x128xi32, #tpu.memory_space<hbm>> -> memref<128xi32, #tpu.memory_space<hbm>>
          %dma_wait3A_161 = arith.constant 0 : i32
          %dma_wait3A_162 = tpu.memref_slice %arg3[%add3A_61, %dma_wait3A_161] : memref<1250x128xi32, #tpu.memory_space<hbm>> -> memref<1x128xi32, #tpu.memory_space<hbm>>
          %dma_wait3A_163 = tpu.memref_squeeze %dma_wait3A_162 : memref<1x128xi32, #tpu.memory_space<hbm>> -> memref<128xi32, #tpu.memory_space<hbm>>
          tpu.wait_dma2 semaphore(%run_scoped3A : memref<!tpu.dma_semaphore, #tpu.memory_space<semaphore_mem>>) src(%dma_wait3A_163 : memref<128xi32, #tpu.memory_space<hbm>>) dst(%arg9 : memref<128xi32, #tpu.memory_space<vmem>>)
          tpu.yield
        }) : () -> ()
        %dma_start3A = arith.constant 0 : i32
        %dma_start3A_151 = arith.constant 0 : i32
        %dma_start3A_152 = tpu.memref_slice %arg2[%dma_start3A, %dma_start3A_151] : memref<5120x128xf32, #tpu.memory_space<hbm>> -> memref<5120x128xf32, #tpu.memory_space<hbm>>
        tpu.enqueue_indirect_dma source(%dma_start3A_152 : memref<5120x128xf32, #tpu.memory_space<hbm>>) target(%arg15 : memref<128x128xf32, #tpu.memory_space<vmem>>) offsets(%arg9 : memref<128xi32, #tpu.memory_space<vmem>>) semaphore(%arg17 : memref<!tpu.dma_semaphore, #tpu.memory_space<semaphore_mem>>)
      } else {
      }
      %mul3A_67 = arith.constant 6 : i32
      %mul3A_68 = arith.muli %add3A_9, %mul3A_67 : i32
      %add3A_69 = arith.constant 5 : i32
      %add3A_70 = arith.addi %mul3A_68, %add3A_69 : i32
      %mul3A_71 = arith.constant 32 : i32
      %mul3A_72 = arith.muli %add3A_70, %mul3A_71 : i32
      %add3A_73 = arith.addi %mul3A_72, %add3A : i32
      %lt3A_74 = arith.constant 1250 : i32
      %lt3A_75 = arith.cmpi slt, %add3A_73, %lt3A_74 : i32
      %convert_element_type3A_76 = arith.extui %lt3A_75 : i1 to i32
      %cond3A_77 = arith.constant 0 : i32
      %cond3A_78 = arith.cmpi ne, %convert_element_type3A_76, %cond3A_77 : i32
      scf.if %cond3A_78 {
        "tpu.region"() ({
          %run_scoped3A = tpu.sem_alloc : memref<!tpu.dma_semaphore, #tpu.memory_space<semaphore_mem>>
          %dma_start3A_153 = arith.constant 0 : i32
          %dma_start3A_154 = tpu.memref_slice %arg3[%add3A_73, %dma_start3A_153] : memref<1250x128xi32, #tpu.memory_space<hbm>> -> memref<1x128xi32, #tpu.memory_space<hbm>>
          %dma_start3A_155 = tpu.memref_squeeze %dma_start3A_154 : memref<1x128xi32, #tpu.memory_space<hbm>> -> memref<128xi32, #tpu.memory_space<hbm>>
          %dma_start3A_156 = arith.constant 0 : i32
          %dma_start3A_157 = tpu.memref_slice %arg3[%add3A_73, %dma_start3A_156] : memref<1250x128xi32, #tpu.memory_space<hbm>> -> memref<1x128xi32, #tpu.memory_space<hbm>>
          %dma_start3A_158 = tpu.memref_squeeze %dma_start3A_157 : memref<1x128xi32, #tpu.memory_space<hbm>> -> memref<128xi32, #tpu.memory_space<hbm>>
          tpu.enqueue_dma source(%dma_start3A_158 : memref<128xi32, #tpu.memory_space<hbm>>) target(%arg10 : memref<128xi32, #tpu.memory_space<vmem>>) target_semaphore(%run_scoped3A : memref<!tpu.dma_semaphore, #tpu.memory_space<semaphore_mem>>)
          %dma_wait3A = arith.constant 0 : i32
          %dma_wait3A_159 = tpu.memref_slice %arg3[%add3A_73, %dma_wait3A] : memref<1250x128xi32, #tpu.memory_space<hbm>> -> memref<1x128xi32, #tpu.memory_space<hbm>>
          %dma_wait3A_160 = tpu.memref_squeeze %dma_wait3A_159 : memref<1x128xi32, #tpu.memory_space<hbm>> -> memref<128xi32, #tpu.memory_space<hbm>>
          %dma_wait3A_161 = arith.constant 0 : i32
          %dma_wait3A_162 = tpu.memref_slice %arg3[%add3A_73, %dma_wait3A_161] : memref<1250x128xi32, #tpu.memory_space<hbm>> -> memref<1x128xi32, #tpu.memory_space<hbm>>
          %dma_wait3A_163 = tpu.memref_squeeze %dma_wait3A_162 : memref<1x128xi32, #tpu.memory_space<hbm>> -> memref<128xi32, #tpu.memory_space<hbm>>
          tpu.wait_dma2 semaphore(%run_scoped3A : memref<!tpu.dma_semaphore, #tpu.memory_space<semaphore_mem>>) src(%dma_wait3A_163 : memref<128xi32, #tpu.memory_space<hbm>>) dst(%arg10 : memref<128xi32, #tpu.memory_space<vmem>>)
          tpu.yield
        }) : () -> ()
        %dma_start3A = arith.constant 0 : i32
        %dma_start3A_151 = arith.constant 0 : i32
        %dma_start3A_152 = tpu.memref_slice %arg2[%dma_start3A, %dma_start3A_151] : memref<5120x128xf32, #tpu.memory_space<hbm>> -> memref<5120x128xf32, #tpu.memory_space<hbm>>
        tpu.enqueue_indirect_dma source(%dma_start3A_152 : memref<5120x128xf32, #tpu.memory_space<hbm>>) target(%arg16 : memref<128x128xf32, #tpu.memory_space<vmem>>) offsets(%arg10 : memref<128xi32, #tpu.memory_space<vmem>>) semaphore(%arg17 : memref<!tpu.dma_semaphore, #tpu.memory_space<semaphore_mem>>)
      } else {
      }
      %mul3A_79 = arith.constant 6 : i32
      %mul3A_80 = arith.muli %add3A_9, %mul3A_79 : i32
      %add3A_81 = arith.constant 0 : i32
      %add3A_82 = arith.addi %mul3A_80, %add3A_81 : i32
      %mul3A_83 = arith.constant 32 : i32
      %mul3A_84 = arith.muli %add3A_82, %mul3A_83 : i32
      %add3A_85 = arith.addi %mul3A_84, %add3A : i32
      %lt3A_86 = arith.constant 1250 : i32
      %lt3A_87 = arith.cmpi slt, %add3A_85, %lt3A_86 : i32
      %convert_element_type3A_88 = arith.extui %lt3A_87 : i1 to i32
      %cond3A_89 = arith.constant 0 : i32
      %cond3A_90 = arith.cmpi ne, %convert_element_type3A_88, %cond3A_89 : i32
      scf.if %cond3A_90 {
        %dma_wait3A = arith.constant 0 : i32
        %dma_wait3A_151 = arith.constant 0 : i32
        %dma_wait3A_152 = tpu.memref_slice %arg2[%dma_wait3A, %dma_wait3A_151] : memref<5120x128xf32, #tpu.memory_space<hbm>> -> memref<5120x128xf32, #tpu.memory_space<hbm>>
        tpu.wait_indirect_dma semaphore(%arg17 : memref<!tpu.dma_semaphore, #tpu.memory_space<semaphore_mem>>) src(%dma_wait3A_152 : memref<5120x128xf32, #tpu.memory_space<hbm>>) dst(%arg11 : memref<128x128xf32, #tpu.memory_space<vmem>>)
        %mul3A_153 = arith.constant 128 : i32
        %mul3A_154 = arith.muli %add3A_85, %mul3A_153 : i32
        "tpu.region"() ({
          %run_scoped3A = tpu.sem_alloc : memref<!tpu.dma_semaphore, #tpu.memory_space<semaphore_mem>>
          %dma_start3A = arith.constant 0 : i32
          %dma_start3A_155 = tpu.memref_slice %arg4[%mul3A_154, %dma_start3A] : memref<160000x128xf32, #tpu.memory_space<hbm>> -> memref<128x128xf32, #tpu.memory_space<hbm>>
          %dma_start3A_156 = arith.constant 0 : i32
          %dma_start3A_157 = tpu.memref_slice %arg4[%mul3A_154, %dma_start3A_156] : memref<160000x128xf32, #tpu.memory_space<hbm>> -> memref<128x128xf32, #tpu.memory_space<hbm>>
          tpu.enqueue_dma source(%arg11 : memref<128x128xf32, #tpu.memory_space<vmem>>) target(%dma_start3A_157 : memref<128x128xf32, #tpu.memory_space<hbm>>) target_semaphore(%run_scoped3A : memref<!tpu.dma_semaphore, #tpu.memory_space<semaphore_mem>>)
          %dma_wait3A_158 = arith.constant 0 : i32
          %dma_wait3A_159 = tpu.memref_slice %arg4[%mul3A_154, %dma_wait3A_158] : memref<160000x128xf32, #tpu.memory_space<hbm>> -> memref<128x128xf32, #tpu.memory_space<hbm>>
          %dma_wait3A_160 = arith.constant 0 : i32
          %dma_wait3A_161 = tpu.memref_slice %arg4[%mul3A_154, %dma_wait3A_160] : memref<160000x128xf32, #tpu.memory_space<hbm>> -> memref<128x128xf32, #tpu.memory_space<hbm>>
          tpu.wait_dma2 semaphore(%run_scoped3A : memref<!tpu.dma_semaphore, #tpu.memory_space<semaphore_mem>>) src(%arg11 : memref<128x128xf32, #tpu.memory_space<vmem>>) dst(%dma_wait3A_161 : memref<128x128xf32, #tpu.memory_space<hbm>>)
          tpu.yield
        }) : () -> ()
      } else {
      }
      %mul3A_91 = arith.constant 6 : i32
      %mul3A_92 = arith.muli %add3A_9, %mul3A_91 : i32
      %add3A_93 = arith.constant 1 : i32
      %add3A_94 = arith.addi %mul3A_92, %add3A_93 : i32
      %mul3A_95 = arith.constant 32 : i32
      %mul3A_96 = arith.muli %add3A_94, %mul3A_95 : i32
      %add3A_97 = arith.addi %mul3A_96, %add3A : i32
      %lt3A_98 = arith.constant 1250 : i32
      %lt3A_99 = arith.cmpi slt, %add3A_97, %lt3A_98 : i32
      %convert_element_type3A_100 = arith.extui %lt3A_99 : i1 to i32
      %cond3A_101 = arith.constant 0 : i32
      %cond3A_102 = arith.cmpi ne, %convert_element_type3A_100, %cond3A_101 : i32
      scf.if %cond3A_102 {
        %dma_wait3A = arith.constant 0 : i32
        %dma_wait3A_151 = arith.constant 0 : i32
        %dma_wait3A_152 = tpu.memref_slice %arg2[%dma_wait3A, %dma_wait3A_151] : memref<5120x128xf32, #tpu.memory_space<hbm>> -> memref<5120x128xf32, #tpu.memory_space<hbm>>
        tpu.wait_indirect_dma semaphore(%arg17 : memref<!tpu.dma_semaphore, #tpu.memory_space<semaphore_mem>>) src(%dma_wait3A_152 : memref<5120x128xf32, #tpu.memory_space<hbm>>) dst(%arg12 : memref<128x128xf32, #tpu.memory_space<vmem>>)
        %mul3A_153 = arith.constant 128 : i32
        %mul3A_154 = arith.muli %add3A_97, %mul3A_153 : i32
        "tpu.region"() ({
          %run_scoped3A = tpu.sem_alloc : memref<!tpu.dma_semaphore, #tpu.memory_space<semaphore_mem>>
          %dma_start3A = arith.constant 0 : i32
          %dma_start3A_155 = tpu.memref_slice %arg4[%mul3A_154, %dma_start3A] : memref<160000x128xf32, #tpu.memory_space<hbm>> -> memref<128x128xf32, #tpu.memory_space<hbm>>
          %dma_start3A_156 = arith.constant 0 : i32
          %dma_start3A_157 = tpu.memref_slice %arg4[%mul3A_154, %dma_start3A_156] : memref<160000x128xf32, #tpu.memory_space<hbm>> -> memref<128x128xf32, #tpu.memory_space<hbm>>
          tpu.enqueue_dma source(%arg12 : memref<128x128xf32, #tpu.memory_space<vmem>>) target(%dma_start3A_157 : memref<128x128xf32, #tpu.memory_space<hbm>>) target_semaphore(%run_scoped3A : memref<!tpu.dma_semaphore, #tpu.memory_space<semaphore_mem>>)
          %dma_wait3A_158 = arith.constant 0 : i32
          %dma_wait3A_159 = tpu.memref_slice %arg4[%mul3A_154, %dma_wait3A_158] : memref<160000x128xf32, #tpu.memory_space<hbm>> -> memref<128x128xf32, #tpu.memory_space<hbm>>
          %dma_wait3A_160 = arith.constant 0 : i32
          %dma_wait3A_161 = tpu.memref_slice %arg4[%mul3A_154, %dma_wait3A_160] : memref<160000x128xf32, #tpu.memory_space<hbm>> -> memref<128x128xf32, #tpu.memory_space<hbm>>
          tpu.wait_dma2 semaphore(%run_scoped3A : memref<!tpu.dma_semaphore, #tpu.memory_space<semaphore_mem>>) src(%arg12 : memref<128x128xf32, #tpu.memory_space<vmem>>) dst(%dma_wait3A_161 : memref<128x128xf32, #tpu.memory_space<hbm>>)
          tpu.yield
        }) : () -> ()
      } else {
      }
      %mul3A_103 = arith.constant 6 : i32
      %mul3A_104 = arith.muli %add3A_9, %mul3A_103 : i32
      %add3A_105 = arith.constant 2 : i32
      %add3A_106 = arith.addi %mul3A_104, %add3A_105 : i32
      %mul3A_107 = arith.constant 32 : i32
      %mul3A_108 = arith.muli %add3A_106, %mul3A_107 : i32
      %add3A_109 = arith.addi %mul3A_108, %add3A : i32
      %lt3A_110 = arith.constant 1250 : i32
      %lt3A_111 = arith.cmpi slt, %add3A_109, %lt3A_110 : i32
      %convert_element_type3A_112 = arith.extui %lt3A_111 : i1 to i32
      %cond3A_113 = arith.constant 0 : i32
      %cond3A_114 = arith.cmpi ne, %convert_element_type3A_112, %cond3A_113 : i32
      scf.if %cond3A_114 {
        %dma_wait3A = arith.constant 0 : i32
        %dma_wait3A_151 = arith.constant 0 : i32
        %dma_wait3A_152 = tpu.memref_slice %arg2[%dma_wait3A, %dma_wait3A_151] : memref<5120x128xf32, #tpu.memory_space<hbm>> -> memref<5120x128xf32, #tpu.memory_space<hbm>>
        tpu.wait_indirect_dma semaphore(%arg17 : memref<!tpu.dma_semaphore, #tpu.memory_space<semaphore_mem>>) src(%dma_wait3A_152 : memref<5120x128xf32, #tpu.memory_space<hbm>>) dst(%arg13 : memref<128x128xf32, #tpu.memory_space<vmem>>)
        %mul3A_153 = arith.constant 128 : i32
        %mul3A_154 = arith.muli %add3A_109, %mul3A_153 : i32
        "tpu.region"() ({
          %run_scoped3A = tpu.sem_alloc : memref<!tpu.dma_semaphore, #tpu.memory_space<semaphore_mem>>
          %dma_start3A = arith.constant 0 : i32
          %dma_start3A_155 = tpu.memref_slice %arg4[%mul3A_154, %dma_start3A] : memref<160000x128xf32, #tpu.memory_space<hbm>> -> memref<128x128xf32, #tpu.memory_space<hbm>>
          %dma_start3A_156 = arith.constant 0 : i32
          %dma_start3A_157 = tpu.memref_slice %arg4[%mul3A_154, %dma_start3A_156] : memref<160000x128xf32, #tpu.memory_space<hbm>> -> memref<128x128xf32, #tpu.memory_space<hbm>>
          tpu.enqueue_dma source(%arg13 : memref<128x128xf32, #tpu.memory_space<vmem>>) target(%dma_start3A_157 : memref<128x128xf32, #tpu.memory_space<hbm>>) target_semaphore(%run_scoped3A : memref<!tpu.dma_semaphore, #tpu.memory_space<semaphore_mem>>)
          %dma_wait3A_158 = arith.constant 0 : i32
          %dma_wait3A_159 = tpu.memref_slice %arg4[%mul3A_154, %dma_wait3A_158] : memref<160000x128xf32, #tpu.memory_space<hbm>> -> memref<128x128xf32, #tpu.memory_space<hbm>>
          %dma_wait3A_160 = arith.constant 0 : i32
          %dma_wait3A_161 = tpu.memref_slice %arg4[%mul3A_154, %dma_wait3A_160] : memref<160000x128xf32, #tpu.memory_space<hbm>> -> memref<128x128xf32, #tpu.memory_space<hbm>>
          tpu.wait_dma2 semaphore(%run_scoped3A : memref<!tpu.dma_semaphore, #tpu.memory_space<semaphore_mem>>) src(%arg13 : memref<128x128xf32, #tpu.memory_space<vmem>>) dst(%dma_wait3A_161 : memref<128x128xf32, #tpu.memory_space<hbm>>)
          tpu.yield
        }) : () -> ()
      } else {
      }
      %mul3A_115 = arith.constant 6 : i32
      %mul3A_116 = arith.muli %add3A_9, %mul3A_115 : i32
      %add3A_117 = arith.constant 3 : i32
      %add3A_118 = arith.addi %mul3A_116, %add3A_117 : i32
      %mul3A_119 = arith.constant 32 : i32
      %mul3A_120 = arith.muli %add3A_118, %mul3A_119 : i32
      %add3A_121 = arith.addi %mul3A_120, %add3A : i32
      %lt3A_122 = arith.constant 1250 : i32
      %lt3A_123 = arith.cmpi slt, %add3A_121, %lt3A_122 : i32
      %convert_element_type3A_124 = arith.extui %lt3A_123 : i1 to i32
      %cond3A_125 = arith.constant 0 : i32
      %cond3A_126 = arith.cmpi ne, %convert_element_type3A_124, %cond3A_125 : i32
      scf.if %cond3A_126 {
        %dma_wait3A = arith.constant 0 : i32
        %dma_wait3A_151 = arith.constant 0 : i32
        %dma_wait3A_152 = tpu.memref_slice %arg2[%dma_wait3A, %dma_wait3A_151] : memref<5120x128xf32, #tpu.memory_space<hbm>> -> memref<5120x128xf32, #tpu.memory_space<hbm>>
        tpu.wait_indirect_dma semaphore(%arg17 : memref<!tpu.dma_semaphore, #tpu.memory_space<semaphore_mem>>) src(%dma_wait3A_152 : memref<5120x128xf32, #tpu.memory_space<hbm>>) dst(%arg14 : memref<128x128xf32, #tpu.memory_space<vmem>>)
        %mul3A_153 = arith.constant 128 : i32
        %mul3A_154 = arith.muli %add3A_121, %mul3A_153 : i32
        "tpu.region"() ({
          %run_scoped3A = tpu.sem_alloc : memref<!tpu.dma_semaphore, #tpu.memory_space<semaphore_mem>>
          %dma_start3A = arith.constant 0 : i32
          %dma_start3A_155 = tpu.memref_slice %arg4[%mul3A_154, %dma_start3A] : memref<160000x128xf32, #tpu.memory_space<hbm>> -> memref<128x128xf32, #tpu.memory_space<hbm>>
          %dma_start3A_156 = arith.constant 0 : i32
          %dma_start3A_157 = tpu.memref_slice %arg4[%mul3A_154, %dma_start3A_156] : memref<160000x128xf32, #tpu.memory_space<hbm>> -> memref<128x128xf32, #tpu.memory_space<hbm>>
          tpu.enqueue_dma source(%arg14 : memref<128x128xf32, #tpu.memory_space<vmem>>) target(%dma_start3A_157 : memref<128x128xf32, #tpu.memory_space<hbm>>) target_semaphore(%run_scoped3A : memref<!tpu.dma_semaphore, #tpu.memory_space<semaphore_mem>>)
          %dma_wait3A_158 = arith.constant 0 : i32
          %dma_wait3A_159 = tpu.memref_slice %arg4[%mul3A_154, %dma_wait3A_158] : memref<160000x128xf32, #tpu.memory_space<hbm>> -> memref<128x128xf32, #tpu.memory_space<hbm>>
          %dma_wait3A_160 = arith.constant 0 : i32
          %dma_wait3A_161 = tpu.memref_slice %arg4[%mul3A_154, %dma_wait3A_160] : memref<160000x128xf32, #tpu.memory_space<hbm>> -> memref<128x128xf32, #tpu.memory_space<hbm>>
          tpu.wait_dma2 semaphore(%run_scoped3A : memref<!tpu.dma_semaphore, #tpu.memory_space<semaphore_mem>>) src(%arg14 : memref<128x128xf32, #tpu.memory_space<vmem>>) dst(%dma_wait3A_161 : memref<128x128xf32, #tpu.memory_space<hbm>>)
          tpu.yield
        }) : () -> ()
      } else {
      }
      %mul3A_127 = arith.constant 6 : i32
      %mul3A_128 = arith.muli %add3A_9, %mul3A_127 : i32
      %add3A_129 = arith.constant 4 : i32
      %add3A_130 = arith.addi %mul3A_128, %add3A_129 : i32
      %mul3A_131 = arith.constant 32 : i32
      %mul3A_132 = arith.muli %add3A_130, %mul3A_131 : i32
      %add3A_133 = arith.addi %mul3A_132, %add3A : i32
      %lt3A_134 = arith.constant 1250 : i32
      %lt3A_135 = arith.cmpi slt, %add3A_133, %lt3A_134 : i32
      %convert_element_type3A_136 = arith.extui %lt3A_135 : i1 to i32
      %cond3A_137 = arith.constant 0 : i32
      %cond3A_138 = arith.cmpi ne, %convert_element_type3A_136, %cond3A_137 : i32
      scf.if %cond3A_138 {
        %dma_wait3A = arith.constant 0 : i32
        %dma_wait3A_151 = arith.constant 0 : i32
        %dma_wait3A_152 = tpu.memref_slice %arg2[%dma_wait3A, %dma_wait3A_151] : memref<5120x128xf32, #tpu.memory_space<hbm>> -> memref<5120x128xf32, #tpu.memory_space<hbm>>
        tpu.wait_indirect_dma semaphore(%arg17 : memref<!tpu.dma_semaphore, #tpu.memory_space<semaphore_mem>>) src(%dma_wait3A_152 : memref<5120x128xf32, #tpu.memory_space<hbm>>) dst(%arg15 : memref<128x128xf32, #tpu.memory_space<vmem>>)
        %mul3A_153 = arith.constant 128 : i32
        %mul3A_154 = arith.muli %add3A_133, %mul3A_153 : i32
        "tpu.region"() ({
          %run_scoped3A = tpu.sem_alloc : memref<!tpu.dma_semaphore, #tpu.memory_space<semaphore_mem>>
          %dma_start3A = arith.constant 0 : i32
          %dma_start3A_155 = tpu.memref_slice %arg4[%mul3A_154, %dma_start3A] : memref<160000x128xf32, #tpu.memory_space<hbm>> -> memref<128x128xf32, #tpu.memory_space<hbm>>
          %dma_start3A_156 = arith.constant 0 : i32
          %dma_start3A_157 = tpu.memref_slice %arg4[%mul3A_154, %dma_start3A_156] : memref<160000x128xf32, #tpu.memory_space<hbm>> -> memref<128x128xf32, #tpu.memory_space<hbm>>
          tpu.enqueue_dma source(%arg15 : memref<128x128xf32, #tpu.memory_space<vmem>>) target(%dma_start3A_157 : memref<128x128xf32, #tpu.memory_space<hbm>>) target_semaphore(%run_scoped3A : memref<!tpu.dma_semaphore, #tpu.memory_space<semaphore_mem>>)
          %dma_wait3A_158 = arith.constant 0 : i32
          %dma_wait3A_159 = tpu.memref_slice %arg4[%mul3A_154, %dma_wait3A_158] : memref<160000x128xf32, #tpu.memory_space<hbm>> -> memref<128x128xf32, #tpu.memory_space<hbm>>
          %dma_wait3A_160 = arith.constant 0 : i32
          %dma_wait3A_161 = tpu.memref_slice %arg4[%mul3A_154, %dma_wait3A_160] : memref<160000x128xf32, #tpu.memory_space<hbm>> -> memref<128x128xf32, #tpu.memory_space<hbm>>
          tpu.wait_dma2 semaphore(%run_scoped3A : memref<!tpu.dma_semaphore, #tpu.memory_space<semaphore_mem>>) src(%arg15 : memref<128x128xf32, #tpu.memory_space<vmem>>) dst(%dma_wait3A_161 : memref<128x128xf32, #tpu.memory_space<hbm>>)
          tpu.yield
        }) : () -> ()
      } else {
      }
      %mul3A_139 = arith.constant 6 : i32
      %mul3A_140 = arith.muli %add3A_9, %mul3A_139 : i32
      %add3A_141 = arith.constant 5 : i32
      %add3A_142 = arith.addi %mul3A_140, %add3A_141 : i32
      %mul3A_143 = arith.constant 32 : i32
      %mul3A_144 = arith.muli %add3A_142, %mul3A_143 : i32
      %add3A_145 = arith.addi %mul3A_144, %add3A : i32
      %lt3A_146 = arith.constant 1250 : i32
      %lt3A_147 = arith.cmpi slt, %add3A_145, %lt3A_146 : i32
      %convert_element_type3A_148 = arith.extui %lt3A_147 : i1 to i32
      %cond3A_149 = arith.constant 0 : i32
      %cond3A_150 = arith.cmpi ne, %convert_element_type3A_148, %cond3A_149 : i32
      scf.if %cond3A_150 {
        %dma_wait3A = arith.constant 0 : i32
        %dma_wait3A_151 = arith.constant 0 : i32
        %dma_wait3A_152 = tpu.memref_slice %arg2[%dma_wait3A, %dma_wait3A_151] : memref<5120x128xf32, #tpu.memory_space<hbm>> -> memref<5120x128xf32, #tpu.memory_space<hbm>>
        tpu.wait_indirect_dma semaphore(%arg17 : memref<!tpu.dma_semaphore, #tpu.memory_space<semaphore_mem>>) src(%dma_wait3A_152 : memref<5120x128xf32, #tpu.memory_space<hbm>>) dst(%arg16 : memref<128x128xf32, #tpu.memory_space<vmem>>)
        %mul3A_153 = arith.constant 128 : i32
        %mul3A_154 = arith.muli %add3A_145, %mul3A_153 : i32
        "tpu.region"() ({
          %run_scoped3A = tpu.sem_alloc : memref<!tpu.dma_semaphore, #tpu.memory_space<semaphore_mem>>
          %dma_start3A = arith.constant 0 : i32
          %dma_start3A_155 = tpu.memref_slice %arg4[%mul3A_154, %dma_start3A] : memref<160000x128xf32, #tpu.memory_space<hbm>> -> memref<128x128xf32, #tpu.memory_space<hbm>>
          %dma_start3A_156 = arith.constant 0 : i32
          %dma_start3A_157 = tpu.memref_slice %arg4[%mul3A_154, %dma_start3A_156] : memref<160000x128xf32, #tpu.memory_space<hbm>> -> memref<128x128xf32, #tpu.memory_space<hbm>>
          tpu.enqueue_dma source(%arg16 : memref<128x128xf32, #tpu.memory_space<vmem>>) target(%dma_start3A_157 : memref<128x128xf32, #tpu.memory_space<hbm>>) target_semaphore(%run_scoped3A : memref<!tpu.dma_semaphore, #tpu.memory_space<semaphore_mem>>)
          %dma_wait3A_158 = arith.constant 0 : i32
          %dma_wait3A_159 = tpu.memref_slice %arg4[%mul3A_154, %dma_wait3A_158] : memref<160000x128xf32, #tpu.memory_space<hbm>> -> memref<128x128xf32, #tpu.memory_space<hbm>>
          %dma_wait3A_160 = arith.constant 0 : i32
          %dma_wait3A_161 = tpu.memref_slice %arg4[%mul3A_154, %dma_wait3A_160] : memref<160000x128xf32, #tpu.memory_space<hbm>> -> memref<128x128xf32, #tpu.memory_space<hbm>>
          tpu.wait_dma2 semaphore(%run_scoped3A : memref<!tpu.dma_semaphore, #tpu.memory_space<semaphore_mem>>) src(%arg16 : memref<128x128xf32, #tpu.memory_space<vmem>>) dst(%dma_wait3A_161 : memref<128x128xf32, #tpu.memory_space<hbm>>)
          tpu.yield
        }) : () -> ()
      } else {
      }
    }
    %scan3A_4 = arith.constant 7 : i32
    return
  }
}

#map = affine_map<(d0, d1) -> (0, 0)>
module attributes {stable_mosaic.version = 14 : i64} {
  func.func @k(%arg0: i32, %arg1: i32, %arg2: memref<5120x128xf32, #tpu.memory_space<hbm>>, %arg3: memref<1250x128xi32, #tpu.memory_space<hbm>>, %arg4: memref<160000x128xf32, #tpu.memory_space<hbm>>, %arg5: memref<128xi32, #tpu.memory_space<vmem>>, %arg6: memref<128xi32, #tpu.memory_space<vmem>>, %arg7: memref<128xi32, #tpu.memory_space<vmem>>, %arg8: memref<128xi32, #tpu.memory_space<vmem>>, %arg9: memref<128xi32, #tpu.memory_space<vmem>>, %arg10: memref<128xi32, #tpu.memory_space<vmem>>, %arg11: memref<128x128xf32, #tpu.memory_space<vmem>>, %arg12: memref<128x128xf32, #tpu.memory_space<vmem>>, %arg13: memref<128x128xf32, #tpu.memory_space<vmem>>, %arg14: memref<128x128xf32, #tpu.memory_space<vmem>>, %arg15: memref<128x128xf32, #tpu.memory_space<vmem>>, %arg16: memref<128x128xf32, #tpu.memory_space<vmem>>, %arg17: memref<!tpu.dma_semaphore, #tpu.memory_space<semaphore_mem>>) attributes {dimension_semantics = [#tpu.dimension_semantics<core_parallel>, #tpu.dimension_semantics<subcore_parallel>], iteration_bounds = array<i64: 2, 16>, scalar_prefetch = 0 : i64, scratch_operands = 13 : i64, tpu.core_type = #tpu.core_type<sc_vector_subcore>, window_params = [{transform_indices = #map}, {transform_indices = #map}, {transform_indices = #map}]} {
    %mul3A = arith.constant 2 : i32
    %mul3A_0 = arith.muli %arg1, %mul3A : i32
    %add3A = arith.addi %mul3A_0, %arg0 : i32
    %scan3A = arith.constant 0 : i32
    %scan3A_1 = arith.constant 7 : i32
    %scan3A_2 = arith.addi %scan3A, %scan3A_1 : i32
    %scan3A_3 = arith.constant 1 : i32
    scf.for %scan3A_5 = %scan3A to %scan3A_2 step %scan3A_3  : i32 {
      %mul3A_6 = arith.constant 1 : i32
      %mul3A_7 = arith.muli %scan3A_5, %mul3A_6 : i32
      %add3A_8 = arith.constant 0 : i32
      %add3A_9 = arith.addi %add3A_8, %mul3A_7 : i32
      %mul3A_10 = arith.constant 6 : i32
      %mul3A_11 = arith.muli %add3A_9, %mul3A_10 : i32
      %add3A_12 = arith.constant 0 : i32
      %add3A_13 = arith.addi %mul3A_11, %add3A_12 : i32
      %mul3A_14 = arith.constant 32 : i32
      %mul3A_15 = arith.muli %add3A_13, %mul3A_14 : i32
      %add3A_16 = arith.addi %mul3A_15, %add3A : i32
      %lt3A = arith.constant 1250 : i32
      %lt3A_17 = arith.cmpi slt, %add3A_16, %lt3A : i32
      %convert_element_type3A = arith.extui %lt3A_17 : i1 to i32
      %cond3A = arith.constant 0 : i32
      %cond3A_18 = arith.cmpi ne, %convert_element_type3A, %cond3A : i32
      scf.if %cond3A_18 {
        "tpu.region"() ({
          %run_scoped3A = tpu.sem_alloc : memref<!tpu.dma_semaphore, #tpu.memory_space<semaphore_mem>>
          %dma_start3A_153 = arith.constant 0 : i32
          %dma_start3A_154 = tpu.memref_slice %arg3[%add3A_16, %dma_start3A_153] : memref<1250x128xi32, #tpu.memory_space<hbm>> -> memref<1x128xi32, #tpu.memory_space<hbm>>
          %dma_start3A_155 = tpu.memref_squeeze %dma_start3A_154 : memref<1x128xi32, #tpu.memory_space<hbm>> -> memref<128xi32, #tpu.memory_space<hbm>>
          %dma_start3A_156 = arith.constant 0 : i32
          %dma_start3A_157 = tpu.memref_slice %arg3[%add3A_16, %dma_start3A_156] : memref<1250x128xi32, #tpu.memory_space<hbm>> -> memref<1x128xi32, #tpu.memory_space<hbm>>
          %dma_start3A_158 = tpu.memref_squeeze %dma_start3A_157 : memref<1x128xi32, #tpu.memory_space<hbm>> -> memref<128xi32, #tpu.memory_space<hbm>>
          tpu.enqueue_dma source(%dma_start3A_158 : memref<128xi32, #tpu.memory_space<hbm>>) target(%arg5 : memref<128xi32, #tpu.memory_space<vmem>>) target_semaphore(%run_scoped3A : memref<!tpu.dma_semaphore, #tpu.memory_space<semaphore_mem>>)
          %dma_wait3A = arith.constant 0 : i32
          %dma_wait3A_159 = tpu.memref_slice %arg3[%add3A_16, %dma_wait3A] : memref<1250x128xi32, #tpu.memory_space<hbm>> -> memref<1x128xi32, #tpu.memory_space<hbm>>
          %dma_wait3A_160 = tpu.memref_squeeze %dma_wait3A_159 : memref<1x128xi32, #tpu.memory_space<hbm>> -> memref<128xi32, #tpu.memory_space<hbm>>
          %dma_wait3A_161 = arith.constant 0 : i32
          %dma_wait3A_162 = tpu.memref_slice %arg3[%add3A_16, %dma_wait3A_161] : memref<1250x128xi32, #tpu.memory_space<hbm>> -> memref<1x128xi32, #tpu.memory_space<hbm>>
          %dma_wait3A_163 = tpu.memref_squeeze %dma_wait3A_162 : memref<1x128xi32, #tpu.memory_space<hbm>> -> memref<128xi32, #tpu.memory_space<hbm>>
          tpu.wait_dma2 semaphore(%run_scoped3A : memref<!tpu.dma_semaphore, #tpu.memory_space<semaphore_mem>>) src(%dma_wait3A_163 : memref<128xi32, #tpu.memory_space<hbm>>) dst(%arg5 : memref<128xi32, #tpu.memory_space<vmem>>)
          tpu.yield
        }) : () -> ()
        %dma_start3A = arith.constant 0 : i32
        %dma_start3A_151 = arith.constant 0 : i32
        %dma_start3A_152 = tpu.memref_slice %arg2[%dma_start3A, %dma_start3A_151] : memref<5120x128xf32, #tpu.memory_space<hbm>> -> memref<5120x128xf32, #tpu.memory_space<hbm>>
        tpu.enqueue_indirect_dma source(%dma_start3A_152 : memref<5120x128xf32, #tpu.memory_space<hbm>>) target(%arg11 : memref<128x128xf32, #tpu.memory_space<vmem>>) offsets(%arg5 : memref<128xi32, #tpu.memory_space<vmem>>) semaphore(%arg17 : memref<!tpu.dma_semaphore, #tpu.memory_space<semaphore_mem>>)
      } else {
      }
      %mul3A_19 = arith.constant 6 : i32
      %mul3A_20 = arith.muli %add3A_9, %mul3A_19 : i32
      %add3A_21 = arith.constant 1 : i32
      %add3A_22 = arith.addi %mul3A_20, %add3A_21 : i32
      %mul3A_23 = arith.constant 32 : i32
      %mul3A_24 = arith.muli %add3A_22, %mul3A_23 : i32
      %add3A_25 = arith.addi %mul3A_24, %add3A : i32
      %lt3A_26 = arith.constant 1250 : i32
      %lt3A_27 = arith.cmpi slt, %add3A_25, %lt3A_26 : i32
      %convert_element_type3A_28 = arith.extui %lt3A_27 : i1 to i32
      %cond3A_29 = arith.constant 0 : i32
      %cond3A_30 = arith.cmpi ne, %convert_element_type3A_28, %cond3A_29 : i32
      scf.if %cond3A_30 {
        "tpu.region"() ({
          %run_scoped3A = tpu.sem_alloc : memref<!tpu.dma_semaphore, #tpu.memory_space<semaphore_mem>>
          %dma_start3A_153 = arith.constant 0 : i32
          %dma_start3A_154 = tpu.memref_slice %arg3[%add3A_25, %dma_start3A_153] : memref<1250x128xi32, #tpu.memory_space<hbm>> -> memref<1x128xi32, #tpu.memory_space<hbm>>
          %dma_start3A_155 = tpu.memref_squeeze %dma_start3A_154 : memref<1x128xi32, #tpu.memory_space<hbm>> -> memref<128xi32, #tpu.memory_space<hbm>>
          %dma_start3A_156 = arith.constant 0 : i32
          %dma_start3A_157 = tpu.memref_slice %arg3[%add3A_25, %dma_start3A_156] : memref<1250x128xi32, #tpu.memory_space<hbm>> -> memref<1x128xi32, #tpu.memory_space<hbm>>
          %dma_start3A_158 = tpu.memref_squeeze %dma_start3A_157 : memref<1x128xi32, #tpu.memory_space<hbm>> -> memref<128xi32, #tpu.memory_space<hbm>>
          tpu.enqueue_dma source(%dma_start3A_158 : memref<128xi32, #tpu.memory_space<hbm>>) target(%arg6 : memref<128xi32, #tpu.memory_space<vmem>>) target_semaphore(%run_scoped3A : memref<!tpu.dma_semaphore, #tpu.memory_space<semaphore_mem>>)
          %dma_wait3A = arith.constant 0 : i32
          %dma_wait3A_159 = tpu.memref_slice %arg3[%add3A_25, %dma_wait3A] : memref<1250x128xi32, #tpu.memory_space<hbm>> -> memref<1x128xi32, #tpu.memory_space<hbm>>
          %dma_wait3A_160 = tpu.memref_squeeze %dma_wait3A_159 : memref<1x128xi32, #tpu.memory_space<hbm>> -> memref<128xi32, #tpu.memory_space<hbm>>
          %dma_wait3A_161 = arith.constant 0 : i32
          %dma_wait3A_162 = tpu.memref_slice %arg3[%add3A_25, %dma_wait3A_161] : memref<1250x128xi32, #tpu.memory_space<hbm>> -> memref<1x128xi32, #tpu.memory_space<hbm>>
          %dma_wait3A_163 = tpu.memref_squeeze %dma_wait3A_162 : memref<1x128xi32, #tpu.memory_space<hbm>> -> memref<128xi32, #tpu.memory_space<hbm>>
          tpu.wait_dma2 semaphore(%run_scoped3A : memref<!tpu.dma_semaphore, #tpu.memory_space<semaphore_mem>>) src(%dma_wait3A_163 : memref<128xi32, #tpu.memory_space<hbm>>) dst(%arg6 : memref<128xi32, #tpu.memory_space<vmem>>)
          tpu.yield
        }) : () -> ()
        %dma_start3A = arith.constant 0 : i32
        %dma_start3A_151 = arith.constant 0 : i32
        %dma_start3A_152 = tpu.memref_slice %arg2[%dma_start3A, %dma_start3A_151] : memref<5120x128xf32, #tpu.memory_space<hbm>> -> memref<5120x128xf32, #tpu.memory_space<hbm>>
        tpu.enqueue_indirect_dma source(%dma_start3A_152 : memref<5120x128xf32, #tpu.memory_space<hbm>>) target(%arg12 : memref<128x128xf32, #tpu.memory_space<vmem>>) offsets(%arg6 : memref<128xi32, #tpu.memory_space<vmem>>) semaphore(%arg17 : memref<!tpu.dma_semaphore, #tpu.memory_space<semaphore_mem>>)
      } else {
      }
      %mul3A_31 = arith.constant 6 : i32
      %mul3A_32 = arith.muli %add3A_9, %mul3A_31 : i32
      %add3A_33 = arith.constant 2 : i32
      %add3A_34 = arith.addi %mul3A_32, %add3A_33 : i32
      %mul3A_35 = arith.constant 32 : i32
      %mul3A_36 = arith.muli %add3A_34, %mul3A_35 : i32
      %add3A_37 = arith.addi %mul3A_36, %add3A : i32
      %lt3A_38 = arith.constant 1250 : i32
      %lt3A_39 = arith.cmpi slt, %add3A_37, %lt3A_38 : i32
      %convert_element_type3A_40 = arith.extui %lt3A_39 : i1 to i32
      %cond3A_41 = arith.constant 0 : i32
      %cond3A_42 = arith.cmpi ne, %convert_element_type3A_40, %cond3A_41 : i32
      scf.if %cond3A_42 {
        "tpu.region"() ({
          %run_scoped3A = tpu.sem_alloc : memref<!tpu.dma_semaphore, #tpu.memory_space<semaphore_mem>>
          %dma_start3A_153 = arith.constant 0 : i32
          %dma_start3A_154 = tpu.memref_slice %arg3[%add3A_37, %dma_start3A_153] : memref<1250x128xi32, #tpu.memory_space<hbm>> -> memref<1x128xi32, #tpu.memory_space<hbm>>
          %dma_start3A_155 = tpu.memref_squeeze %dma_start3A_154 : memref<1x128xi32, #tpu.memory_space<hbm>> -> memref<128xi32, #tpu.memory_space<hbm>>
          %dma_start3A_156 = arith.constant 0 : i32
          %dma_start3A_157 = tpu.memref_slice %arg3[%add3A_37, %dma_start3A_156] : memref<1250x128xi32, #tpu.memory_space<hbm>> -> memref<1x128xi32, #tpu.memory_space<hbm>>
          %dma_start3A_158 = tpu.memref_squeeze %dma_start3A_157 : memref<1x128xi32, #tpu.memory_space<hbm>> -> memref<128xi32, #tpu.memory_space<hbm>>
          tpu.enqueue_dma source(%dma_start3A_158 : memref<128xi32, #tpu.memory_space<hbm>>) target(%arg7 : memref<128xi32, #tpu.memory_space<vmem>>) target_semaphore(%run_scoped3A : memref<!tpu.dma_semaphore, #tpu.memory_space<semaphore_mem>>)
          %dma_wait3A = arith.constant 0 : i32
          %dma_wait3A_159 = tpu.memref_slice %arg3[%add3A_37, %dma_wait3A] : memref<1250x128xi32, #tpu.memory_space<hbm>> -> memref<1x128xi32, #tpu.memory_space<hbm>>
          %dma_wait3A_160 = tpu.memref_squeeze %dma_wait3A_159 : memref<1x128xi32, #tpu.memory_space<hbm>> -> memref<128xi32, #tpu.memory_space<hbm>>
          %dma_wait3A_161 = arith.constant 0 : i32
          %dma_wait3A_162 = tpu.memref_slice %arg3[%add3A_37, %dma_wait3A_161] : memref<1250x128xi32, #tpu.memory_space<hbm>> -> memref<1x128xi32, #tpu.memory_space<hbm>>
          %dma_wait3A_163 = tpu.memref_squeeze %dma_wait3A_162 : memref<1x128xi32, #tpu.memory_space<hbm>> -> memref<128xi32, #tpu.memory_space<hbm>>
          tpu.wait_dma2 semaphore(%run_scoped3A : memref<!tpu.dma_semaphore, #tpu.memory_space<semaphore_mem>>) src(%dma_wait3A_163 : memref<128xi32, #tpu.memory_space<hbm>>) dst(%arg7 : memref<128xi32, #tpu.memory_space<vmem>>)
          tpu.yield
        }) : () -> ()
        %dma_start3A = arith.constant 0 : i32
        %dma_start3A_151 = arith.constant 0 : i32
        %dma_start3A_152 = tpu.memref_slice %arg2[%dma_start3A, %dma_start3A_151] : memref<5120x128xf32, #tpu.memory_space<hbm>> -> memref<5120x128xf32, #tpu.memory_space<hbm>>
        tpu.enqueue_indirect_dma source(%dma_start3A_152 : memref<5120x128xf32, #tpu.memory_space<hbm>>) target(%arg13 : memref<128x128xf32, #tpu.memory_space<vmem>>) offsets(%arg7 : memref<128xi32, #tpu.memory_space<vmem>>) semaphore(%arg17 : memref<!tpu.dma_semaphore, #tpu.memory_space<semaphore_mem>>)
      } else {
      }
      %mul3A_43 = arith.constant 6 : i32
      %mul3A_44 = arith.muli %add3A_9, %mul3A_43 : i32
      %add3A_45 = arith.constant 3 : i32
      %add3A_46 = arith.addi %mul3A_44, %add3A_45 : i32
      %mul3A_47 = arith.constant 32 : i32
      %mul3A_48 = arith.muli %add3A_46, %mul3A_47 : i32
      %add3A_49 = arith.addi %mul3A_48, %add3A : i32
      %lt3A_50 = arith.constant 1250 : i32
      %lt3A_51 = arith.cmpi slt, %add3A_49, %lt3A_50 : i32
      %convert_element_type3A_52 = arith.extui %lt3A_51 : i1 to i32
      %cond3A_53 = arith.constant 0 : i32
      %cond3A_54 = arith.cmpi ne, %convert_element_type3A_52, %cond3A_53 : i32
      scf.if %cond3A_54 {
        "tpu.region"() ({
          %run_scoped3A = tpu.sem_alloc : memref<!tpu.dma_semaphore, #tpu.memory_space<semaphore_mem>>
          %dma_start3A_153 = arith.constant 0 : i32
          %dma_start3A_154 = tpu.memref_slice %arg3[%add3A_49, %dma_start3A_153] : memref<1250x128xi32, #tpu.memory_space<hbm>> -> memref<1x128xi32, #tpu.memory_space<hbm>>
          %dma_start3A_155 = tpu.memref_squeeze %dma_start3A_154 : memref<1x128xi32, #tpu.memory_space<hbm>> -> memref<128xi32, #tpu.memory_space<hbm>>
          %dma_start3A_156 = arith.constant 0 : i32
          %dma_start3A_157 = tpu.memref_slice %arg3[%add3A_49, %dma_start3A_156] : memref<1250x128xi32, #tpu.memory_space<hbm>> -> memref<1x128xi32, #tpu.memory_space<hbm>>
          %dma_start3A_158 = tpu.memref_squeeze %dma_start3A_157 : memref<1x128xi32, #tpu.memory_space<hbm>> -> memref<128xi32, #tpu.memory_space<hbm>>
          tpu.enqueue_dma source(%dma_start3A_158 : memref<128xi32, #tpu.memory_space<hbm>>) target(%arg8 : memref<128xi32, #tpu.memory_space<vmem>>) target_semaphore(%run_scoped3A : memref<!tpu.dma_semaphore, #tpu.memory_space<semaphore_mem>>)
          %dma_wait3A = arith.constant 0 : i32
          %dma_wait3A_159 = tpu.memref_slice %arg3[%add3A_49, %dma_wait3A] : memref<1250x128xi32, #tpu.memory_space<hbm>> -> memref<1x128xi32, #tpu.memory_space<hbm>>
          %dma_wait3A_160 = tpu.memref_squeeze %dma_wait3A_159 : memref<1x128xi32, #tpu.memory_space<hbm>> -> memref<128xi32, #tpu.memory_space<hbm>>
          %dma_wait3A_161 = arith.constant 0 : i32
          %dma_wait3A_162 = tpu.memref_slice %arg3[%add3A_49, %dma_wait3A_161] : memref<1250x128xi32, #tpu.memory_space<hbm>> -> memref<1x128xi32, #tpu.memory_space<hbm>>
          %dma_wait3A_163 = tpu.memref_squeeze %dma_wait3A_162 : memref<1x128xi32, #tpu.memory_space<hbm>> -> memref<128xi32, #tpu.memory_space<hbm>>
          tpu.wait_dma2 semaphore(%run_scoped3A : memref<!tpu.dma_semaphore, #tpu.memory_space<semaphore_mem>>) src(%dma_wait3A_163 : memref<128xi32, #tpu.memory_space<hbm>>) dst(%arg8 : memref<128xi32, #tpu.memory_space<vmem>>)
          tpu.yield
        }) : () -> ()
        %dma_start3A = arith.constant 0 : i32
        %dma_start3A_151 = arith.constant 0 : i32
        %dma_start3A_152 = tpu.memref_slice %arg2[%dma_start3A, %dma_start3A_151] : memref<5120x128xf32, #tpu.memory_space<hbm>> -> memref<5120x128xf32, #tpu.memory_space<hbm>>
        tpu.enqueue_indirect_dma source(%dma_start3A_152 : memref<5120x128xf32, #tpu.memory_space<hbm>>) target(%arg14 : memref<128x128xf32, #tpu.memory_space<vmem>>) offsets(%arg8 : memref<128xi32, #tpu.memory_space<vmem>>) semaphore(%arg17 : memref<!tpu.dma_semaphore, #tpu.memory_space<semaphore_mem>>)
      } else {
      }
      %mul3A_55 = arith.constant 6 : i32
      %mul3A_56 = arith.muli %add3A_9, %mul3A_55 : i32
      %add3A_57 = arith.constant 4 : i32
      %add3A_58 = arith.addi %mul3A_56, %add3A_57 : i32
      %mul3A_59 = arith.constant 32 : i32
      %mul3A_60 = arith.muli %add3A_58, %mul3A_59 : i32
      %add3A_61 = arith.addi %mul3A_60, %add3A : i32
      %lt3A_62 = arith.constant 1250 : i32
      %lt3A_63 = arith.cmpi slt, %add3A_61, %lt3A_62 : i32
      %convert_element_type3A_64 = arith.extui %lt3A_63 : i1 to i32
      %cond3A_65 = arith.constant 0 : i32
      %cond3A_66 = arith.cmpi ne, %convert_element_type3A_64, %cond3A_65 : i32
      scf.if %cond3A_66 {
        "tpu.region"() ({
          %run_scoped3A = tpu.sem_alloc : memref<!tpu.dma_semaphore, #tpu.memory_space<semaphore_mem>>
          %dma_start3A_153 = arith.constant 0 : i32
          %dma_start3A_154 = tpu.memref_slice %arg3[%add3A_61, %dma_start3A_153] : memref<1250x128xi32, #tpu.memory_space<hbm>> -> memref<1x128xi32, #tpu.memory_space<hbm>>
          %dma_start3A_155 = tpu.memref_squeeze %dma_start3A_154 : memref<1x128xi32, #tpu.memory_space<hbm>> -> memref<128xi32, #tpu.memory_space<hbm>>
          %dma_start3A_156 = arith.constant 0 : i32
          %dma_start3A_157 = tpu.memref_slice %arg3[%add3A_61, %dma_start3A_156] : memref<1250x128xi32, #tpu.memory_space<hbm>> -> memref<1x128xi32, #tpu.memory_space<hbm>>
          %dma_start3A_158 = tpu.memref_squeeze %dma_start3A_157 : memref<1x128xi32, #tpu.memory_space<hbm>> -> memref<128xi32, #tpu.memory_space<hbm>>
          tpu.enqueue_dma source(%dma_start3A_158 : memref<128xi32, #tpu.memory_space<hbm>>) target(%arg9 : memref<128xi32, #tpu.memory_space<vmem>>) target_semaphore(%run_scoped3A : memref<!tpu.dma_semaphore, #tpu.memory_space<semaphore_mem>>)
          %dma_wait3A = arith.constant 0 : i32
          %dma_wait3A_159 = tpu.memref_slice %arg3[%add3A_61, %dma_wait3A] : memref<1250x128xi32, #tpu.memory_space<hbm>> -> memref<1x128xi32, #tpu.memory_space<hbm>>
          %dma_wait3A_160 = tpu.memref_squeeze %dma_wait3A_159 : memref<1x128xi32, #tpu.memory_space<hbm>> -> memref<128xi32, #tpu.memory_space<hbm>>
          %dma_wait3A_161 = arith.constant 0 : i32
          %dma_wait3A_162 = tpu.memref_slice %arg3[%add3A_61, %dma_wait3A_161] : memref<1250x128xi32, #tpu.memory_space<hbm>> -> memref<1x128xi32, #tpu.memory_space<hbm>>
          %dma_wait3A_163 = tpu.memref_squeeze %dma_wait3A_162 : memref<1x128xi32, #tpu.memory_space<hbm>> -> memref<128xi32, #tpu.memory_space<hbm>>
          tpu.wait_dma2 semaphore(%run_scoped3A : memref<!tpu.dma_semaphore, #tpu.memory_space<semaphore_mem>>) src(%dma_wait3A_163 : memref<128xi32, #tpu.memory_space<hbm>>) dst(%arg9 : memref<128xi32, #tpu.memory_space<vmem>>)
          tpu.yield
        }) : () -> ()
        %dma_start3A = arith.constant 0 : i32
        %dma_start3A_151 = arith.constant 0 : i32
        %dma_start3A_152 = tpu.memref_slice %arg2[%dma_start3A, %dma_start3A_151] : memref<5120x128xf32, #tpu.memory_space<hbm>> -> memref<5120x128xf32, #tpu.memory_space<hbm>>
        tpu.enqueue_indirect_dma source(%dma_start3A_152 : memref<5120x128xf32, #tpu.memory_space<hbm>>) target(%arg15 : memref<128x128xf32, #tpu.memory_space<vmem>>) offsets(%arg9 : memref<128xi32, #tpu.memory_space<vmem>>) semaphore(%arg17 : memref<!tpu.dma_semaphore, #tpu.memory_space<semaphore_mem>>)
      } else {
      }
      %mul3A_67 = arith.constant 6 : i32
      %mul3A_68 = arith.muli %add3A_9, %mul3A_67 : i32
      %add3A_69 = arith.constant 5 : i32
      %add3A_70 = arith.addi %mul3A_68, %add3A_69 : i32
      %mul3A_71 = arith.constant 32 : i32
      %mul3A_72 = arith.muli %add3A_70, %mul3A_71 : i32
      %add3A_73 = arith.addi %mul3A_72, %add3A : i32
      %lt3A_74 = arith.constant 1250 : i32
      %lt3A_75 = arith.cmpi slt, %add3A_73, %lt3A_74 : i32
      %convert_element_type3A_76 = arith.extui %lt3A_75 : i1 to i32
      %cond3A_77 = arith.constant 0 : i32
      %cond3A_78 = arith.cmpi ne, %convert_element_type3A_76, %cond3A_77 : i32
      scf.if %cond3A_78 {
        "tpu.region"() ({
          %run_scoped3A = tpu.sem_alloc : memref<!tpu.dma_semaphore, #tpu.memory_space<semaphore_mem>>
          %dma_start3A_153 = arith.constant 0 : i32
          %dma_start3A_154 = tpu.memref_slice %arg3[%add3A_73, %dma_start3A_153] : memref<1250x128xi32, #tpu.memory_space<hbm>> -> memref<1x128xi32, #tpu.memory_space<hbm>>
          %dma_start3A_155 = tpu.memref_squeeze %dma_start3A_154 : memref<1x128xi32, #tpu.memory_space<hbm>> -> memref<128xi32, #tpu.memory_space<hbm>>
          %dma_start3A_156 = arith.constant 0 : i32
          %dma_start3A_157 = tpu.memref_slice %arg3[%add3A_73, %dma_start3A_156] : memref<1250x128xi32, #tpu.memory_space<hbm>> -> memref<1x128xi32, #tpu.memory_space<hbm>>
          %dma_start3A_158 = tpu.memref_squeeze %dma_start3A_157 : memref<1x128xi32, #tpu.memory_space<hbm>> -> memref<128xi32, #tpu.memory_space<hbm>>
          tpu.enqueue_dma source(%dma_start3A_158 : memref<128xi32, #tpu.memory_space<hbm>>) target(%arg10 : memref<128xi32, #tpu.memory_space<vmem>>) target_semaphore(%run_scoped3A : memref<!tpu.dma_semaphore, #tpu.memory_space<semaphore_mem>>)
          %dma_wait3A = arith.constant 0 : i32
          %dma_wait3A_159 = tpu.memref_slice %arg3[%add3A_73, %dma_wait3A] : memref<1250x128xi32, #tpu.memory_space<hbm>> -> memref<1x128xi32, #tpu.memory_space<hbm>>
          %dma_wait3A_160 = tpu.memref_squeeze %dma_wait3A_159 : memref<1x128xi32, #tpu.memory_space<hbm>> -> memref<128xi32, #tpu.memory_space<hbm>>
          %dma_wait3A_161 = arith.constant 0 : i32
          %dma_wait3A_162 = tpu.memref_slice %arg3[%add3A_73, %dma_wait3A_161] : memref<1250x128xi32, #tpu.memory_space<hbm>> -> memref<1x128xi32, #tpu.memory_space<hbm>>
          %dma_wait3A_163 = tpu.memref_squeeze %dma_wait3A_162 : memref<1x128xi32, #tpu.memory_space<hbm>> -> memref<128xi32, #tpu.memory_space<hbm>>
          tpu.wait_dma2 semaphore(%run_scoped3A : memref<!tpu.dma_semaphore, #tpu.memory_space<semaphore_mem>>) src(%dma_wait3A_163 : memref<128xi32, #tpu.memory_space<hbm>>) dst(%arg10 : memref<128xi32, #tpu.memory_space<vmem>>)
          tpu.yield
        }) : () -> ()
        %dma_start3A = arith.constant 0 : i32
        %dma_start3A_151 = arith.constant 0 : i32
        %dma_start3A_152 = tpu.memref_slice %arg2[%dma_start3A, %dma_start3A_151] : memref<5120x128xf32, #tpu.memory_space<hbm>> -> memref<5120x128xf32, #tpu.memory_space<hbm>>
        tpu.enqueue_indirect_dma source(%dma_start3A_152 : memref<5120x128xf32, #tpu.memory_space<hbm>>) target(%arg16 : memref<128x128xf32, #tpu.memory_space<vmem>>) offsets(%arg10 : memref<128xi32, #tpu.memory_space<vmem>>) semaphore(%arg17 : memref<!tpu.dma_semaphore, #tpu.memory_space<semaphore_mem>>)
      } else {
      }
      %mul3A_79 = arith.constant 6 : i32
      %mul3A_80 = arith.muli %add3A_9, %mul3A_79 : i32
      %add3A_81 = arith.constant 0 : i32
      %add3A_82 = arith.addi %mul3A_80, %add3A_81 : i32
      %mul3A_83 = arith.constant 32 : i32
      %mul3A_84 = arith.muli %add3A_82, %mul3A_83 : i32
      %add3A_85 = arith.addi %mul3A_84, %add3A : i32
      %lt3A_86 = arith.constant 1250 : i32
      %lt3A_87 = arith.cmpi slt, %add3A_85, %lt3A_86 : i32
      %convert_element_type3A_88 = arith.extui %lt3A_87 : i1 to i32
      %cond3A_89 = arith.constant 0 : i32
      %cond3A_90 = arith.cmpi ne, %convert_element_type3A_88, %cond3A_89 : i32
      scf.if %cond3A_90 {
        %dma_wait3A = arith.constant 0 : i32
        %dma_wait3A_151 = arith.constant 0 : i32
        %dma_wait3A_152 = tpu.memref_slice %arg2[%dma_wait3A, %dma_wait3A_151] : memref<5120x128xf32, #tpu.memory_space<hbm>> -> memref<5120x128xf32, #tpu.memory_space<hbm>>
        tpu.wait_indirect_dma semaphore(%arg17 : memref<!tpu.dma_semaphore, #tpu.memory_space<semaphore_mem>>) src(%dma_wait3A_152 : memref<5120x128xf32, #tpu.memory_space<hbm>>) dst(%arg11 : memref<128x128xf32, #tpu.memory_space<vmem>>)
        %mul3A_153 = arith.constant 128 : i32
        %mul3A_154 = arith.muli %add3A_85, %mul3A_153 : i32
        "tpu.region"() ({
          %run_scoped3A = tpu.sem_alloc : memref<!tpu.dma_semaphore, #tpu.memory_space<semaphore_mem>>
          %dma_start3A = arith.constant 0 : i32
          %dma_start3A_155 = tpu.memref_slice %arg4[%mul3A_154, %dma_start3A] : memref<160000x128xf32, #tpu.memory_space<hbm>> -> memref<128x128xf32, #tpu.memory_space<hbm>>
          %dma_start3A_156 = arith.constant 0 : i32
          %dma_start3A_157 = tpu.memref_slice %arg4[%mul3A_154, %dma_start3A_156] : memref<160000x128xf32, #tpu.memory_space<hbm>> -> memref<128x128xf32, #tpu.memory_space<hbm>>
          tpu.enqueue_dma source(%arg11 : memref<128x128xf32, #tpu.memory_space<vmem>>) target(%dma_start3A_157 : memref<128x128xf32, #tpu.memory_space<hbm>>) target_semaphore(%run_scoped3A : memref<!tpu.dma_semaphore, #tpu.memory_space<semaphore_mem>>)
          %dma_wait3A_158 = arith.constant 0 : i32
          %dma_wait3A_159 = tpu.memref_slice %arg4[%mul3A_154, %dma_wait3A_158] : memref<160000x128xf32, #tpu.memory_space<hbm>> -> memref<128x128xf32, #tpu.memory_space<hbm>>
          %dma_wait3A_160 = arith.constant 0 : i32
          %dma_wait3A_161 = tpu.memref_slice %arg4[%mul3A_154, %dma_wait3A_160] : memref<160000x128xf32, #tpu.memory_space<hbm>> -> memref<128x128xf32, #tpu.memory_space<hbm>>
          tpu.wait_dma2 semaphore(%run_scoped3A : memref<!tpu.dma_semaphore, #tpu.memory_space<semaphore_mem>>) src(%arg11 : memref<128x128xf32, #tpu.memory_space<vmem>>) dst(%dma_wait3A_161 : memref<128x128xf32, #tpu.memory_space<hbm>>)
          tpu.yield
        }) : () -> ()
      } else {
      }
      %mul3A_91 = arith.constant 6 : i32
      %mul3A_92 = arith.muli %add3A_9, %mul3A_91 : i32
      %add3A_93 = arith.constant 1 : i32
      %add3A_94 = arith.addi %mul3A_92, %add3A_93 : i32
      %mul3A_95 = arith.constant 32 : i32
      %mul3A_96 = arith.muli %add3A_94, %mul3A_95 : i32
      %add3A_97 = arith.addi %mul3A_96, %add3A : i32
      %lt3A_98 = arith.constant 1250 : i32
      %lt3A_99 = arith.cmpi slt, %add3A_97, %lt3A_98 : i32
      %convert_element_type3A_100 = arith.extui %lt3A_99 : i1 to i32
      %cond3A_101 = arith.constant 0 : i32
      %cond3A_102 = arith.cmpi ne, %convert_element_type3A_100, %cond3A_101 : i32
      scf.if %cond3A_102 {
        %dma_wait3A = arith.constant 0 : i32
        %dma_wait3A_151 = arith.constant 0 : i32
        %dma_wait3A_152 = tpu.memref_slice %arg2[%dma_wait3A, %dma_wait3A_151] : memref<5120x128xf32, #tpu.memory_space<hbm>> -> memref<5120x128xf32, #tpu.memory_space<hbm>>
        tpu.wait_indirect_dma semaphore(%arg17 : memref<!tpu.dma_semaphore, #tpu.memory_space<semaphore_mem>>) src(%dma_wait3A_152 : memref<5120x128xf32, #tpu.memory_space<hbm>>) dst(%arg12 : memref<128x128xf32, #tpu.memory_space<vmem>>)
        %mul3A_153 = arith.constant 128 : i32
        %mul3A_154 = arith.muli %add3A_97, %mul3A_153 : i32
        "tpu.region"() ({
          %run_scoped3A = tpu.sem_alloc : memref<!tpu.dma_semaphore, #tpu.memory_space<semaphore_mem>>
          %dma_start3A = arith.constant 0 : i32
          %dma_start3A_155 = tpu.memref_slice %arg4[%mul3A_154, %dma_start3A] : memref<160000x128xf32, #tpu.memory_space<hbm>> -> memref<128x128xf32, #tpu.memory_space<hbm>>
          %dma_start3A_156 = arith.constant 0 : i32
          %dma_start3A_157 = tpu.memref_slice %arg4[%mul3A_154, %dma_start3A_156] : memref<160000x128xf32, #tpu.memory_space<hbm>> -> memref<128x128xf32, #tpu.memory_space<hbm>>
          tpu.enqueue_dma source(%arg12 : memref<128x128xf32, #tpu.memory_space<vmem>>) target(%dma_start3A_157 : memref<128x128xf32, #tpu.memory_space<hbm>>) target_semaphore(%run_scoped3A : memref<!tpu.dma_semaphore, #tpu.memory_space<semaphore_mem>>)
          %dma_wait3A_158 = arith.constant 0 : i32
          %dma_wait3A_159 = tpu.memref_slice %arg4[%mul3A_154, %dma_wait3A_158] : memref<160000x128xf32, #tpu.memory_space<hbm>> -> memref<128x128xf32, #tpu.memory_space<hbm>>
          %dma_wait3A_160 = arith.constant 0 : i32
          %dma_wait3A_161 = tpu.memref_slice %arg4[%mul3A_154, %dma_wait3A_160] : memref<160000x128xf32, #tpu.memory_space<hbm>> -> memref<128x128xf32, #tpu.memory_space<hbm>>
          tpu.wait_dma2 semaphore(%run_scoped3A : memref<!tpu.dma_semaphore, #tpu.memory_space<semaphore_mem>>) src(%arg12 : memref<128x128xf32, #tpu.memory_space<vmem>>) dst(%dma_wait3A_161 : memref<128x128xf32, #tpu.memory_space<hbm>>)
          tpu.yield
        }) : () -> ()
      } else {
      }
      %mul3A_103 = arith.constant 6 : i32
      %mul3A_104 = arith.muli %add3A_9, %mul3A_103 : i32
      %add3A_105 = arith.constant 2 : i32
      %add3A_106 = arith.addi %mul3A_104, %add3A_105 : i32
      %mul3A_107 = arith.constant 32 : i32
      %mul3A_108 = arith.muli %add3A_106, %mul3A_107 : i32
      %add3A_109 = arith.addi %mul3A_108, %add3A : i32
      %lt3A_110 = arith.constant 1250 : i32
      %lt3A_111 = arith.cmpi slt, %add3A_109, %lt3A_110 : i32
      %convert_element_type3A_112 = arith.extui %lt3A_111 : i1 to i32
      %cond3A_113 = arith.constant 0 : i32
      %cond3A_114 = arith.cmpi ne, %convert_element_type3A_112, %cond3A_113 : i32
      scf.if %cond3A_114 {
        %dma_wait3A = arith.constant 0 : i32
        %dma_wait3A_151 = arith.constant 0 : i32
        %dma_wait3A_152 = tpu.memref_slice %arg2[%dma_wait3A, %dma_wait3A_151] : memref<5120x128xf32, #tpu.memory_space<hbm>> -> memref<5120x128xf32, #tpu.memory_space<hbm>>
        tpu.wait_indirect_dma semaphore(%arg17 : memref<!tpu.dma_semaphore, #tpu.memory_space<semaphore_mem>>) src(%dma_wait3A_152 : memref<5120x128xf32, #tpu.memory_space<hbm>>) dst(%arg13 : memref<128x128xf32, #tpu.memory_space<vmem>>)
        %mul3A_153 = arith.constant 128 : i32
        %mul3A_154 = arith.muli %add3A_109, %mul3A_153 : i32
        "tpu.region"() ({
          %run_scoped3A = tpu.sem_alloc : memref<!tpu.dma_semaphore, #tpu.memory_space<semaphore_mem>>
          %dma_start3A = arith.constant 0 : i32
          %dma_start3A_155 = tpu.memref_slice %arg4[%mul3A_154, %dma_start3A] : memref<160000x128xf32, #tpu.memory_space<hbm>> -> memref<128x128xf32, #tpu.memory_space<hbm>>
          %dma_start3A_156 = arith.constant 0 : i32
          %dma_start3A_157 = tpu.memref_slice %arg4[%mul3A_154, %dma_start3A_156] : memref<160000x128xf32, #tpu.memory_space<hbm>> -> memref<128x128xf32, #tpu.memory_space<hbm>>
          tpu.enqueue_dma source(%arg13 : memref<128x128xf32, #tpu.memory_space<vmem>>) target(%dma_start3A_157 : memref<128x128xf32, #tpu.memory_space<hbm>>) target_semaphore(%run_scoped3A : memref<!tpu.dma_semaphore, #tpu.memory_space<semaphore_mem>>)
          %dma_wait3A_158 = arith.constant 0 : i32
          %dma_wait3A_159 = tpu.memref_slice %arg4[%mul3A_154, %dma_wait3A_158] : memref<160000x128xf32, #tpu.memory_space<hbm>> -> memref<128x128xf32, #tpu.memory_space<hbm>>
          %dma_wait3A_160 = arith.constant 0 : i32
          %dma_wait3A_161 = tpu.memref_slice %arg4[%mul3A_154, %dma_wait3A_160] : memref<160000x128xf32, #tpu.memory_space<hbm>> -> memref<128x128xf32, #tpu.memory_space<hbm>>
          tpu.wait_dma2 semaphore(%run_scoped3A : memref<!tpu.dma_semaphore, #tpu.memory_space<semaphore_mem>>) src(%arg13 : memref<128x128xf32, #tpu.memory_space<vmem>>) dst(%dma_wait3A_161 : memref<128x128xf32, #tpu.memory_space<hbm>>)
          tpu.yield
        }) : () -> ()
      } else {
      }
      %mul3A_115 = arith.constant 6 : i32
      %mul3A_116 = arith.muli %add3A_9, %mul3A_115 : i32
      %add3A_117 = arith.constant 3 : i32
      %add3A_118 = arith.addi %mul3A_116, %add3A_117 : i32
      %mul3A_119 = arith.constant 32 : i32
      %mul3A_120 = arith.muli %add3A_118, %mul3A_119 : i32
      %add3A_121 = arith.addi %mul3A_120, %add3A : i32
      %lt3A_122 = arith.constant 1250 : i32
      %lt3A_123 = arith.cmpi slt, %add3A_121, %lt3A_122 : i32
      %convert_element_type3A_124 = arith.extui %lt3A_123 : i1 to i32
      %cond3A_125 = arith.constant 0 : i32
      %cond3A_126 = arith.cmpi ne, %convert_element_type3A_124, %cond3A_125 : i32
      scf.if %cond3A_126 {
        %dma_wait3A = arith.constant 0 : i32
        %dma_wait3A_151 = arith.constant 0 : i32
        %dma_wait3A_152 = tpu.memref_slice %arg2[%dma_wait3A, %dma_wait3A_151] : memref<5120x128xf32, #tpu.memory_space<hbm>> -> memref<5120x128xf32, #tpu.memory_space<hbm>>
        tpu.wait_indirect_dma semaphore(%arg17 : memref<!tpu.dma_semaphore, #tpu.memory_space<semaphore_mem>>) src(%dma_wait3A_152 : memref<5120x128xf32, #tpu.memory_space<hbm>>) dst(%arg14 : memref<128x128xf32, #tpu.memory_space<vmem>>)
        %mul3A_153 = arith.constant 128 : i32
        %mul3A_154 = arith.muli %add3A_121, %mul3A_153 : i32
        "tpu.region"() ({
          %run_scoped3A = tpu.sem_alloc : memref<!tpu.dma_semaphore, #tpu.memory_space<semaphore_mem>>
          %dma_start3A = arith.constant 0 : i32
          %dma_start3A_155 = tpu.memref_slice %arg4[%mul3A_154, %dma_start3A] : memref<160000x128xf32, #tpu.memory_space<hbm>> -> memref<128x128xf32, #tpu.memory_space<hbm>>
          %dma_start3A_156 = arith.constant 0 : i32
          %dma_start3A_157 = tpu.memref_slice %arg4[%mul3A_154, %dma_start3A_156] : memref<160000x128xf32, #tpu.memory_space<hbm>> -> memref<128x128xf32, #tpu.memory_space<hbm>>
          tpu.enqueue_dma source(%arg14 : memref<128x128xf32, #tpu.memory_space<vmem>>) target(%dma_start3A_157 : memref<128x128xf32, #tpu.memory_space<hbm>>) target_semaphore(%run_scoped3A : memref<!tpu.dma_semaphore, #tpu.memory_space<semaphore_mem>>)
          %dma_wait3A_158 = arith.constant 0 : i32
          %dma_wait3A_159 = tpu.memref_slice %arg4[%mul3A_154, %dma_wait3A_158] : memref<160000x128xf32, #tpu.memory_space<hbm>> -> memref<128x128xf32, #tpu.memory_space<hbm>>
          %dma_wait3A_160 = arith.constant 0 : i32
          %dma_wait3A_161 = tpu.memref_slice %arg4[%mul3A_154, %dma_wait3A_160] : memref<160000x128xf32, #tpu.memory_space<hbm>> -> memref<128x128xf32, #tpu.memory_space<hbm>>
          tpu.wait_dma2 semaphore(%run_scoped3A : memref<!tpu.dma_semaphore, #tpu.memory_space<semaphore_mem>>) src(%arg14 : memref<128x128xf32, #tpu.memory_space<vmem>>) dst(%dma_wait3A_161 : memref<128x128xf32, #tpu.memory_space<hbm>>)
          tpu.yield
        }) : () -> ()
      } else {
      }
      %mul3A_127 = arith.constant 6 : i32
      %mul3A_128 = arith.muli %add3A_9, %mul3A_127 : i32
      %add3A_129 = arith.constant 4 : i32
      %add3A_130 = arith.addi %mul3A_128, %add3A_129 : i32
      %mul3A_131 = arith.constant 32 : i32
      %mul3A_132 = arith.muli %add3A_130, %mul3A_131 : i32
      %add3A_133 = arith.addi %mul3A_132, %add3A : i32
      %lt3A_134 = arith.constant 1250 : i32
      %lt3A_135 = arith.cmpi slt, %add3A_133, %lt3A_134 : i32
      %convert_element_type3A_136 = arith.extui %lt3A_135 : i1 to i32
      %cond3A_137 = arith.constant 0 : i32
      %cond3A_138 = arith.cmpi ne, %convert_element_type3A_136, %cond3A_137 : i32
      scf.if %cond3A_138 {
        %dma_wait3A = arith.constant 0 : i32
        %dma_wait3A_151 = arith.constant 0 : i32
        %dma_wait3A_152 = tpu.memref_slice %arg2[%dma_wait3A, %dma_wait3A_151] : memref<5120x128xf32, #tpu.memory_space<hbm>> -> memref<5120x128xf32, #tpu.memory_space<hbm>>
        tpu.wait_indirect_dma semaphore(%arg17 : memref<!tpu.dma_semaphore, #tpu.memory_space<semaphore_mem>>) src(%dma_wait3A_152 : memref<5120x128xf32, #tpu.memory_space<hbm>>) dst(%arg15 : memref<128x128xf32, #tpu.memory_space<vmem>>)
        %mul3A_153 = arith.constant 128 : i32
        %mul3A_154 = arith.muli %add3A_133, %mul3A_153 : i32
        "tpu.region"() ({
          %run_scoped3A = tpu.sem_alloc : memref<!tpu.dma_semaphore, #tpu.memory_space<semaphore_mem>>
          %dma_start3A = arith.constant 0 : i32
          %dma_start3A_155 = tpu.memref_slice %arg4[%mul3A_154, %dma_start3A] : memref<160000x128xf32, #tpu.memory_space<hbm>> -> memref<128x128xf32, #tpu.memory_space<hbm>>
          %dma_start3A_156 = arith.constant 0 : i32
          %dma_start3A_157 = tpu.memref_slice %arg4[%mul3A_154, %dma_start3A_156] : memref<160000x128xf32, #tpu.memory_space<hbm>> -> memref<128x128xf32, #tpu.memory_space<hbm>>
          tpu.enqueue_dma source(%arg15 : memref<128x128xf32, #tpu.memory_space<vmem>>) target(%dma_start3A_157 : memref<128x128xf32, #tpu.memory_space<hbm>>) target_semaphore(%run_scoped3A : memref<!tpu.dma_semaphore, #tpu.memory_space<semaphore_mem>>)
          %dma_wait3A_158 = arith.constant 0 : i32
          %dma_wait3A_159 = tpu.memref_slice %arg4[%mul3A_154, %dma_wait3A_158] : memref<160000x128xf32, #tpu.memory_space<hbm>> -> memref<128x128xf32, #tpu.memory_space<hbm>>
          %dma_wait3A_160 = arith.constant 0 : i32
          %dma_wait3A_161 = tpu.memref_slice %arg4[%mul3A_154, %dma_wait3A_160] : memref<160000x128xf32, #tpu.memory_space<hbm>> -> memref<128x128xf32, #tpu.memory_space<hbm>>
          tpu.wait_dma2 semaphore(%run_scoped3A : memref<!tpu.dma_semaphore, #tpu.memory_space<semaphore_mem>>) src(%arg15 : memref<128x128xf32, #tpu.memory_space<vmem>>) dst(%dma_wait3A_161 : memref<128x128xf32, #tpu.memory_space<hbm>>)
          tpu.yield
        }) : () -> ()
      } else {
      }
      %mul3A_139 = arith.constant 6 : i32
      %mul3A_140 = arith.muli %add3A_9, %mul3A_139 : i32
      %add3A_141 = arith.constant 5 : i32
      %add3A_142 = arith.addi %mul3A_140, %add3A_141 : i32
      %mul3A_143 = arith.constant 32 : i32
      %mul3A_144 = arith.muli %add3A_142, %mul3A_143 : i32
      %add3A_145 = arith.addi %mul3A_144, %add3A : i32
      %lt3A_146 = arith.constant 1250 : i32
      %lt3A_147 = arith.cmpi slt, %add3A_145, %lt3A_146 : i32
      %convert_element_type3A_148 = arith.extui %lt3A_147 : i1 to i32
      %cond3A_149 = arith.constant 0 : i32
      %cond3A_150 = arith.cmpi ne, %convert_element_type3A_148, %cond3A_149 : i32
      scf.if %cond3A_150 {
        %dma_wait3A = arith.constant 0 : i32
        %dma_wait3A_151 = arith.constant 0 : i32
        %dma_wait3A_152 = tpu.memref_slice %arg2[%dma_wait3A, %dma_wait3A_151] : memref<5120x128xf32, #tpu.memory_space<hbm>> -> memref<5120x128xf32, #tpu.memory_space<hbm>>
        tpu.wait_indirect_dma semaphore(%arg17 : memref<!tpu.dma_semaphore, #tpu.memory_space<semaphore_mem>>) src(%dma_wait3A_152 : memref<5120x128xf32, #tpu.memory_space<hbm>>) dst(%arg16 : memref<128x128xf32, #tpu.memory_space<vmem>>)
        %mul3A_153 = arith.constant 128 : i32
        %mul3A_154 = arith.muli %add3A_145, %mul3A_153 : i32
        "tpu.region"() ({
          %run_scoped3A = tpu.sem_alloc : memref<!tpu.dma_semaphore, #tpu.memory_space<semaphore_mem>>
          %dma_start3A = arith.constant 0 : i32
          %dma_start3A_155 = tpu.memref_slice %arg4[%mul3A_154, %dma_start3A] : memref<160000x128xf32, #tpu.memory_space<hbm>> -> memref<128x128xf32, #tpu.memory_space<hbm>>
          %dma_start3A_156 = arith.constant 0 : i32
          %dma_start3A_157 = tpu.memref_slice %arg4[%mul3A_154, %dma_start3A_156] : memref<160000x128xf32, #tpu.memory_space<hbm>> -> memref<128x128xf32, #tpu.memory_space<hbm>>
          tpu.enqueue_dma source(%arg16 : memref<128x128xf32, #tpu.memory_space<vmem>>) target(%dma_start3A_157 : memref<128x128xf32, #tpu.memory_space<hbm>>) target_semaphore(%run_scoped3A : memref<!tpu.dma_semaphore, #tpu.memory_space<semaphore_mem>>)
          %dma_wait3A_158 = arith.constant 0 : i32
          %dma_wait3A_159 = tpu.memref_slice %arg4[%mul3A_154, %dma_wait3A_158] : memref<160000x128xf32, #tpu.memory_space<hbm>> -> memref<128x128xf32, #tpu.memory_space<hbm>>
          %dma_wait3A_160 = arith.constant 0 : i32
          %dma_wait3A_161 = tpu.memref_slice %arg4[%mul3A_154, %dma_wait3A_160] : memref<160000x128xf32, #tpu.memory_space<hbm>> -> memref<128x128xf32, #tpu.memory_space<hbm>>
          tpu.wait_dma2 semaphore(%run_scoped3A : memref<!tpu.dma_semaphore, #tpu.memory_space<semaphore_mem>>) src(%arg16 : memref<128x128xf32, #tpu.memory_space<vmem>>) dst(%dma_wait3A_161 : memref<128x128xf32, #tpu.memory_space<hbm>>)
          tpu.yield
        }) : () -> ()
      } else {
      }
    }
    %scan3A_4 = arith.constant 7 : i32
    return
  }
}

#map = affine_map<(d0, d1) -> (0, 0)>
module attributes {stable_mosaic.version = 14 : i64} {
  func.func @k(%arg0: i32, %arg1: i32, %arg2: memref<160000x128xf32, #tpu.memory_space<hbm>>, %arg3: memref<1250x128xi32, #tpu.memory_space<hbm>>, %arg4: memref<10240x128xf32, #tpu.memory_space<hbm>>, %arg5: memref<128xi32, #tpu.memory_space<vmem>>, %arg6: memref<128x128xf32, #tpu.memory_space<vmem>>, %arg7: memref<320x128xf32, #tpu.memory_space<vmem>>, %arg8: memref<5120x128xf32, #tpu.memory_space<vmem_shared>>, %arg9: memref<!tpu.dma_semaphore, #tpu.memory_space<semaphore_mem>>) attributes {dimension_semantics = [#tpu.dimension_semantics<core_parallel>, #tpu.dimension_semantics<subcore_parallel>], iteration_bounds = array<i64: 2, 16>, scalar_prefetch = 0 : i64, scratch_operands = 5 : i64, tpu.core_type = #tpu.core_type<sc_vector_subcore>, window_params = [{transform_indices = #map}, {transform_indices = #map}, {transform_indices = #map}]} {
    %mul3A = arith.constant 2 : i32
    %mul3A_0 = arith.muli %arg1, %mul3A : i32
    %add3A = arith.addi %mul3A_0, %arg0 : i32
    %scan3A = arith.constant 0 : i32
    %scan3A_1 = arith.constant 320 : i32
    %scan3A_2 = arith.addi %scan3A, %scan3A_1 : i32
    %scan3A_3 = arith.constant 1 : i32
    scf.for %scan3A_20 = %scan3A to %scan3A_2 step %scan3A_3  : i32 {
      %mul3A_21 = arith.constant 1 : i32
      %mul3A_22 = arith.muli %scan3A_20, %mul3A_21 : i32
      %add3A_23 = arith.constant 0 : i32
      %add3A_24 = arith.addi %add3A_23, %mul3A_22 : i32
      %broadcast_in_dim3A = arith.constant 0.000000e+00 : f32
      %broadcast_in_dim3A_25 = vector.broadcast %broadcast_in_dim3A : f32 to vector<16xf32>
      %swap3A = arith.index_cast %add3A_24 : i32 to index
      %swap3A_26 = arith.constant 0 : index
      %swap3A_27 = tpu.vector_load %arg7[%swap3A, %swap3A_26] {strides = array<i32>} : memref<320x128xf32, #tpu.memory_space<vmem>>, vector<1x16xf32>,
      %swap3A_28 = vector.shape_cast %swap3A_27 : vector<1x16xf32> to vector<16xf32>
      %swap3A_29 = vector.shape_cast %broadcast_in_dim3A_25 : vector<16xf32> to vector<1x16xf32>
      tpu.vector_store %arg7[%swap3A, %swap3A_26], %swap3A_29 {strides = array<i32>} : memref<320x128xf32, #tpu.memory_space<vmem>>, vector<1x16xf32>,
      %broadcast_in_dim3A_30 = arith.constant 0.000000e+00 : f32
      %broadcast_in_dim3A_31 = vector.broadcast %broadcast_in_dim3A_30 : f32 to vector<16xf32>
      %swap3A_32 = arith.index_cast %add3A_24 : i32 to index
      %swap3A_33 = arith.constant 16 : index
      %swap3A_34 = tpu.vector_load %arg7[%swap3A_32, %swap3A_33] {strides = array<i32>} : memref<320x128xf32, #tpu.memory_space<vmem>>, vector<1x16xf32>,
      %swap3A_35 = vector.shape_cast %swap3A_34 : vector<1x16xf32> to vector<16xf32>
      %swap3A_36 = vector.shape_cast %broadcast_in_dim3A_31 : vector<16xf32> to vector<1x16xf32>
      tpu.vector_store %arg7[%swap3A_32, %swap3A_33], %swap3A_36 {strides = array<i32>} : memref<320x128xf32, #tpu.memory_space<vmem>>, vector<1x16xf32>,
      %broadcast_in_dim3A_37 = arith.constant 0.000000e+00 : f32
      %broadcast_in_dim3A_38 = vector.broadcast %broadcast_in_dim3A_37 : f32 to vector<16xf32>
      %swap3A_39 = arith.index_cast %add3A_24 : i32 to index
      %swap3A_40 = arith.constant 32 : index
      %swap3A_41 = tpu.vector_load %arg7[%swap3A_39, %swap3A_40] {strides = array<i32>} : memref<320x128xf32, #tpu.memory_space<vmem>>, vector<1x16xf32>,
      %swap3A_42 = vector.shape_cast %swap3A_41 : vector<1x16xf32> to vector<16xf32>
      %swap3A_43 = vector.shape_cast %broadcast_in_dim3A_38 : vector<16xf32> to vector<1x16xf32>
      tpu.vector_store %arg7[%swap3A_39, %swap3A_40], %swap3A_43 {strides = array<i32>} : memref<320x128xf32, #tpu.memory_space<vmem>>, vector<1x16xf32>,
      %broadcast_in_dim3A_44 = arith.constant 0.000000e+00 : f32
      %broadcast_in_dim3A_45 = vector.broadcast %broadcast_in_dim3A_44 : f32 to vector<16xf32>
      %swap3A_46 = arith.index_cast %add3A_24 : i32 to index
      %swap3A_47 = arith.constant 48 : index
      %swap3A_48 = tpu.vector_load %arg7[%swap3A_46, %swap3A_47] {strides = array<i32>} : memref<320x128xf32, #tpu.memory_space<vmem>>, vector<1x16xf32>,
      %swap3A_49 = vector.shape_cast %swap3A_48 : vector<1x16xf32> to vector<16xf32>
      %swap3A_50 = vector.shape_cast %broadcast_in_dim3A_45 : vector<16xf32> to vector<1x16xf32>
      tpu.vector_store %arg7[%swap3A_46, %swap3A_47], %swap3A_50 {strides = array<i32>} : memref<320x128xf32, #tpu.memory_space<vmem>>, vector<1x16xf32>,
      %broadcast_in_dim3A_51 = arith.constant 0.000000e+00 : f32
      %broadcast_in_dim3A_52 = vector.broadcast %broadcast_in_dim3A_51 : f32 to vector<16xf32>
      %swap3A_53 = arith.index_cast %add3A_24 : i32 to index
      %swap3A_54 = arith.constant 64 : index
      %swap3A_55 = tpu.vector_load %arg7[%swap3A_53, %swap3A_54] {strides = array<i32>} : memref<320x128xf32, #tpu.memory_space<vmem>>, vector<1x16xf32>,
      %swap3A_56 = vector.shape_cast %swap3A_55 : vector<1x16xf32> to vector<16xf32>
      %swap3A_57 = vector.shape_cast %broadcast_in_dim3A_52 : vector<16xf32> to vector<1x16xf32>
      tpu.vector_store %arg7[%swap3A_53, %swap3A_54], %swap3A_57 {strides = array<i32>} : memref<320x128xf32, #tpu.memory_space<vmem>>, vector<1x16xf32>,
      %broadcast_in_dim3A_58 = arith.constant 0.000000e+00 : f32
      %broadcast_in_dim3A_59 = vector.broadcast %broadcast_in_dim3A_58 : f32 to vector<16xf32>
      %swap3A_60 = arith.index_cast %add3A_24 : i32 to index
      %swap3A_61 = arith.constant 80 : index
      %swap3A_62 = tpu.vector_load %arg7[%swap3A_60, %swap3A_61] {strides = array<i32>} : memref<320x128xf32, #tpu.memory_space<vmem>>, vector<1x16xf32>,
      %swap3A_63 = vector.shape_cast %swap3A_62 : vector<1x16xf32> to vector<16xf32>
      %swap3A_64 = vector.shape_cast %broadcast_in_dim3A_59 : vector<16xf32> to vector<1x16xf32>
      tpu.vector_store %arg7[%swap3A_60, %swap3A_61], %swap3A_64 {strides = array<i32>} : memref<320x128xf32, #tpu.memory_space<vmem>>, vector<1x16xf32>,
      %broadcast_in_dim3A_65 = arith.constant 0.000000e+00 : f32
      %broadcast_in_dim3A_66 = vector.broadcast %broadcast_in_dim3A_65 : f32 to vector<16xf32>
      %swap3A_67 = arith.index_cast %add3A_24 : i32 to index
      %swap3A_68 = arith.constant 96 : index
      %swap3A_69 = tpu.vector_load %arg7[%swap3A_67, %swap3A_68] {strides = array<i32>} : memref<320x128xf32, #tpu.memory_space<vmem>>, vector<1x16xf32>,
      %swap3A_70 = vector.shape_cast %swap3A_69 : vector<1x16xf32> to vector<16xf32>
      %swap3A_71 = vector.shape_cast %broadcast_in_dim3A_66 : vector<16xf32> to vector<1x16xf32>
      tpu.vector_store %arg7[%swap3A_67, %swap3A_68], %swap3A_71 {strides = array<i32>} : memref<320x128xf32, #tpu.memory_space<vmem>>, vector<1x16xf32>,
      %broadcast_in_dim3A_72 = arith.constant 0.000000e+00 : f32
      %broadcast_in_dim3A_73 = vector.broadcast %broadcast_in_dim3A_72 : f32 to vector<16xf32>
      %swap3A_74 = arith.index_cast %add3A_24 : i32 to index
      %swap3A_75 = arith.constant 112 : index
      %swap3A_76 = tpu.vector_load %arg7[%swap3A_74, %swap3A_75] {strides = array<i32>} : memref<320x128xf32, #tpu.memory_space<vmem>>, vector<1x16xf32>,
      %swap3A_77 = vector.shape_cast %swap3A_76 : vector<1x16xf32> to vector<16xf32>
      %swap3A_78 = vector.shape_cast %broadcast_in_dim3A_73 : vector<16xf32> to vector<1x16xf32>
      tpu.vector_store %arg7[%swap3A_74, %swap3A_75], %swap3A_78 {strides = array<i32>} : memref<320x128xf32, #tpu.memory_space<vmem>>, vector<1x16xf32>,
    }
    %scan3A_4 = arith.constant 320 : i32
    %mul3A_5 = arith.constant 320 : i32
    %mul3A_6 = arith.muli %arg1, %mul3A_5 : i32
    "tpu.region"() ({
      %run_scoped3A = tpu.sem_alloc : memref<!tpu.dma_semaphore, #tpu.memory_space<semaphore_mem>>
      %dma_start3A = arith.constant 0 : i32
      %dma_start3A_20 = tpu.memref_slice %arg8[%mul3A_6, %dma_start3A] : memref<5120x128xf32, #tpu.memory_space<vmem_shared>> -> memref<320x128xf32, #tpu.memory_space<vmem_shared>>
      %dma_start3A_21 = arith.constant 0 : i32
      %dma_start3A_22 = tpu.memref_slice %arg8[%mul3A_6, %dma_start3A_21] : memref<5120x128xf32, #tpu.memory_space<vmem_shared>> -> memref<320x128xf32, #tpu.memory_space<vmem_shared>>
      tpu.enqueue_dma source(%arg7 : memref<320x128xf32, #tpu.memory_space<vmem>>) target(%dma_start3A_22 : memref<320x128xf32, #tpu.memory_space<vmem_shared>>) target_semaphore(%run_scoped3A : memref<!tpu.dma_semaphore, #tpu.memory_space<semaphore_mem>>)
      %dma_wait3A = arith.constant 0 : i32
      %dma_wait3A_23 = tpu.memref_slice %arg8[%mul3A_6, %dma_wait3A] : memref<5120x128xf32, #tpu.memory_space<vmem_shared>> -> memref<320x128xf32, #tpu.memory_space<vmem_shared>>
      %dma_wait3A_24 = arith.constant 0 : i32
      %dma_wait3A_25 = tpu.memref_slice %arg8[%mul3A_6, %dma_wait3A_24] : memref<5120x128xf32, #tpu.memory_space<vmem_shared>> -> memref<320x128xf32, #tpu.memory_space<vmem_shared>>
      tpu.wait_dma2 semaphore(%run_scoped3A : memref<!tpu.dma_semaphore, #tpu.memory_space<semaphore_mem>>) src(%arg7 : memref<320x128xf32, #tpu.memory_space<vmem>>) dst(%dma_wait3A_25 : memref<320x128xf32, #tpu.memory_space<vmem_shared>>)
      tpu.yield
    }) : () -> ()
    %barrier3A = arith.constant 0 : index
    tpu.barrier barrier_id(%barrier3A)
    %scan3A_7 = arith.constant 0 : i32
    %scan3A_8 = arith.constant 40 : i32
    %scan3A_9 = arith.addi %scan3A_7, %scan3A_8 : i32
    %scan3A_10 = arith.constant 1 : i32
    scf.for %scan3A_20 = %scan3A_7 to %scan3A_9 step %scan3A_10  : i32 {
      %mul3A_21 = arith.constant 1 : i32
      %mul3A_22 = arith.muli %scan3A_20, %mul3A_21 : i32
      %add3A_23 = arith.constant 0 : i32
      %add3A_24 = arith.addi %add3A_23, %mul3A_22 : i32
      %mul3A_25 = arith.constant 32 : i32
      %mul3A_26 = arith.muli %add3A_24, %mul3A_25 : i32
      %add3A_27 = arith.addi %mul3A_26, %add3A : i32
      %lt3A = arith.constant 1250 : i32
      %lt3A_28 = arith.cmpi slt, %add3A_27, %lt3A : i32
      %convert_element_type3A = arith.extui %lt3A_28 : i1 to i32
      %cond3A = arith.constant 0 : i32
      %cond3A_29 = arith.cmpi ne, %convert_element_type3A, %cond3A : i32
      scf.if %cond3A_29 {
        "tpu.region"() ({
          %run_scoped3A = tpu.sem_alloc : memref<!tpu.dma_semaphore, #tpu.memory_space<semaphore_mem>>
          %dma_start3A = arith.constant 0 : i32
          %dma_start3A_32 = tpu.memref_slice %arg3[%add3A_27, %dma_start3A] : memref<1250x128xi32, #tpu.memory_space<hbm>> -> memref<1x128xi32, #tpu.memory_space<hbm>>
          %dma_start3A_33 = tpu.memref_squeeze %dma_start3A_32 : memref<1x128xi32, #tpu.memory_space<hbm>> -> memref<128xi32, #tpu.memory_space<hbm>>
          %dma_start3A_34 = arith.constant 0 : i32
          %dma_start3A_35 = tpu.memref_slice %arg3[%add3A_27, %dma_start3A_34] : memref<1250x128xi32, #tpu.memory_space<hbm>> -> memref<1x128xi32, #tpu.memory_space<hbm>>
          %dma_start3A_36 = tpu.memref_squeeze %dma_start3A_35 : memref<1x128xi32, #tpu.memory_space<hbm>> -> memref<128xi32, #tpu.memory_space<hbm>>
          tpu.enqueue_dma source(%dma_start3A_36 : memref<128xi32, #tpu.memory_space<hbm>>) target(%arg5 : memref<128xi32, #tpu.memory_space<vmem>>) target_semaphore(%run_scoped3A : memref<!tpu.dma_semaphore, #tpu.memory_space<semaphore_mem>>)
          %dma_wait3A = arith.constant 0 : i32
          %dma_wait3A_37 = tpu.memref_slice %arg3[%add3A_27, %dma_wait3A] : memref<1250x128xi32, #tpu.memory_space<hbm>> -> memref<1x128xi32, #tpu.memory_space<hbm>>
          %dma_wait3A_38 = tpu.memref_squeeze %dma_wait3A_37 : memref<1x128xi32, #tpu.memory_space<hbm>> -> memref<128xi32, #tpu.memory_space<hbm>>
          %dma_wait3A_39 = arith.constant 0 : i32
          %dma_wait3A_40 = tpu.memref_slice %arg3[%add3A_27, %dma_wait3A_39] : memref<1250x128xi32, #tpu.memory_space<hbm>> -> memref<1x128xi32, #tpu.memory_space<hbm>>
          %dma_wait3A_41 = tpu.memref_squeeze %dma_wait3A_40 : memref<1x128xi32, #tpu.memory_space<hbm>> -> memref<128xi32, #tpu.memory_space<hbm>>
          tpu.wait_dma2 semaphore(%run_scoped3A : memref<!tpu.dma_semaphore, #tpu.memory_space<semaphore_mem>>) src(%dma_wait3A_41 : memref<128xi32, #tpu.memory_space<hbm>>) dst(%arg5 : memref<128xi32, #tpu.memory_space<vmem>>)
          tpu.yield
        }) : () -> ()
        %mul3A_30 = arith.constant 128 : i32
        %mul3A_31 = arith.muli %add3A_27, %mul3A_30 : i32
        "tpu.region"() ({
          %run_scoped3A = tpu.sem_alloc : memref<!tpu.dma_semaphore, #tpu.memory_space<semaphore_mem>>
          %dma_start3A = arith.constant 0 : i32
          %dma_start3A_32 = tpu.memref_slice %arg2[%mul3A_31, %dma_start3A] : memref<160000x128xf32, #tpu.memory_space<hbm>> -> memref<128x128xf32, #tpu.memory_space<hbm>>
          %dma_start3A_33 = arith.constant 0 : i32
          %dma_start3A_34 = tpu.memref_slice %arg2[%mul3A_31, %dma_start3A_33] : memref<160000x128xf32, #tpu.memory_space<hbm>> -> memref<128x128xf32, #tpu.memory_space<hbm>>
          tpu.enqueue_dma source(%dma_start3A_34 : memref<128x128xf32, #tpu.memory_space<hbm>>) target(%arg6 : memref<128x128xf32, #tpu.memory_space<vmem>>) target_semaphore(%run_scoped3A : memref<!tpu.dma_semaphore, #tpu.memory_space<semaphore_mem>>)
          %dma_wait3A = arith.constant 0 : i32
          %dma_wait3A_35 = tpu.memref_slice %arg2[%mul3A_31, %dma_wait3A] : memref<160000x128xf32, #tpu.memory_space<hbm>> -> memref<128x128xf32, #tpu.memory_space<hbm>>
          %dma_wait3A_36 = arith.constant 0 : i32
          %dma_wait3A_37 = tpu.memref_slice %arg2[%mul3A_31, %dma_wait3A_36] : memref<160000x128xf32, #tpu.memory_space<hbm>> -> memref<128x128xf32, #tpu.memory_space<hbm>>
          tpu.wait_dma2 semaphore(%run_scoped3A : memref<!tpu.dma_semaphore, #tpu.memory_space<semaphore_mem>>) src(%dma_wait3A_37 : memref<128x128xf32, #tpu.memory_space<hbm>>) dst(%arg6 : memref<128x128xf32, #tpu.memory_space<vmem>>)
          tpu.yield
        }) : () -> ()
        "tpu.region"() ({
          %run_scoped3A = tpu.sem_alloc : memref<!tpu.dma_semaphore, #tpu.memory_space<semaphore_mem>>
          %dma_start3A = arith.constant 0 : i32
          %dma_start3A_32 = arith.constant 0 : i32
          %dma_start3A_33 = tpu.memref_slice %arg8[%dma_start3A, %dma_start3A_32] : memref<5120x128xf32, #tpu.memory_space<vmem_shared>> -> memref<5120x128xf32, #tpu.memory_space<vmem_shared>>
          tpu.enqueue_indirect_dma source(%arg6 : memref<128x128xf32, #tpu.memory_space<vmem>>) target(%dma_start3A_33 : memref<5120x128xf32, #tpu.memory_space<vmem_shared>>) offsets(%arg5 : memref<128xi32, #tpu.memory_space<vmem>>) semaphore(%run_scoped3A : memref<!tpu.dma_semaphore, #tpu.memory_space<semaphore_mem>>) {add = true}
          %dma_wait3A = arith.constant 0 : i32
          %dma_wait3A_34 = arith.constant 0 : i32
          %dma_wait3A_35 = tpu.memref_slice %arg8[%dma_wait3A, %dma_wait3A_34] : memref<5120x128xf32, #tpu.memory_space<vmem_shared>> -> memref<5120x128xf32, #tpu.memory_space<vmem_shared>>
          tpu.wait_indirect_dma semaphore(%run_scoped3A : memref<!tpu.dma_semaphore, #tpu.memory_space<semaphore_mem>>) src(%arg6 : memref<128x128xf32, #tpu.memory_space<vmem>>) dst(%dma_wait3A_35 : memref<5120x128xf32, #tpu.memory_space<vmem_shared>>)
          tpu.yield
        }) : () -> ()
      } else {
      }
    }
    %scan3A_11 = arith.constant 40 : i32
    %barrier3A_12 = arith.constant 0 : index
    tpu.barrier barrier_id(%barrier3A_12)
    %mul3A_13 = arith.constant 320 : i32
    %mul3A_14 = arith.muli %arg1, %mul3A_13 : i32
    "tpu.region"() ({
      %run_scoped3A = tpu.sem_alloc : memref<!tpu.dma_semaphore, #tpu.memory_space<semaphore_mem>>
      %dma_start3A = arith.constant 0 : i32
      %dma_start3A_20 = tpu.memref_slice %arg8[%mul3A_14, %dma_start3A] : memref<5120x128xf32, #tpu.memory_space<vmem_shared>> -> memref<320x128xf32, #tpu.memory_space<vmem_shared>>
      %dma_start3A_21 = arith.constant 0 : i32
      %dma_start3A_22 = tpu.memref_slice %arg8[%mul3A_14, %dma_start3A_21] : memref<5120x128xf32, #tpu.memory_space<vmem_shared>> -> memref<320x128xf32, #tpu.memory_space<vmem_shared>>
      tpu.enqueue_dma source(%dma_start3A_22 : memref<320x128xf32, #tpu.memory_space<vmem_shared>>) target(%arg7 : memref<320x128xf32, #tpu.memory_space<vmem>>) target_semaphore(%run_scoped3A : memref<!tpu.dma_semaphore, #tpu.memory_space<semaphore_mem>>)
      %dma_wait3A = arith.constant 0 : i32
      %dma_wait3A_23 = tpu.memref_slice %arg8[%mul3A_14, %dma_wait3A] : memref<5120x128xf32, #tpu.memory_space<vmem_shared>> -> memref<320x128xf32, #tpu.memory_space<vmem_shared>>
      %dma_wait3A_24 = arith.constant 0 : i32
      %dma_wait3A_25 = tpu.memref_slice %arg8[%mul3A_14, %dma_wait3A_24] : memref<5120x128xf32, #tpu.memory_space<vmem_shared>> -> memref<320x128xf32, #tpu.memory_space<vmem_shared>>
      tpu.wait_dma2 semaphore(%run_scoped3A : memref<!tpu.dma_semaphore, #tpu.memory_space<semaphore_mem>>) src(%dma_wait3A_25 : memref<320x128xf32, #tpu.memory_space<vmem_shared>>) dst(%arg7 : memref<320x128xf32, #tpu.memory_space<vmem>>)
      tpu.yield
    }) : () -> ()
    %mul3A_15 = arith.constant 5120 : i32
    %mul3A_16 = arith.muli %arg0, %mul3A_15 : i32
    %mul3A_17 = arith.constant 320 : i32
    %mul3A_18 = arith.muli %arg1, %mul3A_17 : i32
    %add3A_19 = arith.addi %mul3A_16, %mul3A_18 : i32
    "tpu.region"() ({
      %run_scoped3A = tpu.sem_alloc : memref<!tpu.dma_semaphore, #tpu.memory_space<semaphore_mem>>
      %dma_start3A = arith.constant 0 : i32
      %dma_start3A_20 = tpu.memref_slice %arg4[%add3A_19, %dma_start3A] : memref<10240x128xf32, #tpu.memory_space<hbm>> -> memref<320x128xf32, #tpu.memory_space<hbm>>
      %dma_start3A_21 = arith.constant 0 : i32
      %dma_start3A_22 = tpu.memref_slice %arg4[%add3A_19, %dma_start3A_21] : memref<10240x128xf32, #tpu.memory_space<hbm>> -> memref<320x128xf32, #tpu.memory_space<hbm>>
      tpu.enqueue_dma source(%arg7 : memref<320x128xf32, #tpu.memory_space<vmem>>) target(%dma_start3A_22 : memref<320x128xf32, #tpu.memory_space<hbm>>) target_semaphore(%run_scoped3A : memref<!tpu.dma_semaphore, #tpu.memory_space<semaphore_mem>>)
      %dma_wait3A = arith.constant 0 : i32
      %dma_wait3A_23 = tpu.memref_slice %arg4[%add3A_19, %dma_wait3A] : memref<10240x128xf32, #tpu.memory_space<hbm>> -> memref<320x128xf32, #tpu.memory_space<hbm>>
      %dma_wait3A_24 = arith.constant 0 : i32
      %dma_wait3A_25 = tpu.memref_slice %arg4[%add3A_19, %dma_wait3A_24] : memref<10240x128xf32, #tpu.memory_space<hbm>> -> memref<320x128xf32, #tpu.memory_space<hbm>>
      tpu.wait_dma2 semaphore(%run_scoped3A : memref<!tpu.dma_semaphore, #tpu.memory_space<semaphore_mem>>) src(%arg7 : memref<320x128xf32, #tpu.memory_space<vmem>>) dst(%dma_wait3A_25 : memref<320x128xf32, #tpu.memory_space<hbm>>)
      tpu.yield
    }) : () -> ()
    return
  }
}

#map = affine_map<(d0, d1) -> (0, 0)>
module attributes {stable_mosaic.version = 14 : i64} {
  func.func @k(%arg0: i32, %arg1: i32, %arg2: memref<5120x128xf32, #tpu.memory_space<hbm>>, %arg3: memref<1250x128xi32, #tpu.memory_space<hbm>>, %arg4: memref<160000x128xf32, #tpu.memory_space<hbm>>, %arg5: memref<128xi32, #tpu.memory_space<vmem>>, %arg6: memref<128xi32, #tpu.memory_space<vmem>>, %arg7: memref<128xi32, #tpu.memory_space<vmem>>, %arg8: memref<128xi32, #tpu.memory_space<vmem>>, %arg9: memref<128xi32, #tpu.memory_space<vmem>>, %arg10: memref<128xi32, #tpu.memory_space<vmem>>, %arg11: memref<128x128xf32, #tpu.memory_space<vmem>>, %arg12: memref<128x128xf32, #tpu.memory_space<vmem>>, %arg13: memref<128x128xf32, #tpu.memory_space<vmem>>, %arg14: memref<128x128xf32, #tpu.memory_space<vmem>>, %arg15: memref<128x128xf32, #tpu.memory_space<vmem>>, %arg16: memref<128x128xf32, #tpu.memory_space<vmem>>, %arg17: memref<!tpu.dma_semaphore, #tpu.memory_space<semaphore_mem>>) attributes {dimension_semantics = [#tpu.dimension_semantics<core_parallel>, #tpu.dimension_semantics<subcore_parallel>], iteration_bounds = array<i64: 2, 16>, scalar_prefetch = 0 : i64, scratch_operands = 13 : i64, tpu.core_type = #tpu.core_type<sc_vector_subcore>, window_params = [{transform_indices = #map}, {transform_indices = #map}, {transform_indices = #map}]} {
    %mul3A = arith.constant 2 : i32
    %mul3A_0 = arith.muli %arg1, %mul3A : i32
    %add3A = arith.addi %mul3A_0, %arg0 : i32
    %scan3A = arith.constant 0 : i32
    %scan3A_1 = arith.constant 7 : i32
    %scan3A_2 = arith.addi %scan3A, %scan3A_1 : i32
    %scan3A_3 = arith.constant 1 : i32
    scf.for %scan3A_5 = %scan3A to %scan3A_2 step %scan3A_3  : i32 {
      %mul3A_6 = arith.constant 1 : i32
      %mul3A_7 = arith.muli %scan3A_5, %mul3A_6 : i32
      %add3A_8 = arith.constant 0 : i32
      %add3A_9 = arith.addi %add3A_8, %mul3A_7 : i32
      %mul3A_10 = arith.constant 6 : i32
      %mul3A_11 = arith.muli %add3A_9, %mul3A_10 : i32
      %add3A_12 = arith.constant 0 : i32
      %add3A_13 = arith.addi %mul3A_11, %add3A_12 : i32
      %mul3A_14 = arith.constant 32 : i32
      %mul3A_15 = arith.muli %add3A_13, %mul3A_14 : i32
      %add3A_16 = arith.addi %mul3A_15, %add3A : i32
      %lt3A = arith.constant 1250 : i32
      %lt3A_17 = arith.cmpi slt, %add3A_16, %lt3A : i32
      %convert_element_type3A = arith.extui %lt3A_17 : i1 to i32
      %cond3A = arith.constant 0 : i32
      %cond3A_18 = arith.cmpi ne, %convert_element_type3A, %cond3A : i32
      scf.if %cond3A_18 {
        "tpu.region"() ({
          %run_scoped3A = tpu.sem_alloc : memref<!tpu.dma_semaphore, #tpu.memory_space<semaphore_mem>>
          %dma_start3A_153 = arith.constant 0 : i32
          %dma_start3A_154 = tpu.memref_slice %arg3[%add3A_16, %dma_start3A_153] : memref<1250x128xi32, #tpu.memory_space<hbm>> -> memref<1x128xi32, #tpu.memory_space<hbm>>
          %dma_start3A_155 = tpu.memref_squeeze %dma_start3A_154 : memref<1x128xi32, #tpu.memory_space<hbm>> -> memref<128xi32, #tpu.memory_space<hbm>>
          %dma_start3A_156 = arith.constant 0 : i32
          %dma_start3A_157 = tpu.memref_slice %arg3[%add3A_16, %dma_start3A_156] : memref<1250x128xi32, #tpu.memory_space<hbm>> -> memref<1x128xi32, #tpu.memory_space<hbm>>
          %dma_start3A_158 = tpu.memref_squeeze %dma_start3A_157 : memref<1x128xi32, #tpu.memory_space<hbm>> -> memref<128xi32, #tpu.memory_space<hbm>>
          tpu.enqueue_dma source(%dma_start3A_158 : memref<128xi32, #tpu.memory_space<hbm>>) target(%arg5 : memref<128xi32, #tpu.memory_space<vmem>>) target_semaphore(%run_scoped3A : memref<!tpu.dma_semaphore, #tpu.memory_space<semaphore_mem>>)
          %dma_wait3A = arith.constant 0 : i32
          %dma_wait3A_159 = tpu.memref_slice %arg3[%add3A_16, %dma_wait3A] : memref<1250x128xi32, #tpu.memory_space<hbm>> -> memref<1x128xi32, #tpu.memory_space<hbm>>
          %dma_wait3A_160 = tpu.memref_squeeze %dma_wait3A_159 : memref<1x128xi32, #tpu.memory_space<hbm>> -> memref<128xi32, #tpu.memory_space<hbm>>
          %dma_wait3A_161 = arith.constant 0 : i32
          %dma_wait3A_162 = tpu.memref_slice %arg3[%add3A_16, %dma_wait3A_161] : memref<1250x128xi32, #tpu.memory_space<hbm>> -> memref<1x128xi32, #tpu.memory_space<hbm>>
          %dma_wait3A_163 = tpu.memref_squeeze %dma_wait3A_162 : memref<1x128xi32, #tpu.memory_space<hbm>> -> memref<128xi32, #tpu.memory_space<hbm>>
          tpu.wait_dma2 semaphore(%run_scoped3A : memref<!tpu.dma_semaphore, #tpu.memory_space<semaphore_mem>>) src(%dma_wait3A_163 : memref<128xi32, #tpu.memory_space<hbm>>) dst(%arg5 : memref<128xi32, #tpu.memory_space<vmem>>)
          tpu.yield
        }) : () -> ()
        %dma_start3A = arith.constant 0 : i32
        %dma_start3A_151 = arith.constant 0 : i32
        %dma_start3A_152 = tpu.memref_slice %arg2[%dma_start3A, %dma_start3A_151] : memref<5120x128xf32, #tpu.memory_space<hbm>> -> memref<5120x128xf32, #tpu.memory_space<hbm>>
        tpu.enqueue_indirect_dma source(%dma_start3A_152 : memref<5120x128xf32, #tpu.memory_space<hbm>>) target(%arg11 : memref<128x128xf32, #tpu.memory_space<vmem>>) offsets(%arg5 : memref<128xi32, #tpu.memory_space<vmem>>) semaphore(%arg17 : memref<!tpu.dma_semaphore, #tpu.memory_space<semaphore_mem>>)
      } else {
      }
      %mul3A_19 = arith.constant 6 : i32
      %mul3A_20 = arith.muli %add3A_9, %mul3A_19 : i32
      %add3A_21 = arith.constant 1 : i32
      %add3A_22 = arith.addi %mul3A_20, %add3A_21 : i32
      %mul3A_23 = arith.constant 32 : i32
      %mul3A_24 = arith.muli %add3A_22, %mul3A_23 : i32
      %add3A_25 = arith.addi %mul3A_24, %add3A : i32
      %lt3A_26 = arith.constant 1250 : i32
      %lt3A_27 = arith.cmpi slt, %add3A_25, %lt3A_26 : i32
      %convert_element_type3A_28 = arith.extui %lt3A_27 : i1 to i32
      %cond3A_29 = arith.constant 0 : i32
      %cond3A_30 = arith.cmpi ne, %convert_element_type3A_28, %cond3A_29 : i32
      scf.if %cond3A_30 {
        "tpu.region"() ({
          %run_scoped3A = tpu.sem_alloc : memref<!tpu.dma_semaphore, #tpu.memory_space<semaphore_mem>>
          %dma_start3A_153 = arith.constant 0 : i32
          %dma_start3A_154 = tpu.memref_slice %arg3[%add3A_25, %dma_start3A_153] : memref<1250x128xi32, #tpu.memory_space<hbm>> -> memref<1x128xi32, #tpu.memory_space<hbm>>
          %dma_start3A_155 = tpu.memref_squeeze %dma_start3A_154 : memref<1x128xi32, #tpu.memory_space<hbm>> -> memref<128xi32, #tpu.memory_space<hbm>>
          %dma_start3A_156 = arith.constant 0 : i32
          %dma_start3A_157 = tpu.memref_slice %arg3[%add3A_25, %dma_start3A_156] : memref<1250x128xi32, #tpu.memory_space<hbm>> -> memref<1x128xi32, #tpu.memory_space<hbm>>
          %dma_start3A_158 = tpu.memref_squeeze %dma_start3A_157 : memref<1x128xi32, #tpu.memory_space<hbm>> -> memref<128xi32, #tpu.memory_space<hbm>>
          tpu.enqueue_dma source(%dma_start3A_158 : memref<128xi32, #tpu.memory_space<hbm>>) target(%arg6 : memref<128xi32, #tpu.memory_space<vmem>>) target_semaphore(%run_scoped3A : memref<!tpu.dma_semaphore, #tpu.memory_space<semaphore_mem>>)
          %dma_wait3A = arith.constant 0 : i32
          %dma_wait3A_159 = tpu.memref_slice %arg3[%add3A_25, %dma_wait3A] : memref<1250x128xi32, #tpu.memory_space<hbm>> -> memref<1x128xi32, #tpu.memory_space<hbm>>
          %dma_wait3A_160 = tpu.memref_squeeze %dma_wait3A_159 : memref<1x128xi32, #tpu.memory_space<hbm>> -> memref<128xi32, #tpu.memory_space<hbm>>
          %dma_wait3A_161 = arith.constant 0 : i32
          %dma_wait3A_162 = tpu.memref_slice %arg3[%add3A_25, %dma_wait3A_161] : memref<1250x128xi32, #tpu.memory_space<hbm>> -> memref<1x128xi32, #tpu.memory_space<hbm>>
          %dma_wait3A_163 = tpu.memref_squeeze %dma_wait3A_162 : memref<1x128xi32, #tpu.memory_space<hbm>> -> memref<128xi32, #tpu.memory_space<hbm>>
          tpu.wait_dma2 semaphore(%run_scoped3A : memref<!tpu.dma_semaphore, #tpu.memory_space<semaphore_mem>>) src(%dma_wait3A_163 : memref<128xi32, #tpu.memory_space<hbm>>) dst(%arg6 : memref<128xi32, #tpu.memory_space<vmem>>)
          tpu.yield
        }) : () -> ()
        %dma_start3A = arith.constant 0 : i32
        %dma_start3A_151 = arith.constant 0 : i32
        %dma_start3A_152 = tpu.memref_slice %arg2[%dma_start3A, %dma_start3A_151] : memref<5120x128xf32, #tpu.memory_space<hbm>> -> memref<5120x128xf32, #tpu.memory_space<hbm>>
        tpu.enqueue_indirect_dma source(%dma_start3A_152 : memref<5120x128xf32, #tpu.memory_space<hbm>>) target(%arg12 : memref<128x128xf32, #tpu.memory_space<vmem>>) offsets(%arg6 : memref<128xi32, #tpu.memory_space<vmem>>) semaphore(%arg17 : memref<!tpu.dma_semaphore, #tpu.memory_space<semaphore_mem>>)
      } else {
      }
      %mul3A_31 = arith.constant 6 : i32
      %mul3A_32 = arith.muli %add3A_9, %mul3A_31 : i32
      %add3A_33 = arith.constant 2 : i32
      %add3A_34 = arith.addi %mul3A_32, %add3A_33 : i32
      %mul3A_35 = arith.constant 32 : i32
      %mul3A_36 = arith.muli %add3A_34, %mul3A_35 : i32
      %add3A_37 = arith.addi %mul3A_36, %add3A : i32
      %lt3A_38 = arith.constant 1250 : i32
      %lt3A_39 = arith.cmpi slt, %add3A_37, %lt3A_38 : i32
      %convert_element_type3A_40 = arith.extui %lt3A_39 : i1 to i32
      %cond3A_41 = arith.constant 0 : i32
      %cond3A_42 = arith.cmpi ne, %convert_element_type3A_40, %cond3A_41 : i32
      scf.if %cond3A_42 {
        "tpu.region"() ({
          %run_scoped3A = tpu.sem_alloc : memref<!tpu.dma_semaphore, #tpu.memory_space<semaphore_mem>>
          %dma_start3A_153 = arith.constant 0 : i32
          %dma_start3A_154 = tpu.memref_slice %arg3[%add3A_37, %dma_start3A_153] : memref<1250x128xi32, #tpu.memory_space<hbm>> -> memref<1x128xi32, #tpu.memory_space<hbm>>
          %dma_start3A_155 = tpu.memref_squeeze %dma_start3A_154 : memref<1x128xi32, #tpu.memory_space<hbm>> -> memref<128xi32, #tpu.memory_space<hbm>>
          %dma_start3A_156 = arith.constant 0 : i32
          %dma_start3A_157 = tpu.memref_slice %arg3[%add3A_37, %dma_start3A_156] : memref<1250x128xi32, #tpu.memory_space<hbm>> -> memref<1x128xi32, #tpu.memory_space<hbm>>
          %dma_start3A_158 = tpu.memref_squeeze %dma_start3A_157 : memref<1x128xi32, #tpu.memory_space<hbm>> -> memref<128xi32, #tpu.memory_space<hbm>>
          tpu.enqueue_dma source(%dma_start3A_158 : memref<128xi32, #tpu.memory_space<hbm>>) target(%arg7 : memref<128xi32, #tpu.memory_space<vmem>>) target_semaphore(%run_scoped3A : memref<!tpu.dma_semaphore, #tpu.memory_space<semaphore_mem>>)
          %dma_wait3A = arith.constant 0 : i32
          %dma_wait3A_159 = tpu.memref_slice %arg3[%add3A_37, %dma_wait3A] : memref<1250x128xi32, #tpu.memory_space<hbm>> -> memref<1x128xi32, #tpu.memory_space<hbm>>
          %dma_wait3A_160 = tpu.memref_squeeze %dma_wait3A_159 : memref<1x128xi32, #tpu.memory_space<hbm>> -> memref<128xi32, #tpu.memory_space<hbm>>
          %dma_wait3A_161 = arith.constant 0 : i32
          %dma_wait3A_162 = tpu.memref_slice %arg3[%add3A_37, %dma_wait3A_161] : memref<1250x128xi32, #tpu.memory_space<hbm>> -> memref<1x128xi32, #tpu.memory_space<hbm>>
          %dma_wait3A_163 = tpu.memref_squeeze %dma_wait3A_162 : memref<1x128xi32, #tpu.memory_space<hbm>> -> memref<128xi32, #tpu.memory_space<hbm>>
          tpu.wait_dma2 semaphore(%run_scoped3A : memref<!tpu.dma_semaphore, #tpu.memory_space<semaphore_mem>>) src(%dma_wait3A_163 : memref<128xi32, #tpu.memory_space<hbm>>) dst(%arg7 : memref<128xi32, #tpu.memory_space<vmem>>)
          tpu.yield
        }) : () -> ()
        %dma_start3A = arith.constant 0 : i32
        %dma_start3A_151 = arith.constant 0 : i32
        %dma_start3A_152 = tpu.memref_slice %arg2[%dma_start3A, %dma_start3A_151] : memref<5120x128xf32, #tpu.memory_space<hbm>> -> memref<5120x128xf32, #tpu.memory_space<hbm>>
        tpu.enqueue_indirect_dma source(%dma_start3A_152 : memref<5120x128xf32, #tpu.memory_space<hbm>>) target(%arg13 : memref<128x128xf32, #tpu.memory_space<vmem>>) offsets(%arg7 : memref<128xi32, #tpu.memory_space<vmem>>) semaphore(%arg17 : memref<!tpu.dma_semaphore, #tpu.memory_space<semaphore_mem>>)
      } else {
      }
      %mul3A_43 = arith.constant 6 : i32
      %mul3A_44 = arith.muli %add3A_9, %mul3A_43 : i32
      %add3A_45 = arith.constant 3 : i32
      %add3A_46 = arith.addi %mul3A_44, %add3A_45 : i32
      %mul3A_47 = arith.constant 32 : i32
      %mul3A_48 = arith.muli %add3A_46, %mul3A_47 : i32
      %add3A_49 = arith.addi %mul3A_48, %add3A : i32
      %lt3A_50 = arith.constant 1250 : i32
      %lt3A_51 = arith.cmpi slt, %add3A_49, %lt3A_50 : i32
      %convert_element_type3A_52 = arith.extui %lt3A_51 : i1 to i32
      %cond3A_53 = arith.constant 0 : i32
      %cond3A_54 = arith.cmpi ne, %convert_element_type3A_52, %cond3A_53 : i32
      scf.if %cond3A_54 {
        "tpu.region"() ({
          %run_scoped3A = tpu.sem_alloc : memref<!tpu.dma_semaphore, #tpu.memory_space<semaphore_mem>>
          %dma_start3A_153 = arith.constant 0 : i32
          %dma_start3A_154 = tpu.memref_slice %arg3[%add3A_49, %dma_start3A_153] : memref<1250x128xi32, #tpu.memory_space<hbm>> -> memref<1x128xi32, #tpu.memory_space<hbm>>
          %dma_start3A_155 = tpu.memref_squeeze %dma_start3A_154 : memref<1x128xi32, #tpu.memory_space<hbm>> -> memref<128xi32, #tpu.memory_space<hbm>>
          %dma_start3A_156 = arith.constant 0 : i32
          %dma_start3A_157 = tpu.memref_slice %arg3[%add3A_49, %dma_start3A_156] : memref<1250x128xi32, #tpu.memory_space<hbm>> -> memref<1x128xi32, #tpu.memory_space<hbm>>
          %dma_start3A_158 = tpu.memref_squeeze %dma_start3A_157 : memref<1x128xi32, #tpu.memory_space<hbm>> -> memref<128xi32, #tpu.memory_space<hbm>>
          tpu.enqueue_dma source(%dma_start3A_158 : memref<128xi32, #tpu.memory_space<hbm>>) target(%arg8 : memref<128xi32, #tpu.memory_space<vmem>>) target_semaphore(%run_scoped3A : memref<!tpu.dma_semaphore, #tpu.memory_space<semaphore_mem>>)
          %dma_wait3A = arith.constant 0 : i32
          %dma_wait3A_159 = tpu.memref_slice %arg3[%add3A_49, %dma_wait3A] : memref<1250x128xi32, #tpu.memory_space<hbm>> -> memref<1x128xi32, #tpu.memory_space<hbm>>
          %dma_wait3A_160 = tpu.memref_squeeze %dma_wait3A_159 : memref<1x128xi32, #tpu.memory_space<hbm>> -> memref<128xi32, #tpu.memory_space<hbm>>
          %dma_wait3A_161 = arith.constant 0 : i32
          %dma_wait3A_162 = tpu.memref_slice %arg3[%add3A_49, %dma_wait3A_161] : memref<1250x128xi32, #tpu.memory_space<hbm>> -> memref<1x128xi32, #tpu.memory_space<hbm>>
          %dma_wait3A_163 = tpu.memref_squeeze %dma_wait3A_162 : memref<1x128xi32, #tpu.memory_space<hbm>> -> memref<128xi32, #tpu.memory_space<hbm>>
          tpu.wait_dma2 semaphore(%run_scoped3A : memref<!tpu.dma_semaphore, #tpu.memory_space<semaphore_mem>>) src(%dma_wait3A_163 : memref<128xi32, #tpu.memory_space<hbm>>) dst(%arg8 : memref<128xi32, #tpu.memory_space<vmem>>)
          tpu.yield
        }) : () -> ()
        %dma_start3A = arith.constant 0 : i32
        %dma_start3A_151 = arith.constant 0 : i32
        %dma_start3A_152 = tpu.memref_slice %arg2[%dma_start3A, %dma_start3A_151] : memref<5120x128xf32, #tpu.memory_space<hbm>> -> memref<5120x128xf32, #tpu.memory_space<hbm>>
        tpu.enqueue_indirect_dma source(%dma_start3A_152 : memref<5120x128xf32, #tpu.memory_space<hbm>>) target(%arg14 : memref<128x128xf32, #tpu.memory_space<vmem>>) offsets(%arg8 : memref<128xi32, #tpu.memory_space<vmem>>) semaphore(%arg17 : memref<!tpu.dma_semaphore, #tpu.memory_space<semaphore_mem>>)
      } else {
      }
      %mul3A_55 = arith.constant 6 : i32
      %mul3A_56 = arith.muli %add3A_9, %mul3A_55 : i32
      %add3A_57 = arith.constant 4 : i32
      %add3A_58 = arith.addi %mul3A_56, %add3A_57 : i32
      %mul3A_59 = arith.constant 32 : i32
      %mul3A_60 = arith.muli %add3A_58, %mul3A_59 : i32
      %add3A_61 = arith.addi %mul3A_60, %add3A : i32
      %lt3A_62 = arith.constant 1250 : i32
      %lt3A_63 = arith.cmpi slt, %add3A_61, %lt3A_62 : i32
      %convert_element_type3A_64 = arith.extui %lt3A_63 : i1 to i32
      %cond3A_65 = arith.constant 0 : i32
      %cond3A_66 = arith.cmpi ne, %convert_element_type3A_64, %cond3A_65 : i32
      scf.if %cond3A_66 {
        "tpu.region"() ({
          %run_scoped3A = tpu.sem_alloc : memref<!tpu.dma_semaphore, #tpu.memory_space<semaphore_mem>>
          %dma_start3A_153 = arith.constant 0 : i32
          %dma_start3A_154 = tpu.memref_slice %arg3[%add3A_61, %dma_start3A_153] : memref<1250x128xi32, #tpu.memory_space<hbm>> -> memref<1x128xi32, #tpu.memory_space<hbm>>
          %dma_start3A_155 = tpu.memref_squeeze %dma_start3A_154 : memref<1x128xi32, #tpu.memory_space<hbm>> -> memref<128xi32, #tpu.memory_space<hbm>>
          %dma_start3A_156 = arith.constant 0 : i32
          %dma_start3A_157 = tpu.memref_slice %arg3[%add3A_61, %dma_start3A_156] : memref<1250x128xi32, #tpu.memory_space<hbm>> -> memref<1x128xi32, #tpu.memory_space<hbm>>
          %dma_start3A_158 = tpu.memref_squeeze %dma_start3A_157 : memref<1x128xi32, #tpu.memory_space<hbm>> -> memref<128xi32, #tpu.memory_space<hbm>>
          tpu.enqueue_dma source(%dma_start3A_158 : memref<128xi32, #tpu.memory_space<hbm>>) target(%arg9 : memref<128xi32, #tpu.memory_space<vmem>>) target_semaphore(%run_scoped3A : memref<!tpu.dma_semaphore, #tpu.memory_space<semaphore_mem>>)
          %dma_wait3A = arith.constant 0 : i32
          %dma_wait3A_159 = tpu.memref_slice %arg3[%add3A_61, %dma_wait3A] : memref<1250x128xi32, #tpu.memory_space<hbm>> -> memref<1x128xi32, #tpu.memory_space<hbm>>
          %dma_wait3A_160 = tpu.memref_squeeze %dma_wait3A_159 : memref<1x128xi32, #tpu.memory_space<hbm>> -> memref<128xi32, #tpu.memory_space<hbm>>
          %dma_wait3A_161 = arith.constant 0 : i32
          %dma_wait3A_162 = tpu.memref_slice %arg3[%add3A_61, %dma_wait3A_161] : memref<1250x128xi32, #tpu.memory_space<hbm>> -> memref<1x128xi32, #tpu.memory_space<hbm>>
          %dma_wait3A_163 = tpu.memref_squeeze %dma_wait3A_162 : memref<1x128xi32, #tpu.memory_space<hbm>> -> memref<128xi32, #tpu.memory_space<hbm>>
          tpu.wait_dma2 semaphore(%run_scoped3A : memref<!tpu.dma_semaphore, #tpu.memory_space<semaphore_mem>>) src(%dma_wait3A_163 : memref<128xi32, #tpu.memory_space<hbm>>) dst(%arg9 : memref<128xi32, #tpu.memory_space<vmem>>)
          tpu.yield
        }) : () -> ()
        %dma_start3A = arith.constant 0 : i32
        %dma_start3A_151 = arith.constant 0 : i32
        %dma_start3A_152 = tpu.memref_slice %arg2[%dma_start3A, %dma_start3A_151] : memref<5120x128xf32, #tpu.memory_space<hbm>> -> memref<5120x128xf32, #tpu.memory_space<hbm>>
        tpu.enqueue_indirect_dma source(%dma_start3A_152 : memref<5120x128xf32, #tpu.memory_space<hbm>>) target(%arg15 : memref<128x128xf32, #tpu.memory_space<vmem>>) offsets(%arg9 : memref<128xi32, #tpu.memory_space<vmem>>) semaphore(%arg17 : memref<!tpu.dma_semaphore, #tpu.memory_space<semaphore_mem>>)
      } else {
      }
      %mul3A_67 = arith.constant 6 : i32
      %mul3A_68 = arith.muli %add3A_9, %mul3A_67 : i32
      %add3A_69 = arith.constant 5 : i32
      %add3A_70 = arith.addi %mul3A_68, %add3A_69 : i32
      %mul3A_71 = arith.constant 32 : i32
      %mul3A_72 = arith.muli %add3A_70, %mul3A_71 : i32
      %add3A_73 = arith.addi %mul3A_72, %add3A : i32
      %lt3A_74 = arith.constant 1250 : i32
      %lt3A_75 = arith.cmpi slt, %add3A_73, %lt3A_74 : i32
      %convert_element_type3A_76 = arith.extui %lt3A_75 : i1 to i32
      %cond3A_77 = arith.constant 0 : i32
      %cond3A_78 = arith.cmpi ne, %convert_element_type3A_76, %cond3A_77 : i32
      scf.if %cond3A_78 {
        "tpu.region"() ({
          %run_scoped3A = tpu.sem_alloc : memref<!tpu.dma_semaphore, #tpu.memory_space<semaphore_mem>>
          %dma_start3A_153 = arith.constant 0 : i32
          %dma_start3A_154 = tpu.memref_slice %arg3[%add3A_73, %dma_start3A_153] : memref<1250x128xi32, #tpu.memory_space<hbm>> -> memref<1x128xi32, #tpu.memory_space<hbm>>
          %dma_start3A_155 = tpu.memref_squeeze %dma_start3A_154 : memref<1x128xi32, #tpu.memory_space<hbm>> -> memref<128xi32, #tpu.memory_space<hbm>>
          %dma_start3A_156 = arith.constant 0 : i32
          %dma_start3A_157 = tpu.memref_slice %arg3[%add3A_73, %dma_start3A_156] : memref<1250x128xi32, #tpu.memory_space<hbm>> -> memref<1x128xi32, #tpu.memory_space<hbm>>
          %dma_start3A_158 = tpu.memref_squeeze %dma_start3A_157 : memref<1x128xi32, #tpu.memory_space<hbm>> -> memref<128xi32, #tpu.memory_space<hbm>>
          tpu.enqueue_dma source(%dma_start3A_158 : memref<128xi32, #tpu.memory_space<hbm>>) target(%arg10 : memref<128xi32, #tpu.memory_space<vmem>>) target_semaphore(%run_scoped3A : memref<!tpu.dma_semaphore, #tpu.memory_space<semaphore_mem>>)
          %dma_wait3A = arith.constant 0 : i32
          %dma_wait3A_159 = tpu.memref_slice %arg3[%add3A_73, %dma_wait3A] : memref<1250x128xi32, #tpu.memory_space<hbm>> -> memref<1x128xi32, #tpu.memory_space<hbm>>
          %dma_wait3A_160 = tpu.memref_squeeze %dma_wait3A_159 : memref<1x128xi32, #tpu.memory_space<hbm>> -> memref<128xi32, #tpu.memory_space<hbm>>
          %dma_wait3A_161 = arith.constant 0 : i32
          %dma_wait3A_162 = tpu.memref_slice %arg3[%add3A_73, %dma_wait3A_161] : memref<1250x128xi32, #tpu.memory_space<hbm>> -> memref<1x128xi32, #tpu.memory_space<hbm>>
          %dma_wait3A_163 = tpu.memref_squeeze %dma_wait3A_162 : memref<1x128xi32, #tpu.memory_space<hbm>> -> memref<128xi32, #tpu.memory_space<hbm>>
          tpu.wait_dma2 semaphore(%run_scoped3A : memref<!tpu.dma_semaphore, #tpu.memory_space<semaphore_mem>>) src(%dma_wait3A_163 : memref<128xi32, #tpu.memory_space<hbm>>) dst(%arg10 : memref<128xi32, #tpu.memory_space<vmem>>)
          tpu.yield
        }) : () -> ()
        %dma_start3A = arith.constant 0 : i32
        %dma_start3A_151 = arith.constant 0 : i32
        %dma_start3A_152 = tpu.memref_slice %arg2[%dma_start3A, %dma_start3A_151] : memref<5120x128xf32, #tpu.memory_space<hbm>> -> memref<5120x128xf32, #tpu.memory_space<hbm>>
        tpu.enqueue_indirect_dma source(%dma_start3A_152 : memref<5120x128xf32, #tpu.memory_space<hbm>>) target(%arg16 : memref<128x128xf32, #tpu.memory_space<vmem>>) offsets(%arg10 : memref<128xi32, #tpu.memory_space<vmem>>) semaphore(%arg17 : memref<!tpu.dma_semaphore, #tpu.memory_space<semaphore_mem>>)
      } else {
      }
      %mul3A_79 = arith.constant 6 : i32
      %mul3A_80 = arith.muli %add3A_9, %mul3A_79 : i32
      %add3A_81 = arith.constant 0 : i32
      %add3A_82 = arith.addi %mul3A_80, %add3A_81 : i32
      %mul3A_83 = arith.constant 32 : i32
      %mul3A_84 = arith.muli %add3A_82, %mul3A_83 : i32
      %add3A_85 = arith.addi %mul3A_84, %add3A : i32
      %lt3A_86 = arith.constant 1250 : i32
      %lt3A_87 = arith.cmpi slt, %add3A_85, %lt3A_86 : i32
      %convert_element_type3A_88 = arith.extui %lt3A_87 : i1 to i32
      %cond3A_89 = arith.constant 0 : i32
      %cond3A_90 = arith.cmpi ne, %convert_element_type3A_88, %cond3A_89 : i32
      scf.if %cond3A_90 {
        %dma_wait3A = arith.constant 0 : i32
        %dma_wait3A_151 = arith.constant 0 : i32
        %dma_wait3A_152 = tpu.memref_slice %arg2[%dma_wait3A, %dma_wait3A_151] : memref<5120x128xf32, #tpu.memory_space<hbm>> -> memref<5120x128xf32, #tpu.memory_space<hbm>>
        tpu.wait_indirect_dma semaphore(%arg17 : memref<!tpu.dma_semaphore, #tpu.memory_space<semaphore_mem>>) src(%dma_wait3A_152 : memref<5120x128xf32, #tpu.memory_space<hbm>>) dst(%arg11 : memref<128x128xf32, #tpu.memory_space<vmem>>)
        %mul3A_153 = arith.constant 128 : i32
        %mul3A_154 = arith.muli %add3A_85, %mul3A_153 : i32
        "tpu.region"() ({
          %run_scoped3A = tpu.sem_alloc : memref<!tpu.dma_semaphore, #tpu.memory_space<semaphore_mem>>
          %dma_start3A = arith.constant 0 : i32
          %dma_start3A_155 = tpu.memref_slice %arg4[%mul3A_154, %dma_start3A] : memref<160000x128xf32, #tpu.memory_space<hbm>> -> memref<128x128xf32, #tpu.memory_space<hbm>>
          %dma_start3A_156 = arith.constant 0 : i32
          %dma_start3A_157 = tpu.memref_slice %arg4[%mul3A_154, %dma_start3A_156] : memref<160000x128xf32, #tpu.memory_space<hbm>> -> memref<128x128xf32, #tpu.memory_space<hbm>>
          tpu.enqueue_dma source(%arg11 : memref<128x128xf32, #tpu.memory_space<vmem>>) target(%dma_start3A_157 : memref<128x128xf32, #tpu.memory_space<hbm>>) target_semaphore(%run_scoped3A : memref<!tpu.dma_semaphore, #tpu.memory_space<semaphore_mem>>)
          %dma_wait3A_158 = arith.constant 0 : i32
          %dma_wait3A_159 = tpu.memref_slice %arg4[%mul3A_154, %dma_wait3A_158] : memref<160000x128xf32, #tpu.memory_space<hbm>> -> memref<128x128xf32, #tpu.memory_space<hbm>>
          %dma_wait3A_160 = arith.constant 0 : i32
          %dma_wait3A_161 = tpu.memref_slice %arg4[%mul3A_154, %dma_wait3A_160] : memref<160000x128xf32, #tpu.memory_space<hbm>> -> memref<128x128xf32, #tpu.memory_space<hbm>>
          tpu.wait_dma2 semaphore(%run_scoped3A : memref<!tpu.dma_semaphore, #tpu.memory_space<semaphore_mem>>) src(%arg11 : memref<128x128xf32, #tpu.memory_space<vmem>>) dst(%dma_wait3A_161 : memref<128x128xf32, #tpu.memory_space<hbm>>)
          tpu.yield
        }) : () -> ()
      } else {
      }
      %mul3A_91 = arith.constant 6 : i32
      %mul3A_92 = arith.muli %add3A_9, %mul3A_91 : i32
      %add3A_93 = arith.constant 1 : i32
      %add3A_94 = arith.addi %mul3A_92, %add3A_93 : i32
      %mul3A_95 = arith.constant 32 : i32
      %mul3A_96 = arith.muli %add3A_94, %mul3A_95 : i32
      %add3A_97 = arith.addi %mul3A_96, %add3A : i32
      %lt3A_98 = arith.constant 1250 : i32
      %lt3A_99 = arith.cmpi slt, %add3A_97, %lt3A_98 : i32
      %convert_element_type3A_100 = arith.extui %lt3A_99 : i1 to i32
      %cond3A_101 = arith.constant 0 : i32
      %cond3A_102 = arith.cmpi ne, %convert_element_type3A_100, %cond3A_101 : i32
      scf.if %cond3A_102 {
        %dma_wait3A = arith.constant 0 : i32
        %dma_wait3A_151 = arith.constant 0 : i32
        %dma_wait3A_152 = tpu.memref_slice %arg2[%dma_wait3A, %dma_wait3A_151] : memref<5120x128xf32, #tpu.memory_space<hbm>> -> memref<5120x128xf32, #tpu.memory_space<hbm>>
        tpu.wait_indirect_dma semaphore(%arg17 : memref<!tpu.dma_semaphore, #tpu.memory_space<semaphore_mem>>) src(%dma_wait3A_152 : memref<5120x128xf32, #tpu.memory_space<hbm>>) dst(%arg12 : memref<128x128xf32, #tpu.memory_space<vmem>>)
        %mul3A_153 = arith.constant 128 : i32
        %mul3A_154 = arith.muli %add3A_97, %mul3A_153 : i32
        "tpu.region"() ({
          %run_scoped3A = tpu.sem_alloc : memref<!tpu.dma_semaphore, #tpu.memory_space<semaphore_mem>>
          %dma_start3A = arith.constant 0 : i32
          %dma_start3A_155 = tpu.memref_slice %arg4[%mul3A_154, %dma_start3A] : memref<160000x128xf32, #tpu.memory_space<hbm>> -> memref<128x128xf32, #tpu.memory_space<hbm>>
          %dma_start3A_156 = arith.constant 0 : i32
          %dma_start3A_157 = tpu.memref_slice %arg4[%mul3A_154, %dma_start3A_156] : memref<160000x128xf32, #tpu.memory_space<hbm>> -> memref<128x128xf32, #tpu.memory_space<hbm>>
          tpu.enqueue_dma source(%arg12 : memref<128x128xf32, #tpu.memory_space<vmem>>) target(%dma_start3A_157 : memref<128x128xf32, #tpu.memory_space<hbm>>) target_semaphore(%run_scoped3A : memref<!tpu.dma_semaphore, #tpu.memory_space<semaphore_mem>>)
          %dma_wait3A_158 = arith.constant 0 : i32
          %dma_wait3A_159 = tpu.memref_slice %arg4[%mul3A_154, %dma_wait3A_158] : memref<160000x128xf32, #tpu.memory_space<hbm>> -> memref<128x128xf32, #tpu.memory_space<hbm>>
          %dma_wait3A_160 = arith.constant 0 : i32
          %dma_wait3A_161 = tpu.memref_slice %arg4[%mul3A_154, %dma_wait3A_160] : memref<160000x128xf32, #tpu.memory_space<hbm>> -> memref<128x128xf32, #tpu.memory_space<hbm>>
          tpu.wait_dma2 semaphore(%run_scoped3A : memref<!tpu.dma_semaphore, #tpu.memory_space<semaphore_mem>>) src(%arg12 : memref<128x128xf32, #tpu.memory_space<vmem>>) dst(%dma_wait3A_161 : memref<128x128xf32, #tpu.memory_space<hbm>>)
          tpu.yield
        }) : () -> ()
      } else {
      }
      %mul3A_103 = arith.constant 6 : i32
      %mul3A_104 = arith.muli %add3A_9, %mul3A_103 : i32
      %add3A_105 = arith.constant 2 : i32
      %add3A_106 = arith.addi %mul3A_104, %add3A_105 : i32
      %mul3A_107 = arith.constant 32 : i32
      %mul3A_108 = arith.muli %add3A_106, %mul3A_107 : i32
      %add3A_109 = arith.addi %mul3A_108, %add3A : i32
      %lt3A_110 = arith.constant 1250 : i32
      %lt3A_111 = arith.cmpi slt, %add3A_109, %lt3A_110 : i32
      %convert_element_type3A_112 = arith.extui %lt3A_111 : i1 to i32
      %cond3A_113 = arith.constant 0 : i32
      %cond3A_114 = arith.cmpi ne, %convert_element_type3A_112, %cond3A_113 : i32
      scf.if %cond3A_114 {
        %dma_wait3A = arith.constant 0 : i32
        %dma_wait3A_151 = arith.constant 0 : i32
        %dma_wait3A_152 = tpu.memref_slice %arg2[%dma_wait3A, %dma_wait3A_151] : memref<5120x128xf32, #tpu.memory_space<hbm>> -> memref<5120x128xf32, #tpu.memory_space<hbm>>
        tpu.wait_indirect_dma semaphore(%arg17 : memref<!tpu.dma_semaphore, #tpu.memory_space<semaphore_mem>>) src(%dma_wait3A_152 : memref<5120x128xf32, #tpu.memory_space<hbm>>) dst(%arg13 : memref<128x128xf32, #tpu.memory_space<vmem>>)
        %mul3A_153 = arith.constant 128 : i32
        %mul3A_154 = arith.muli %add3A_109, %mul3A_153 : i32
        "tpu.region"() ({
          %run_scoped3A = tpu.sem_alloc : memref<!tpu.dma_semaphore, #tpu.memory_space<semaphore_mem>>
          %dma_start3A = arith.constant 0 : i32
          %dma_start3A_155 = tpu.memref_slice %arg4[%mul3A_154, %dma_start3A] : memref<160000x128xf32, #tpu.memory_space<hbm>> -> memref<128x128xf32, #tpu.memory_space<hbm>>
          %dma_start3A_156 = arith.constant 0 : i32
          %dma_start3A_157 = tpu.memref_slice %arg4[%mul3A_154, %dma_start3A_156] : memref<160000x128xf32, #tpu.memory_space<hbm>> -> memref<128x128xf32, #tpu.memory_space<hbm>>
          tpu.enqueue_dma source(%arg13 : memref<128x128xf32, #tpu.memory_space<vmem>>) target(%dma_start3A_157 : memref<128x128xf32, #tpu.memory_space<hbm>>) target_semaphore(%run_scoped3A : memref<!tpu.dma_semaphore, #tpu.memory_space<semaphore_mem>>)
          %dma_wait3A_158 = arith.constant 0 : i32
          %dma_wait3A_159 = tpu.memref_slice %arg4[%mul3A_154, %dma_wait3A_158] : memref<160000x128xf32, #tpu.memory_space<hbm>> -> memref<128x128xf32, #tpu.memory_space<hbm>>
          %dma_wait3A_160 = arith.constant 0 : i32
          %dma_wait3A_161 = tpu.memref_slice %arg4[%mul3A_154, %dma_wait3A_160] : memref<160000x128xf32, #tpu.memory_space<hbm>> -> memref<128x128xf32, #tpu.memory_space<hbm>>
          tpu.wait_dma2 semaphore(%run_scoped3A : memref<!tpu.dma_semaphore, #tpu.memory_space<semaphore_mem>>) src(%arg13 : memref<128x128xf32, #tpu.memory_space<vmem>>) dst(%dma_wait3A_161 : memref<128x128xf32, #tpu.memory_space<hbm>>)
          tpu.yield
        }) : () -> ()
      } else {
      }
      %mul3A_115 = arith.constant 6 : i32
      %mul3A_116 = arith.muli %add3A_9, %mul3A_115 : i32
      %add3A_117 = arith.constant 3 : i32
      %add3A_118 = arith.addi %mul3A_116, %add3A_117 : i32
      %mul3A_119 = arith.constant 32 : i32
      %mul3A_120 = arith.muli %add3A_118, %mul3A_119 : i32
      %add3A_121 = arith.addi %mul3A_120, %add3A : i32
      %lt3A_122 = arith.constant 1250 : i32
      %lt3A_123 = arith.cmpi slt, %add3A_121, %lt3A_122 : i32
      %convert_element_type3A_124 = arith.extui %lt3A_123 : i1 to i32
      %cond3A_125 = arith.constant 0 : i32
      %cond3A_126 = arith.cmpi ne, %convert_element_type3A_124, %cond3A_125 : i32
      scf.if %cond3A_126 {
        %dma_wait3A = arith.constant 0 : i32
        %dma_wait3A_151 = arith.constant 0 : i32
        %dma_wait3A_152 = tpu.memref_slice %arg2[%dma_wait3A, %dma_wait3A_151] : memref<5120x128xf32, #tpu.memory_space<hbm>> -> memref<5120x128xf32, #tpu.memory_space<hbm>>
        tpu.wait_indirect_dma semaphore(%arg17 : memref<!tpu.dma_semaphore, #tpu.memory_space<semaphore_mem>>) src(%dma_wait3A_152 : memref<5120x128xf32, #tpu.memory_space<hbm>>) dst(%arg14 : memref<128x128xf32, #tpu.memory_space<vmem>>)
        %mul3A_153 = arith.constant 128 : i32
        %mul3A_154 = arith.muli %add3A_121, %mul3A_153 : i32
        "tpu.region"() ({
          %run_scoped3A = tpu.sem_alloc : memref<!tpu.dma_semaphore, #tpu.memory_space<semaphore_mem>>
          %dma_start3A = arith.constant 0 : i32
          %dma_start3A_155 = tpu.memref_slice %arg4[%mul3A_154, %dma_start3A] : memref<160000x128xf32, #tpu.memory_space<hbm>> -> memref<128x128xf32, #tpu.memory_space<hbm>>
          %dma_start3A_156 = arith.constant 0 : i32
          %dma_start3A_157 = tpu.memref_slice %arg4[%mul3A_154, %dma_start3A_156] : memref<160000x128xf32, #tpu.memory_space<hbm>> -> memref<128x128xf32, #tpu.memory_space<hbm>>
          tpu.enqueue_dma source(%arg14 : memref<128x128xf32, #tpu.memory_space<vmem>>) target(%dma_start3A_157 : memref<128x128xf32, #tpu.memory_space<hbm>>) target_semaphore(%run_scoped3A : memref<!tpu.dma_semaphore, #tpu.memory_space<semaphore_mem>>)
          %dma_wait3A_158 = arith.constant 0 : i32
          %dma_wait3A_159 = tpu.memref_slice %arg4[%mul3A_154, %dma_wait3A_158] : memref<160000x128xf32, #tpu.memory_space<hbm>> -> memref<128x128xf32, #tpu.memory_space<hbm>>
          %dma_wait3A_160 = arith.constant 0 : i32
          %dma_wait3A_161 = tpu.memref_slice %arg4[%mul3A_154, %dma_wait3A_160] : memref<160000x128xf32, #tpu.memory_space<hbm>> -> memref<128x128xf32, #tpu.memory_space<hbm>>
          tpu.wait_dma2 semaphore(%run_scoped3A : memref<!tpu.dma_semaphore, #tpu.memory_space<semaphore_mem>>) src(%arg14 : memref<128x128xf32, #tpu.memory_space<vmem>>) dst(%dma_wait3A_161 : memref<128x128xf32, #tpu.memory_space<hbm>>)
          tpu.yield
        }) : () -> ()
      } else {
      }
      %mul3A_127 = arith.constant 6 : i32
      %mul3A_128 = arith.muli %add3A_9, %mul3A_127 : i32
      %add3A_129 = arith.constant 4 : i32
      %add3A_130 = arith.addi %mul3A_128, %add3A_129 : i32
      %mul3A_131 = arith.constant 32 : i32
      %mul3A_132 = arith.muli %add3A_130, %mul3A_131 : i32
      %add3A_133 = arith.addi %mul3A_132, %add3A : i32
      %lt3A_134 = arith.constant 1250 : i32
      %lt3A_135 = arith.cmpi slt, %add3A_133, %lt3A_134 : i32
      %convert_element_type3A_136 = arith.extui %lt3A_135 : i1 to i32
      %cond3A_137 = arith.constant 0 : i32
      %cond3A_138 = arith.cmpi ne, %convert_element_type3A_136, %cond3A_137 : i32
      scf.if %cond3A_138 {
        %dma_wait3A = arith.constant 0 : i32
        %dma_wait3A_151 = arith.constant 0 : i32
        %dma_wait3A_152 = tpu.memref_slice %arg2[%dma_wait3A, %dma_wait3A_151] : memref<5120x128xf32, #tpu.memory_space<hbm>> -> memref<5120x128xf32, #tpu.memory_space<hbm>>
        tpu.wait_indirect_dma semaphore(%arg17 : memref<!tpu.dma_semaphore, #tpu.memory_space<semaphore_mem>>) src(%dma_wait3A_152 : memref<5120x128xf32, #tpu.memory_space<hbm>>) dst(%arg15 : memref<128x128xf32, #tpu.memory_space<vmem>>)
        %mul3A_153 = arith.constant 128 : i32
        %mul3A_154 = arith.muli %add3A_133, %mul3A_153 : i32
        "tpu.region"() ({
          %run_scoped3A = tpu.sem_alloc : memref<!tpu.dma_semaphore, #tpu.memory_space<semaphore_mem>>
          %dma_start3A = arith.constant 0 : i32
          %dma_start3A_155 = tpu.memref_slice %arg4[%mul3A_154, %dma_start3A] : memref<160000x128xf32, #tpu.memory_space<hbm>> -> memref<128x128xf32, #tpu.memory_space<hbm>>
          %dma_start3A_156 = arith.constant 0 : i32
          %dma_start3A_157 = tpu.memref_slice %arg4[%mul3A_154, %dma_start3A_156] : memref<160000x128xf32, #tpu.memory_space<hbm>> -> memref<128x128xf32, #tpu.memory_space<hbm>>
          tpu.enqueue_dma source(%arg15 : memref<128x128xf32, #tpu.memory_space<vmem>>) target(%dma_start3A_157 : memref<128x128xf32, #tpu.memory_space<hbm>>) target_semaphore(%run_scoped3A : memref<!tpu.dma_semaphore, #tpu.memory_space<semaphore_mem>>)
          %dma_wait3A_158 = arith.constant 0 : i32
          %dma_wait3A_159 = tpu.memref_slice %arg4[%mul3A_154, %dma_wait3A_158] : memref<160000x128xf32, #tpu.memory_space<hbm>> -> memref<128x128xf32, #tpu.memory_space<hbm>>
          %dma_wait3A_160 = arith.constant 0 : i32
          %dma_wait3A_161 = tpu.memref_slice %arg4[%mul3A_154, %dma_wait3A_160] : memref<160000x128xf32, #tpu.memory_space<hbm>> -> memref<128x128xf32, #tpu.memory_space<hbm>>
          tpu.wait_dma2 semaphore(%run_scoped3A : memref<!tpu.dma_semaphore, #tpu.memory_space<semaphore_mem>>) src(%arg15 : memref<128x128xf32, #tpu.memory_space<vmem>>) dst(%dma_wait3A_161 : memref<128x128xf32, #tpu.memory_space<hbm>>)
          tpu.yield
        }) : () -> ()
      } else {
      }
      %mul3A_139 = arith.constant 6 : i32
      %mul3A_140 = arith.muli %add3A_9, %mul3A_139 : i32
      %add3A_141 = arith.constant 5 : i32
      %add3A_142 = arith.addi %mul3A_140, %add3A_141 : i32
      %mul3A_143 = arith.constant 32 : i32
      %mul3A_144 = arith.muli %add3A_142, %mul3A_143 : i32
      %add3A_145 = arith.addi %mul3A_144, %add3A : i32
      %lt3A_146 = arith.constant 1250 : i32
      %lt3A_147 = arith.cmpi slt, %add3A_145, %lt3A_146 : i32
      %convert_element_type3A_148 = arith.extui %lt3A_147 : i1 to i32
      %cond3A_149 = arith.constant 0 : i32
      %cond3A_150 = arith.cmpi ne, %convert_element_type3A_148, %cond3A_149 : i32
      scf.if %cond3A_150 {
        %dma_wait3A = arith.constant 0 : i32
        %dma_wait3A_151 = arith.constant 0 : i32
        %dma_wait3A_152 = tpu.memref_slice %arg2[%dma_wait3A, %dma_wait3A_151] : memref<5120x128xf32, #tpu.memory_space<hbm>> -> memref<5120x128xf32, #tpu.memory_space<hbm>>
        tpu.wait_indirect_dma semaphore(%arg17 : memref<!tpu.dma_semaphore, #tpu.memory_space<semaphore_mem>>) src(%dma_wait3A_152 : memref<5120x128xf32, #tpu.memory_space<hbm>>) dst(%arg16 : memref<128x128xf32, #tpu.memory_space<vmem>>)
        %mul3A_153 = arith.constant 128 : i32
        %mul3A_154 = arith.muli %add3A_145, %mul3A_153 : i32
        "tpu.region"() ({
          %run_scoped3A = tpu.sem_alloc : memref<!tpu.dma_semaphore, #tpu.memory_space<semaphore_mem>>
          %dma_start3A = arith.constant 0 : i32
          %dma_start3A_155 = tpu.memref_slice %arg4[%mul3A_154, %dma_start3A] : memref<160000x128xf32, #tpu.memory_space<hbm>> -> memref<128x128xf32, #tpu.memory_space<hbm>>
          %dma_start3A_156 = arith.constant 0 : i32
          %dma_start3A_157 = tpu.memref_slice %arg4[%mul3A_154, %dma_start3A_156] : memref<160000x128xf32, #tpu.memory_space<hbm>> -> memref<128x128xf32, #tpu.memory_space<hbm>>
          tpu.enqueue_dma source(%arg16 : memref<128x128xf32, #tpu.memory_space<vmem>>) target(%dma_start3A_157 : memref<128x128xf32, #tpu.memory_space<hbm>>) target_semaphore(%run_scoped3A : memref<!tpu.dma_semaphore, #tpu.memory_space<semaphore_mem>>)
          %dma_wait3A_158 = arith.constant 0 : i32
          %dma_wait3A_159 = tpu.memref_slice %arg4[%mul3A_154, %dma_wait3A_158] : memref<160000x128xf32, #tpu.memory_space<hbm>> -> memref<128x128xf32, #tpu.memory_space<hbm>>
          %dma_wait3A_160 = arith.constant 0 : i32
          %dma_wait3A_161 = tpu.memref_slice %arg4[%mul3A_154, %dma_wait3A_160] : memref<160000x128xf32, #tpu.memory_space<hbm>> -> memref<128x128xf32, #tpu.memory_space<hbm>>
          tpu.wait_dma2 semaphore(%run_scoped3A : memref<!tpu.dma_semaphore, #tpu.memory_space<semaphore_mem>>) src(%arg16 : memref<128x128xf32, #tpu.memory_space<vmem>>) dst(%dma_wait3A_161 : memref<128x128xf32, #tpu.memory_space<hbm>>)
          tpu.yield
        }) : () -> ()
      } else {
      }
    }
    %scan3A_4 = arith.constant 7 : i32
    return
  }
}

#map = affine_map<(d0, d1) -> (0, 0)>
module attributes {stable_mosaic.version = 14 : i64} {
  func.func @k(%arg0: i32, %arg1: i32, %arg2: memref<160000x128xf32, #tpu.memory_space<hbm>>, %arg3: memref<1250x128xi32, #tpu.memory_space<hbm>>, %arg4: memref<10240x128xf32, #tpu.memory_space<hbm>>, %arg5: memref<128xi32, #tpu.memory_space<vmem>>, %arg6: memref<128x128xf32, #tpu.memory_space<vmem>>, %arg7: memref<320x128xf32, #tpu.memory_space<vmem>>, %arg8: memref<5120x128xf32, #tpu.memory_space<vmem_shared>>, %arg9: memref<!tpu.dma_semaphore, #tpu.memory_space<semaphore_mem>>) attributes {dimension_semantics = [#tpu.dimension_semantics<core_parallel>, #tpu.dimension_semantics<subcore_parallel>], iteration_bounds = array<i64: 2, 16>, scalar_prefetch = 0 : i64, scratch_operands = 5 : i64, tpu.core_type = #tpu.core_type<sc_vector_subcore>, window_params = [{transform_indices = #map}, {transform_indices = #map}, {transform_indices = #map}]} {
    %mul3A = arith.constant 2 : i32
    %mul3A_0 = arith.muli %arg1, %mul3A : i32
    %add3A = arith.addi %mul3A_0, %arg0 : i32
    %scan3A = arith.constant 0 : i32
    %scan3A_1 = arith.constant 320 : i32
    %scan3A_2 = arith.addi %scan3A, %scan3A_1 : i32
    %scan3A_3 = arith.constant 1 : i32
    scf.for %scan3A_20 = %scan3A to %scan3A_2 step %scan3A_3  : i32 {
      %mul3A_21 = arith.constant 1 : i32
      %mul3A_22 = arith.muli %scan3A_20, %mul3A_21 : i32
      %add3A_23 = arith.constant 0 : i32
      %add3A_24 = arith.addi %add3A_23, %mul3A_22 : i32
      %broadcast_in_dim3A = arith.constant 0.000000e+00 : f32
      %broadcast_in_dim3A_25 = vector.broadcast %broadcast_in_dim3A : f32 to vector<16xf32>
      %swap3A = arith.index_cast %add3A_24 : i32 to index
      %swap3A_26 = arith.constant 0 : index
      %swap3A_27 = tpu.vector_load %arg7[%swap3A, %swap3A_26] {strides = array<i32>} : memref<320x128xf32, #tpu.memory_space<vmem>>, vector<1x16xf32>,
      %swap3A_28 = vector.shape_cast %swap3A_27 : vector<1x16xf32> to vector<16xf32>
      %swap3A_29 = vector.shape_cast %broadcast_in_dim3A_25 : vector<16xf32> to vector<1x16xf32>
      tpu.vector_store %arg7[%swap3A, %swap3A_26], %swap3A_29 {strides = array<i32>} : memref<320x128xf32, #tpu.memory_space<vmem>>, vector<1x16xf32>,
      %broadcast_in_dim3A_30 = arith.constant 0.000000e+00 : f32
      %broadcast_in_dim3A_31 = vector.broadcast %broadcast_in_dim3A_30 : f32 to vector<16xf32>
      %swap3A_32 = arith.index_cast %add3A_24 : i32 to index
      %swap3A_33 = arith.constant 16 : index
      %swap3A_34 = tpu.vector_load %arg7[%swap3A_32, %swap3A_33] {strides = array<i32>} : memref<320x128xf32, #tpu.memory_space<vmem>>, vector<1x16xf32>,
      %swap3A_35 = vector.shape_cast %swap3A_34 : vector<1x16xf32> to vector<16xf32>
      %swap3A_36 = vector.shape_cast %broadcast_in_dim3A_31 : vector<16xf32> to vector<1x16xf32>
      tpu.vector_store %arg7[%swap3A_32, %swap3A_33], %swap3A_36 {strides = array<i32>} : memref<320x128xf32, #tpu.memory_space<vmem>>, vector<1x16xf32>,
      %broadcast_in_dim3A_37 = arith.constant 0.000000e+00 : f32
      %broadcast_in_dim3A_38 = vector.broadcast %broadcast_in_dim3A_37 : f32 to vector<16xf32>
      %swap3A_39 = arith.index_cast %add3A_24 : i32 to index
      %swap3A_40 = arith.constant 32 : index
      %swap3A_41 = tpu.vector_load %arg7[%swap3A_39, %swap3A_40] {strides = array<i32>} : memref<320x128xf32, #tpu.memory_space<vmem>>, vector<1x16xf32>,
      %swap3A_42 = vector.shape_cast %swap3A_41 : vector<1x16xf32> to vector<16xf32>
      %swap3A_43 = vector.shape_cast %broadcast_in_dim3A_38 : vector<16xf32> to vector<1x16xf32>
      tpu.vector_store %arg7[%swap3A_39, %swap3A_40], %swap3A_43 {strides = array<i32>} : memref<320x128xf32, #tpu.memory_space<vmem>>, vector<1x16xf32>,
      %broadcast_in_dim3A_44 = arith.constant 0.000000e+00 : f32
      %broadcast_in_dim3A_45 = vector.broadcast %broadcast_in_dim3A_44 : f32 to vector<16xf32>
      %swap3A_46 = arith.index_cast %add3A_24 : i32 to index
      %swap3A_47 = arith.constant 48 : index
      %swap3A_48 = tpu.vector_load %arg7[%swap3A_46, %swap3A_47] {strides = array<i32>} : memref<320x128xf32, #tpu.memory_space<vmem>>, vector<1x16xf32>,
      %swap3A_49 = vector.shape_cast %swap3A_48 : vector<1x16xf32> to vector<16xf32>
      %swap3A_50 = vector.shape_cast %broadcast_in_dim3A_45 : vector<16xf32> to vector<1x16xf32>
      tpu.vector_store %arg7[%swap3A_46, %swap3A_47], %swap3A_50 {strides = array<i32>} : memref<320x128xf32, #tpu.memory_space<vmem>>, vector<1x16xf32>,
      %broadcast_in_dim3A_51 = arith.constant 0.000000e+00 : f32
      %broadcast_in_dim3A_52 = vector.broadcast %broadcast_in_dim3A_51 : f32 to vector<16xf32>
      %swap3A_53 = arith.index_cast %add3A_24 : i32 to index
      %swap3A_54 = arith.constant 64 : index
      %swap3A_55 = tpu.vector_load %arg7[%swap3A_53, %swap3A_54] {strides = array<i32>} : memref<320x128xf32, #tpu.memory_space<vmem>>, vector<1x16xf32>,
      %swap3A_56 = vector.shape_cast %swap3A_55 : vector<1x16xf32> to vector<16xf32>
      %swap3A_57 = vector.shape_cast %broadcast_in_dim3A_52 : vector<16xf32> to vector<1x16xf32>
      tpu.vector_store %arg7[%swap3A_53, %swap3A_54], %swap3A_57 {strides = array<i32>} : memref<320x128xf32, #tpu.memory_space<vmem>>, vector<1x16xf32>,
      %broadcast_in_dim3A_58 = arith.constant 0.000000e+00 : f32
      %broadcast_in_dim3A_59 = vector.broadcast %broadcast_in_dim3A_58 : f32 to vector<16xf32>
      %swap3A_60 = arith.index_cast %add3A_24 : i32 to index
      %swap3A_61 = arith.constant 80 : index
      %swap3A_62 = tpu.vector_load %arg7[%swap3A_60, %swap3A_61] {strides = array<i32>} : memref<320x128xf32, #tpu.memory_space<vmem>>, vector<1x16xf32>,
      %swap3A_63 = vector.shape_cast %swap3A_62 : vector<1x16xf32> to vector<16xf32>
      %swap3A_64 = vector.shape_cast %broadcast_in_dim3A_59 : vector<16xf32> to vector<1x16xf32>
      tpu.vector_store %arg7[%swap3A_60, %swap3A_61], %swap3A_64 {strides = array<i32>} : memref<320x128xf32, #tpu.memory_space<vmem>>, vector<1x16xf32>,
      %broadcast_in_dim3A_65 = arith.constant 0.000000e+00 : f32
      %broadcast_in_dim3A_66 = vector.broadcast %broadcast_in_dim3A_65 : f32 to vector<16xf32>
      %swap3A_67 = arith.index_cast %add3A_24 : i32 to index
      %swap3A_68 = arith.constant 96 : index
      %swap3A_69 = tpu.vector_load %arg7[%swap3A_67, %swap3A_68] {strides = array<i32>} : memref<320x128xf32, #tpu.memory_space<vmem>>, vector<1x16xf32>,
      %swap3A_70 = vector.shape_cast %swap3A_69 : vector<1x16xf32> to vector<16xf32>
      %swap3A_71 = vector.shape_cast %broadcast_in_dim3A_66 : vector<16xf32> to vector<1x16xf32>
      tpu.vector_store %arg7[%swap3A_67, %swap3A_68], %swap3A_71 {strides = array<i32>} : memref<320x128xf32, #tpu.memory_space<vmem>>, vector<1x16xf32>,
      %broadcast_in_dim3A_72 = arith.constant 0.000000e+00 : f32
      %broadcast_in_dim3A_73 = vector.broadcast %broadcast_in_dim3A_72 : f32 to vector<16xf32>
      %swap3A_74 = arith.index_cast %add3A_24 : i32 to index
      %swap3A_75 = arith.constant 112 : index
      %swap3A_76 = tpu.vector_load %arg7[%swap3A_74, %swap3A_75] {strides = array<i32>} : memref<320x128xf32, #tpu.memory_space<vmem>>, vector<1x16xf32>,
      %swap3A_77 = vector.shape_cast %swap3A_76 : vector<1x16xf32> to vector<16xf32>
      %swap3A_78 = vector.shape_cast %broadcast_in_dim3A_73 : vector<16xf32> to vector<1x16xf32>
      tpu.vector_store %arg7[%swap3A_74, %swap3A_75], %swap3A_78 {strides = array<i32>} : memref<320x128xf32, #tpu.memory_space<vmem>>, vector<1x16xf32>,
    }
    %scan3A_4 = arith.constant 320 : i32
    %mul3A_5 = arith.constant 320 : i32
    %mul3A_6 = arith.muli %arg1, %mul3A_5 : i32
    "tpu.region"() ({
      %run_scoped3A = tpu.sem_alloc : memref<!tpu.dma_semaphore, #tpu.memory_space<semaphore_mem>>
      %dma_start3A = arith.constant 0 : i32
      %dma_start3A_20 = tpu.memref_slice %arg8[%mul3A_6, %dma_start3A] : memref<5120x128xf32, #tpu.memory_space<vmem_shared>> -> memref<320x128xf32, #tpu.memory_space<vmem_shared>>
      %dma_start3A_21 = arith.constant 0 : i32
      %dma_start3A_22 = tpu.memref_slice %arg8[%mul3A_6, %dma_start3A_21] : memref<5120x128xf32, #tpu.memory_space<vmem_shared>> -> memref<320x128xf32, #tpu.memory_space<vmem_shared>>
      tpu.enqueue_dma source(%arg7 : memref<320x128xf32, #tpu.memory_space<vmem>>) target(%dma_start3A_22 : memref<320x128xf32, #tpu.memory_space<vmem_shared>>) target_semaphore(%run_scoped3A : memref<!tpu.dma_semaphore, #tpu.memory_space<semaphore_mem>>)
      %dma_wait3A = arith.constant 0 : i32
      %dma_wait3A_23 = tpu.memref_slice %arg8[%mul3A_6, %dma_wait3A] : memref<5120x128xf32, #tpu.memory_space<vmem_shared>> -> memref<320x128xf32, #tpu.memory_space<vmem_shared>>
      %dma_wait3A_24 = arith.constant 0 : i32
      %dma_wait3A_25 = tpu.memref_slice %arg8[%mul3A_6, %dma_wait3A_24] : memref<5120x128xf32, #tpu.memory_space<vmem_shared>> -> memref<320x128xf32, #tpu.memory_space<vmem_shared>>
      tpu.wait_dma2 semaphore(%run_scoped3A : memref<!tpu.dma_semaphore, #tpu.memory_space<semaphore_mem>>) src(%arg7 : memref<320x128xf32, #tpu.memory_space<vmem>>) dst(%dma_wait3A_25 : memref<320x128xf32, #tpu.memory_space<vmem_shared>>)
      tpu.yield
    }) : () -> ()
    %barrier3A = arith.constant 0 : index
    tpu.barrier barrier_id(%barrier3A)
    %scan3A_7 = arith.constant 0 : i32
    %scan3A_8 = arith.constant 40 : i32
    %scan3A_9 = arith.addi %scan3A_7, %scan3A_8 : i32
    %scan3A_10 = arith.constant 1 : i32
    scf.for %scan3A_20 = %scan3A_7 to %scan3A_9 step %scan3A_10  : i32 {
      %mul3A_21 = arith.constant 1 : i32
      %mul3A_22 = arith.muli %scan3A_20, %mul3A_21 : i32
      %add3A_23 = arith.constant 0 : i32
      %add3A_24 = arith.addi %add3A_23, %mul3A_22 : i32
      %mul3A_25 = arith.constant 32 : i32
      %mul3A_26 = arith.muli %add3A_24, %mul3A_25 : i32
      %add3A_27 = arith.addi %mul3A_26, %add3A : i32
      %lt3A = arith.constant 1250 : i32
      %lt3A_28 = arith.cmpi slt, %add3A_27, %lt3A : i32
      %convert_element_type3A = arith.extui %lt3A_28 : i1 to i32
      %cond3A = arith.constant 0 : i32
      %cond3A_29 = arith.cmpi ne, %convert_element_type3A, %cond3A : i32
      scf.if %cond3A_29 {
        "tpu.region"() ({
          %run_scoped3A = tpu.sem_alloc : memref<!tpu.dma_semaphore, #tpu.memory_space<semaphore_mem>>
          %dma_start3A = arith.constant 0 : i32
          %dma_start3A_32 = tpu.memref_slice %arg3[%add3A_27, %dma_start3A] : memref<1250x128xi32, #tpu.memory_space<hbm>> -> memref<1x128xi32, #tpu.memory_space<hbm>>
          %dma_start3A_33 = tpu.memref_squeeze %dma_start3A_32 : memref<1x128xi32, #tpu.memory_space<hbm>> -> memref<128xi32, #tpu.memory_space<hbm>>
          %dma_start3A_34 = arith.constant 0 : i32
          %dma_start3A_35 = tpu.memref_slice %arg3[%add3A_27, %dma_start3A_34] : memref<1250x128xi32, #tpu.memory_space<hbm>> -> memref<1x128xi32, #tpu.memory_space<hbm>>
          %dma_start3A_36 = tpu.memref_squeeze %dma_start3A_35 : memref<1x128xi32, #tpu.memory_space<hbm>> -> memref<128xi32, #tpu.memory_space<hbm>>
          tpu.enqueue_dma source(%dma_start3A_36 : memref<128xi32, #tpu.memory_space<hbm>>) target(%arg5 : memref<128xi32, #tpu.memory_space<vmem>>) target_semaphore(%run_scoped3A : memref<!tpu.dma_semaphore, #tpu.memory_space<semaphore_mem>>)
          %dma_wait3A = arith.constant 0 : i32
          %dma_wait3A_37 = tpu.memref_slice %arg3[%add3A_27, %dma_wait3A] : memref<1250x128xi32, #tpu.memory_space<hbm>> -> memref<1x128xi32, #tpu.memory_space<hbm>>
          %dma_wait3A_38 = tpu.memref_squeeze %dma_wait3A_37 : memref<1x128xi32, #tpu.memory_space<hbm>> -> memref<128xi32, #tpu.memory_space<hbm>>
          %dma_wait3A_39 = arith.constant 0 : i32
          %dma_wait3A_40 = tpu.memref_slice %arg3[%add3A_27, %dma_wait3A_39] : memref<1250x128xi32, #tpu.memory_space<hbm>> -> memref<1x128xi32, #tpu.memory_space<hbm>>
          %dma_wait3A_41 = tpu.memref_squeeze %dma_wait3A_40 : memref<1x128xi32, #tpu.memory_space<hbm>> -> memref<128xi32, #tpu.memory_space<hbm>>
          tpu.wait_dma2 semaphore(%run_scoped3A : memref<!tpu.dma_semaphore, #tpu.memory_space<semaphore_mem>>) src(%dma_wait3A_41 : memref<128xi32, #tpu.memory_space<hbm>>) dst(%arg5 : memref<128xi32, #tpu.memory_space<vmem>>)
          tpu.yield
        }) : () -> ()
        %mul3A_30 = arith.constant 128 : i32
        %mul3A_31 = arith.muli %add3A_27, %mul3A_30 : i32
        "tpu.region"() ({
          %run_scoped3A = tpu.sem_alloc : memref<!tpu.dma_semaphore, #tpu.memory_space<semaphore_mem>>
          %dma_start3A = arith.constant 0 : i32
          %dma_start3A_32 = tpu.memref_slice %arg2[%mul3A_31, %dma_start3A] : memref<160000x128xf32, #tpu.memory_space<hbm>> -> memref<128x128xf32, #tpu.memory_space<hbm>>
          %dma_start3A_33 = arith.constant 0 : i32
          %dma_start3A_34 = tpu.memref_slice %arg2[%mul3A_31, %dma_start3A_33] : memref<160000x128xf32, #tpu.memory_space<hbm>> -> memref<128x128xf32, #tpu.memory_space<hbm>>
          tpu.enqueue_dma source(%dma_start3A_34 : memref<128x128xf32, #tpu.memory_space<hbm>>) target(%arg6 : memref<128x128xf32, #tpu.memory_space<vmem>>) target_semaphore(%run_scoped3A : memref<!tpu.dma_semaphore, #tpu.memory_space<semaphore_mem>>)
          %dma_wait3A = arith.constant 0 : i32
          %dma_wait3A_35 = tpu.memref_slice %arg2[%mul3A_31, %dma_wait3A] : memref<160000x128xf32, #tpu.memory_space<hbm>> -> memref<128x128xf32, #tpu.memory_space<hbm>>
          %dma_wait3A_36 = arith.constant 0 : i32
          %dma_wait3A_37 = tpu.memref_slice %arg2[%mul3A_31, %dma_wait3A_36] : memref<160000x128xf32, #tpu.memory_space<hbm>> -> memref<128x128xf32, #tpu.memory_space<hbm>>
          tpu.wait_dma2 semaphore(%run_scoped3A : memref<!tpu.dma_semaphore, #tpu.memory_space<semaphore_mem>>) src(%dma_wait3A_37 : memref<128x128xf32, #tpu.memory_space<hbm>>) dst(%arg6 : memref<128x128xf32, #tpu.memory_space<vmem>>)
          tpu.yield
        }) : () -> ()
        "tpu.region"() ({
          %run_scoped3A = tpu.sem_alloc : memref<!tpu.dma_semaphore, #tpu.memory_space<semaphore_mem>>
          %dma_start3A = arith.constant 0 : i32
          %dma_start3A_32 = arith.constant 0 : i32
          %dma_start3A_33 = tpu.memref_slice %arg8[%dma_start3A, %dma_start3A_32] : memref<5120x128xf32, #tpu.memory_space<vmem_shared>> -> memref<5120x128xf32, #tpu.memory_space<vmem_shared>>
          tpu.enqueue_indirect_dma source(%arg6 : memref<128x128xf32, #tpu.memory_space<vmem>>) target(%dma_start3A_33 : memref<5120x128xf32, #tpu.memory_space<vmem_shared>>) offsets(%arg5 : memref<128xi32, #tpu.memory_space<vmem>>) semaphore(%run_scoped3A : memref<!tpu.dma_semaphore, #tpu.memory_space<semaphore_mem>>) {add = true}
          %dma_wait3A = arith.constant 0 : i32
          %dma_wait3A_34 = arith.constant 0 : i32
          %dma_wait3A_35 = tpu.memref_slice %arg8[%dma_wait3A, %dma_wait3A_34] : memref<5120x128xf32, #tpu.memory_space<vmem_shared>> -> memref<5120x128xf32, #tpu.memory_space<vmem_shared>>
          tpu.wait_indirect_dma semaphore(%run_scoped3A : memref<!tpu.dma_semaphore, #tpu.memory_space<semaphore_mem>>) src(%arg6 : memref<128x128xf32, #tpu.memory_space<vmem>>) dst(%dma_wait3A_35 : memref<5120x128xf32, #tpu.memory_space<vmem_shared>>)
          tpu.yield
        }) : () -> ()
      } else {
      }
    }
    %scan3A_11 = arith.constant 40 : i32
    %barrier3A_12 = arith.constant 0 : index
    tpu.barrier barrier_id(%barrier3A_12)
    %mul3A_13 = arith.constant 320 : i32
    %mul3A_14 = arith.muli %arg1, %mul3A_13 : i32
    "tpu.region"() ({
      %run_scoped3A = tpu.sem_alloc : memref<!tpu.dma_semaphore, #tpu.memory_space<semaphore_mem>>
      %dma_start3A = arith.constant 0 : i32
      %dma_start3A_20 = tpu.memref_slice %arg8[%mul3A_14, %dma_start3A] : memref<5120x128xf32, #tpu.memory_space<vmem_shared>> -> memref<320x128xf32, #tpu.memory_space<vmem_shared>>
      %dma_start3A_21 = arith.constant 0 : i32
      %dma_start3A_22 = tpu.memref_slice %arg8[%mul3A_14, %dma_start3A_21] : memref<5120x128xf32, #tpu.memory_space<vmem_shared>> -> memref<320x128xf32, #tpu.memory_space<vmem_shared>>
      tpu.enqueue_dma source(%dma_start3A_22 : memref<320x128xf32, #tpu.memory_space<vmem_shared>>) target(%arg7 : memref<320x128xf32, #tpu.memory_space<vmem>>) target_semaphore(%run_scoped3A : memref<!tpu.dma_semaphore, #tpu.memory_space<semaphore_mem>>)
      %dma_wait3A = arith.constant 0 : i32
      %dma_wait3A_23 = tpu.memref_slice %arg8[%mul3A_14, %dma_wait3A] : memref<5120x128xf32, #tpu.memory_space<vmem_shared>> -> memref<320x128xf32, #tpu.memory_space<vmem_shared>>
      %dma_wait3A_24 = arith.constant 0 : i32
      %dma_wait3A_25 = tpu.memref_slice %arg8[%mul3A_14, %dma_wait3A_24] : memref<5120x128xf32, #tpu.memory_space<vmem_shared>> -> memref<320x128xf32, #tpu.memory_space<vmem_shared>>
      tpu.wait_dma2 semaphore(%run_scoped3A : memref<!tpu.dma_semaphore, #tpu.memory_space<semaphore_mem>>) src(%dma_wait3A_25 : memref<320x128xf32, #tpu.memory_space<vmem_shared>>) dst(%arg7 : memref<320x128xf32, #tpu.memory_space<vmem>>)
      tpu.yield
    }) : () -> ()
    %mul3A_15 = arith.constant 5120 : i32
    %mul3A_16 = arith.muli %arg0, %mul3A_15 : i32
    %mul3A_17 = arith.constant 320 : i32
    %mul3A_18 = arith.muli %arg1, %mul3A_17 : i32
    %add3A_19 = arith.addi %mul3A_16, %mul3A_18 : i32
    "tpu.region"() ({
      %run_scoped3A = tpu.sem_alloc : memref<!tpu.dma_semaphore, #tpu.memory_space<semaphore_mem>>
      %dma_start3A = arith.constant 0 : i32
      %dma_start3A_20 = tpu.memref_slice %arg4[%add3A_19, %dma_start3A] : memref<10240x128xf32, #tpu.memory_space<hbm>> -> memref<320x128xf32, #tpu.memory_space<hbm>>
      %dma_start3A_21 = arith.constant 0 : i32
      %dma_start3A_22 = tpu.memref_slice %arg4[%add3A_19, %dma_start3A_21] : memref<10240x128xf32, #tpu.memory_space<hbm>> -> memref<320x128xf32, #tpu.memory_space<hbm>>
      tpu.enqueue_dma source(%arg7 : memref<320x128xf32, #tpu.memory_space<vmem>>) target(%dma_start3A_22 : memref<320x128xf32, #tpu.memory_space<hbm>>) target_semaphore(%run_scoped3A : memref<!tpu.dma_semaphore, #tpu.memory_space<semaphore_mem>>)
      %dma_wait3A = arith.constant 0 : i32
      %dma_wait3A_23 = tpu.memref_slice %arg4[%add3A_19, %dma_wait3A] : memref<10240x128xf32, #tpu.memory_space<hbm>> -> memref<320x128xf32, #tpu.memory_space<hbm>>
      %dma_wait3A_24 = arith.constant 0 : i32
      %dma_wait3A_25 = tpu.memref_slice %arg4[%add3A_19, %dma_wait3A_24] : memref<10240x128xf32, #tpu.memory_space<hbm>> -> memref<320x128xf32, #tpu.memory_space<hbm>>
      tpu.wait_dma2 semaphore(%run_scoped3A : memref<!tpu.dma_semaphore, #tpu.memory_space<semaphore_mem>>) src(%arg7 : memref<320x128xf32, #tpu.memory_space<vmem>>) dst(%dma_wait3A_25 : memref<320x128xf32, #tpu.memory_space<hbm>>)
      tpu.yield
    }) : () -> ()
    return
  }
}

#map = affine_map<(d0, d1) -> (0, 0)>
module attributes {stable_mosaic.version = 14 : i64} {
  func.func @k(%arg0: i32, %arg1: i32, %arg2: memref<160000x128xf32, #tpu.memory_space<hbm>>, %arg3: memref<1250x128xi32, #tpu.memory_space<hbm>>, %arg4: memref<10240x128xf32, #tpu.memory_space<hbm>>, %arg5: memref<128xi32, #tpu.memory_space<vmem>>, %arg6: memref<128x128xf32, #tpu.memory_space<vmem>>, %arg7: memref<320x128xf32, #tpu.memory_space<vmem>>, %arg8: memref<5120x128xf32, #tpu.memory_space<vmem_shared>>, %arg9: memref<!tpu.dma_semaphore, #tpu.memory_space<semaphore_mem>>) attributes {dimension_semantics = [#tpu.dimension_semantics<core_parallel>, #tpu.dimension_semantics<subcore_parallel>], iteration_bounds = array<i64: 2, 16>, scalar_prefetch = 0 : i64, scratch_operands = 5 : i64, tpu.core_type = #tpu.core_type<sc_vector_subcore>, window_params = [{transform_indices = #map}, {transform_indices = #map}, {transform_indices = #map}]} {
    %mul3A = arith.constant 2 : i32
    %mul3A_0 = arith.muli %arg1, %mul3A : i32
    %add3A = arith.addi %mul3A_0, %arg0 : i32
    %scan3A = arith.constant 0 : i32
    %scan3A_1 = arith.constant 320 : i32
    %scan3A_2 = arith.addi %scan3A, %scan3A_1 : i32
    %scan3A_3 = arith.constant 1 : i32
    scf.for %scan3A_20 = %scan3A to %scan3A_2 step %scan3A_3  : i32 {
      %mul3A_21 = arith.constant 1 : i32
      %mul3A_22 = arith.muli %scan3A_20, %mul3A_21 : i32
      %add3A_23 = arith.constant 0 : i32
      %add3A_24 = arith.addi %add3A_23, %mul3A_22 : i32
      %broadcast_in_dim3A = arith.constant 0.000000e+00 : f32
      %broadcast_in_dim3A_25 = vector.broadcast %broadcast_in_dim3A : f32 to vector<16xf32>
      %swap3A = arith.index_cast %add3A_24 : i32 to index
      %swap3A_26 = arith.constant 0 : index
      %swap3A_27 = tpu.vector_load %arg7[%swap3A, %swap3A_26] {strides = array<i32>} : memref<320x128xf32, #tpu.memory_space<vmem>>, vector<1x16xf32>,
      %swap3A_28 = vector.shape_cast %swap3A_27 : vector<1x16xf32> to vector<16xf32>
      %swap3A_29 = vector.shape_cast %broadcast_in_dim3A_25 : vector<16xf32> to vector<1x16xf32>
      tpu.vector_store %arg7[%swap3A, %swap3A_26], %swap3A_29 {strides = array<i32>} : memref<320x128xf32, #tpu.memory_space<vmem>>, vector<1x16xf32>,
      %broadcast_in_dim3A_30 = arith.constant 0.000000e+00 : f32
      %broadcast_in_dim3A_31 = vector.broadcast %broadcast_in_dim3A_30 : f32 to vector<16xf32>
      %swap3A_32 = arith.index_cast %add3A_24 : i32 to index
      %swap3A_33 = arith.constant 16 : index
      %swap3A_34 = tpu.vector_load %arg7[%swap3A_32, %swap3A_33] {strides = array<i32>} : memref<320x128xf32, #tpu.memory_space<vmem>>, vector<1x16xf32>,
      %swap3A_35 = vector.shape_cast %swap3A_34 : vector<1x16xf32> to vector<16xf32>
      %swap3A_36 = vector.shape_cast %broadcast_in_dim3A_31 : vector<16xf32> to vector<1x16xf32>
      tpu.vector_store %arg7[%swap3A_32, %swap3A_33], %swap3A_36 {strides = array<i32>} : memref<320x128xf32, #tpu.memory_space<vmem>>, vector<1x16xf32>,
      %broadcast_in_dim3A_37 = arith.constant 0.000000e+00 : f32
      %broadcast_in_dim3A_38 = vector.broadcast %broadcast_in_dim3A_37 : f32 to vector<16xf32>
      %swap3A_39 = arith.index_cast %add3A_24 : i32 to index
      %swap3A_40 = arith.constant 32 : index
      %swap3A_41 = tpu.vector_load %arg7[%swap3A_39, %swap3A_40] {strides = array<i32>} : memref<320x128xf32, #tpu.memory_space<vmem>>, vector<1x16xf32>,
      %swap3A_42 = vector.shape_cast %swap3A_41 : vector<1x16xf32> to vector<16xf32>
      %swap3A_43 = vector.shape_cast %broadcast_in_dim3A_38 : vector<16xf32> to vector<1x16xf32>
      tpu.vector_store %arg7[%swap3A_39, %swap3A_40], %swap3A_43 {strides = array<i32>} : memref<320x128xf32, #tpu.memory_space<vmem>>, vector<1x16xf32>,
      %broadcast_in_dim3A_44 = arith.constant 0.000000e+00 : f32
      %broadcast_in_dim3A_45 = vector.broadcast %broadcast_in_dim3A_44 : f32 to vector<16xf32>
      %swap3A_46 = arith.index_cast %add3A_24 : i32 to index
      %swap3A_47 = arith.constant 48 : index
      %swap3A_48 = tpu.vector_load %arg7[%swap3A_46, %swap3A_47] {strides = array<i32>} : memref<320x128xf32, #tpu.memory_space<vmem>>, vector<1x16xf32>,
      %swap3A_49 = vector.shape_cast %swap3A_48 : vector<1x16xf32> to vector<16xf32>
      %swap3A_50 = vector.shape_cast %broadcast_in_dim3A_45 : vector<16xf32> to vector<1x16xf32>
      tpu.vector_store %arg7[%swap3A_46, %swap3A_47], %swap3A_50 {strides = array<i32>} : memref<320x128xf32, #tpu.memory_space<vmem>>, vector<1x16xf32>,
      %broadcast_in_dim3A_51 = arith.constant 0.000000e+00 : f32
      %broadcast_in_dim3A_52 = vector.broadcast %broadcast_in_dim3A_51 : f32 to vector<16xf32>
      %swap3A_53 = arith.index_cast %add3A_24 : i32 to index
      %swap3A_54 = arith.constant 64 : index
      %swap3A_55 = tpu.vector_load %arg7[%swap3A_53, %swap3A_54] {strides = array<i32>} : memref<320x128xf32, #tpu.memory_space<vmem>>, vector<1x16xf32>,
      %swap3A_56 = vector.shape_cast %swap3A_55 : vector<1x16xf32> to vector<16xf32>
      %swap3A_57 = vector.shape_cast %broadcast_in_dim3A_52 : vector<16xf32> to vector<1x16xf32>
      tpu.vector_store %arg7[%swap3A_53, %swap3A_54], %swap3A_57 {strides = array<i32>} : memref<320x128xf32, #tpu.memory_space<vmem>>, vector<1x16xf32>,
      %broadcast_in_dim3A_58 = arith.constant 0.000000e+00 : f32
      %broadcast_in_dim3A_59 = vector.broadcast %broadcast_in_dim3A_58 : f32 to vector<16xf32>
      %swap3A_60 = arith.index_cast %add3A_24 : i32 to index
      %swap3A_61 = arith.constant 80 : index
      %swap3A_62 = tpu.vector_load %arg7[%swap3A_60, %swap3A_61] {strides = array<i32>} : memref<320x128xf32, #tpu.memory_space<vmem>>, vector<1x16xf32>,
      %swap3A_63 = vector.shape_cast %swap3A_62 : vector<1x16xf32> to vector<16xf32>
      %swap3A_64 = vector.shape_cast %broadcast_in_dim3A_59 : vector<16xf32> to vector<1x16xf32>
      tpu.vector_store %arg7[%swap3A_60, %swap3A_61], %swap3A_64 {strides = array<i32>} : memref<320x128xf32, #tpu.memory_space<vmem>>, vector<1x16xf32>,
      %broadcast_in_dim3A_65 = arith.constant 0.000000e+00 : f32
      %broadcast_in_dim3A_66 = vector.broadcast %broadcast_in_dim3A_65 : f32 to vector<16xf32>
      %swap3A_67 = arith.index_cast %add3A_24 : i32 to index
      %swap3A_68 = arith.constant 96 : index
      %swap3A_69 = tpu.vector_load %arg7[%swap3A_67, %swap3A_68] {strides = array<i32>} : memref<320x128xf32, #tpu.memory_space<vmem>>, vector<1x16xf32>,
      %swap3A_70 = vector.shape_cast %swap3A_69 : vector<1x16xf32> to vector<16xf32>
      %swap3A_71 = vector.shape_cast %broadcast_in_dim3A_66 : vector<16xf32> to vector<1x16xf32>
      tpu.vector_store %arg7[%swap3A_67, %swap3A_68], %swap3A_71 {strides = array<i32>} : memref<320x128xf32, #tpu.memory_space<vmem>>, vector<1x16xf32>,
      %broadcast_in_dim3A_72 = arith.constant 0.000000e+00 : f32
      %broadcast_in_dim3A_73 = vector.broadcast %broadcast_in_dim3A_72 : f32 to vector<16xf32>
      %swap3A_74 = arith.index_cast %add3A_24 : i32 to index
      %swap3A_75 = arith.constant 112 : index
      %swap3A_76 = tpu.vector_load %arg7[%swap3A_74, %swap3A_75] {strides = array<i32>} : memref<320x128xf32, #tpu.memory_space<vmem>>, vector<1x16xf32>,
      %swap3A_77 = vector.shape_cast %swap3A_76 : vector<1x16xf32> to vector<16xf32>
      %swap3A_78 = vector.shape_cast %broadcast_in_dim3A_73 : vector<16xf32> to vector<1x16xf32>
      tpu.vector_store %arg7[%swap3A_74, %swap3A_75], %swap3A_78 {strides = array<i32>} : memref<320x128xf32, #tpu.memory_space<vmem>>, vector<1x16xf32>,
    }
    %scan3A_4 = arith.constant 320 : i32
    %mul3A_5 = arith.constant 320 : i32
    %mul3A_6 = arith.muli %arg1, %mul3A_5 : i32
    "tpu.region"() ({
      %run_scoped3A = tpu.sem_alloc : memref<!tpu.dma_semaphore, #tpu.memory_space<semaphore_mem>>
      %dma_start3A = arith.constant 0 : i32
      %dma_start3A_20 = tpu.memref_slice %arg8[%mul3A_6, %dma_start3A] : memref<5120x128xf32, #tpu.memory_space<vmem_shared>> -> memref<320x128xf32, #tpu.memory_space<vmem_shared>>
      %dma_start3A_21 = arith.constant 0 : i32
      %dma_start3A_22 = tpu.memref_slice %arg8[%mul3A_6, %dma_start3A_21] : memref<5120x128xf32, #tpu.memory_space<vmem_shared>> -> memref<320x128xf32, #tpu.memory_space<vmem_shared>>
      tpu.enqueue_dma source(%arg7 : memref<320x128xf32, #tpu.memory_space<vmem>>) target(%dma_start3A_22 : memref<320x128xf32, #tpu.memory_space<vmem_shared>>) target_semaphore(%run_scoped3A : memref<!tpu.dma_semaphore, #tpu.memory_space<semaphore_mem>>)
      %dma_wait3A = arith.constant 0 : i32
      %dma_wait3A_23 = tpu.memref_slice %arg8[%mul3A_6, %dma_wait3A] : memref<5120x128xf32, #tpu.memory_space<vmem_shared>> -> memref<320x128xf32, #tpu.memory_space<vmem_shared>>
      %dma_wait3A_24 = arith.constant 0 : i32
      %dma_wait3A_25 = tpu.memref_slice %arg8[%mul3A_6, %dma_wait3A_24] : memref<5120x128xf32, #tpu.memory_space<vmem_shared>> -> memref<320x128xf32, #tpu.memory_space<vmem_shared>>
      tpu.wait_dma2 semaphore(%run_scoped3A : memref<!tpu.dma_semaphore, #tpu.memory_space<semaphore_mem>>) src(%arg7 : memref<320x128xf32, #tpu.memory_space<vmem>>) dst(%dma_wait3A_25 : memref<320x128xf32, #tpu.memory_space<vmem_shared>>)
      tpu.yield
    }) : () -> ()
    %barrier3A = arith.constant 0 : index
    tpu.barrier barrier_id(%barrier3A)
    %scan3A_7 = arith.constant 0 : i32
    %scan3A_8 = arith.constant 40 : i32
    %scan3A_9 = arith.addi %scan3A_7, %scan3A_8 : i32
    %scan3A_10 = arith.constant 1 : i32
    scf.for %scan3A_20 = %scan3A_7 to %scan3A_9 step %scan3A_10  : i32 {
      %mul3A_21 = arith.constant 1 : i32
      %mul3A_22 = arith.muli %scan3A_20, %mul3A_21 : i32
      %add3A_23 = arith.constant 0 : i32
      %add3A_24 = arith.addi %add3A_23, %mul3A_22 : i32
      %mul3A_25 = arith.constant 32 : i32
      %mul3A_26 = arith.muli %add3A_24, %mul3A_25 : i32
      %add3A_27 = arith.addi %mul3A_26, %add3A : i32
      %lt3A = arith.constant 1250 : i32
      %lt3A_28 = arith.cmpi slt, %add3A_27, %lt3A : i32
      %convert_element_type3A = arith.extui %lt3A_28 : i1 to i32
      %cond3A = arith.constant 0 : i32
      %cond3A_29 = arith.cmpi ne, %convert_element_type3A, %cond3A : i32
      scf.if %cond3A_29 {
        "tpu.region"() ({
          %run_scoped3A = tpu.sem_alloc : memref<!tpu.dma_semaphore, #tpu.memory_space<semaphore_mem>>
          %dma_start3A = arith.constant 0 : i32
          %dma_start3A_32 = tpu.memref_slice %arg3[%add3A_27, %dma_start3A] : memref<1250x128xi32, #tpu.memory_space<hbm>> -> memref<1x128xi32, #tpu.memory_space<hbm>>
          %dma_start3A_33 = tpu.memref_squeeze %dma_start3A_32 : memref<1x128xi32, #tpu.memory_space<hbm>> -> memref<128xi32, #tpu.memory_space<hbm>>
          %dma_start3A_34 = arith.constant 0 : i32
          %dma_start3A_35 = tpu.memref_slice %arg3[%add3A_27, %dma_start3A_34] : memref<1250x128xi32, #tpu.memory_space<hbm>> -> memref<1x128xi32, #tpu.memory_space<hbm>>
          %dma_start3A_36 = tpu.memref_squeeze %dma_start3A_35 : memref<1x128xi32, #tpu.memory_space<hbm>> -> memref<128xi32, #tpu.memory_space<hbm>>
          tpu.enqueue_dma source(%dma_start3A_36 : memref<128xi32, #tpu.memory_space<hbm>>) target(%arg5 : memref<128xi32, #tpu.memory_space<vmem>>) target_semaphore(%run_scoped3A : memref<!tpu.dma_semaphore, #tpu.memory_space<semaphore_mem>>)
          %dma_wait3A = arith.constant 0 : i32
          %dma_wait3A_37 = tpu.memref_slice %arg3[%add3A_27, %dma_wait3A] : memref<1250x128xi32, #tpu.memory_space<hbm>> -> memref<1x128xi32, #tpu.memory_space<hbm>>
          %dma_wait3A_38 = tpu.memref_squeeze %dma_wait3A_37 : memref<1x128xi32, #tpu.memory_space<hbm>> -> memref<128xi32, #tpu.memory_space<hbm>>
          %dma_wait3A_39 = arith.constant 0 : i32
          %dma_wait3A_40 = tpu.memref_slice %arg3[%add3A_27, %dma_wait3A_39] : memref<1250x128xi32, #tpu.memory_space<hbm>> -> memref<1x128xi32, #tpu.memory_space<hbm>>
          %dma_wait3A_41 = tpu.memref_squeeze %dma_wait3A_40 : memref<1x128xi32, #tpu.memory_space<hbm>> -> memref<128xi32, #tpu.memory_space<hbm>>
          tpu.wait_dma2 semaphore(%run_scoped3A : memref<!tpu.dma_semaphore, #tpu.memory_space<semaphore_mem>>) src(%dma_wait3A_41 : memref<128xi32, #tpu.memory_space<hbm>>) dst(%arg5 : memref<128xi32, #tpu.memory_space<vmem>>)
          tpu.yield
        }) : () -> ()
        %mul3A_30 = arith.constant 128 : i32
        %mul3A_31 = arith.muli %add3A_27, %mul3A_30 : i32
        "tpu.region"() ({
          %run_scoped3A = tpu.sem_alloc : memref<!tpu.dma_semaphore, #tpu.memory_space<semaphore_mem>>
          %dma_start3A = arith.constant 0 : i32
          %dma_start3A_32 = tpu.memref_slice %arg2[%mul3A_31, %dma_start3A] : memref<160000x128xf32, #tpu.memory_space<hbm>> -> memref<128x128xf32, #tpu.memory_space<hbm>>
          %dma_start3A_33 = arith.constant 0 : i32
          %dma_start3A_34 = tpu.memref_slice %arg2[%mul3A_31, %dma_start3A_33] : memref<160000x128xf32, #tpu.memory_space<hbm>> -> memref<128x128xf32, #tpu.memory_space<hbm>>
          tpu.enqueue_dma source(%dma_start3A_34 : memref<128x128xf32, #tpu.memory_space<hbm>>) target(%arg6 : memref<128x128xf32, #tpu.memory_space<vmem>>) target_semaphore(%run_scoped3A : memref<!tpu.dma_semaphore, #tpu.memory_space<semaphore_mem>>)
          %dma_wait3A = arith.constant 0 : i32
          %dma_wait3A_35 = tpu.memref_slice %arg2[%mul3A_31, %dma_wait3A] : memref<160000x128xf32, #tpu.memory_space<hbm>> -> memref<128x128xf32, #tpu.memory_space<hbm>>
          %dma_wait3A_36 = arith.constant 0 : i32
          %dma_wait3A_37 = tpu.memref_slice %arg2[%mul3A_31, %dma_wait3A_36] : memref<160000x128xf32, #tpu.memory_space<hbm>> -> memref<128x128xf32, #tpu.memory_space<hbm>>
          tpu.wait_dma2 semaphore(%run_scoped3A : memref<!tpu.dma_semaphore, #tpu.memory_space<semaphore_mem>>) src(%dma_wait3A_37 : memref<128x128xf32, #tpu.memory_space<hbm>>) dst(%arg6 : memref<128x128xf32, #tpu.memory_space<vmem>>)
          tpu.yield
        }) : () -> ()
        "tpu.region"() ({
          %run_scoped3A = tpu.sem_alloc : memref<!tpu.dma_semaphore, #tpu.memory_space<semaphore_mem>>
          %dma_start3A = arith.constant 0 : i32
          %dma_start3A_32 = arith.constant 0 : i32
          %dma_start3A_33 = tpu.memref_slice %arg8[%dma_start3A, %dma_start3A_32] : memref<5120x128xf32, #tpu.memory_space<vmem_shared>> -> memref<5120x128xf32, #tpu.memory_space<vmem_shared>>
          tpu.enqueue_indirect_dma source(%arg6 : memref<128x128xf32, #tpu.memory_space<vmem>>) target(%dma_start3A_33 : memref<5120x128xf32, #tpu.memory_space<vmem_shared>>) offsets(%arg5 : memref<128xi32, #tpu.memory_space<vmem>>) semaphore(%run_scoped3A : memref<!tpu.dma_semaphore, #tpu.memory_space<semaphore_mem>>) {add = true}
          %dma_wait3A = arith.constant 0 : i32
          %dma_wait3A_34 = arith.constant 0 : i32
          %dma_wait3A_35 = tpu.memref_slice %arg8[%dma_wait3A, %dma_wait3A_34] : memref<5120x128xf32, #tpu.memory_space<vmem_shared>> -> memref<5120x128xf32, #tpu.memory_space<vmem_shared>>
          tpu.wait_indirect_dma semaphore(%run_scoped3A : memref<!tpu.dma_semaphore, #tpu.memory_space<semaphore_mem>>) src(%arg6 : memref<128x128xf32, #tpu.memory_space<vmem>>) dst(%dma_wait3A_35 : memref<5120x128xf32, #tpu.memory_space<vmem_shared>>)
          tpu.yield
        }) : () -> ()
      } else {
      }
    }
    %scan3A_11 = arith.constant 40 : i32
    %barrier3A_12 = arith.constant 0 : index
    tpu.barrier barrier_id(%barrier3A_12)
    %mul3A_13 = arith.constant 320 : i32
    %mul3A_14 = arith.muli %arg1, %mul3A_13 : i32
    "tpu.region"() ({
      %run_scoped3A = tpu.sem_alloc : memref<!tpu.dma_semaphore, #tpu.memory_space<semaphore_mem>>
      %dma_start3A = arith.constant 0 : i32
      %dma_start3A_20 = tpu.memref_slice %arg8[%mul3A_14, %dma_start3A] : memref<5120x128xf32, #tpu.memory_space<vmem_shared>> -> memref<320x128xf32, #tpu.memory_space<vmem_shared>>
      %dma_start3A_21 = arith.constant 0 : i32
      %dma_start3A_22 = tpu.memref_slice %arg8[%mul3A_14, %dma_start3A_21] : memref<5120x128xf32, #tpu.memory_space<vmem_shared>> -> memref<320x128xf32, #tpu.memory_space<vmem_shared>>
      tpu.enqueue_dma source(%dma_start3A_22 : memref<320x128xf32, #tpu.memory_space<vmem_shared>>) target(%arg7 : memref<320x128xf32, #tpu.memory_space<vmem>>) target_semaphore(%run_scoped3A : memref<!tpu.dma_semaphore, #tpu.memory_space<semaphore_mem>>)
      %dma_wait3A = arith.constant 0 : i32
      %dma_wait3A_23 = tpu.memref_slice %arg8[%mul3A_14, %dma_wait3A] : memref<5120x128xf32, #tpu.memory_space<vmem_shared>> -> memref<320x128xf32, #tpu.memory_space<vmem_shared>>
      %dma_wait3A_24 = arith.constant 0 : i32
      %dma_wait3A_25 = tpu.memref_slice %arg8[%mul3A_14, %dma_wait3A_24] : memref<5120x128xf32, #tpu.memory_space<vmem_shared>> -> memref<320x128xf32, #tpu.memory_space<vmem_shared>>
      tpu.wait_dma2 semaphore(%run_scoped3A : memref<!tpu.dma_semaphore, #tpu.memory_space<semaphore_mem>>) src(%dma_wait3A_25 : memref<320x128xf32, #tpu.memory_space<vmem_shared>>) dst(%arg7 : memref<320x128xf32, #tpu.memory_space<vmem>>)
      tpu.yield
    }) : () -> ()
    %mul3A_15 = arith.constant 5120 : i32
    %mul3A_16 = arith.muli %arg0, %mul3A_15 : i32
    %mul3A_17 = arith.constant 320 : i32
    %mul3A_18 = arith.muli %arg1, %mul3A_17 : i32
    %add3A_19 = arith.addi %mul3A_16, %mul3A_18 : i32
    "tpu.region"() ({
      %run_scoped3A = tpu.sem_alloc : memref<!tpu.dma_semaphore, #tpu.memory_space<semaphore_mem>>
      %dma_start3A = arith.constant 0 : i32
      %dma_start3A_20 = tpu.memref_slice %arg4[%add3A_19, %dma_start3A] : memref<10240x128xf32, #tpu.memory_space<hbm>> -> memref<320x128xf32, #tpu.memory_space<hbm>>
      %dma_start3A_21 = arith.constant 0 : i32
      %dma_start3A_22 = tpu.memref_slice %arg4[%add3A_19, %dma_start3A_21] : memref<10240x128xf32, #tpu.memory_space<hbm>> -> memref<320x128xf32, #tpu.memory_space<hbm>>
      tpu.enqueue_dma source(%arg7 : memref<320x128xf32, #tpu.memory_space<vmem>>) target(%dma_start3A_22 : memref<320x128xf32, #tpu.memory_space<hbm>>) target_semaphore(%run_scoped3A : memref<!tpu.dma_semaphore, #tpu.memory_space<semaphore_mem>>)
      %dma_wait3A = arith.constant 0 : i32
      %dma_wait3A_23 = tpu.memref_slice %arg4[%add3A_19, %dma_wait3A] : memref<10240x128xf32, #tpu.memory_space<hbm>> -> memref<320x128xf32, #tpu.memory_space<hbm>>
      %dma_wait3A_24 = arith.constant 0 : i32
      %dma_wait3A_25 = tpu.memref_slice %arg4[%add3A_19, %dma_wait3A_24] : memref<10240x128xf32, #tpu.memory_space<hbm>> -> memref<320x128xf32, #tpu.memory_space<hbm>>
      tpu.wait_dma2 semaphore(%run_scoped3A : memref<!tpu.dma_semaphore, #tpu.memory_space<semaphore_mem>>) src(%arg7 : memref<320x128xf32, #tpu.memory_space<vmem>>) dst(%dma_wait3A_25 : memref<320x128xf32, #tpu.memory_space<hbm>>)
      tpu.yield
    }) : () -> ()
    return
  }
}

#map = affine_map<(d0, d1) -> (0, 0)>
module attributes {stable_mosaic.version = 14 : i64} {
  func.func @k(%arg0: i32, %arg1: i32, %arg2: memref<5120x128xf32, #tpu.memory_space<hbm>>, %arg3: memref<1250x128xi32, #tpu.memory_space<hbm>>, %arg4: memref<160000x128xf32, #tpu.memory_space<hbm>>, %arg5: memref<128xi32, #tpu.memory_space<vmem>>, %arg6: memref<128xi32, #tpu.memory_space<vmem>>, %arg7: memref<128xi32, #tpu.memory_space<vmem>>, %arg8: memref<128xi32, #tpu.memory_space<vmem>>, %arg9: memref<128xi32, #tpu.memory_space<vmem>>, %arg10: memref<128xi32, #tpu.memory_space<vmem>>, %arg11: memref<128x128xf32, #tpu.memory_space<vmem>>, %arg12: memref<128x128xf32, #tpu.memory_space<vmem>>, %arg13: memref<128x128xf32, #tpu.memory_space<vmem>>, %arg14: memref<128x128xf32, #tpu.memory_space<vmem>>, %arg15: memref<128x128xf32, #tpu.memory_space<vmem>>, %arg16: memref<128x128xf32, #tpu.memory_space<vmem>>, %arg17: memref<!tpu.dma_semaphore, #tpu.memory_space<semaphore_mem>>) attributes {dimension_semantics = [#tpu.dimension_semantics<core_parallel>, #tpu.dimension_semantics<subcore_parallel>], iteration_bounds = array<i64: 2, 16>, scalar_prefetch = 0 : i64, scratch_operands = 13 : i64, tpu.core_type = #tpu.core_type<sc_vector_subcore>, window_params = [{transform_indices = #map}, {transform_indices = #map}, {transform_indices = #map}]} {
    %mul3A = arith.constant 2 : i32
    %mul3A_0 = arith.muli %arg1, %mul3A : i32
    %add3A = arith.addi %mul3A_0, %arg0 : i32
    %scan3A = arith.constant 0 : i32
    %scan3A_1 = arith.constant 7 : i32
    %scan3A_2 = arith.addi %scan3A, %scan3A_1 : i32
    %scan3A_3 = arith.constant 1 : i32
    scf.for %scan3A_5 = %scan3A to %scan3A_2 step %scan3A_3  : i32 {
      %mul3A_6 = arith.constant 1 : i32
      %mul3A_7 = arith.muli %scan3A_5, %mul3A_6 : i32
      %add3A_8 = arith.constant 0 : i32
      %add3A_9 = arith.addi %add3A_8, %mul3A_7 : i32
      %mul3A_10 = arith.constant 6 : i32
      %mul3A_11 = arith.muli %add3A_9, %mul3A_10 : i32
      %add3A_12 = arith.constant 0 : i32
      %add3A_13 = arith.addi %mul3A_11, %add3A_12 : i32
      %mul3A_14 = arith.constant 32 : i32
      %mul3A_15 = arith.muli %add3A_13, %mul3A_14 : i32
      %add3A_16 = arith.addi %mul3A_15, %add3A : i32
      %lt3A = arith.constant 1250 : i32
      %lt3A_17 = arith.cmpi slt, %add3A_16, %lt3A : i32
      %convert_element_type3A = arith.extui %lt3A_17 : i1 to i32
      %cond3A = arith.constant 0 : i32
      %cond3A_18 = arith.cmpi ne, %convert_element_type3A, %cond3A : i32
      scf.if %cond3A_18 {
        "tpu.region"() ({
          %run_scoped3A = tpu.sem_alloc : memref<!tpu.dma_semaphore, #tpu.memory_space<semaphore_mem>>
          %dma_start3A_153 = arith.constant 0 : i32
          %dma_start3A_154 = tpu.memref_slice %arg3[%add3A_16, %dma_start3A_153] : memref<1250x128xi32, #tpu.memory_space<hbm>> -> memref<1x128xi32, #tpu.memory_space<hbm>>
          %dma_start3A_155 = tpu.memref_squeeze %dma_start3A_154 : memref<1x128xi32, #tpu.memory_space<hbm>> -> memref<128xi32, #tpu.memory_space<hbm>>
          %dma_start3A_156 = arith.constant 0 : i32
          %dma_start3A_157 = tpu.memref_slice %arg3[%add3A_16, %dma_start3A_156] : memref<1250x128xi32, #tpu.memory_space<hbm>> -> memref<1x128xi32, #tpu.memory_space<hbm>>
          %dma_start3A_158 = tpu.memref_squeeze %dma_start3A_157 : memref<1x128xi32, #tpu.memory_space<hbm>> -> memref<128xi32, #tpu.memory_space<hbm>>
          tpu.enqueue_dma source(%dma_start3A_158 : memref<128xi32, #tpu.memory_space<hbm>>) target(%arg5 : memref<128xi32, #tpu.memory_space<vmem>>) target_semaphore(%run_scoped3A : memref<!tpu.dma_semaphore, #tpu.memory_space<semaphore_mem>>)
          %dma_wait3A = arith.constant 0 : i32
          %dma_wait3A_159 = tpu.memref_slice %arg3[%add3A_16, %dma_wait3A] : memref<1250x128xi32, #tpu.memory_space<hbm>> -> memref<1x128xi32, #tpu.memory_space<hbm>>
          %dma_wait3A_160 = tpu.memref_squeeze %dma_wait3A_159 : memref<1x128xi32, #tpu.memory_space<hbm>> -> memref<128xi32, #tpu.memory_space<hbm>>
          %dma_wait3A_161 = arith.constant 0 : i32
          %dma_wait3A_162 = tpu.memref_slice %arg3[%add3A_16, %dma_wait3A_161] : memref<1250x128xi32, #tpu.memory_space<hbm>> -> memref<1x128xi32, #tpu.memory_space<hbm>>
          %dma_wait3A_163 = tpu.memref_squeeze %dma_wait3A_162 : memref<1x128xi32, #tpu.memory_space<hbm>> -> memref<128xi32, #tpu.memory_space<hbm>>
          tpu.wait_dma2 semaphore(%run_scoped3A : memref<!tpu.dma_semaphore, #tpu.memory_space<semaphore_mem>>) src(%dma_wait3A_163 : memref<128xi32, #tpu.memory_space<hbm>>) dst(%arg5 : memref<128xi32, #tpu.memory_space<vmem>>)
          tpu.yield
        }) : () -> ()
        %dma_start3A = arith.constant 0 : i32
        %dma_start3A_151 = arith.constant 0 : i32
        %dma_start3A_152 = tpu.memref_slice %arg2[%dma_start3A, %dma_start3A_151] : memref<5120x128xf32, #tpu.memory_space<hbm>> -> memref<5120x128xf32, #tpu.memory_space<hbm>>
        tpu.enqueue_indirect_dma source(%dma_start3A_152 : memref<5120x128xf32, #tpu.memory_space<hbm>>) target(%arg11 : memref<128x128xf32, #tpu.memory_space<vmem>>) offsets(%arg5 : memref<128xi32, #tpu.memory_space<vmem>>) semaphore(%arg17 : memref<!tpu.dma_semaphore, #tpu.memory_space<semaphore_mem>>)
      } else {
      }
      %mul3A_19 = arith.constant 6 : i32
      %mul3A_20 = arith.muli %add3A_9, %mul3A_19 : i32
      %add3A_21 = arith.constant 1 : i32
      %add3A_22 = arith.addi %mul3A_20, %add3A_21 : i32
      %mul3A_23 = arith.constant 32 : i32
      %mul3A_24 = arith.muli %add3A_22, %mul3A_23 : i32
      %add3A_25 = arith.addi %mul3A_24, %add3A : i32
      %lt3A_26 = arith.constant 1250 : i32
      %lt3A_27 = arith.cmpi slt, %add3A_25, %lt3A_26 : i32
      %convert_element_type3A_28 = arith.extui %lt3A_27 : i1 to i32
      %cond3A_29 = arith.constant 0 : i32
      %cond3A_30 = arith.cmpi ne, %convert_element_type3A_28, %cond3A_29 : i32
      scf.if %cond3A_30 {
        "tpu.region"() ({
          %run_scoped3A = tpu.sem_alloc : memref<!tpu.dma_semaphore, #tpu.memory_space<semaphore_mem>>
          %dma_start3A_153 = arith.constant 0 : i32
          %dma_start3A_154 = tpu.memref_slice %arg3[%add3A_25, %dma_start3A_153] : memref<1250x128xi32, #tpu.memory_space<hbm>> -> memref<1x128xi32, #tpu.memory_space<hbm>>
          %dma_start3A_155 = tpu.memref_squeeze %dma_start3A_154 : memref<1x128xi32, #tpu.memory_space<hbm>> -> memref<128xi32, #tpu.memory_space<hbm>>
          %dma_start3A_156 = arith.constant 0 : i32
          %dma_start3A_157 = tpu.memref_slice %arg3[%add3A_25, %dma_start3A_156] : memref<1250x128xi32, #tpu.memory_space<hbm>> -> memref<1x128xi32, #tpu.memory_space<hbm>>
          %dma_start3A_158 = tpu.memref_squeeze %dma_start3A_157 : memref<1x128xi32, #tpu.memory_space<hbm>> -> memref<128xi32, #tpu.memory_space<hbm>>
          tpu.enqueue_dma source(%dma_start3A_158 : memref<128xi32, #tpu.memory_space<hbm>>) target(%arg6 : memref<128xi32, #tpu.memory_space<vmem>>) target_semaphore(%run_scoped3A : memref<!tpu.dma_semaphore, #tpu.memory_space<semaphore_mem>>)
          %dma_wait3A = arith.constant 0 : i32
          %dma_wait3A_159 = tpu.memref_slice %arg3[%add3A_25, %dma_wait3A] : memref<1250x128xi32, #tpu.memory_space<hbm>> -> memref<1x128xi32, #tpu.memory_space<hbm>>
          %dma_wait3A_160 = tpu.memref_squeeze %dma_wait3A_159 : memref<1x128xi32, #tpu.memory_space<hbm>> -> memref<128xi32, #tpu.memory_space<hbm>>
          %dma_wait3A_161 = arith.constant 0 : i32
          %dma_wait3A_162 = tpu.memref_slice %arg3[%add3A_25, %dma_wait3A_161] : memref<1250x128xi32, #tpu.memory_space<hbm>> -> memref<1x128xi32, #tpu.memory_space<hbm>>
          %dma_wait3A_163 = tpu.memref_squeeze %dma_wait3A_162 : memref<1x128xi32, #tpu.memory_space<hbm>> -> memref<128xi32, #tpu.memory_space<hbm>>
          tpu.wait_dma2 semaphore(%run_scoped3A : memref<!tpu.dma_semaphore, #tpu.memory_space<semaphore_mem>>) src(%dma_wait3A_163 : memref<128xi32, #tpu.memory_space<hbm>>) dst(%arg6 : memref<128xi32, #tpu.memory_space<vmem>>)
          tpu.yield
        }) : () -> ()
        %dma_start3A = arith.constant 0 : i32
        %dma_start3A_151 = arith.constant 0 : i32
        %dma_start3A_152 = tpu.memref_slice %arg2[%dma_start3A, %dma_start3A_151] : memref<5120x128xf32, #tpu.memory_space<hbm>> -> memref<5120x128xf32, #tpu.memory_space<hbm>>
        tpu.enqueue_indirect_dma source(%dma_start3A_152 : memref<5120x128xf32, #tpu.memory_space<hbm>>) target(%arg12 : memref<128x128xf32, #tpu.memory_space<vmem>>) offsets(%arg6 : memref<128xi32, #tpu.memory_space<vmem>>) semaphore(%arg17 : memref<!tpu.dma_semaphore, #tpu.memory_space<semaphore_mem>>)
      } else {
      }
      %mul3A_31 = arith.constant 6 : i32
      %mul3A_32 = arith.muli %add3A_9, %mul3A_31 : i32
      %add3A_33 = arith.constant 2 : i32
      %add3A_34 = arith.addi %mul3A_32, %add3A_33 : i32
      %mul3A_35 = arith.constant 32 : i32
      %mul3A_36 = arith.muli %add3A_34, %mul3A_35 : i32
      %add3A_37 = arith.addi %mul3A_36, %add3A : i32
      %lt3A_38 = arith.constant 1250 : i32
      %lt3A_39 = arith.cmpi slt, %add3A_37, %lt3A_38 : i32
      %convert_element_type3A_40 = arith.extui %lt3A_39 : i1 to i32
      %cond3A_41 = arith.constant 0 : i32
      %cond3A_42 = arith.cmpi ne, %convert_element_type3A_40, %cond3A_41 : i32
      scf.if %cond3A_42 {
        "tpu.region"() ({
          %run_scoped3A = tpu.sem_alloc : memref<!tpu.dma_semaphore, #tpu.memory_space<semaphore_mem>>
          %dma_start3A_153 = arith.constant 0 : i32
          %dma_start3A_154 = tpu.memref_slice %arg3[%add3A_37, %dma_start3A_153] : memref<1250x128xi32, #tpu.memory_space<hbm>> -> memref<1x128xi32, #tpu.memory_space<hbm>>
          %dma_start3A_155 = tpu.memref_squeeze %dma_start3A_154 : memref<1x128xi32, #tpu.memory_space<hbm>> -> memref<128xi32, #tpu.memory_space<hbm>>
          %dma_start3A_156 = arith.constant 0 : i32
          %dma_start3A_157 = tpu.memref_slice %arg3[%add3A_37, %dma_start3A_156] : memref<1250x128xi32, #tpu.memory_space<hbm>> -> memref<1x128xi32, #tpu.memory_space<hbm>>
          %dma_start3A_158 = tpu.memref_squeeze %dma_start3A_157 : memref<1x128xi32, #tpu.memory_space<hbm>> -> memref<128xi32, #tpu.memory_space<hbm>>
          tpu.enqueue_dma source(%dma_start3A_158 : memref<128xi32, #tpu.memory_space<hbm>>) target(%arg7 : memref<128xi32, #tpu.memory_space<vmem>>) target_semaphore(%run_scoped3A : memref<!tpu.dma_semaphore, #tpu.memory_space<semaphore_mem>>)
          %dma_wait3A = arith.constant 0 : i32
          %dma_wait3A_159 = tpu.memref_slice %arg3[%add3A_37, %dma_wait3A] : memref<1250x128xi32, #tpu.memory_space<hbm>> -> memref<1x128xi32, #tpu.memory_space<hbm>>
          %dma_wait3A_160 = tpu.memref_squeeze %dma_wait3A_159 : memref<1x128xi32, #tpu.memory_space<hbm>> -> memref<128xi32, #tpu.memory_space<hbm>>
          %dma_wait3A_161 = arith.constant 0 : i32
          %dma_wait3A_162 = tpu.memref_slice %arg3[%add3A_37, %dma_wait3A_161] : memref<1250x128xi32, #tpu.memory_space<hbm>> -> memref<1x128xi32, #tpu.memory_space<hbm>>
          %dma_wait3A_163 = tpu.memref_squeeze %dma_wait3A_162 : memref<1x128xi32, #tpu.memory_space<hbm>> -> memref<128xi32, #tpu.memory_space<hbm>>
          tpu.wait_dma2 semaphore(%run_scoped3A : memref<!tpu.dma_semaphore, #tpu.memory_space<semaphore_mem>>) src(%dma_wait3A_163 : memref<128xi32, #tpu.memory_space<hbm>>) dst(%arg7 : memref<128xi32, #tpu.memory_space<vmem>>)
          tpu.yield
        }) : () -> ()
        %dma_start3A = arith.constant 0 : i32
        %dma_start3A_151 = arith.constant 0 : i32
        %dma_start3A_152 = tpu.memref_slice %arg2[%dma_start3A, %dma_start3A_151] : memref<5120x128xf32, #tpu.memory_space<hbm>> -> memref<5120x128xf32, #tpu.memory_space<hbm>>
        tpu.enqueue_indirect_dma source(%dma_start3A_152 : memref<5120x128xf32, #tpu.memory_space<hbm>>) target(%arg13 : memref<128x128xf32, #tpu.memory_space<vmem>>) offsets(%arg7 : memref<128xi32, #tpu.memory_space<vmem>>) semaphore(%arg17 : memref<!tpu.dma_semaphore, #tpu.memory_space<semaphore_mem>>)
      } else {
      }
      %mul3A_43 = arith.constant 6 : i32
      %mul3A_44 = arith.muli %add3A_9, %mul3A_43 : i32
      %add3A_45 = arith.constant 3 : i32
      %add3A_46 = arith.addi %mul3A_44, %add3A_45 : i32
      %mul3A_47 = arith.constant 32 : i32
      %mul3A_48 = arith.muli %add3A_46, %mul3A_47 : i32
      %add3A_49 = arith.addi %mul3A_48, %add3A : i32
      %lt3A_50 = arith.constant 1250 : i32
      %lt3A_51 = arith.cmpi slt, %add3A_49, %lt3A_50 : i32
      %convert_element_type3A_52 = arith.extui %lt3A_51 : i1 to i32
      %cond3A_53 = arith.constant 0 : i32
      %cond3A_54 = arith.cmpi ne, %convert_element_type3A_52, %cond3A_53 : i32
      scf.if %cond3A_54 {
        "tpu.region"() ({
          %run_scoped3A = tpu.sem_alloc : memref<!tpu.dma_semaphore, #tpu.memory_space<semaphore_mem>>
          %dma_start3A_153 = arith.constant 0 : i32
          %dma_start3A_154 = tpu.memref_slice %arg3[%add3A_49, %dma_start3A_153] : memref<1250x128xi32, #tpu.memory_space<hbm>> -> memref<1x128xi32, #tpu.memory_space<hbm>>
          %dma_start3A_155 = tpu.memref_squeeze %dma_start3A_154 : memref<1x128xi32, #tpu.memory_space<hbm>> -> memref<128xi32, #tpu.memory_space<hbm>>
          %dma_start3A_156 = arith.constant 0 : i32
          %dma_start3A_157 = tpu.memref_slice %arg3[%add3A_49, %dma_start3A_156] : memref<1250x128xi32, #tpu.memory_space<hbm>> -> memref<1x128xi32, #tpu.memory_space<hbm>>
          %dma_start3A_158 = tpu.memref_squeeze %dma_start3A_157 : memref<1x128xi32, #tpu.memory_space<hbm>> -> memref<128xi32, #tpu.memory_space<hbm>>
          tpu.enqueue_dma source(%dma_start3A_158 : memref<128xi32, #tpu.memory_space<hbm>>) target(%arg8 : memref<128xi32, #tpu.memory_space<vmem>>) target_semaphore(%run_scoped3A : memref<!tpu.dma_semaphore, #tpu.memory_space<semaphore_mem>>)
          %dma_wait3A = arith.constant 0 : i32
          %dma_wait3A_159 = tpu.memref_slice %arg3[%add3A_49, %dma_wait3A] : memref<1250x128xi32, #tpu.memory_space<hbm>> -> memref<1x128xi32, #tpu.memory_space<hbm>>
          %dma_wait3A_160 = tpu.memref_squeeze %dma_wait3A_159 : memref<1x128xi32, #tpu.memory_space<hbm>> -> memref<128xi32, #tpu.memory_space<hbm>>
          %dma_wait3A_161 = arith.constant 0 : i32
          %dma_wait3A_162 = tpu.memref_slice %arg3[%add3A_49, %dma_wait3A_161] : memref<1250x128xi32, #tpu.memory_space<hbm>> -> memref<1x128xi32, #tpu.memory_space<hbm>>
          %dma_wait3A_163 = tpu.memref_squeeze %dma_wait3A_162 : memref<1x128xi32, #tpu.memory_space<hbm>> -> memref<128xi32, #tpu.memory_space<hbm>>
          tpu.wait_dma2 semaphore(%run_scoped3A : memref<!tpu.dma_semaphore, #tpu.memory_space<semaphore_mem>>) src(%dma_wait3A_163 : memref<128xi32, #tpu.memory_space<hbm>>) dst(%arg8 : memref<128xi32, #tpu.memory_space<vmem>>)
          tpu.yield
        }) : () -> ()
        %dma_start3A = arith.constant 0 : i32
        %dma_start3A_151 = arith.constant 0 : i32
        %dma_start3A_152 = tpu.memref_slice %arg2[%dma_start3A, %dma_start3A_151] : memref<5120x128xf32, #tpu.memory_space<hbm>> -> memref<5120x128xf32, #tpu.memory_space<hbm>>
        tpu.enqueue_indirect_dma source(%dma_start3A_152 : memref<5120x128xf32, #tpu.memory_space<hbm>>) target(%arg14 : memref<128x128xf32, #tpu.memory_space<vmem>>) offsets(%arg8 : memref<128xi32, #tpu.memory_space<vmem>>) semaphore(%arg17 : memref<!tpu.dma_semaphore, #tpu.memory_space<semaphore_mem>>)
      } else {
      }
      %mul3A_55 = arith.constant 6 : i32
      %mul3A_56 = arith.muli %add3A_9, %mul3A_55 : i32
      %add3A_57 = arith.constant 4 : i32
      %add3A_58 = arith.addi %mul3A_56, %add3A_57 : i32
      %mul3A_59 = arith.constant 32 : i32
      %mul3A_60 = arith.muli %add3A_58, %mul3A_59 : i32
      %add3A_61 = arith.addi %mul3A_60, %add3A : i32
      %lt3A_62 = arith.constant 1250 : i32
      %lt3A_63 = arith.cmpi slt, %add3A_61, %lt3A_62 : i32
      %convert_element_type3A_64 = arith.extui %lt3A_63 : i1 to i32
      %cond3A_65 = arith.constant 0 : i32
      %cond3A_66 = arith.cmpi ne, %convert_element_type3A_64, %cond3A_65 : i32
      scf.if %cond3A_66 {
        "tpu.region"() ({
          %run_scoped3A = tpu.sem_alloc : memref<!tpu.dma_semaphore, #tpu.memory_space<semaphore_mem>>
          %dma_start3A_153 = arith.constant 0 : i32
          %dma_start3A_154 = tpu.memref_slice %arg3[%add3A_61, %dma_start3A_153] : memref<1250x128xi32, #tpu.memory_space<hbm>> -> memref<1x128xi32, #tpu.memory_space<hbm>>
          %dma_start3A_155 = tpu.memref_squeeze %dma_start3A_154 : memref<1x128xi32, #tpu.memory_space<hbm>> -> memref<128xi32, #tpu.memory_space<hbm>>
          %dma_start3A_156 = arith.constant 0 : i32
          %dma_start3A_157 = tpu.memref_slice %arg3[%add3A_61, %dma_start3A_156] : memref<1250x128xi32, #tpu.memory_space<hbm>> -> memref<1x128xi32, #tpu.memory_space<hbm>>
          %dma_start3A_158 = tpu.memref_squeeze %dma_start3A_157 : memref<1x128xi32, #tpu.memory_space<hbm>> -> memref<128xi32, #tpu.memory_space<hbm>>
          tpu.enqueue_dma source(%dma_start3A_158 : memref<128xi32, #tpu.memory_space<hbm>>) target(%arg9 : memref<128xi32, #tpu.memory_space<vmem>>) target_semaphore(%run_scoped3A : memref<!tpu.dma_semaphore, #tpu.memory_space<semaphore_mem>>)
          %dma_wait3A = arith.constant 0 : i32
          %dma_wait3A_159 = tpu.memref_slice %arg3[%add3A_61, %dma_wait3A] : memref<1250x128xi32, #tpu.memory_space<hbm>> -> memref<1x128xi32, #tpu.memory_space<hbm>>
          %dma_wait3A_160 = tpu.memref_squeeze %dma_wait3A_159 : memref<1x128xi32, #tpu.memory_space<hbm>> -> memref<128xi32, #tpu.memory_space<hbm>>
          %dma_wait3A_161 = arith.constant 0 : i32
          %dma_wait3A_162 = tpu.memref_slice %arg3[%add3A_61, %dma_wait3A_161] : memref<1250x128xi32, #tpu.memory_space<hbm>> -> memref<1x128xi32, #tpu.memory_space<hbm>>
          %dma_wait3A_163 = tpu.memref_squeeze %dma_wait3A_162 : memref<1x128xi32, #tpu.memory_space<hbm>> -> memref<128xi32, #tpu.memory_space<hbm>>
          tpu.wait_dma2 semaphore(%run_scoped3A : memref<!tpu.dma_semaphore, #tpu.memory_space<semaphore_mem>>) src(%dma_wait3A_163 : memref<128xi32, #tpu.memory_space<hbm>>) dst(%arg9 : memref<128xi32, #tpu.memory_space<vmem>>)
          tpu.yield
        }) : () -> ()
        %dma_start3A = arith.constant 0 : i32
        %dma_start3A_151 = arith.constant 0 : i32
        %dma_start3A_152 = tpu.memref_slice %arg2[%dma_start3A, %dma_start3A_151] : memref<5120x128xf32, #tpu.memory_space<hbm>> -> memref<5120x128xf32, #tpu.memory_space<hbm>>
        tpu.enqueue_indirect_dma source(%dma_start3A_152 : memref<5120x128xf32, #tpu.memory_space<hbm>>) target(%arg15 : memref<128x128xf32, #tpu.memory_space<vmem>>) offsets(%arg9 : memref<128xi32, #tpu.memory_space<vmem>>) semaphore(%arg17 : memref<!tpu.dma_semaphore, #tpu.memory_space<semaphore_mem>>)
      } else {
      }
      %mul3A_67 = arith.constant 6 : i32
      %mul3A_68 = arith.muli %add3A_9, %mul3A_67 : i32
      %add3A_69 = arith.constant 5 : i32
      %add3A_70 = arith.addi %mul3A_68, %add3A_69 : i32
      %mul3A_71 = arith.constant 32 : i32
      %mul3A_72 = arith.muli %add3A_70, %mul3A_71 : i32
      %add3A_73 = arith.addi %mul3A_72, %add3A : i32
      %lt3A_74 = arith.constant 1250 : i32
      %lt3A_75 = arith.cmpi slt, %add3A_73, %lt3A_74 : i32
      %convert_element_type3A_76 = arith.extui %lt3A_75 : i1 to i32
      %cond3A_77 = arith.constant 0 : i32
      %cond3A_78 = arith.cmpi ne, %convert_element_type3A_76, %cond3A_77 : i32
      scf.if %cond3A_78 {
        "tpu.region"() ({
          %run_scoped3A = tpu.sem_alloc : memref<!tpu.dma_semaphore, #tpu.memory_space<semaphore_mem>>
          %dma_start3A_153 = arith.constant 0 : i32
          %dma_start3A_154 = tpu.memref_slice %arg3[%add3A_73, %dma_start3A_153] : memref<1250x128xi32, #tpu.memory_space<hbm>> -> memref<1x128xi32, #tpu.memory_space<hbm>>
          %dma_start3A_155 = tpu.memref_squeeze %dma_start3A_154 : memref<1x128xi32, #tpu.memory_space<hbm>> -> memref<128xi32, #tpu.memory_space<hbm>>
          %dma_start3A_156 = arith.constant 0 : i32
          %dma_start3A_157 = tpu.memref_slice %arg3[%add3A_73, %dma_start3A_156] : memref<1250x128xi32, #tpu.memory_space<hbm>> -> memref<1x128xi32, #tpu.memory_space<hbm>>
          %dma_start3A_158 = tpu.memref_squeeze %dma_start3A_157 : memref<1x128xi32, #tpu.memory_space<hbm>> -> memref<128xi32, #tpu.memory_space<hbm>>
          tpu.enqueue_dma source(%dma_start3A_158 : memref<128xi32, #tpu.memory_space<hbm>>) target(%arg10 : memref<128xi32, #tpu.memory_space<vmem>>) target_semaphore(%run_scoped3A : memref<!tpu.dma_semaphore, #tpu.memory_space<semaphore_mem>>)
          %dma_wait3A = arith.constant 0 : i32
          %dma_wait3A_159 = tpu.memref_slice %arg3[%add3A_73, %dma_wait3A] : memref<1250x128xi32, #tpu.memory_space<hbm>> -> memref<1x128xi32, #tpu.memory_space<hbm>>
          %dma_wait3A_160 = tpu.memref_squeeze %dma_wait3A_159 : memref<1x128xi32, #tpu.memory_space<hbm>> -> memref<128xi32, #tpu.memory_space<hbm>>
          %dma_wait3A_161 = arith.constant 0 : i32
          %dma_wait3A_162 = tpu.memref_slice %arg3[%add3A_73, %dma_wait3A_161] : memref<1250x128xi32, #tpu.memory_space<hbm>> -> memref<1x128xi32, #tpu.memory_space<hbm>>
          %dma_wait3A_163 = tpu.memref_squeeze %dma_wait3A_162 : memref<1x128xi32, #tpu.memory_space<hbm>> -> memref<128xi32, #tpu.memory_space<hbm>>
          tpu.wait_dma2 semaphore(%run_scoped3A : memref<!tpu.dma_semaphore, #tpu.memory_space<semaphore_mem>>) src(%dma_wait3A_163 : memref<128xi32, #tpu.memory_space<hbm>>) dst(%arg10 : memref<128xi32, #tpu.memory_space<vmem>>)
          tpu.yield
        }) : () -> ()
        %dma_start3A = arith.constant 0 : i32
        %dma_start3A_151 = arith.constant 0 : i32
        %dma_start3A_152 = tpu.memref_slice %arg2[%dma_start3A, %dma_start3A_151] : memref<5120x128xf32, #tpu.memory_space<hbm>> -> memref<5120x128xf32, #tpu.memory_space<hbm>>
        tpu.enqueue_indirect_dma source(%dma_start3A_152 : memref<5120x128xf32, #tpu.memory_space<hbm>>) target(%arg16 : memref<128x128xf32, #tpu.memory_space<vmem>>) offsets(%arg10 : memref<128xi32, #tpu.memory_space<vmem>>) semaphore(%arg17 : memref<!tpu.dma_semaphore, #tpu.memory_space<semaphore_mem>>)
      } else {
      }
      %mul3A_79 = arith.constant 6 : i32
      %mul3A_80 = arith.muli %add3A_9, %mul3A_79 : i32
      %add3A_81 = arith.constant 0 : i32
      %add3A_82 = arith.addi %mul3A_80, %add3A_81 : i32
      %mul3A_83 = arith.constant 32 : i32
      %mul3A_84 = arith.muli %add3A_82, %mul3A_83 : i32
      %add3A_85 = arith.addi %mul3A_84, %add3A : i32
      %lt3A_86 = arith.constant 1250 : i32
      %lt3A_87 = arith.cmpi slt, %add3A_85, %lt3A_86 : i32
      %convert_element_type3A_88 = arith.extui %lt3A_87 : i1 to i32
      %cond3A_89 = arith.constant 0 : i32
      %cond3A_90 = arith.cmpi ne, %convert_element_type3A_88, %cond3A_89 : i32
      scf.if %cond3A_90 {
        %dma_wait3A = arith.constant 0 : i32
        %dma_wait3A_151 = arith.constant 0 : i32
        %dma_wait3A_152 = tpu.memref_slice %arg2[%dma_wait3A, %dma_wait3A_151] : memref<5120x128xf32, #tpu.memory_space<hbm>> -> memref<5120x128xf32, #tpu.memory_space<hbm>>
        tpu.wait_indirect_dma semaphore(%arg17 : memref<!tpu.dma_semaphore, #tpu.memory_space<semaphore_mem>>) src(%dma_wait3A_152 : memref<5120x128xf32, #tpu.memory_space<hbm>>) dst(%arg11 : memref<128x128xf32, #tpu.memory_space<vmem>>)
        %mul3A_153 = arith.constant 128 : i32
        %mul3A_154 = arith.muli %add3A_85, %mul3A_153 : i32
        "tpu.region"() ({
          %run_scoped3A = tpu.sem_alloc : memref<!tpu.dma_semaphore, #tpu.memory_space<semaphore_mem>>
          %dma_start3A = arith.constant 0 : i32
          %dma_start3A_155 = tpu.memref_slice %arg4[%mul3A_154, %dma_start3A] : memref<160000x128xf32, #tpu.memory_space<hbm>> -> memref<128x128xf32, #tpu.memory_space<hbm>>
          %dma_start3A_156 = arith.constant 0 : i32
          %dma_start3A_157 = tpu.memref_slice %arg4[%mul3A_154, %dma_start3A_156] : memref<160000x128xf32, #tpu.memory_space<hbm>> -> memref<128x128xf32, #tpu.memory_space<hbm>>
          tpu.enqueue_dma source(%arg11 : memref<128x128xf32, #tpu.memory_space<vmem>>) target(%dma_start3A_157 : memref<128x128xf32, #tpu.memory_space<hbm>>) target_semaphore(%run_scoped3A : memref<!tpu.dma_semaphore, #tpu.memory_space<semaphore_mem>>)
          %dma_wait3A_158 = arith.constant 0 : i32
          %dma_wait3A_159 = tpu.memref_slice %arg4[%mul3A_154, %dma_wait3A_158] : memref<160000x128xf32, #tpu.memory_space<hbm>> -> memref<128x128xf32, #tpu.memory_space<hbm>>
          %dma_wait3A_160 = arith.constant 0 : i32
          %dma_wait3A_161 = tpu.memref_slice %arg4[%mul3A_154, %dma_wait3A_160] : memref<160000x128xf32, #tpu.memory_space<hbm>> -> memref<128x128xf32, #tpu.memory_space<hbm>>
          tpu.wait_dma2 semaphore(%run_scoped3A : memref<!tpu.dma_semaphore, #tpu.memory_space<semaphore_mem>>) src(%arg11 : memref<128x128xf32, #tpu.memory_space<vmem>>) dst(%dma_wait3A_161 : memref<128x128xf32, #tpu.memory_space<hbm>>)
          tpu.yield
        }) : () -> ()
      } else {
      }
      %mul3A_91 = arith.constant 6 : i32
      %mul3A_92 = arith.muli %add3A_9, %mul3A_91 : i32
      %add3A_93 = arith.constant 1 : i32
      %add3A_94 = arith.addi %mul3A_92, %add3A_93 : i32
      %mul3A_95 = arith.constant 32 : i32
      %mul3A_96 = arith.muli %add3A_94, %mul3A_95 : i32
      %add3A_97 = arith.addi %mul3A_96, %add3A : i32
      %lt3A_98 = arith.constant 1250 : i32
      %lt3A_99 = arith.cmpi slt, %add3A_97, %lt3A_98 : i32
      %convert_element_type3A_100 = arith.extui %lt3A_99 : i1 to i32
      %cond3A_101 = arith.constant 0 : i32
      %cond3A_102 = arith.cmpi ne, %convert_element_type3A_100, %cond3A_101 : i32
      scf.if %cond3A_102 {
        %dma_wait3A = arith.constant 0 : i32
        %dma_wait3A_151 = arith.constant 0 : i32
        %dma_wait3A_152 = tpu.memref_slice %arg2[%dma_wait3A, %dma_wait3A_151] : memref<5120x128xf32, #tpu.memory_space<hbm>> -> memref<5120x128xf32, #tpu.memory_space<hbm>>
        tpu.wait_indirect_dma semaphore(%arg17 : memref<!tpu.dma_semaphore, #tpu.memory_space<semaphore_mem>>) src(%dma_wait3A_152 : memref<5120x128xf32, #tpu.memory_space<hbm>>) dst(%arg12 : memref<128x128xf32, #tpu.memory_space<vmem>>)
        %mul3A_153 = arith.constant 128 : i32
        %mul3A_154 = arith.muli %add3A_97, %mul3A_153 : i32
        "tpu.region"() ({
          %run_scoped3A = tpu.sem_alloc : memref<!tpu.dma_semaphore, #tpu.memory_space<semaphore_mem>>
          %dma_start3A = arith.constant 0 : i32
          %dma_start3A_155 = tpu.memref_slice %arg4[%mul3A_154, %dma_start3A] : memref<160000x128xf32, #tpu.memory_space<hbm>> -> memref<128x128xf32, #tpu.memory_space<hbm>>
          %dma_start3A_156 = arith.constant 0 : i32
          %dma_start3A_157 = tpu.memref_slice %arg4[%mul3A_154, %dma_start3A_156] : memref<160000x128xf32, #tpu.memory_space<hbm>> -> memref<128x128xf32, #tpu.memory_space<hbm>>
          tpu.enqueue_dma source(%arg12 : memref<128x128xf32, #tpu.memory_space<vmem>>) target(%dma_start3A_157 : memref<128x128xf32, #tpu.memory_space<hbm>>) target_semaphore(%run_scoped3A : memref<!tpu.dma_semaphore, #tpu.memory_space<semaphore_mem>>)
          %dma_wait3A_158 = arith.constant 0 : i32
          %dma_wait3A_159 = tpu.memref_slice %arg4[%mul3A_154, %dma_wait3A_158] : memref<160000x128xf32, #tpu.memory_space<hbm>> -> memref<128x128xf32, #tpu.memory_space<hbm>>
          %dma_wait3A_160 = arith.constant 0 : i32
          %dma_wait3A_161 = tpu.memref_slice %arg4[%mul3A_154, %dma_wait3A_160] : memref<160000x128xf32, #tpu.memory_space<hbm>> -> memref<128x128xf32, #tpu.memory_space<hbm>>
          tpu.wait_dma2 semaphore(%run_scoped3A : memref<!tpu.dma_semaphore, #tpu.memory_space<semaphore_mem>>) src(%arg12 : memref<128x128xf32, #tpu.memory_space<vmem>>) dst(%dma_wait3A_161 : memref<128x128xf32, #tpu.memory_space<hbm>>)
          tpu.yield
        }) : () -> ()
      } else {
      }
      %mul3A_103 = arith.constant 6 : i32
      %mul3A_104 = arith.muli %add3A_9, %mul3A_103 : i32
      %add3A_105 = arith.constant 2 : i32
      %add3A_106 = arith.addi %mul3A_104, %add3A_105 : i32
      %mul3A_107 = arith.constant 32 : i32
      %mul3A_108 = arith.muli %add3A_106, %mul3A_107 : i32
      %add3A_109 = arith.addi %mul3A_108, %add3A : i32
      %lt3A_110 = arith.constant 1250 : i32
      %lt3A_111 = arith.cmpi slt, %add3A_109, %lt3A_110 : i32
      %convert_element_type3A_112 = arith.extui %lt3A_111 : i1 to i32
      %cond3A_113 = arith.constant 0 : i32
      %cond3A_114 = arith.cmpi ne, %convert_element_type3A_112, %cond3A_113 : i32
      scf.if %cond3A_114 {
        %dma_wait3A = arith.constant 0 : i32
        %dma_wait3A_151 = arith.constant 0 : i32
        %dma_wait3A_152 = tpu.memref_slice %arg2[%dma_wait3A, %dma_wait3A_151] : memref<5120x128xf32, #tpu.memory_space<hbm>> -> memref<5120x128xf32, #tpu.memory_space<hbm>>
        tpu.wait_indirect_dma semaphore(%arg17 : memref<!tpu.dma_semaphore, #tpu.memory_space<semaphore_mem>>) src(%dma_wait3A_152 : memref<5120x128xf32, #tpu.memory_space<hbm>>) dst(%arg13 : memref<128x128xf32, #tpu.memory_space<vmem>>)
        %mul3A_153 = arith.constant 128 : i32
        %mul3A_154 = arith.muli %add3A_109, %mul3A_153 : i32
        "tpu.region"() ({
          %run_scoped3A = tpu.sem_alloc : memref<!tpu.dma_semaphore, #tpu.memory_space<semaphore_mem>>
          %dma_start3A = arith.constant 0 : i32
          %dma_start3A_155 = tpu.memref_slice %arg4[%mul3A_154, %dma_start3A] : memref<160000x128xf32, #tpu.memory_space<hbm>> -> memref<128x128xf32, #tpu.memory_space<hbm>>
          %dma_start3A_156 = arith.constant 0 : i32
          %dma_start3A_157 = tpu.memref_slice %arg4[%mul3A_154, %dma_start3A_156] : memref<160000x128xf32, #tpu.memory_space<hbm>> -> memref<128x128xf32, #tpu.memory_space<hbm>>
          tpu.enqueue_dma source(%arg13 : memref<128x128xf32, #tpu.memory_space<vmem>>) target(%dma_start3A_157 : memref<128x128xf32, #tpu.memory_space<hbm>>) target_semaphore(%run_scoped3A : memref<!tpu.dma_semaphore, #tpu.memory_space<semaphore_mem>>)
          %dma_wait3A_158 = arith.constant 0 : i32
          %dma_wait3A_159 = tpu.memref_slice %arg4[%mul3A_154, %dma_wait3A_158] : memref<160000x128xf32, #tpu.memory_space<hbm>> -> memref<128x128xf32, #tpu.memory_space<hbm>>
          %dma_wait3A_160 = arith.constant 0 : i32
          %dma_wait3A_161 = tpu.memref_slice %arg4[%mul3A_154, %dma_wait3A_160] : memref<160000x128xf32, #tpu.memory_space<hbm>> -> memref<128x128xf32, #tpu.memory_space<hbm>>
          tpu.wait_dma2 semaphore(%run_scoped3A : memref<!tpu.dma_semaphore, #tpu.memory_space<semaphore_mem>>) src(%arg13 : memref<128x128xf32, #tpu.memory_space<vmem>>) dst(%dma_wait3A_161 : memref<128x128xf32, #tpu.memory_space<hbm>>)
          tpu.yield
        }) : () -> ()
      } else {
      }
      %mul3A_115 = arith.constant 6 : i32
      %mul3A_116 = arith.muli %add3A_9, %mul3A_115 : i32
      %add3A_117 = arith.constant 3 : i32
      %add3A_118 = arith.addi %mul3A_116, %add3A_117 : i32
      %mul3A_119 = arith.constant 32 : i32
      %mul3A_120 = arith.muli %add3A_118, %mul3A_119 : i32
      %add3A_121 = arith.addi %mul3A_120, %add3A : i32
      %lt3A_122 = arith.constant 1250 : i32
      %lt3A_123 = arith.cmpi slt, %add3A_121, %lt3A_122 : i32
      %convert_element_type3A_124 = arith.extui %lt3A_123 : i1 to i32
      %cond3A_125 = arith.constant 0 : i32
      %cond3A_126 = arith.cmpi ne, %convert_element_type3A_124, %cond3A_125 : i32
      scf.if %cond3A_126 {
        %dma_wait3A = arith.constant 0 : i32
        %dma_wait3A_151 = arith.constant 0 : i32
        %dma_wait3A_152 = tpu.memref_slice %arg2[%dma_wait3A, %dma_wait3A_151] : memref<5120x128xf32, #tpu.memory_space<hbm>> -> memref<5120x128xf32, #tpu.memory_space<hbm>>
        tpu.wait_indirect_dma semaphore(%arg17 : memref<!tpu.dma_semaphore, #tpu.memory_space<semaphore_mem>>) src(%dma_wait3A_152 : memref<5120x128xf32, #tpu.memory_space<hbm>>) dst(%arg14 : memref<128x128xf32, #tpu.memory_space<vmem>>)
        %mul3A_153 = arith.constant 128 : i32
        %mul3A_154 = arith.muli %add3A_121, %mul3A_153 : i32
        "tpu.region"() ({
          %run_scoped3A = tpu.sem_alloc : memref<!tpu.dma_semaphore, #tpu.memory_space<semaphore_mem>>
          %dma_start3A = arith.constant 0 : i32
          %dma_start3A_155 = tpu.memref_slice %arg4[%mul3A_154, %dma_start3A] : memref<160000x128xf32, #tpu.memory_space<hbm>> -> memref<128x128xf32, #tpu.memory_space<hbm>>
          %dma_start3A_156 = arith.constant 0 : i32
          %dma_start3A_157 = tpu.memref_slice %arg4[%mul3A_154, %dma_start3A_156] : memref<160000x128xf32, #tpu.memory_space<hbm>> -> memref<128x128xf32, #tpu.memory_space<hbm>>
          tpu.enqueue_dma source(%arg14 : memref<128x128xf32, #tpu.memory_space<vmem>>) target(%dma_start3A_157 : memref<128x128xf32, #tpu.memory_space<hbm>>) target_semaphore(%run_scoped3A : memref<!tpu.dma_semaphore, #tpu.memory_space<semaphore_mem>>)
          %dma_wait3A_158 = arith.constant 0 : i32
          %dma_wait3A_159 = tpu.memref_slice %arg4[%mul3A_154, %dma_wait3A_158] : memref<160000x128xf32, #tpu.memory_space<hbm>> -> memref<128x128xf32, #tpu.memory_space<hbm>>
          %dma_wait3A_160 = arith.constant 0 : i32
          %dma_wait3A_161 = tpu.memref_slice %arg4[%mul3A_154, %dma_wait3A_160] : memref<160000x128xf32, #tpu.memory_space<hbm>> -> memref<128x128xf32, #tpu.memory_space<hbm>>
          tpu.wait_dma2 semaphore(%run_scoped3A : memref<!tpu.dma_semaphore, #tpu.memory_space<semaphore_mem>>) src(%arg14 : memref<128x128xf32, #tpu.memory_space<vmem>>) dst(%dma_wait3A_161 : memref<128x128xf32, #tpu.memory_space<hbm>>)
          tpu.yield
        }) : () -> ()
      } else {
      }
      %mul3A_127 = arith.constant 6 : i32
      %mul3A_128 = arith.muli %add3A_9, %mul3A_127 : i32
      %add3A_129 = arith.constant 4 : i32
      %add3A_130 = arith.addi %mul3A_128, %add3A_129 : i32
      %mul3A_131 = arith.constant 32 : i32
      %mul3A_132 = arith.muli %add3A_130, %mul3A_131 : i32
      %add3A_133 = arith.addi %mul3A_132, %add3A : i32
      %lt3A_134 = arith.constant 1250 : i32
      %lt3A_135 = arith.cmpi slt, %add3A_133, %lt3A_134 : i32
      %convert_element_type3A_136 = arith.extui %lt3A_135 : i1 to i32
      %cond3A_137 = arith.constant 0 : i32
      %cond3A_138 = arith.cmpi ne, %convert_element_type3A_136, %cond3A_137 : i32
      scf.if %cond3A_138 {
        %dma_wait3A = arith.constant 0 : i32
        %dma_wait3A_151 = arith.constant 0 : i32
        %dma_wait3A_152 = tpu.memref_slice %arg2[%dma_wait3A, %dma_wait3A_151] : memref<5120x128xf32, #tpu.memory_space<hbm>> -> memref<5120x128xf32, #tpu.memory_space<hbm>>
        tpu.wait_indirect_dma semaphore(%arg17 : memref<!tpu.dma_semaphore, #tpu.memory_space<semaphore_mem>>) src(%dma_wait3A_152 : memref<5120x128xf32, #tpu.memory_space<hbm>>) dst(%arg15 : memref<128x128xf32, #tpu.memory_space<vmem>>)
        %mul3A_153 = arith.constant 128 : i32
        %mul3A_154 = arith.muli %add3A_133, %mul3A_153 : i32
        "tpu.region"() ({
          %run_scoped3A = tpu.sem_alloc : memref<!tpu.dma_semaphore, #tpu.memory_space<semaphore_mem>>
          %dma_start3A = arith.constant 0 : i32
          %dma_start3A_155 = tpu.memref_slice %arg4[%mul3A_154, %dma_start3A] : memref<160000x128xf32, #tpu.memory_space<hbm>> -> memref<128x128xf32, #tpu.memory_space<hbm>>
          %dma_start3A_156 = arith.constant 0 : i32
          %dma_start3A_157 = tpu.memref_slice %arg4[%mul3A_154, %dma_start3A_156] : memref<160000x128xf32, #tpu.memory_space<hbm>> -> memref<128x128xf32, #tpu.memory_space<hbm>>
          tpu.enqueue_dma source(%arg15 : memref<128x128xf32, #tpu.memory_space<vmem>>) target(%dma_start3A_157 : memref<128x128xf32, #tpu.memory_space<hbm>>) target_semaphore(%run_scoped3A : memref<!tpu.dma_semaphore, #tpu.memory_space<semaphore_mem>>)
          %dma_wait3A_158 = arith.constant 0 : i32
          %dma_wait3A_159 = tpu.memref_slice %arg4[%mul3A_154, %dma_wait3A_158] : memref<160000x128xf32, #tpu.memory_space<hbm>> -> memref<128x128xf32, #tpu.memory_space<hbm>>
          %dma_wait3A_160 = arith.constant 0 : i32
          %dma_wait3A_161 = tpu.memref_slice %arg4[%mul3A_154, %dma_wait3A_160] : memref<160000x128xf32, #tpu.memory_space<hbm>> -> memref<128x128xf32, #tpu.memory_space<hbm>>
          tpu.wait_dma2 semaphore(%run_scoped3A : memref<!tpu.dma_semaphore, #tpu.memory_space<semaphore_mem>>) src(%arg15 : memref<128x128xf32, #tpu.memory_space<vmem>>) dst(%dma_wait3A_161 : memref<128x128xf32, #tpu.memory_space<hbm>>)
          tpu.yield
        }) : () -> ()
      } else {
      }
      %mul3A_139 = arith.constant 6 : i32
      %mul3A_140 = arith.muli %add3A_9, %mul3A_139 : i32
      %add3A_141 = arith.constant 5 : i32
      %add3A_142 = arith.addi %mul3A_140, %add3A_141 : i32
      %mul3A_143 = arith.constant 32 : i32
      %mul3A_144 = arith.muli %add3A_142, %mul3A_143 : i32
      %add3A_145 = arith.addi %mul3A_144, %add3A : i32
      %lt3A_146 = arith.constant 1250 : i32
      %lt3A_147 = arith.cmpi slt, %add3A_145, %lt3A_146 : i32
      %convert_element_type3A_148 = arith.extui %lt3A_147 : i1 to i32
      %cond3A_149 = arith.constant 0 : i32
      %cond3A_150 = arith.cmpi ne, %convert_element_type3A_148, %cond3A_149 : i32
      scf.if %cond3A_150 {
        %dma_wait3A = arith.constant 0 : i32
        %dma_wait3A_151 = arith.constant 0 : i32
        %dma_wait3A_152 = tpu.memref_slice %arg2[%dma_wait3A, %dma_wait3A_151] : memref<5120x128xf32, #tpu.memory_space<hbm>> -> memref<5120x128xf32, #tpu.memory_space<hbm>>
        tpu.wait_indirect_dma semaphore(%arg17 : memref<!tpu.dma_semaphore, #tpu.memory_space<semaphore_mem>>) src(%dma_wait3A_152 : memref<5120x128xf32, #tpu.memory_space<hbm>>) dst(%arg16 : memref<128x128xf32, #tpu.memory_space<vmem>>)
        %mul3A_153 = arith.constant 128 : i32
        %mul3A_154 = arith.muli %add3A_145, %mul3A_153 : i32
        "tpu.region"() ({
          %run_scoped3A = tpu.sem_alloc : memref<!tpu.dma_semaphore, #tpu.memory_space<semaphore_mem>>
          %dma_start3A = arith.constant 0 : i32
          %dma_start3A_155 = tpu.memref_slice %arg4[%mul3A_154, %dma_start3A] : memref<160000x128xf32, #tpu.memory_space<hbm>> -> memref<128x128xf32, #tpu.memory_space<hbm>>
          %dma_start3A_156 = arith.constant 0 : i32
          %dma_start3A_157 = tpu.memref_slice %arg4[%mul3A_154, %dma_start3A_156] : memref<160000x128xf32, #tpu.memory_space<hbm>> -> memref<128x128xf32, #tpu.memory_space<hbm>>
          tpu.enqueue_dma source(%arg16 : memref<128x128xf32, #tpu.memory_space<vmem>>) target(%dma_start3A_157 : memref<128x128xf32, #tpu.memory_space<hbm>>) target_semaphore(%run_scoped3A : memref<!tpu.dma_semaphore, #tpu.memory_space<semaphore_mem>>)
          %dma_wait3A_158 = arith.constant 0 : i32
          %dma_wait3A_159 = tpu.memref_slice %arg4[%mul3A_154, %dma_wait3A_158] : memref<160000x128xf32, #tpu.memory_space<hbm>> -> memref<128x128xf32, #tpu.memory_space<hbm>>
          %dma_wait3A_160 = arith.constant 0 : i32
          %dma_wait3A_161 = tpu.memref_slice %arg4[%mul3A_154, %dma_wait3A_160] : memref<160000x128xf32, #tpu.memory_space<hbm>> -> memref<128x128xf32, #tpu.memory_space<hbm>>
          tpu.wait_dma2 semaphore(%run_scoped3A : memref<!tpu.dma_semaphore, #tpu.memory_space<semaphore_mem>>) src(%arg16 : memref<128x128xf32, #tpu.memory_space<vmem>>) dst(%dma_wait3A_161 : memref<128x128xf32, #tpu.memory_space<hbm>>)
          tpu.yield
        }) : () -> ()
      } else {
      }
    }
    %scan3A_4 = arith.constant 7 : i32
    return
  }
}

module attributes {stable_mosaic.version = 14 : i64} {
  func.func @body(%arg0: i32, %arg1: memref<640x1xi32, #tpu.memory_space<vmem>>, %arg2: memref<640x1xi32, #tpu.memory_space<vmem>>, %arg3: memref<128x128xf32, #tpu.memory_space<vmem>>, %arg4: memref<640x128xf32, #tpu.memory_space<vmem>>, %arg5: memref<640x128xf32, #tpu.memory_space<vmem>>) attributes {dimension_semantics = [#tpu.dimension_semantics<arbitrary>], iteration_bounds = array<i64: 8>, scalar_prefetch = 0 : i64, scratch_operands = 0 : i64, tpu.core_type = #tpu.core_type<tc>, window_params = [{transform_indices = @transform_0, window_bounds = array<i64: 640, 1>}, {transform_indices = @transform_1, window_bounds = array<i64: 640, 1>}, {pipeline_mode = #tpu.pipeline_mode<synchronous>, transform_indices = @transform_2, window_bounds = array<i64: 128, 128>}, {transform_indices = @transform_3, window_bounds = array<i64: 640, 128>}, {transform_indices = @transform_4, window_bounds = array<i64: 640, 128>}]} {
    %iota3A = tpu.iota {dimensions = array<i32: 1>} : vector<640x128xi32>
    %get3A = arith.constant 0 : index
    %get3A_0 = arith.constant 0 : index
    %get3A_1 = vector.load %arg3[%get3A, %get3A_0] : memref<128x128xf32, #tpu.memory_space<vmem>>, vector<128x128xf32>
    %get3A_2 = arith.constant 0 : index
    %get3A_3 = arith.constant 0 : index
    %get3A_4 = vector.load %arg1[%get3A_2, %get3A_3] : memref<640x1xi32, #tpu.memory_space<vmem>>, vector<640x1xi32>
    %eq3A = vector.broadcast %get3A_4 : vector<640x1xi32> to vector<640x128xi32>
    %eq3A_5 = arith.cmpi eq, %eq3A, %iota3A : vector<640x128xi32>
    %convert_element_type3A = arith.extui %eq3A_5 : vector<640x128xi1> to vector<640x128xi32>
    %convert_element_type3A_6 = arith.sitofp %convert_element_type3A : vector<640x128xi32> to vector<640x128xf32>
    %dot_general3A = arith.constant dense<0.000000e+00> : vector<640x128xf32>
    %dot_general3A_7 = tpu.matmul %convert_element_type3A_6, %get3A_1, %dot_general3A {dimension_numbers = #tpu.dot_dimension_numbers<[1], [0], [0], [1], [0, 0, 1, 1], [], []>, transpose_lhs_hint = false} : vector<640x128xf32>, vector<128x128xf32>, vector<640x128xf32> -> vector<640x128xf32>
    %swap3A = arith.constant 0 : index
    %swap3A_8 = arith.constant 0 : index
    %swap3A_9 = vector.load %arg4[%swap3A, %swap3A_8] : memref<640x128xf32, #tpu.memory_space<vmem>>, vector<640x128xf32>
    tpu.vector_store %arg4[%swap3A, %swap3A_8], %dot_general3A_7 {strides = array<i32>} : memref<640x128xf32, #tpu.memory_space<vmem>>, vector<640x128xf32>,
    %get3A_10 = arith.constant 0 : index
    %get3A_11 = arith.constant 0 : index
    %get3A_12 = vector.load %arg2[%get3A_10, %get3A_11] : memref<640x1xi32, #tpu.memory_space<vmem>>, vector<640x1xi32>
    %eq3A_13 = vector.broadcast %get3A_12 : vector<640x1xi32> to vector<640x128xi32>
    %eq3A_14 = arith.cmpi eq, %eq3A_13, %iota3A : vector<640x128xi32>
    %convert_element_type3A_15 = arith.extui %eq3A_14 : vector<640x128xi1> to vector<640x128xi32>
    %convert_element_type3A_16 = arith.sitofp %convert_element_type3A_15 : vector<640x128xi32> to vector<640x128xf32>
    %dot_general3A_17 = arith.constant dense<0.000000e+00> : vector<640x128xf32>
    %dot_general3A_18 = tpu.matmul %convert_element_type3A_16, %get3A_1, %dot_general3A_17 {dimension_numbers = #tpu.dot_dimension_numbers<[1], [0], [0], [1], [0, 0, 1, 1], [], []>, transpose_lhs_hint = false} : vector<640x128xf32>, vector<128x128xf32>, vector<640x128xf32> -> vector<640x128xf32>
    %swap3A_19 = arith.constant 0 : index
    %swap3A_20 = arith.constant 0 : index
    %swap3A_21 = vector.load %arg5[%swap3A_19, %swap3A_20] : memref<640x128xf32, #tpu.memory_space<vmem>>, vector<640x128xf32>
    tpu.vector_store %arg5[%swap3A_19, %swap3A_20], %dot_general3A_18 {strides = array<i32>} : memref<640x128xf32, #tpu.memory_space<vmem>>, vector<640x128xf32>,
    return
  }
  func.func @transform_0(%arg0: i32) -> (i32, i32) {
    %c0_i32 = arith.constant 0 : i32
    %c0_i32_0 = arith.constant 0 : i32
    return %arg0, %c0_i32 : i32, i32
  }
  func.func @transform_1(%arg0: i32) -> (i32, i32) {
    %c0_i32 = arith.constant 0 : i32
    %c0_i32_0 = arith.constant 0 : i32
    return %arg0, %c0_i32 : i32, i32
  }
  func.func @transform_2(%arg0: i32) -> (i32, i32) {
    %c0_i32 = arith.constant 0 : i32
    %c0_i32_0 = arith.constant 0 : i32
    %c0_i32_1 = arith.constant 0 : i32
    return %c0_i32, %c0_i32_0 : i32, i32
  }
  func.func @transform_3(%arg0: i32) -> (i32, i32) {
    %c0_i32 = arith.constant 0 : i32
    %c0_i32_0 = arith.constant 0 : i32
    return %arg0, %c0_i32 : i32, i32
  }
  func.func @transform_4(%arg0: i32) -> (i32, i32) {
    %c0_i32 = arith.constant 0 : i32
    %c0_i32_0 = arith.constant 0 : i32
    return %arg0, %c0_i32 : i32, i32
  }
}

module attributes {stable_mosaic.version = 14 : i64} {
  func.func @body(%arg0: i32, %arg1: memref<640x128xf32, #tpu.memory_space<vmem>>, %arg2: memref<640x1xf32, #tpu.memory_space<vmem>>, %arg3: memref<128x768xbf16, #tpu.memory_space<vmem>>, %arg4: memref<640x128xf32, #tpu.memory_space<vmem>>) attributes {dimension_semantics = [#tpu.dimension_semantics<arbitrary>], iteration_bounds = array<i64: 250>, scalar_prefetch = 0 : i64, scratch_operands = 0 : i64, tpu.core_type = #tpu.core_type<tc>, window_params = [{transform_indices = @transform_0, window_bounds = array<i64: 640, 128>}, {transform_indices = @transform_1, window_bounds = array<i64: 640, 1>}, {pipeline_mode = #tpu.pipeline_mode<synchronous>, transform_indices = @transform_2, window_bounds = array<i64: 128, 768>}, {transform_indices = @transform_3, window_bounds = array<i64: 640, 128>}]} {
    %get3A = arith.constant 0 : index
    %get3A_0 = arith.constant 0 : index
    %get3A_1 = vector.load %arg1[%get3A, %get3A_0] : memref<640x128xf32, #tpu.memory_space<vmem>>, vector<640x128xf32>
    %convert_element_type3A = arith.truncf %get3A_1 : vector<640x128xf32> to vector<640x128xbf16>
    %get3A_2 = arith.constant 0 : index
    %get3A_3 = arith.constant 0 : index
    %get3A_4 = vector.load %arg2[%get3A_2, %get3A_3] : memref<640x1xf32, #tpu.memory_space<vmem>>, vector<640x1xf32>
    %get3A_5 = arith.constant 0 : index
    %get3A_6 = arith.constant 0 : index
    %get3A_7 = vector.load %arg3[%get3A_5, %get3A_6] : memref<128x768xbf16, #tpu.memory_space<vmem>>, vector<128x768xbf16>
    %dot_general3A = arith.constant dense<0.000000e+00> : vector<640x768xf32>
    %dot_general3A_8 = tpu.matmul %convert_element_type3A, %get3A_7, %dot_general3A {dimension_numbers = #tpu.dot_dimension_numbers<[1], [0], [0], [1], [0, 0, 1, 1], [], []>, transpose_lhs_hint = false} : vector<640x128xbf16>, vector<128x768xbf16>, vector<640x768xf32> -> vector<640x768xf32>
    %slice3A = vector.extract_strided_slice %dot_general3A_8 {offsets = [0, 640], sizes = [640, 128], strides = [1, 1]} : vector<640x768xf32> to vector<640x128xf32>
    %sub3A = arith.constant 0.000000e+00 : f32
    %sub3A_9 = vector.broadcast %sub3A : f32 to vector<640x1xf32>
    %sub3A_10 = arith.subf %get3A_4, %sub3A_9 : vector<640x1xf32>
    %integer_pow3A = arith.mulf %sub3A_10, %sub3A_10 : vector<640x1xf32>
    %mul3A = arith.constant -1.250000e-01 : f32
    %mul3A_11 = vector.broadcast %mul3A : f32 to vector<640x1xf32>
    %mul3A_12 = arith.mulf %mul3A_11, %integer_pow3A : vector<640x1xf32>
    %exp3A = math.exp %mul3A_12 : vector<640x1xf32>
    %slice3A_13 = vector.extract_strided_slice %dot_general3A_8 {offsets = [0, 0], sizes = [640, 128], strides = [1, 1]} : vector<640x768xf32> to vector<640x128xf32>
    %mul3A_14 = vector.broadcast %exp3A : vector<640x1xf32> to vector<640x128xf32>
    %mul3A_15 = arith.mulf %mul3A_14, %slice3A_13 : vector<640x128xf32>
    %add3A = arith.addf %slice3A, %mul3A_15 : vector<640x128xf32>
    %sub3A_16 = arith.constant 2.000000e+00 : f32
    %sub3A_17 = vector.broadcast %sub3A_16 : f32 to vector<640x1xf32>
    %sub3A_18 = arith.subf %get3A_4, %sub3A_17 : vector<640x1xf32>
    %integer_pow3A_19 = arith.mulf %sub3A_18, %sub3A_18 : vector<640x1xf32>
    %mul3A_20 = arith.constant -1.250000e-01 : f32
    %mul3A_21 = vector.broadcast %mul3A_20 : f32 to vector<640x1xf32>
    %mul3A_22 = arith.mulf %mul3A_21, %integer_pow3A_19 : vector<640x1xf32>
    %exp3A_23 = math.exp %mul3A_22 : vector<640x1xf32>
    %slice3A_24 = vector.extract_strided_slice %dot_general3A_8 {offsets = [0, 128], sizes = [640, 128], strides = [1, 1]} : vector<640x768xf32> to vector<640x128xf32>
    %mul3A_25 = vector.broadcast %exp3A_23 : vector<640x1xf32> to vector<640x128xf32>
    %mul3A_26 = arith.mulf %mul3A_25, %slice3A_24 : vector<640x128xf32>
    %add3A_27 = arith.addf %add3A, %mul3A_26 : vector<640x128xf32>
    %sub3A_28 = arith.constant 4.000000e+00 : f32
    %sub3A_29 = vector.broadcast %sub3A_28 : f32 to vector<640x1xf32>
    %sub3A_30 = arith.subf %get3A_4, %sub3A_29 : vector<640x1xf32>
    %integer_pow3A_31 = arith.mulf %sub3A_30, %sub3A_30 : vector<640x1xf32>
    %mul3A_32 = arith.constant -1.250000e-01 : f32
    %mul3A_33 = vector.broadcast %mul3A_32 : f32 to vector<640x1xf32>
    %mul3A_34 = arith.mulf %mul3A_33, %integer_pow3A_31 : vector<640x1xf32>
    %exp3A_35 = math.exp %mul3A_34 : vector<640x1xf32>
    %slice3A_36 = vector.extract_strided_slice %dot_general3A_8 {offsets = [0, 256], sizes = [640, 128], strides = [1, 1]} : vector<640x768xf32> to vector<640x128xf32>
    %mul3A_37 = vector.broadcast %exp3A_35 : vector<640x1xf32> to vector<640x128xf32>
    %mul3A_38 = arith.mulf %mul3A_37, %slice3A_36 : vector<640x128xf32>
    %add3A_39 = arith.addf %add3A_27, %mul3A_38 : vector<640x128xf32>
    %sub3A_40 = arith.constant 6.000000e+00 : f32
    %sub3A_41 = vector.broadcast %sub3A_40 : f32 to vector<640x1xf32>
    %sub3A_42 = arith.subf %get3A_4, %sub3A_41 : vector<640x1xf32>
    %integer_pow3A_43 = arith.mulf %sub3A_42, %sub3A_42 : vector<640x1xf32>
    %mul3A_44 = arith.constant -1.250000e-01 : f32
    %mul3A_45 = vector.broadcast %mul3A_44 : f32 to vector<640x1xf32>
    %mul3A_46 = arith.mulf %mul3A_45, %integer_pow3A_43 : vector<640x1xf32>
    %exp3A_47 = math.exp %mul3A_46 : vector<640x1xf32>
    %slice3A_48 = vector.extract_strided_slice %dot_general3A_8 {offsets = [0, 384], sizes = [640, 128], strides = [1, 1]} : vector<640x768xf32> to vector<640x128xf32>
    %mul3A_49 = vector.broadcast %exp3A_47 : vector<640x1xf32> to vector<640x128xf32>
    %mul3A_50 = arith.mulf %mul3A_49, %slice3A_48 : vector<640x128xf32>
    %add3A_51 = arith.addf %add3A_39, %mul3A_50 : vector<640x128xf32>
    %sub3A_52 = arith.constant 8.000000e+00 : f32
    %sub3A_53 = vector.broadcast %sub3A_52 : f32 to vector<640x1xf32>
    %sub3A_54 = arith.subf %get3A_4, %sub3A_53 : vector<640x1xf32>
    %integer_pow3A_55 = arith.mulf %sub3A_54, %sub3A_54 : vector<640x1xf32>
    %mul3A_56 = arith.constant -1.250000e-01 : f32
    %mul3A_57 = vector.broadcast %mul3A_56 : f32 to vector<640x1xf32>
    %mul3A_58 = arith.mulf %mul3A_57, %integer_pow3A_55 : vector<640x1xf32>
    %exp3A_59 = math.exp %mul3A_58 : vector<640x1xf32>
    %slice3A_60 = vector.extract_strided_slice %dot_general3A_8 {offsets = [0, 512], sizes = [640, 128], strides = [1, 1]} : vector<640x768xf32> to vector<640x128xf32>
    %mul3A_61 = vector.broadcast %exp3A_59 : vector<640x1xf32> to vector<640x128xf32>
    %mul3A_62 = arith.mulf %mul3A_61, %slice3A_60 : vector<640x128xf32>
    %add3A_63 = arith.addf %add3A_51, %mul3A_62 : vector<640x128xf32>
    %logistic3A = arith.negf %add3A_63 : vector<640x128xf32>
    %logistic3A_64 = math.exp %logistic3A : vector<640x128xf32>
    %logistic3A_65 = arith.constant 1.000000e+00 : f32
    %logistic3A_66 = vector.broadcast %logistic3A_65 : f32 to vector<640x128xf32>
    %logistic3A_67 = arith.addf %logistic3A_66, %logistic3A_64 : vector<640x128xf32>
    %logistic3A_68 = arith.divf %logistic3A_66, %logistic3A_67 : vector<640x128xf32>
    %mul3A_69 = arith.mulf %add3A_63, %logistic3A_68 : vector<640x128xf32>
    %swap3A = arith.constant 0 : index
    %swap3A_70 = arith.constant 0 : index
    %swap3A_71 = vector.load %arg4[%swap3A, %swap3A_70] : memref<640x128xf32, #tpu.memory_space<vmem>>, vector<640x128xf32>
    tpu.vector_store %arg4[%swap3A, %swap3A_70], %mul3A_69 {strides = array<i32>} : memref<640x128xf32, #tpu.memory_space<vmem>>, vector<640x128xf32>,
    return
  }
  func.func @transform_0(%arg0: i32) -> (i32, i32) {
    %c0_i32 = arith.constant 0 : i32
    %c0_i32_0 = arith.constant 0 : i32
    return %arg0, %c0_i32 : i32, i32
  }
  func.func @transform_1(%arg0: i32) -> (i32, i32) {
    %c0_i32 = arith.constant 0 : i32
    %c0_i32_0 = arith.constant 0 : i32
    return %arg0, %c0_i32 : i32, i32
  }
  func.func @transform_2(%arg0: i32) -> (i32, i32) {
    %c0_i32 = arith.constant 0 : i32
    %c0_i32_0 = arith.constant 0 : i32
    %c0_i32_1 = arith.constant 0 : i32
    return %c0_i32, %c0_i32_0 : i32, i32
  }
  func.func @transform_3(%arg0: i32) -> (i32, i32) {
    %c0_i32 = arith.constant 0 : i32
    %c0_i32_0 = arith.constant 0 : i32
    return %arg0, %c0_i32 : i32, i32
  }
}

module attributes {stable_mosaic.version = 14 : i64} {
  func.func @body(%arg0: i32, %arg1: memref<640x128xf32, #tpu.memory_space<vmem>>, %arg2: memref<640x128xf32, #tpu.memory_space<vmem>>, %arg3: memref<640x128xf32, #tpu.memory_space<vmem>>, %arg4: memref<640x128xf32, #tpu.memory_space<vmem>>, %arg5: memref<640x128xf32, #tpu.memory_space<vmem>>, %arg6: memref<640x128xf32, #tpu.memory_space<vmem>>, %arg7: memref<640x128xf32, #tpu.memory_space<vmem>>, %arg8: memref<640x128xf32, #tpu.memory_space<vmem>>) attributes {dimension_semantics = [#tpu.dimension_semantics<arbitrary>], iteration_bounds = array<i64: 8>, scalar_prefetch = 0 : i64, scratch_operands = 0 : i64, tpu.core_type = #tpu.core_type<tc>, window_params = [{transform_indices = @transform_0, window_bounds = array<i64: 640, 128>}, {transform_indices = @transform_1, window_bounds = array<i64: 640, 128>}, {transform_indices = @transform_2, window_bounds = array<i64: 640, 128>}, {transform_indices = @transform_3, window_bounds = array<i64: 640, 128>}, {transform_indices = @transform_4, window_bounds = array<i64: 640, 128>}, {transform_indices = @transform_5, window_bounds = array<i64: 640, 128>}, {transform_indices = @transform_6, window_bounds = array<i64: 640, 128>}, {transform_indices = @transform_7, window_bounds = array<i64: 640, 128>}]} {
    %get3A = arith.constant 0 : index
    %get3A_0 = arith.constant 0 : index
    %get3A_1 = vector.load %arg1[%get3A, %get3A_0] : memref<640x128xf32, #tpu.memory_space<vmem>>, vector<640x128xf32>
    %get3A_2 = arith.constant 0 : index
    %get3A_3 = arith.constant 0 : index
    %get3A_4 = vector.load %arg2[%get3A_2, %get3A_3] : memref<640x128xf32, #tpu.memory_space<vmem>>, vector<640x128xf32>
    %add3A = arith.addf %get3A_1, %get3A_4 : vector<640x128xf32>
    %get3A_5 = arith.constant 0 : index
    %get3A_6 = arith.constant 0 : index
    %get3A_7 = vector.load %arg3[%get3A_5, %get3A_6] : memref<640x128xf32, #tpu.memory_space<vmem>>, vector<640x128xf32>
    %add3A_8 = arith.addf %add3A, %get3A_7 : vector<640x128xf32>
    %swap3A = arith.constant 0 : index
    %swap3A_9 = arith.constant 0 : index
    %swap3A_10 = vector.load %arg7[%swap3A, %swap3A_9] : memref<640x128xf32, #tpu.memory_space<vmem>>, vector<640x128xf32>
    tpu.vector_store %arg7[%swap3A, %swap3A_9], %add3A_8 {strides = array<i32>} : memref<640x128xf32, #tpu.memory_space<vmem>>, vector<640x128xf32>,
    %get3A_11 = arith.constant 0 : index
    %get3A_12 = arith.constant 0 : index
    %get3A_13 = vector.load %arg4[%get3A_11, %get3A_12] : memref<640x128xf32, #tpu.memory_space<vmem>>, vector<640x128xf32>
    %get3A_14 = arith.constant 0 : index
    %get3A_15 = arith.constant 0 : index
    %get3A_16 = vector.load %arg5[%get3A_14, %get3A_15] : memref<640x128xf32, #tpu.memory_space<vmem>>, vector<640x128xf32>
    %add3A_17 = arith.addf %get3A_13, %get3A_16 : vector<640x128xf32>
    %get3A_18 = arith.constant 0 : index
    %get3A_19 = arith.constant 0 : index
    %get3A_20 = vector.load %arg6[%get3A_18, %get3A_19] : memref<640x128xf32, #tpu.memory_space<vmem>>, vector<640x128xf32>
    %add3A_21 = arith.addf %add3A_17, %get3A_20 : vector<640x128xf32>
    %swap3A_22 = arith.constant 0 : index
    %swap3A_23 = arith.constant 0 : index
    %swap3A_24 = vector.load %arg8[%swap3A_22, %swap3A_23] : memref<640x128xf32, #tpu.memory_space<vmem>>, vector<640x128xf32>
    tpu.vector_store %arg8[%swap3A_22, %swap3A_23], %add3A_21 {strides = array<i32>} : memref<640x128xf32, #tpu.memory_space<vmem>>, vector<640x128xf32>,
    return
  }
  func.func @transform_0(%arg0: i32) -> (i32, i32) {
    %c0_i32 = arith.constant 0 : i32
    %c0_i32_0 = arith.constant 0 : i32
    return %arg0, %c0_i32 : i32, i32
  }
  func.func @transform_1(%arg0: i32) -> (i32, i32) {
    %c0_i32 = arith.constant 0 : i32
    %c0_i32_0 = arith.constant 0 : i32
    return %arg0, %c0_i32 : i32, i32
  }
  func.func @transform_2(%arg0: i32) -> (i32, i32) {
    %c0_i32 = arith.constant 0 : i32
    %c0_i32_0 = arith.constant 0 : i32
    return %arg0, %c0_i32 : i32, i32
  }
  func.func @transform_3(%arg0: i32) -> (i32, i32) {
    %c0_i32 = arith.constant 0 : i32
    %c0_i32_0 = arith.constant 0 : i32
    return %arg0, %c0_i32 : i32, i32
  }
  func.func @transform_4(%arg0: i32) -> (i32, i32) {
    %c0_i32 = arith.constant 0 : i32
    %c0_i32_0 = arith.constant 0 : i32
    return %arg0, %c0_i32 : i32, i32
  }
  func.func @transform_5(%arg0: i32) -> (i32, i32) {
    %c0_i32 = arith.constant 0 : i32
    %c0_i32_0 = arith.constant 0 : i32
    return %arg0, %c0_i32 : i32, i32
  }
  func.func @transform_6(%arg0: i32) -> (i32, i32) {
    %c0_i32 = arith.constant 0 : i32
    %c0_i32_0 = arith.constant 0 : i32
    return %arg0, %c0_i32 : i32, i32
  }
  func.func @transform_7(%arg0: i32) -> (i32, i32) {
    %c0_i32 = arith.constant 0 : i32
    %c0_i32_0 = arith.constant 0 : i32
    return %arg0, %c0_i32 : i32, i32
  }
}

module attributes {stable_mosaic.version = 14 : i64} {
  func.func @body(%arg0: i32, %arg1: memref<1000x128xf32, #tpu.memory_space<vmem>>, %arg2: memref<1000x128xf32, #tpu.memory_space<vmem>>, %arg3: memref<1000x128xf32, #tpu.memory_space<vmem>>, %arg4: memref<1000x128xf32, #tpu.memory_space<vmem>>, %arg5: memref<1000x128xf32, #tpu.memory_space<vmem>>, %arg6: memref<1000x128xf32, #tpu.memory_space<vmem>>, %arg7: memref<128x1xf32, #tpu.memory_space<vmem>>, %arg8: memref<1x1xf32, #tpu.memory_space<smem>>, %arg9: memref<1x1xf32, #tpu.memory_space<smem>>) attributes {dimension_semantics = [#tpu.dimension_semantics<arbitrary>], iteration_bounds = array<i64: 5>, scalar_prefetch = 0 : i64, scratch_operands = 0 : i64, tpu.core_type = #tpu.core_type<tc>, window_params = [{transform_indices = @transform_0, window_bounds = array<i64: 1000, 128>}, {transform_indices = @transform_1, window_bounds = array<i64: 1000, 128>}, {transform_indices = @transform_2, window_bounds = array<i64: 1000, 128>}, {transform_indices = @transform_3, window_bounds = array<i64: 1000, 128>}, {transform_indices = @transform_4, window_bounds = array<i64: 1000, 128>}, {transform_indices = @transform_5, window_bounds = array<i64: 1000, 128>}, {pipeline_mode = #tpu.pipeline_mode<synchronous>, transform_indices = @transform_6, window_bounds = array<i64: 128, 1>}, {transform_indices = @transform_7, window_bounds = array<i64: 1, 1>}, {transform_indices = @transform_8, window_bounds = array<i64: 1, 1>}]} {
    %get3A = arith.constant 0 : index
    %get3A_0 = arith.constant 0 : index
    %get3A_1 = vector.load %arg1[%get3A, %get3A_0] : memref<1000x128xf32, #tpu.memory_space<vmem>>, vector<1000x128xf32>
    %get3A_2 = arith.constant 0 : index
    %get3A_3 = arith.constant 0 : index
    %get3A_4 = vector.load %arg2[%get3A_2, %get3A_3] : memref<1000x128xf32, #tpu.memory_space<vmem>>, vector<1000x128xf32>
    %add3A = arith.addf %get3A_1, %get3A_4 : vector<1000x128xf32>
    %get3A_5 = arith.constant 0 : index
    %get3A_6 = arith.constant 0 : index
    %get3A_7 = vector.load %arg3[%get3A_5, %get3A_6] : memref<1000x128xf32, #tpu.memory_space<vmem>>, vector<1000x128xf32>
    %add3A_8 = arith.addf %add3A, %get3A_7 : vector<1000x128xf32>
    %get3A_9 = arith.constant 0 : index
    %get3A_10 = arith.constant 0 : index
    %get3A_11 = vector.load %arg4[%get3A_9, %get3A_10] : memref<1000x128xf32, #tpu.memory_space<vmem>>, vector<1000x128xf32>
    %get3A_12 = arith.constant 0 : index
    %get3A_13 = arith.constant 0 : index
    %get3A_14 = vector.load %arg5[%get3A_12, %get3A_13] : memref<1000x128xf32, #tpu.memory_space<vmem>>, vector<1000x128xf32>
    %add3A_15 = arith.addf %get3A_11, %get3A_14 : vector<1000x128xf32>
    %get3A_16 = arith.constant 0 : index
    %get3A_17 = arith.constant 0 : index
    %get3A_18 = vector.load %arg6[%get3A_16, %get3A_17] : memref<1000x128xf32, #tpu.memory_space<vmem>>, vector<1000x128xf32>
    %add3A_19 = arith.addf %add3A_15, %get3A_18 : vector<1000x128xf32>
    %concatenate3A = tpu.concatenate %add3A_8, %add3A_19 in 0 : vector<1000x128xf32>, vector<1000x128xf32> -> vector<2000x128xf32>
    %get3A_20 = arith.constant 0 : index
    %get3A_21 = arith.constant 0 : index
    %get3A_22 = vector.load %arg7[%get3A_20, %get3A_21] : memref<128x1xf32, #tpu.memory_space<vmem>>, vector<128x1xf32>
    %dot_general3A = arith.constant dense<0.000000e+00> : vector<2000x1xf32>
    %dot_general3A_23 = tpu.matmul %concatenate3A, %get3A_22, %dot_general3A {dimension_numbers = #tpu.dot_dimension_numbers<[1], [0], [0], [1], [0, 0, 1, 1], [], []>, transpose_lhs_hint = false} : vector<2000x128xf32>, vector<128x1xf32>, vector<2000x1xf32> -> vector<2000x1xf32>
    %get3A_24 = arith.constant 0 : index
    %get3A_25 = arith.constant 0 : index
    %get3A_26 = memref.load %arg8[%get3A_24, %get3A_25] : memref<1x1xf32, #tpu.memory_space<smem>>
    %add3A_27 = vector.broadcast %get3A_26 : f32 to vector<2000x1xf32>
    %add3A_28 = arith.addf %dot_general3A_23, %add3A_27 : vector<2000x1xf32>
    %logistic3A = arith.negf %add3A_28 : vector<2000x1xf32>
    %logistic3A_29 = math.exp %logistic3A : vector<2000x1xf32>
    %logistic3A_30 = arith.constant 1.000000e+00 : f32
    %logistic3A_31 = vector.broadcast %logistic3A_30 : f32 to vector<2000x1xf32>
    %logistic3A_32 = arith.addf %logistic3A_31, %logistic3A_29 : vector<2000x1xf32>
    %logistic3A_33 = arith.divf %logistic3A_31, %logistic3A_32 : vector<2000x1xf32>
    %mul3A = arith.mulf %add3A_28, %logistic3A_33 : vector<2000x1xf32>
    %reduce_sum3A = vector.shape_cast %mul3A : vector<2000x1xf32> to vector<1x2000x1xf32>
    %reduce_sum3A_34 = arith.constant dense<0.000000e+00> : vector<1xf32>
    %reduce_sum3A_35 = vector.multi_reduction <add>, %reduce_sum3A, %reduce_sum3A_34 [1, 2] : vector<1x2000x1xf32> to vector<1xf32>
    %reduce_sum3A_36 = vector.shape_cast %reduce_sum3A_35 : vector<1xf32> to vector<1x1x1xf32>
    %reduce_sum3A_37 = vector.extract %reduce_sum3A_36[0, 0, 0] : f32 from vector<1x1x1xf32>
    %eq3A = arith.constant 0 : i32
    %eq3A_38 = arith.cmpi eq, %arg0, %eq3A : i32
    %convert_element_type3A = arith.extui %eq3A_38 : i1 to i32
    %cond3A = arith.constant 0 : i32
    %cond3A_39 = arith.cmpi ne, %convert_element_type3A, %cond3A : i32
    scf.if %cond3A_39 {
      %swap3A_46 = arith.constant 0.000000e+00 : f32
      %swap3A_47 = arith.constant 0 : index
      %swap3A_48 = arith.constant 0 : index
      %swap3A_49 = memref.load %arg9[%swap3A_47, %swap3A_48] : memref<1x1xf32, #tpu.memory_space<smem>>
      memref.store %swap3A_46, %arg9[%swap3A_47, %swap3A_48] : memref<1x1xf32, #tpu.memory_space<smem>>
    } else {
    }
    %get3A_40 = arith.constant 0 : index
    %get3A_41 = arith.constant 0 : index
    %get3A_42 = memref.load %arg9[%get3A_40, %get3A_41] : memref<1x1xf32, #tpu.memory_space<smem>>
    %add3A_43 = arith.addf %get3A_42, %reduce_sum3A_37 : f32
    %swap3A = arith.constant 0 : index
    %swap3A_44 = arith.constant 0 : index
    %swap3A_45 = memref.load %arg9[%swap3A, %swap3A_44] : memref<1x1xf32, #tpu.memory_space<smem>>
    memref.store %add3A_43, %arg9[%swap3A, %swap3A_44] : memref<1x1xf32, #tpu.memory_space<smem>>
    return
  }
  func.func @transform_0(%arg0: i32) -> (i32, i32) {
    %c0_i32 = arith.constant 0 : i32
    %c0_i32_0 = arith.constant 0 : i32
    return %arg0, %c0_i32 : i32, i32
  }
  func.func @transform_1(%arg0: i32) -> (i32, i32) {
    %c0_i32 = arith.constant 0 : i32
    %c0_i32_0 = arith.constant 0 : i32
    return %arg0, %c0_i32 : i32, i32
  }
  func.func @transform_2(%arg0: i32) -> (i32, i32) {
    %c0_i32 = arith.constant 0 : i32
    %c0_i32_0 = arith.constant 0 : i32
    return %arg0, %c0_i32 : i32, i32
  }
  func.func @transform_3(%arg0: i32) -> (i32, i32) {
    %c0_i32 = arith.constant 0 : i32
    %c0_i32_0 = arith.constant 0 : i32
    return %arg0, %c0_i32 : i32, i32
  }
  func.func @transform_4(%arg0: i32) -> (i32, i32) {
    %c0_i32 = arith.constant 0 : i32
    %c0_i32_0 = arith.constant 0 : i32
    return %arg0, %c0_i32 : i32, i32
  }
  func.func @transform_5(%arg0: i32) -> (i32, i32) {
    %c0_i32 = arith.constant 0 : i32
    %c0_i32_0 = arith.constant 0 : i32
    return %arg0, %c0_i32 : i32, i32
  }
  func.func @transform_6(%arg0: i32) -> (i32, i32) {
    %c0_i32 = arith.constant 0 : i32
    %c0_i32_0 = arith.constant 0 : i32
    %c0_i32_1 = arith.constant 0 : i32
    return %c0_i32, %c0_i32_0 : i32, i32
  }
  func.func @transform_7(%arg0: i32) -> (i32, i32) {
    %c0_i32 = arith.constant 0 : i32
    %c0_i32_0 = arith.constant 0 : i32
    %c0_i32_1 = arith.constant 0 : i32
    return %c0_i32, %c0_i32_0 : i32, i32
  }
  func.func @transform_8(%arg0: i32) -> (i32, i32) {
    %c0_i32 = arith.constant 0 : i32
    %c0_i32_0 = arith.constant 0 : i32
    %c0_i32_1 = arith.constant 0 : i32
    return %c0_i32, %c0_i32_0 : i32, i32
  }
}

</mosaic_0001>

<sc_bundles>
// kernel: kernel.17.cloned.1.call-start
scs
__scs_entry_jumppad:
0x0: {  	(pc) =	sbr.rel $0x88, $3  }
0x1: {  	(tag) =	ssettag $0x0;
	lr =	simm.s32 $0x1  }
0x2: {  	[smem:$0x3F94] =	sst lr;
	_ =	strace $0xD0000000  }
0x3: {  	_ = 	snop  }
0x4: {  	_ = 	snop  }
0x5: {  	_ = 	snop  }
0x6: {  	_ = 	snop  }
0x7: {  	_ = 	snop  }
__scs_overlays_trampoline_lowered:
0x8: {  	[smem:$0x3FA3] =	sst s0  }
0x9: {  	[smem:$0x3FA4] =	sst s1  }
0xa: {  	[smem:$0x3FA5] =	sst s2  }
0xb: {  	[smem:$0x3FA6] =	sst s3  }
0xc: {  	[smem:$0x3FA7] =	sst s4  }
0xd: {  	[smem:$0x3FA8] =	sst s5  }
0xe: {  	[smem:$0x3FA9] =	sst s6  }
0xf: {  	[smem:$0x3FAA] =	sst s7  }
0x10: {  	[smem:$0x3FAB] =	sst s8  }
0x11: {  	[smem:$0x3FAC] =	sst s9;
	s0 =	simm.s32 @!p0 $0x0  }
0x12: {  	s1 =	sld [smem:$0x3F92];
	s0 =	simm.s32 @p0 $0x1  }
0x13: {  	[smem:$0x3FAD] =	sst s0;
	s0 =	simm.s32 @!p1 $0x0  }
0x14: {  	s2 =	sld [smem:$0x3F91];
	s0 =	simm.s32 @p1 $0x1  }
0x15: {  	[smem:$0x3FAE] =	sst s0;
	s0 =	simm.s32 @!p2 $0x0  }
0x16: {  	s3 =	sld [smem:$0x3FDB];
	s0 =	simm.s32 @p2 $0x1  }
0x17: {  	s4 =	simm.s32 $0x1BF5;
	[smem:$0x3FB0] =	sst s0  }
0x18: {  	s0 =	sld [smem:$0x3F93];
	_ =	swait.ge [sflag:s4], $0x0  }
0x19: {  	s7 =	sld [smem:$0x3F94]  }
0x1a: {  	s8 =	sadd.s32 $0xFFFFE003, lr  }
0x1b: {  	s9 =	sadd.s32 $0xFFFFFEF7, lr;
	s5 =	simm.s32 $0xFFFFFFFF;
	p2 =	slt.u32 s8, $0xFFFFF086  }
0x1c: {  	p1 =	slt.u32 s9, $0xF7A;
	s5 =	simm.s32 @!p2 $0x0  }
0x1d: {  	s5 =	simm.s32 @p1 $0x1;
	p0 =	seq.s32 s7, s2  }
0x1e: {  	s7 =	smul.u32 @!p0 $0xF7A, s2;
	p2 =	seq.s32 @!p0 s5, $0x0  }
0x1f: {  	s9 =	smul.u32 $0xF7A, s1;
	s8 =	simm.s32 @!p0 $0x1BF5;
	p2 =	por !p2, p0  }
0x20: {  	[sflag:s8] =	ssyncset.s32 @!p0 $0xFFFFF086;
	s6 =	sadd.s32 @!p0 s3, s7;
	s7 =	simm.s32 @!p0 $0x108  }
0x21: {  	s3 =	sadd.s32 s3, s9;
	s6 =	sadd.s32 @!p0 $0x88, s6;
	s7 =	simm.s32 @p2 $0x1082  }
0x22: {  	[simem:s7], [sflag:s8] =	dma.local @!p0 [hbm:s6], $0xF7A  }
0x23: {  	s9 =	sor.u32 $0xD0000000, s2;
	s6 =	simm.s32 $0x108;
	_ =	swait.ge @!p0 [sflag:s8], $0x0  }
0x24: {  	s3 =	sadd.s32 $0x88, s3;
	s6 =	simm.s32 @!p1 $0x1082;
	[sflag:s4] =	ssyncset.s32 $0xFFFFF086  }
0x25: {  	[simem:s6], [sflag:s4] =	dma.local [hbm:s3], $0xF7A  }
0x26: {  	[smem:$0x3F94] =	sst s1;
	(tag) =	ssettag s2;
	_ =	strace s9  }
0x27: {  	s1 =	sld [smem:$0x3FA4]  }
0x28: {  	s2 =	sld [smem:$0x3FA5]  }
0x29: {  	s4 =	sld [smem:$0x3FA7]  }
0x2a: {  	p0 =	seq.s32 s5, $0x0;
	s5 =	sld [smem:$0x3FA8]  }
0x2b: {  	s6 =	sld [smem:$0x3FA9]  }
0x2c: {  	s7 =	sld [smem:$0x3FAA]  }
0x2d: {  	s3 =	simm.s32 $0x108;
	s8 =	sld [smem:$0x3FAB]  }
0x2e: {  	s3 =	simm.s32 @!p0 $0x1082;
	s9 =	sld [smem:$0x3FAC]  }
0x2f: {  	lr =	sadd.s32 s0, s3;
	s0 =	sld [smem:$0x3FA3]  }
0x30: {  	s3 =	sld [smem:$0x3FA6]  }
0x31: {  	[smem:$0x3FAF] =	sst s10  }
0x32: {  	s10 =	sld [smem:$0x3FAD];
	_ =	sdelay $0x3  }
0x33: {  	p0 =	seq.s32 s10, $0x1;
	s10 =	sld [smem:$0x3FAF];
	_ =	sdelay $0x3  }
0x34: {  	[smem:$0x3FAF] =	sst s10  }
0x35: {  	s10 =	sld [smem:$0x3FAE];
	_ =	sdelay $0x3  }
0x36: {  	p1 =	seq.s32 s10, $0x1;
	s10 =	sld [smem:$0x3FAF];
	_ =	sdelay $0x3  }
0x37: {  	[smem:$0x3FAF] =	sst s10  }
0x38: {  	s10 =	sld [smem:$0x3FB0]  }
0x39: {  	_ = 	snop;
	(pc) =	sbr.ind lr, $3  }
0x3a: {  	_ = 	snop  }
0x3b: {  	_ = 	snop  }
0x3c: {  	p2 =	seq.s32 s10, $0x1;
	s10 =	sld [smem:$0x3FAF]  }
0x3d: {  	_ =	shalt  }
0x3e: {  	_ =	shalt  }
0x3f: {  	_ =	shalt  }
0x40: {  	_ =	shalt  }
0x41: {  	_ =	shalt  }
0x42: {  	_ =	shalt  }
0x43: {  	_ =	shalt  }
0x44: {  	_ =	shalt  }
0x45: {  	_ =	shalt  }
0x46: {  	_ =	shalt  }
0x47: {  	_ =	shalt  }
0x48: {  	_ =	shalt  }
0x49: {  	_ =	shalt  }
0x4a: {  	_ =	shalt  }
0x4b: {  	_ =	shalt  }
0x4c: {  	_ =	shalt  }
0x4d: {  	_ =	shalt  }
0x4e: {  	_ =	shalt  }
0x4f: {  	_ =	shalt  }
0x50: {  	_ =	shalt  }
0x51: {  	_ =	shalt  }
0x52: {  	_ =	shalt  }
0x53: {  	_ =	shalt  }
0x54: {  	_ =	shalt  }
0x55: {  	_ =	shalt  }
0x56: {  	_ =	shalt  }
0x57: {  	_ =	shalt  }
0x58: {  	_ =	shalt  }
0x59: {  	_ =	shalt  }
0x5a: {  	_ =	shalt  }
0x5b: {  	_ =	shalt  }
0x5c: {  	_ =	shalt  }
0x5d: {  	_ =	shalt  }
0x5e: {  	_ =	shalt  }
0x5f: {  	_ =	shalt  }
0x60: {  	_ =	shalt  }
0x61: {  	_ =	shalt  }
0x62: {  	_ =	shalt  }
0x63: {  	_ =	shalt  }
0x64: {  	_ =	shalt  }
0x65: {  	_ =	shalt  }
0x66: {  	_ =	shalt  }
0x67: {  	_ =	shalt  }
0x68: {  	_ =	shalt  }
0x69: {  	_ =	shalt  }
0x6a: {  	_ =	shalt  }
0x6b: {  	_ =	shalt  }
0x6c: {  	_ =	shalt  }
0x6d: {  	_ =	shalt  }
0x6e: {  	_ =	shalt  }
0x6f: {  	_ =	shalt  }
0x70: {  	_ =	shalt  }
0x71: {  	_ =	shalt  }
0x72: {  	_ =	shalt  }
0x73: {  	_ =	shalt  }
0x74: {  	_ =	shalt  }
0x75: {  	_ =	shalt  }
0x76: {  	_ =	shalt  }
0x77: {  	_ =	shalt  }
0x78: {  	_ =	shalt  }
0x79: {  	_ =	shalt  }
0x7a: {  	_ =	shalt  }
0x7b: {  	_ =	shalt  }
0x7c: {  	_ =	shalt  }
0x7d: {  	_ =	shalt  }
0x7e: {  	_ =	shalt  }
0x7f: {  	_ =	shalt  }
0x80: {  	_ =	shalt  }
0x81: {  	_ =	shalt  }
0x82: {  	_ =	shalt  }
0x83: {  	_ =	shalt  }
0x84: {  	_ =	shalt  }
0x85: {  	_ =	shalt  }
0x86: {  	_ =	shalt  }
0x87: {  	_ =	shalt  }
.Lfunc_end0:
.L_simem_size_0:
called_computation_lowered:
.L_overlay_start_0:
0x88: {  	s2 =	sld [smem:$0x3FD9]  }
0x89: {  	s3 =	sld [smem:$0x3FFE];
	_ =	sdelay $0x1  }
0x8a: {  	s1 =	srdreg.scid  }
0x8b: {  	s0 =	sand.u32 $0x1, s1  }
0x8c: {  	s17 =	sshll.u32 s0, $0xA;
	s2 =	sadd.s32 s3, s2  }
0x8d: {  	s2 =	sadd.s32 s2, s17  }
0x8e: {  	[smem:$0x3FBB] =	sst s2  }
0x8f: {  	_ = 	snop  }
0x90: {  	s2 =	sld [smem:$0x3FC7];
	(tm) =	ssettm $0x1  }
0x91: {  	s18 =	sld [smem:$0x3FFB];
	_ =	sdelay $0x3  }
0x92: {  	_ =	strace s18  }
0x93: {  	s3 =	sld [smem:$0x3FFC];
	_ =	sdelay $0x3  }
0x94: {  	_ =	strace s3  }
0x95: {  	s3 =	sld [smem:$0x3FFD];
	_ =	sdelay $0x3  }
0x96: {  	_ =	strace s3  }
0x97: {  	_ =	strace $0x8FFFFFFF  }
0x98: {  	s19 =	sld [smem:$0x3FDB];
	_ =	sdelay $0x1  }
0x99: {  	s4 =	simm.s32 $_scs_section_size  }
0x9a: {  	s5 =	simm.s32 $_size__tile_overlayer_lowered;
	s6 =	simm.s32 $_tile_overlayer_lowered  }
0x9b: {  	s22 =	simm.s32 $0x1BFF;
	s21 =	sshll.u32 s6, $0x1;
	s3 =	sadd.s32 s4, s19  }
0x9c: {  	s7 =	simm.s32 $0x0;
	s20 =	sshll.u32 s5, $0x1;
	s5 =	sadd.s32 s21, s3  }
0x9d: {  	[timem:s7], [sflag:s22] =	dma.local [hbm:s5], s20  }
0x9e: {  	_ =	swait.ge [sflag:s22], s20  }
0x9f: {  	s4 =	ssub.s32 $0x0, s20;
	[sflag:s22] =	ssyncset.done $0x0  }
0xa0: {  	[sflag:s22] =	ssyncadd.s32 s4;
	_ =	sdelay $0x1  }
0xa1: {  	s23 =	simm.s32 $0x1B8B  }
0xa2: {  	_ =	swait.ge [sflag:s23], $0x1  }
0xa3: {  	[sflag:s23] =	ssyncset.done $0x0  }
0xa4: {  	s25 =	simm.s32 $0x1B8E;
	s24 =	sld [smem:$0x3FFE];
	[sflag:s23] =	ssyncadd.s32 $0xFFFFFFFF  }
0xa5: {  	s26 =	simm.s32 $execute0_lowered;
	[smem:$0x3FD2] =	sst s25  }
0xa6: {  	s5 =	sshll.u32 s26, $0x1;
	_ =	strace $0x80000046;
	[dreg:$0x1] =	wrdreg $0xFFFFFFFF  }
0xa7: {  	s28 =	simm.s32 $_size_execute0_lowered;
	s3 =	sadd.s32 s3, s5;
	[dreg:$0x0] =	wrdreg $0x0  }
0xa8: {  	s5 =	sshll.u32 s28, $0x1;
	[dreg:$0x2] =	wrdreg s3  }
0xa9: {  	[dreg:$0x3] =	wrdreg s5  }
0xaa: {  	[dreg:$0x4] =	wrdreg $0xC0  }
0xab: {  	_ =	task [dreg:s7], $0x5FFFF  }
0xac: {  	[dreg:$0x1] =	wrdreg $0xFFFFFFFF  }
0xad: {  	[dreg:$0x0] =	wrdreg $0x60  }
0xae: {  	[dreg:$0x2] =	wrdreg s24  }
0xaf: {  	[dreg:$0x3] =	wrdreg s2  }
0xb0: {  	[dreg:$0x4] =	wrdreg $0xA  }
0xb1: {  	_ =	task.clear_ibuf [dreg:s7], $0x5FFFF;
	_ =	strace $0x90000046  }
0xb2: {  	s29 =	simm.s32 $0xA;
	_ =	strace $0x80000048  }
0xb3: {  	_ =	swait.ge [sflag:s29], $0x1  }
0xb4: {  	[sflag:s29] =	ssyncadd.s32 $0xFFFFFFFF  }
0xb5: {  	_ =	strace $0x90000048  }
0xb6: {  	_ =	sfence  }
0xb7: {  	s30 =	sld [smem:$0x0];
	_ =	sdelay $0x2  }
0xb8: {  	s31 =	sshll.u32 s1, $0xD;
	s1 =	sshrl.u32 s1, $0x2  }
0xb9: {  	s3 =	sand.u32 $0x4000, s31;
	s1 =	sadd.s32 s1, s30  }
0xba: {  	s0 =	sor.u32 s3, s0;
	s1 =	sshll.u32 s1, $0x11  }
0xbb: {  	s0 =	sor.u32 s1, s0  }
0xbc: {  	s0 =	sadd.s32 $0x8F2B, s0  }
0xbd: {  	[sflag:s0] =	ssyncadd.remote.s32 $0x1  }
0xbe: {  	_ =	sfence.sel $0xFFFF  }
0xbf: {  	[dreg:$0x0] =	wrdreg $0xFFFFFFFF;
	(pc) =	sbr.abs _section_cstart, $3  }
0xc0: {  	[dreg:$0x1] =	wrdreg $0xFFFFFFFF  }
0xc1: {  	_ =	task.clear_ibuf [dreg:s7], $0x2FFFF;
	_ =	strace $0x9FFFFFFF  }
0xc2: {  	(tm) =	ssettm $0x7FFFFFFF  }
0xc3: {  	_ =	shalt  }
tec
execute0_lowered:
.L_overlay_start_1:
0x0: {  	(tag) =	ssettag $0x1  }
0x1: {  	s0 =	rddreg [dreg:$0x0]  }
0x2: {  	s2 =	rddreg [dreg:$0x1]  }
0x3: {  	s1 =	simm.s32 $0x0;
	s3 =	srdreg.scid;
	s8 =	stileid.u32  }
0x4: {  	[smem:$0x7FF] =	sst s1;
	s4 =	sand.u32 $0x1, s3;
	s19 =	sadd.s32 $0x5600, s0  }
0x5: {  	s6 =	sshll.u32 s8, $0xC;
	s21 =	sshll.u32 s8, $0x1;
	s22 =	sshll.u32 s8, $0x5  }
0x6: {  	_ =	strace $0x80000047;
	s5 =	ssub.s32 $0x2, s4;
	[dreg:$0x4] =	wrdreg s19  }
0x7: {  	s0 =	sadd.s32 s6, s0;
	s20 =	sshll.u32 s4, $0xB;
	s23 =	sor.u32 s4, s21  }
0x8: {  	s4 =	sshll.u32 s4, $0x4;
	s7 =	sshrl.u32 s5, $0x1;
	s0 =	sadd.s32 s20, s0  }
0x9: {  	s6 =	sshll.u32 s23, $0x4;
	s5 =	ssub.s32 s5, s7;
	s0 =	sadd.s32 $0x2D600, s0  }
0xa: {  	s7 =	sor.u32 $0xA0, s23;
	s25 =	sor.u32 $0x800, s6;
	s28 =	sor.u32 $0x600, s6  }
0xb: {  	s29 =	sor.u32 $0x400, s6;
	s6 =	sor.u32 $0x200, s6;
	[dreg:$0x3] =	wrdreg s0  }
0xc: {  	s5 =	smax.u32 s5, $0x1;
	s0 =	sor.u32 s4, s22;
	[dreg:$0x6] =	wrdreg s7  }
0xd: {  	s24 =	sshll.u32 s7, $0x4;
	s8 =	sand.u32 $0x980, s25;
	s6 =	sand.u32 $0x380, s6  }
0xe: {  	[dreg:$0x5] =	wrdreg s5;
	s3 =	sand.u32 $0x70, s0;
	s26 =	sadd.s32 s8, s2  }
0xf: {  	s4 =	sand.u32 $0xB80, s24;
	s31 =	sadd.s32 s6, s2;
	[dreg:$0x8] =	wrdreg s26  }
0x10: {  	s0 =	sand.u32 $0x180, s0;
	s4 =	sadd.s32 s4, s2;
	[dreg:$0xb] =	wrdreg s31  }
0x11: {  	s0 =	sadd.s32 s0, s2;
	[dreg:$0x7] =	wrdreg s4;
	s4 =	sand.u32 $0x780, s28  }
0x12: {  	s30 =	sand.u32 $0x580, s29;
	[dreg:$0xc] =	wrdreg s0;
	s4 =	sadd.s32 s4, s2  }
0x13: {  	[dreg:$0x9] =	wrdreg s4;
	s4 =	sadd.s32 s30, s2  }
0x14: {  	s14 =	simm.s32 $0x3;
	s1 =	simm.s32 $0x0;
	[dreg:$0xa] =	wrdreg s4  }
.LBB2_1:
0x15: {  	s31 =	rddreg [dreg:$0xc]  }
0x16: {  	[dreg:$0xd] =	wrdreg s1;
	s5 =	simm.s32 $0x0;
	s0 =	sadd.s32 s31, s3  }
0x17: {  	[tilespmem:s5], [sflag:$0x3] =	stream.linear.gather [hbm4b:s0+s5], $0x80, $0x38;
	[tilespmem:$0x18300] =	vst v63  }
0x18: {  	_ =	swait.ge [sflag:s14], $0x80  }
0x19: {  	s4 =	simm.s32 $0x80;
	[sflag:s14] =	ssyncset.done $0x0;
	s7 =	rddreg [dreg:$0x4]  }
0x1a: {  	s26 =	simm.s32 $0x300;
	s21 =	rddreg [dreg:$0xb];
	[sflag:s14] =	ssyncadd.s32 $0xFFFFFF80  }
0x1b: {  	[tilespmem:s26], [sflag:$0x1] =	stream.indirect.gather [hbm4b:s7+s4], $0x80, s5, s4, $0xb8;
	[tilespmem:$0x18300] =	vst v63  }
0x1c: {  	s17 =	sadd.s32 s21, s3  }
0x1d: {  	[tilespmem:s4], [sflag:$0x3] =	stream.linear.gather [hbm4b:s17+s5], $0x80, $0x38;
	[tilespmem:$0x18300] =	vst v63  }
0x1e: {  	_ =	swait.ge [sflag:s14], $0x80  }
0x1f: {  	[sflag:s14] =	ssyncset.done $0x0  }
0x20: {  	s22 =	simm.s32 $0x4300;
	s19 =	rddreg [dreg:$0xa];
	[sflag:s14] =	ssyncadd.s32 $0xFFFFFF80  }
0x21: {  	[tilespmem:s22], [sflag:$0x1] =	stream.indirect.gather [hbm4b:s7+s4], $0x80, s4, s4, $0xb8;
	[tilespmem:$0x18300] =	vst v63  }
0x22: {  	s6 =	simm.s32 $0x100;
	s18 =	sadd.s32 s19, s3  }
0x23: {  	[tilespmem:s6], [sflag:$0x3] =	stream.linear.gather [hbm4b:s18+s5], $0x80, $0x38;
	[tilespmem:$0x18300] =	vst v63  }
0x24: {  	_ =	swait.ge [sflag:s14], $0x80  }
0x25: {  	s15 =	rddreg [dreg:$0x6]  }
0x26: {  	[sflag:s14] =	ssyncset.done $0x0;
	s20 =	sadd.s32 $0xFFFFFFC0, s15  }
0x27: {  	s11 =	simm.s32 $0x8300;
	[sflag:s14] =	ssyncadd.s32 $0xFFFFFF80;
	p1 =	sgt.u32 s20, $0x4E1  }
0x28: {  	[tilespmem:s11], [sflag:$0x1] =	stream.indirect.gather [hbm4b:s7+s4], $0x80, s6, s4, $0xb8;
	[tilespmem:$0x18300] =	vst v63  }
0x29: {  	s18 =	rddreg [dreg:$0x9];
	s23 =	sadd.s32 $0xFFFFFFE0, s15;
	s2 =	simm.s32 @!p1 $0x180  }
0x2a: {  	s0 =	simm.s32 @!p1 $0x3;
	s6 =	sadd.s32 @!p1 s18, s3;
	s4 =	simm.s32 @!p1 $0x0  }
0x2b: {  	[tilespmem:s2], [sflag:$0x3] =	stream.linear.gather @!p1 [hbm4b:s6+s4], $0x80, $0x38;
	[tilespmem:$0x18300] =	vst v63  }
0x2c: {  	p2 =	sgt.u32 s23, $0x4E1;
	_ =	swait.ge @!p1 [sflag:s0], $0x80  }
0x2d: {  	s8 =	simm.s32 @!p1 $0x80;
	s9 =	simm.s32 @!p1 $0xC300;
	[sflag:s0] =	ssyncset.done @!p1 $0x0  }
0x2e: {  	s10 =	simm.s32 @!p2 $0x200;
	s17 =	rddreg [dreg:$0x8];
	[sflag:s0] =	ssyncadd.s32 @!p1 $0xFFFFFF80  }
0x2f: {  	[tilespmem:s9], [sflag:$0x1] =	stream.indirect.gather @!p1 [hbm4b:s7+s8], $0x80, s2, s8, $0xb8;
	[tilespmem:$0x18300] =	vst v63  }
0x30: {  	s6 =	sadd.s32 @!p2 s17, s3;
	s2 =	simm.s32 @!p2 $0x3;
	s8 =	simm.s32 @!p2 $0x0  }
0x31: {  	[tilespmem:s10], [sflag:$0x3] =	stream.linear.gather @!p2 [hbm4b:s6+s8], $0x80, $0x38;
	[tilespmem:$0x18300] =	vst v63  }
0x32: {  	p0 =	sgt.u32 s15, $0x4E1;
	_ =	swait.ge @!p2 [sflag:s2], $0x80  }
0x33: {  	s13 =	simm.s32 @!p0 $0x280;
	s20 =	simm.s32 @!p2 $0x10300;
	[sflag:s2] =	ssyncset.done @!p2 $0x0  }
0x34: {  	s6 =	simm.s32 @!p2 $0x80;
	s16 =	rddreg [dreg:$0x7];
	[sflag:s2] =	ssyncadd.s32 @!p2 $0xFFFFFF80  }
0x35: {  	[tilespmem:s20], [sflag:$0x1] =	stream.indirect.gather @!p2 [hbm4b:s7+s6], $0x80, s10, s6, $0xb8;
	[tilespmem:$0x18300] =	vst v63  }
0x36: {  	s12 =	sadd.s32 @!p0 s16, s3;
	s10 =	simm.s32 @!p0 $0x3;
	s6 =	simm.s32 @!p0 $0x0  }
0x37: {  	[tilespmem:s13], [sflag:$0x3] =	stream.linear.gather @!p0 [hbm4b:s12+s6], $0x80, $0x38;
	[tilespmem:$0x18300] =	vst v63  }
0x38: {  	_ =	swait.ge @!p0 [sflag:s10], $0x80  }
0x39: {  	s24 =	simm.s32 $0x1;
	[sflag:s10] =	ssyncset.done @!p0 $0x0  }
0x3a: {  	s12 =	simm.s32 @!p0 $0x80;
	[sflag:s10] =	ssyncadd.s32 @!p0 $0xFFFFFF80;
	s10 =	simm.s32 @!p0 $0x14300  }
0x3b: {  	[tilespmem:s10], [sflag:$0x1] =	stream.indirect.gather @!p0 [hbm4b:s7+s12], $0x80, s13, s12, $0xb8;
	[tilespmem:$0x18300] =	vst v63  }
0x3c: {  	_ =	swait.ge [sflag:s24], $0x4000  }
0x3d: {  	[sflag:s24] =	ssyncset.done $0x0;
	s23 =	rddreg [dreg:$0x3]  }
0x3e: {  	s25 =	sadd.s32 $0x0, s23;
	[sflag:s24] =	ssyncadd.s32 $0xFFFFC000  }
0x3f: {  	[hbm4b:s25+s5] =	stream.linear.scatter [tilespmem:s26], [sflag:$0x3], $0x4000, $0x38;
	[tilespmem:$0x18300] =	vst v63  }
0x40: {  	_ =	swait.ge [sflag:s14], $0x4000  }
0x41: {  	[sflag:s14] =	ssyncset.done $0x0  }
0x42: {  	[sflag:s14] =	ssyncadd.s32 $0xFFFFC000  }
0x43: {  	_ =	swait.ge [sflag:s24], $0x4000  }
0x44: {  	[sflag:s24] =	ssyncset.done $0x0  }
0x45: {  	s26 =	sadd.s32 $0x10000, s25;
	[sflag:s24] =	ssyncadd.s32 $0xFFFFC000  }
0x46: {  	[hbm4b:s26+s5] =	stream.linear.scatter [tilespmem:s22], [sflag:$0x3], $0x4000, $0x38;
	[tilespmem:$0x18300] =	vst v63  }
0x47: {  	_ =	swait.ge [sflag:s14], $0x4000  }
0x48: {  	[sflag:s14] =	ssyncset.done $0x0  }
0x49: {  	[sflag:s14] =	ssyncadd.s32 $0xFFFFC000  }
0x4a: {  	_ =	swait.ge [sflag:s24], $0x4000  }
0x4b: {  	[sflag:s24] =	ssyncset.done $0x0  }
0x4c: {  	s12 =	sadd.s32 $0x20000, s25;
	[sflag:s24] =	ssyncadd.s32 $0xFFFFC000  }
0x4d: {  	[hbm4b:s12+s5] =	stream.linear.scatter [tilespmem:s11], [sflag:$0x3], $0x4000, $0x38;
	[tilespmem:$0x18300] =	vst v63  }
0x4e: {  	_ =	swait.ge [sflag:s14], $0x4000  }
0x4f: {  	[sflag:s14] =	ssyncset.done $0x0  }
0x50: {  	s12 =	simm.s32 @!p1 $0x1;
	[sflag:s14] =	ssyncadd.s32 $0xFFFFC000  }
0x51: {  	_ =	swait.ge @!p1 [sflag:s12], $0x4000  }
0x52: {  	s13 =	sadd.s32 @!p1 $0x0, s23;
	[sflag:s12] =	ssyncset.done @!p1 $0x0  }
0x53: {  	s13 =	sadd.s32 @!p1 $0x30000, s13;
	[sflag:s12] =	ssyncadd.s32 @!p1 $0xFFFFC000  }
0x54: {  	[hbm4b:s13+s4] =	stream.linear.scatter @!p1 [tilespmem:s9], [sflag:$0x3], $0x4000, $0x38;
	[tilespmem:$0x18300] =	vst v63  }
0x55: {  	_ =	swait.ge @!p1 [sflag:s0], $0x4000  }
0x56: {  	[sflag:s0] =	ssyncset.done @!p1 $0x0  }
0x57: {  	s4 =	simm.s32 @!p2 $0x1;
	[sflag:s0] =	ssyncadd.s32 @!p1 $0xFFFFC000  }
0x58: {  	_ =	swait.ge @!p2 [sflag:s4], $0x4000  }
0x59: {  	s0 =	sadd.s32 @!p2 $0x0, s23;
	[sflag:s4] =	ssyncset.done @!p2 $0x0  }
0x5a: {  	s30 =	simm.s32 $0xC0000;
	s0 =	sadd.s32 @!p2 $0x40000, s0;
	[sflag:s4] =	ssyncadd.s32 @!p2 $0xFFFFC000  }
0x5b: {  	[hbm4b:s0+s8] =	stream.linear.scatter @!p2 [tilespmem:s20], [sflag:$0x3], $0x4000, $0x38;
	[tilespmem:$0x18300] =	vst v63  }
0x5c: {  	s31 =	sadd.s32 $0xC00, s31;
	s29 =	sadd.s32 $0xC00, s21;
	_ =	swait.ge @!p2 [sflag:s2], $0x4000  }
0x5d: {  	s28 =	sadd.s32 $0xC00, s19;
	s25 =	sadd.s32 $0xC00, s17;
	[sflag:s2] =	ssyncset.done @!p2 $0x0  }
0x5e: {  	s22 =	simm.s32 $0x60000;
	s0 =	simm.s32 @!p0 $0x1;
	[sflag:s2] =	ssyncadd.s32 @!p2 $0xFFFFC000  }
0x5f: {  	s26 =	sadd.s32 $0xC00, s18;
	s24 =	sadd.s32 $0xC0, s15;
	_ =	swait.ge @!p0 [sflag:s0], $0x4000  }
0x60: {  	s2 =	sadd.s32 @!p0 $0x0, s23;
	s23 =	sadd.s32 $0xC00, s16;
	[sflag:s0] =	ssyncset.done @!p0 $0x0  }
0x61: {  	s2 =	sadd.s32 @!p0 $0x50000, s2;
	[sflag:s0] =	ssyncadd.s32 @!p0 $0xFFFFC000;
	s0 =	simm.s32 @!p0 $0x2  }
0x62: {  	[hbm4b:s2+s6] =	stream.linear.scatter @!p0 [tilespmem:s10], [sflag:$0x2], $0x4000, $0x38;
	[tilespmem:$0x18300] =	vst v63  }
.LBB2_2:
0x63: {  	_ =	swait.ge @!p0 [sflag:s0], $0x4000  }
0x64: {  	[sflag:s0] =	ssyncset.done @!p0 $0x0  }
0x65: {  	s2 =	sadd.s32 s31, s3;
	s5 =	simm.s32 $0x0;
	[sflag:s0] =	ssyncadd.s32 @!p0 $0xFFFFC000  }
0x66: {  	[tilespmem:s5], [sflag:$0x3] =	stream.linear.gather [hbm4b:s2+s5], $0x80, $0x38;
	[tilespmem:$0x18300] =	vst v63  }
0x67: {  	_ =	swait.ge [sflag:s14], $0x80  }
0x68: {  	s4 =	simm.s32 $0x80;
	[sflag:s14] =	ssyncset.done $0x0  }
0x69: {  	s1 =	simm.s32 $0x300;
	s7 =	rddreg [dreg:$0x4];
	[sflag:s14] =	ssyncadd.s32 $0xFFFFFF80  }
0x6a: {  	[tilespmem:s1], [sflag:$0x1] =	stream.indirect.gather [hbm4b:s7+s4], $0x80, s5, s4, $0xb8;
	[tilespmem:$0x18300] =	vst v63  }
0x6b: {  	s11 =	sadd.s32 s29, s3  }
0x6c: {  	[tilespmem:s4], [sflag:$0x3] =	stream.linear.gather [hbm4b:s11+s5], $0x80, $0x38;
	[tilespmem:$0x18300] =	vst v63  }
0x6d: {  	_ =	swait.ge [sflag:s14], $0x80  }
0x6e: {  	[sflag:s14] =	ssyncset.done $0x0  }
0x6f: {  	s12 =	simm.s32 $0x4300;
	[sflag:s14] =	ssyncadd.s32 $0xFFFFFF80  }
0x70: {  	[tilespmem:s12], [sflag:$0x1] =	stream.indirect.gather [hbm4b:s7+s4], $0x80, s4, s4, $0xb8;
	[tilespmem:$0x18300] =	vst v63  }
0x71: {  	s13 =	sadd.s32 s28, s3;
	s8 =	simm.s32 $0x100  }
0x72: {  	[tilespmem:s8], [sflag:$0x3] =	stream.linear.gather [hbm4b:s13+s5], $0x80, $0x38;
	[tilespmem:$0x18300] =	vst v63  }
0x73: {  	s15 =	sadd.s32 $0xFFFFFFC0, s24;
	s16 =	sadd.s32 $0xFFFFFFE0, s24;
	_ =	swait.ge [sflag:s14], $0x80  }
0x74: {  	p2 =	sgt.u32 s15, $0x4E1;
	p3 =	sgt.u32 s16, $0x4E1;
	[sflag:s14] =	ssyncset.done $0x0  }
0x75: {  	s6 =	simm.s32 @!p2 $0x180;
	s11 =	simm.s32 $0x8300;
	[sflag:s14] =	ssyncadd.s32 $0xFFFFFF80  }
0x76: {  	[tilespmem:s11], [sflag:$0x1] =	stream.indirect.gather [hbm4b:s7+s4], $0x80, s8, s4, $0xb8;
	[tilespmem:$0x18300] =	vst v63  }
0x77: {  	s0 =	simm.s32 @!p2 $0x3;
	s8 =	sadd.s32 @!p2 s26, s3;
	s4 =	simm.s32 @!p2 $0x0  }
0x78: {  	[tilespmem:s6], [sflag:$0x3] =	stream.linear.gather @!p2 [hbm4b:s8+s4], $0x80, $0x38;
	[tilespmem:$0x18300] =	vst v63  }
0x79: {  	s2 =	simm.s32 @!p3 $0x3;
	s20 =	rddreg [dreg:$0x3];
	_ =	swait.ge @!p2 [sflag:s0], $0x80  }
0x7a: {  	s12 =	sadd.s32 @!p3 s25, s3;
	s10 =	sadd.s32 @!p2 s22, s20;
	[sflag:s0] =	ssyncset.done @!p2 $0x0  }
0x7b: {  	s8 =	simm.s32 @!p2 $0x80;
	s4 =	simm.s32 @!p2 $0xC300;
	[sflag:s0] =	ssyncadd.s32 @!p2 $0xFFFFFF80  }
0x7c: {  	[tilespmem:s4], [sflag:$0x1] =	stream.indirect.gather @!p2 [hbm4b:s7+s8], $0x80, s6, s8, $0xb8;
	[tilespmem:$0x18300] =	vst v63  }
0x7d: {  	s13 =	sadd.s32 @!p2 $0x30000, s10;
	s10 =	simm.s32 @!p3 $0x0;
	s8 =	simm.s32 @!p3 $0x200  }
0x7e: {  	[tilespmem:s8], [sflag:$0x3] =	stream.linear.gather @!p3 [hbm4b:s12+s10], $0x80, $0x38;
	[tilespmem:$0x18300] =	vst v63  }
0x7f: {  	p0 =	sgt.u32 s24, $0x4E1;
	_ =	swait.ge @!p3 [sflag:s2], $0x80  }
0x80: {  	s21 =	sadd.s32 @!p0 s23, s3;
	[sflag:s2] =	ssyncset.done @!p3 $0x0  }
0x81: {  	s6 =	simm.s32 @!p3 $0x10300;
	s12 =	simm.s32 @!p3 $0x80;
	[sflag:s2] =	ssyncadd.s32 @!p3 $0xFFFFFF80  }
0x82: {  	[tilespmem:s6], [sflag:$0x1] =	stream.indirect.gather @!p3 [hbm4b:s7+s12], $0x80, s8, s12, $0xb8;
	[tilespmem:$0x18300] =	vst v63  }
0x83: {  	s17 =	simm.s32 @!p0 $0x3;
	s18 =	simm.s32 @!p0 $0x280;
	s8 =	simm.s32 @!p0 $0x0  }
0x84: {  	[tilespmem:s18], [sflag:$0x3] =	stream.linear.gather @!p0 [hbm4b:s21+s8], $0x80, $0x38;
	[tilespmem:$0x18300] =	vst v63  }
0x85: {  	_ =	swait.ge @!p0 [sflag:s17], $0x80  }
0x86: {  	[sflag:s17] =	ssyncset.done @!p0 $0x0  }
0x87: {  	s15 =	simm.s32 @!p0 $0x80;
	s12 =	simm.s32 @!p0 $0x14300;
	[sflag:s17] =	ssyncadd.s32 @!p0 $0xFFFFFF80  }
0x88: {  	[tilespmem:s12], [sflag:$0x1] =	stream.indirect.gather @!p0 [hbm4b:s7+s15], $0x80, s18, s15, $0xb8;
	[tilespmem:$0x18300] =	vst v63  }
0x89: {  	s7 =	simm.s32 $0x1  }
0x8a: {  	_ =	swait.ge [sflag:s7], $0x4000  }
0x8b: {  	[sflag:s7] =	ssyncset.done $0x0  }
0x8c: {  	s17 =	sadd.s32 s22, s20;
	[sflag:s7] =	ssyncadd.s32 $0xFFFFC000  }
0x8d: {  	[hbm4b:s17+s5] =	stream.linear.scatter [tilespmem:s1], [sflag:$0x3], $0x4000, $0x38;
	[tilespmem:$0x18300] =	vst v63  }
0x8e: {  	_ =	swait.ge [sflag:s14], $0x4000  }
0x8f: {  	[sflag:s14] =	ssyncset.done $0x0  }
0x90: {  	[sflag:s14] =	ssyncadd.s32 $0xFFFFC000  }
0x91: {  	s19 =	sadd.s32 @!p0 s22, s20;
	_ =	swait.ge [sflag:s7], $0x4000  }
0x92: {  	s21 =	sadd.s32 @!p0 $0x50000, s19;
	[sflag:s7] =	ssyncset.done $0x0  }
0x93: {  	s19 =	simm.s32 $0x4300;
	s18 =	sadd.s32 $0x10000, s17;
	[sflag:s7] =	ssyncadd.s32 $0xFFFFC000  }
0x94: {  	[hbm4b:s18+s5] =	stream.linear.scatter [tilespmem:s19], [sflag:$0x3], $0x4000, $0x38;
	[tilespmem:$0x18300] =	vst v63  }
0x95: {  	_ =	swait.ge [sflag:s14], $0x4000  }
0x96: {  	[sflag:s14] =	ssyncset.done $0x0  }
0x97: {  	[sflag:s14] =	ssyncadd.s32 $0xFFFFC000  }
0x98: {  	_ =	swait.ge [sflag:s7], $0x4000  }
0x99: {  	[sflag:s7] =	ssyncset.done $0x0  }
0x9a: {  	s16 =	sadd.s32 @!p3 s22, s20;
	s20 =	sadd.s32 $0x20000, s17;
	[sflag:s7] =	ssyncadd.s32 $0xFFFFC000  }
0x9b: {  	[hbm4b:s20+s5] =	stream.linear.scatter [tilespmem:s11], [sflag:$0x3], $0x4000, $0x38;
	[tilespmem:$0x18300] =	vst v63  }
0x9c: {  	_ =	swait.ge [sflag:s14], $0x4000  }
0x9d: {  	s9 =	smov.u32 s30;
	[sflag:s14] =	ssyncset.done $0x0  }
0x9e: {  	s22 =	smov.u32 s9;
	s9 =	simm.s32 @!p2 $0x1;
	[sflag:s14] =	ssyncadd.s32 $0xFFFFC000  }
0x9f: {  	_ =	swait.ge @!p2 [sflag:s9], $0x4000  }
0xa0: {  	[sflag:s9] =	ssyncset.done @!p2 $0x0  }
0xa1: {  	s1 =	simm.s32 @!p2 $0x0;
	[sflag:s9] =	ssyncadd.s32 @!p2 $0xFFFFC000  }
0xa2: {  	[hbm4b:s13+s1] =	stream.linear.scatter @!p2 [tilespmem:s4], [sflag:$0x3], $0x4000, $0x38;
	[tilespmem:$0x18300] =	vst v63  }
0xa3: {  	_ =	swait.ge @!p2 [sflag:s0], $0x4000  }
0xa4: {  	[sflag:s0] =	ssyncset.done @!p2 $0x0  }
0xa5: {  	s4 =	simm.s32 @!p3 $0x1;
	[sflag:s0] =	ssyncadd.s32 @!p2 $0xFFFFC000  }
0xa6: {  	_ =	swait.ge @!p3 [sflag:s4], $0x4000  }
0xa7: {  	[sflag:s4] =	ssyncset.done @!p3 $0x0  }
0xa8: {  	s16 =	sadd.s32 @!p3 $0x40000, s16;
	[sflag:s4] =	ssyncadd.s32 @!p3 $0xFFFFC000  }
0xa9: {  	[hbm4b:s16+s10] =	stream.linear.scatter @!p3 [tilespmem:s6], [sflag:$0x3], $0x4000, $0x38;
	[tilespmem:$0x18300] =	vst v63  }
0xaa: {  	s30 =	sadd.s32 $0x60000, s30;
	s29 =	sadd.s32 $0xC00, s29;
	_ =	swait.ge @!p3 [sflag:s2], $0x4000  }
0xab: {  	s28 =	sadd.s32 $0xC00, s28;
	p1 =	sne.s32 s30, $0x2A0000;
	[sflag:s2] =	ssyncset.done @!p3 $0x0  }
.Ltmp0:
0xac: {  	s4 =	simm.s32 @!p0 $0x1;
	[sflag:s2] =	ssyncadd.s32 @!p3 $0xFFFFC000;
	(pc) =	sbr.rel @p1 .LBB2_2-.Ltmp0, $4  }
0xad: {  	s31 =	sadd.s32 $0xC00, s31;
	s24 =	sadd.s32 $0xC0, s24;
	_ =	swait.ge @!p0 [sflag:s4], $0x4000  }
0xae: {  	s23 =	sadd.s32 $0xC00, s23;
	s25 =	sadd.s32 $0xC00, s25;
	[sflag:s4] =	ssyncset.done @!p0 $0x0  }
0xaf: {  	s26 =	sadd.s32 $0xC00, s26;
	s0 =	simm.s32 @!p0 $0x2;
	[sflag:s4] =	ssyncadd.s32 @!p0 $0xFFFFC000  }
0xb0: {  	[hbm4b:s21+s8] =	stream.linear.scatter @!p0 [tilespmem:s12], [sflag:$0x2], $0x4000, $0x38;
	[tilespmem:$0x18300] =	vst v63  }
0xb1: {  	_ =	swait.ge @!p0 [sflag:s0], $0x4000  }
0xb2: {  	[sflag:s0] =	ssyncset.done @!p0 $0x0  }
0xb3: {  	s2 =	sadd.s32 s31, s3;
	s5 =	simm.s32 $0x0;
	[sflag:s0] =	ssyncadd.s32 @!p0 $0xFFFFC000  }
0xb4: {  	[tilespmem:s5], [sflag:$0x3] =	stream.linear.gather [hbm4b:s2+s5], $0x80, $0x38;
	[tilespmem:$0x18300] =	vst v63  }
0xb5: {  	_ =	swait.ge [sflag:s14], $0x80  }
0xb6: {  	s4 =	simm.s32 $0x80;
	[sflag:s14] =	ssyncset.done $0x0  }
0xb7: {  	s1 =	simm.s32 $0x300;
	s7 =	rddreg [dreg:$0x4];
	[sflag:s14] =	ssyncadd.s32 $0xFFFFFF80  }
0xb8: {  	[tilespmem:s1], [sflag:$0x1] =	stream.indirect.gather [hbm4b:s7+s4], $0x80, s5, s4, $0xb8;
	[tilespmem:$0x18300] =	vst v63  }
0xb9: {  	s18 =	sadd.s32 s29, s3  }
0xba: {  	[tilespmem:s4], [sflag:$0x3] =	stream.linear.gather [hbm4b:s18+s5], $0x80, $0x38;
	[tilespmem:$0x18300] =	vst v63  }
0xbb: {  	_ =	swait.ge [sflag:s14], $0x80  }
0xbc: {  	[sflag:s14] =	ssyncset.done $0x0  }
0xbd: {  	s17 =	simm.s32 $0x4300;
	[sflag:s14] =	ssyncadd.s32 $0xFFFFFF80  }
0xbe: {  	[tilespmem:s17], [sflag:$0x1] =	stream.indirect.gather [hbm4b:s7+s4], $0x80, s4, s4, $0xb8;
	[tilespmem:$0x18300] =	vst v63  }
0xbf: {  	s19 =	sadd.s32 s28, s3;
	s6 =	simm.s32 $0x100  }
0xc0: {  	[tilespmem:s6], [sflag:$0x3] =	stream.linear.gather [hbm4b:s19+s5], $0x80, $0x38;
	[tilespmem:$0x18300] =	vst v63  }
0xc1: {  	s20 =	sadd.s32 $0xFFFFFFC0, s24;
	_ =	swait.ge [sflag:s14], $0x80  }
0xc2: {  	s11 =	simm.s32 $0x8300;
	p0 =	sgt.u32 s20, $0x4E1;
	[sflag:s14] =	ssyncset.done $0x0  }
0xc3: {  	s21 =	sadd.s32 $0xFFFFFFE0, s24;
	s2 =	simm.s32 @!p0 $0x180;
	[sflag:s14] =	ssyncadd.s32 $0xFFFFFF80  }
0xc4: {  	[tilespmem:s11], [sflag:$0x1] =	stream.indirect.gather [hbm4b:s7+s4], $0x80, s6, s4, $0xb8;
	[tilespmem:$0x18300] =	vst v63  }
0xc5: {  	s0 =	simm.s32 @!p0 $0x3;
	s6 =	sadd.s32 @!p0 s26, s3;
	s4 =	simm.s32 @!p0 $0x0  }
0xc6: {  	[tilespmem:s2], [sflag:$0x3] =	stream.linear.gather @!p0 [hbm4b:s6+s4], $0x80, $0x38;
	[tilespmem:$0x18300] =	vst v63  }
0xc7: {  	p2 =	sgt.u32 s21, $0x4E1;
	_ =	swait.ge @!p0 [sflag:s0], $0x80  }
0xc8: {  	s9 =	sadd.s32 @!p2 s25, s3;
	[sflag:s0] =	ssyncset.done @!p0 $0x0  }
0xc9: {  	s8 =	simm.s32 @!p0 $0x80;
	s6 =	simm.s32 @!p0 $0xC300;
	[sflag:s0] =	ssyncadd.s32 @!p0 $0xFFFFFF80  }
0xca: {  	[tilespmem:s6], [sflag:$0x1] =	stream.indirect.gather @!p0 [hbm4b:s7+s8], $0x80, s2, s8, $0xb8;
	[tilespmem:$0x18300] =	vst v63  }
0xcb: {  	s10 =	simm.s32 @!p2 $0x200;
	s2 =	simm.s32 @!p2 $0x3;
	s8 =	simm.s32 @!p2 $0x0  }
0xcc: {  	[tilespmem:s10], [sflag:$0x3] =	stream.linear.gather @!p2 [hbm4b:s9+s8], $0x80, $0x38;
	[tilespmem:$0x18300] =	vst v63  }
0xcd: {  	p1 =	sgt.u32 s24, $0x4E1;
	_ =	swait.ge @!p2 [sflag:s2], $0x80  }
0xce: {  	s12 =	sadd.s32 @!p1 s23, s3;
	[sflag:s2] =	ssyncset.done @!p2 $0x0  }
0xcf: {  	s16 =	simm.s32 @!p2 $0x10300;
	s9 =	simm.s32 @!p2 $0x80;
	[sflag:s2] =	ssyncadd.s32 @!p2 $0xFFFFFF80  }
0xd0: {  	[tilespmem:s16], [sflag:$0x1] =	stream.indirect.gather @!p2 [hbm4b:s7+s9], $0x80, s10, s9, $0xb8;
	[tilespmem:$0x18300] =	vst v63  }
0xd1: {  	s13 =	simm.s32 @!p1 $0x280;
	s9 =	simm.s32 @!p1 $0x3;
	s10 =	simm.s32 @!p1 $0x0  }
0xd2: {  	[tilespmem:s13], [sflag:$0x3] =	stream.linear.gather @!p1 [hbm4b:s12+s10], $0x80, $0x38;
	[tilespmem:$0x18300] =	vst v63  }
0xd3: {  	_ =	swait.ge @!p1 [sflag:s9], $0x80  }
0xd4: {  	s26 =	simm.s32 $0x1;
	[sflag:s9] =	ssyncset.done @!p1 $0x0  }
0xd5: {  	s12 =	simm.s32 @!p1 $0x80;
	[sflag:s9] =	ssyncadd.s32 @!p1 $0xFFFFFF80;
	s9 =	simm.s32 @!p1 $0x14300  }
0xd6: {  	[tilespmem:s9], [sflag:$0x1] =	stream.indirect.gather @!p1 [hbm4b:s7+s12], $0x80, s13, s12, $0xb8;
	[tilespmem:$0x18300] =	vst v63  }
0xd7: {  	_ =	swait.ge [sflag:s26], $0x4000  }
0xd8: {  	[sflag:s26] =	ssyncset.done $0x0;
	s15 =	rddreg [dreg:$0x3]  }
0xd9: {  	s28 =	sadd.s32 s22, s15;
	[sflag:s26] =	ssyncadd.s32 $0xFFFFC000  }
0xda: {  	[hbm4b:s28+s5] =	stream.linear.scatter [tilespmem:s1], [sflag:$0x3], $0x4000, $0x38;
	[tilespmem:$0x18300] =	vst v63  }
0xdb: {  	_ =	swait.ge [sflag:s14], $0x4000  }
0xdc: {  	[sflag:s14] =	ssyncset.done $0x0  }
0xdd: {  	[sflag:s14] =	ssyncadd.s32 $0xFFFFC000  }
0xde: {  	_ =	swait.ge [sflag:s26], $0x4000  }
0xdf: {  	[sflag:s26] =	ssyncset.done $0x0  }
0xe0: {  	s29 =	sadd.s32 $0x10000, s28;
	[sflag:s26] =	ssyncadd.s32 $0xFFFFC000  }
0xe1: {  	[hbm4b:s29+s5] =	stream.linear.scatter [tilespmem:s17], [sflag:$0x3], $0x4000, $0x38;
	[tilespmem:$0x18300] =	vst v63  }
0xe2: {  	_ =	swait.ge [sflag:s14], $0x4000  }
0xe3: {  	[sflag:s14] =	ssyncset.done $0x0  }
0xe4: {  	[sflag:s14] =	ssyncadd.s32 $0xFFFFC000  }
0xe5: {  	_ =	swait.ge [sflag:s26], $0x4000  }
0xe6: {  	[sflag:s26] =	ssyncset.done $0x0  }
0xe7: {  	s12 =	sadd.s32 $0x20000, s28;
	[sflag:s26] =	ssyncadd.s32 $0xFFFFC000  }
0xe8: {  	[hbm4b:s12+s5] =	stream.linear.scatter [tilespmem:s11], [sflag:$0x3], $0x4000, $0x38;
	[tilespmem:$0x18300] =	vst v63  }
0xe9: {  	_ =	swait.ge [sflag:s14], $0x4000  }
0xea: {  	[sflag:s14] =	ssyncset.done $0x0  }
0xeb: {  	s12 =	simm.s32 @!p0 $0x1;
	[sflag:s14] =	ssyncadd.s32 $0xFFFFC000  }
0xec: {  	_ =	swait.ge @!p0 [sflag:s12], $0x4000  }
0xed: {  	s13 =	sadd.s32 @!p0 s22, s15;
	[sflag:s12] =	ssyncset.done @!p0 $0x0  }
0xee: {  	[sflag:s12] =	ssyncadd.s32 @!p0 $0xFFFFC000;
	s12 =	sadd.s32 @!p0 $0x30000, s13  }
0xef: {  	[hbm4b:s12+s4] =	stream.linear.scatter @!p0 [tilespmem:s6], [sflag:$0x3], $0x4000, $0x38;
	[tilespmem:$0x18300] =	vst v63  }
0xf0: {  	_ =	swait.ge @!p0 [sflag:s0], $0x4000  }
0xf1: {  	[sflag:s0] =	ssyncset.done @!p0 $0x0  }
0xf2: {  	s4 =	simm.s32 @!p2 $0x1;
	[sflag:s0] =	ssyncadd.s32 @!p0 $0xFFFFC000  }
0xf3: {  	_ =	swait.ge @!p2 [sflag:s4], $0x4000  }
0xf4: {  	s0 =	sadd.s32 @!p2 s22, s15;
	[sflag:s4] =	ssyncset.done @!p2 $0x0  }
0xf5: {  	s0 =	sadd.s32 @!p2 $0x40000, s0;
	[sflag:s4] =	ssyncadd.s32 @!p2 $0xFFFFC000  }
0xf6: {  	[hbm4b:s0+s8] =	stream.linear.scatter @!p2 [tilespmem:s16], [sflag:$0x3], $0x4000, $0x38;
	[tilespmem:$0x18300] =	vst v63  }
0xf7: {  	_ =	swait.ge @!p2 [sflag:s2], $0x4000  }
0xf8: {  	[sflag:s2] =	ssyncset.done @!p2 $0x0  }
0xf9: {  	s0 =	simm.s32 @!p1 $0x1;
	[sflag:s2] =	ssyncadd.s32 @!p2 $0xFFFFC000  }
0xfa: {  	_ =	swait.ge @!p1 [sflag:s0], $0x4000  }
0xfb: {  	s2 =	sadd.s32 @!p1 s22, s15;
	[sflag:s0] =	ssyncset.done @!p1 $0x0  }
0xfc: {  	[sflag:s0] =	ssyncadd.s32 @!p1 $0xFFFFC000;
	s0 =	sadd.s32 @!p1 $0x50000, s2  }
0xfd: {  	[hbm4b:s0+s10] =	stream.linear.scatter @!p1 [tilespmem:s9], [sflag:$0x2], $0x4000, $0x38;
	[tilespmem:$0x18300] =	vst v63  }
0xfe: {  	s0 =	simm.s32 @!p1 $0x2  }
0xff: {  	_ =	swait.ge @!p1 [sflag:s0], $0x4000  }
0x100: {  	s30 =	rddreg [dreg:$0xd]  }
0x101: {  	s31 =	rddreg [dreg:$0x5];
	s1 =	sadd.s32 $0x1, s30  }
0x102: {  	p0 =	sne.s32 s1, s31  }
.Ltmp1:
0x103: {  	_ = 	snop;
	(pc) =	sbr.rel @p0 .LBB2_1-.Ltmp1, $3  }
0x104: {  	_ =	sdelay $0x1  }
0x105: {  	[sflag:s0] =	ssyncset.done @!p1 $0x0  }
0x106: {  	[sflag:s0] =	ssyncadd.s32 @!p1 $0xFFFFC000  }
0x107: {  	_ =	sfence.sel $0x180000  }
0x108: {  	[bflag:$0x0] =	sbarrier.arrive $0xFFFF  }
0x109: {  	_ =	strace $0x90000047  }
0x10a: {  	s0 =	stileid.u32;
	[bflag:$0x2] =	sbarrier.arrive $0xFFFF  }
0x10b: {  	p0 =	sne.s32 s0, $0x0;
	s0 =	rddreg [dreg:$0x2]  }
0x10c: {  	s0 =	sadd.s32 @!p0 $0x100000, s0  }
0x10d: {  	[sflag:s0] =	ssyncadd.tile.s32 @!p0 $0x1;
	_ =	shalt  }
.Lfunc_end2:
_tile_overlayer_lowered:
.L_overlay_start_2:
0x10e: {  	(tag) =	ssettag $0x2  }
0x10f: {  	s0 =	rddreg [dreg:$0x0];
	s2 =	stileid.u32  }
0x110: {  	s1 =	rddreg [dreg:$0x1];
	p0 =	sne.s32 s2, $0x0  }
0x111: {  	s3 =	rddreg [dreg:$0x2];
	[bflag:$0x3] =	sbarrier.arrive $0xFFFF;
	s2 =	simm.s32 @!p0 $0x1C02  }
0x112: {  	[timem:s3], [sflag:s2] =	dma.local @!p0 [hbm:s0], s1  }
0x113: {  	s0 =	simm.s32 @!p0 $0x2  }
0x114: {  	_ =	swait.ge @!p0 [sflag:s0], s1  }
0x115: {  	s1 =	ssub.s32 @!p0 $0x0, s1;
	[sflag:s0] =	ssyncset.done @!p0 $0x0  }
0x116: {  	[sflag:s0] =	ssyncadd.s32 @!p0 s1  }
0x117: {  	[bflag:$0x3] =	sbarrier.arrive $0xFFFF  }
0x118: {  	_ =	shalt  }

// kernel: kernel.20.cloned.1.call-start
scs
__scs_entry_jumppad:
0x0: {  	(pc) =	sbr.rel $0x88, $3  }
0x1: {  	(tag) =	ssettag $0x0;
	lr =	simm.s32 $0x1  }
0x2: {  	[smem:$0x3F94] =	sst lr;
	_ =	strace $0xD0000000  }
0x3: {  	_ = 	snop  }
0x4: {  	_ = 	snop  }
0x5: {  	_ = 	snop  }
0x6: {  	_ = 	snop  }
0x7: {  	_ = 	snop  }
__scs_overlays_trampoline_lowered:
0x8: {  	[smem:$0x3FA3] =	sst s0  }
0x9: {  	[smem:$0x3FA4] =	sst s1  }
0xa: {  	[smem:$0x3FA5] =	sst s2  }
0xb: {  	[smem:$0x3FA6] =	sst s3  }
0xc: {  	[smem:$0x3FA7] =	sst s4  }
0xd: {  	[smem:$0x3FA8] =	sst s5  }
0xe: {  	[smem:$0x3FA9] =	sst s6  }
0xf: {  	[smem:$0x3FAA] =	sst s7  }
0x10: {  	[smem:$0x3FAB] =	sst s8  }
0x11: {  	[smem:$0x3FAC] =	sst s9;
	s0 =	simm.s32 @!p0 $0x0  }
0x12: {  	s1 =	sld [smem:$0x3F92];
	s0 =	simm.s32 @p0 $0x1  }
0x13: {  	[smem:$0x3FAD] =	sst s0;
	s0 =	simm.s32 @!p1 $0x0  }
0x14: {  	s2 =	sld [smem:$0x3F91];
	s0 =	simm.s32 @p1 $0x1  }
0x15: {  	[smem:$0x3FAE] =	sst s0;
	s0 =	simm.s32 @!p2 $0x0  }
0x16: {  	s3 =	sld [smem:$0x3FDB];
	s0 =	simm.s32 @p2 $0x1  }
0x17: {  	s4 =	simm.s32 $0x1BF5;
	[smem:$0x3FB0] =	sst s0  }
0x18: {  	s0 =	sld [smem:$0x3F93];
	_ =	swait.ge [sflag:s4], $0x0  }
0x19: {  	s7 =	sld [smem:$0x3F94]  }
0x1a: {  	s8 =	sadd.s32 $0xFFFFE003, lr  }
0x1b: {  	s9 =	sadd.s32 $0xFFFFFEF7, lr;
	s5 =	simm.s32 $0xFFFFFFFF;
	p2 =	slt.u32 s8, $0xFFFFF086  }
0x1c: {  	p1 =	slt.u32 s9, $0xF7A;
	s5 =	simm.s32 @!p2 $0x0  }
0x1d: {  	s5 =	simm.s32 @p1 $0x1;
	p0 =	seq.s32 s7, s2  }
0x1e: {  	s7 =	smul.u32 @!p0 $0xF7A, s2;
	p2 =	seq.s32 @!p0 s5, $0x0  }
0x1f: {  	s9 =	smul.u32 $0xF7A, s1;
	s8 =	simm.s32 @!p0 $0x1BF5;
	p2 =	por !p2, p0  }
0x20: {  	[sflag:s8] =	ssyncset.s32 @!p0 $0xFFFFF086;
	s6 =	sadd.s32 @!p0 s3, s7;
	s7 =	simm.s32 @!p0 $0x108  }
0x21: {  	s3 =	sadd.s32 s3, s9;
	s6 =	sadd.s32 @!p0 $0x88, s6;
	s7 =	simm.s32 @p2 $0x1082  }
0x22: {  	[simem:s7], [sflag:s8] =	dma.local @!p0 [hbm:s6], $0xF7A  }
0x23: {  	s9 =	sor.u32 $0xD0000000, s2;
	s6 =	simm.s32 $0x108;
	_ =	swait.ge @!p0 [sflag:s8], $0x0  }
0x24: {  	s3 =	sadd.s32 $0x88, s3;
	s6 =	simm.s32 @!p1 $0x1082;
	[sflag:s4] =	ssyncset.s32 $0xFFFFF086  }
0x25: {  	[simem:s6], [sflag:s4] =	dma.local [hbm:s3], $0xF7A  }
0x26: {  	[smem:$0x3F94] =	sst s1;
	(tag) =	ssettag s2;
	_ =	strace s9  }
0x27: {  	s1 =	sld [smem:$0x3FA4]  }
0x28: {  	s2 =	sld [smem:$0x3FA5]  }
0x29: {  	s4 =	sld [smem:$0x3FA7]  }
0x2a: {  	p0 =	seq.s32 s5, $0x0;
	s5 =	sld [smem:$0x3FA8]  }
0x2b: {  	s6 =	sld [smem:$0x3FA9]  }
0x2c: {  	s7 =	sld [smem:$0x3FAA]  }
0x2d: {  	s3 =	simm.s32 $0x108;
	s8 =	sld [smem:$0x3FAB]  }
0x2e: {  	s3 =	simm.s32 @!p0 $0x1082;
	s9 =	sld [smem:$0x3FAC]  }
0x2f: {  	lr =	sadd.s32 s0, s3;
	s0 =	sld [smem:$0x3FA3]  }
0x30: {  	s3 =	sld [smem:$0x3FA6]  }
0x31: {  	[smem:$0x3FAF] =	sst s10  }
0x32: {  	s10 =	sld [smem:$0x3FAD];
	_ =	sdelay $0x3  }
0x33: {  	p0 =	seq.s32 s10, $0x1;
	s10 =	sld [smem:$0x3FAF];
	_ =	sdelay $0x3  }
0x34: {  	[smem:$0x3FAF] =	sst s10  }
0x35: {  	s10 =	sld [smem:$0x3FAE];
	_ =	sdelay $0x3  }
0x36: {  	p1 =	seq.s32 s10, $0x1;
	s10 =	sld [smem:$0x3FAF];
	_ =	sdelay $0x3  }
0x37: {  	[smem:$0x3FAF] =	sst s10  }
0x38: {  	s10 =	sld [smem:$0x3FB0]  }
0x39: {  	_ = 	snop;
	(pc) =	sbr.ind lr, $3  }
0x3a: {  	_ = 	snop  }
0x3b: {  	_ = 	snop  }
0x3c: {  	p2 =	seq.s32 s10, $0x1;
	s10 =	sld [smem:$0x3FAF]  }
0x3d: {  	_ =	shalt  }
0x3e: {  	_ =	shalt  }
0x3f: {  	_ =	shalt  }
0x40: {  	_ =	shalt  }
0x41: {  	_ =	shalt  }
0x42: {  	_ =	shalt  }
0x43: {  	_ =	shalt  }
0x44: {  	_ =	shalt  }
0x45: {  	_ =	shalt  }
0x46: {  	_ =	shalt  }
0x47: {  	_ =	shalt  }
0x48: {  	_ =	shalt  }
0x49: {  	_ =	shalt  }
0x4a: {  	_ =	shalt  }
0x4b: {  	_ =	shalt  }
0x4c: {  	_ =	shalt  }
0x4d: {  	_ =	shalt  }
0x4e: {  	_ =	shalt  }
0x4f: {  	_ =	shalt  }
0x50: {  	_ =	shalt  }
0x51: {  	_ =	shalt  }
0x52: {  	_ =	shalt  }
0x53: {  	_ =	shalt  }
0x54: {  	_ =	shalt  }
0x55: {  	_ =	shalt  }
0x56: {  	_ =	shalt  }
0x57: {  	_ =	shalt  }
0x58: {  	_ =	shalt  }
0x59: {  	_ =	shalt  }
0x5a: {  	_ =	shalt  }
0x5b: {  	_ =	shalt  }
0x5c: {  	_ =	shalt  }
0x5d: {  	_ =	shalt  }
0x5e: {  	_ =	shalt  }
0x5f: {  	_ =	shalt  }
0x60: {  	_ =	shalt  }
0x61: {  	_ =	shalt  }
0x62: {  	_ =	shalt  }
0x63: {  	_ =	shalt  }
0x64: {  	_ =	shalt  }
0x65: {  	_ =	shalt  }
0x66: {  	_ =	shalt  }
0x67: {  	_ =	shalt  }
0x68: {  	_ =	shalt  }
0x69: {  	_ =	shalt  }
0x6a: {  	_ =	shalt  }
0x6b: {  	_ =	shalt  }
0x6c: {  	_ =	shalt  }
0x6d: {  	_ =	shalt  }
0x6e: {  	_ =	shalt  }
0x6f: {  	_ =	shalt  }
0x70: {  	_ =	shalt  }
0x71: {  	_ =	shalt  }
0x72: {  	_ =	shalt  }
0x73: {  	_ =	shalt  }
0x74: {  	_ =	shalt  }
0x75: {  	_ =	shalt  }
0x76: {  	_ =	shalt  }
0x77: {  	_ =	shalt  }
0x78: {  	_ =	shalt  }
0x79: {  	_ =	shalt  }
0x7a: {  	_ =	shalt  }
0x7b: {  	_ =	shalt  }
0x7c: {  	_ =	shalt  }
0x7d: {  	_ =	shalt  }
0x7e: {  	_ =	shalt  }
0x7f: {  	_ =	shalt  }
0x80: {  	_ =	shalt  }
0x81: {  	_ =	shalt  }
0x82: {  	_ =	shalt  }
0x83: {  	_ =	shalt  }
0x84: {  	_ =	shalt  }
0x85: {  	_ =	shalt  }
0x86: {  	_ =	shalt  }
0x87: {  	_ =	shalt  }
.Lfunc_end0:
.L_simem_size_0:
called_computation.1_lowered:
.L_overlay_start_0:
0x88: {  	s2 =	sld [smem:$0x3FD9]  }
0x89: {  	s3 =	sld [smem:$0x3FFE];
	_ =	sdelay $0x1  }
0x8a: {  	s1 =	srdreg.scid  }
0x8b: {  	s0 =	sand.u32 $0x1, s1  }
0x8c: {  	s17 =	sshll.u32 s0, $0xA;
	s2 =	sadd.s32 s3, s2  }
0x8d: {  	s2 =	sadd.s32 s2, s17  }
0x8e: {  	[smem:$0x3FBB] =	sst s2  }
0x8f: {  	_ = 	snop  }
0x90: {  	s18 =	sld [smem:$0x3FC6];
	(tm) =	ssettm $0x1  }
0x91: {  	s19 =	sld [smem:$0x3FFB];
	_ =	sdelay $0x3  }
0x92: {  	_ =	strace s19  }
0x93: {  	s2 =	sld [smem:$0x3FFC];
	_ =	sdelay $0x3  }
0x94: {  	_ =	strace s2  }
0x95: {  	s2 =	sld [smem:$0x3FFD];
	_ =	sdelay $0x3  }
0x96: {  	_ =	strace s2  }
0x97: {  	_ =	strace $0x8FFFFFFF  }
0x98: {  	s20 =	sld [smem:$0x3FDB];
	_ =	sdelay $0x1  }
0x99: {  	s4 =	simm.s32 $_scs_section_size  }
0x9a: {  	s5 =	simm.s32 $_size__tile_overlayer_lowered;
	s6 =	simm.s32 $_tile_overlayer_lowered  }
0x9b: {  	s7 =	simm.s32 $0x1BFF;
	s21 =	sshll.u32 s6, $0x1;
	s4 =	sadd.s32 s4, s20  }
0x9c: {  	s22 =	simm.s32 $0x0;
	s5 =	sshll.u32 s5, $0x1;
	s6 =	sadd.s32 s21, s4  }
0x9d: {  	[timem:s22], [sflag:s7] =	dma.local [hbm:s6], s5  }
0x9e: {  	_ =	swait.ge [sflag:s7], s5  }
0x9f: {  	s5 =	ssub.s32 $0x0, s5;
	[sflag:s7] =	ssyncset.done $0x0  }
0xa0: {  	[sflag:s7] =	ssyncadd.s32 s5;
	_ =	sdelay $0x1  }
0xa1: {  	s23 =	simm.s32 $0x1B8B  }
0xa2: {  	_ =	swait.ge [sflag:s23], $0x1  }
0xa3: {  	[sflag:s23] =	ssyncset.done $0x0  }
0xa4: {  	[sflag:s23] =	ssyncadd.s32 $0xFFFFFFFF  }
0xa5: {  	s5 =	sld [smem:$0x0]  }
0xa6: {  	s6 =	sand.u32 $0xFFFFFFFE, s1  }
0xa7: {  	p0 =	sne.s32 s1, s6  }
0xa8: {  	s6 =	sshll.u32 @p0 s6, $0xE  }
0xa9: {  	s6 =	sadd.s32 @p0 $0x11B8D, s6;
	s7 =	sshll.u32 @p0 s5, $0x11  }
0xaa: {  	s6 =	sor.u32 @p0 s7, s6  }
0xab: {  	[sflag:s6] =	ssyncadd.remote.s32 @p0 $0x1;
	_ =	sdelay $0x1  }
0xac: {  	s6 =	simm.s32 @p0 $0x1B8D  }
0xad: {  	_ =	swait.eq @p0 [sflag:s6], $0x1  }
0xae: {  	[sflag:s6] =	ssyncadd.s32 @p0 $0xFFFFFFFF  }
0xaf: {  	s7 =	sshll.u32 @!p0 s1, $0xE  }
0xb0: {  	s7 =	sor.u32 @!p0 $0x4000, s7;
	s6 =	simm.s32 @!p0 $0x1B8D  }
0xb1: {  	s5 =	sshll.u32 @!p0 s5, $0x11;
	s7 =	sadd.s32 @!p0 $0x11B8D, s7;
	_ =	swait.eq @!p0 [sflag:s6], $0x1  }
0xb2: {  	s5 =	sor.u32 @!p0 s5, s7;
	[sflag:s6] =	ssyncadd.s32 @!p0 $0xFFFFFFFF  }
0xb3: {  	s25 =	simm.s32 $0x1B8E;
	s24 =	sld [smem:$0x3FFE];
	[sflag:s5] =	ssyncadd.remote.s32 @!p0 $0x1  }
0xb4: {  	s26 =	simm.s32 $execute0_lowered;
	[smem:$0x3FD2] =	sst s25  }
0xb5: {  	s6 =	sshll.u32 s26, $0x1;
	_ =	strace $0x80000049;
	[dreg:$0x1] =	wrdreg $0xFFFFFFFF  }
0xb6: {  	s28 =	simm.s32 $_size_execute0_lowered;
	s4 =	sadd.s32 s4, s6;
	[dreg:$0x0] =	wrdreg $0x0  }
0xb7: {  	s6 =	sshll.u32 s28, $0x1;
	[dreg:$0x2] =	wrdreg s4  }
0xb8: {  	[dreg:$0x3] =	wrdreg s6  }
0xb9: {  	[dreg:$0x4] =	wrdreg $0xC0  }
0xba: {  	_ =	task [dreg:s22], $0x5FFFF  }
0xbb: {  	[dreg:$0x1] =	wrdreg $0xFFFFFFFF  }
0xbc: {  	[dreg:$0x0] =	wrdreg $0x60  }
0xbd: {  	[dreg:$0x2] =	wrdreg s24  }
0xbe: {  	[dreg:$0x3] =	wrdreg s18  }
0xbf: {  	[dreg:$0x4] =	wrdreg $0x9  }
0xc0: {  	_ =	task.clear_ibuf [dreg:s22], $0x5FFFF;
	_ =	strace $0x90000049  }
0xc1: {  	s29 =	simm.s32 $0x9;
	_ =	strace $0x8000004B  }
0xc2: {  	_ =	swait.ge [sflag:s29], $0x1  }
0xc3: {  	[sflag:s29] =	ssyncadd.s32 $0xFFFFFFFF  }
0xc4: {  	_ =	strace $0x9000004B  }
0xc5: {  	_ =	sfence  }
0xc6: {  	s30 =	sld [smem:$0x0];
	_ =	sdelay $0x2  }
0xc7: {  	s31 =	sshll.u32 s1, $0xD;
	s1 =	sshrl.u32 s1, $0x2  }
0xc8: {  	s4 =	sand.u32 $0x4000, s31;
	s1 =	sadd.s32 s1, s30  }
0xc9: {  	s0 =	sor.u32 s4, s0;
	s1 =	sshll.u32 s1, $0x11  }
0xca: {  	s0 =	sor.u32 s1, s0  }
0xcb: {  	s0 =	sadd.s32 $0x8F2B, s0  }
0xcc: {  	[sflag:s0] =	ssyncadd.remote.s32 $0x1  }
0xcd: {  	_ =	sfence.sel $0xFFFF  }
0xce: {  	[dreg:$0x0] =	wrdreg $0xFFFFFFFF;
	(pc) =	sbr.abs _section_cstart, $3  }
0xcf: {  	[dreg:$0x1] =	wrdreg $0xFFFFFFFF  }
0xd0: {  	_ =	task.clear_ibuf [dreg:s22], $0x2FFFF;
	_ =	strace $0x9FFFFFFF  }
0xd1: {  	(tm) =	ssettm $0x7FFFFFFF  }
tec
execute0_lowered:
.L_overlay_start_1:
0x0: {  	(tag) =	ssettag $0x1  }
0x1: {  	s0 =	rddreg [dreg:$0x0]  }
0x2: {  	s2 =	rddreg [dreg:$0x1]  }
0x3: {  	s1 =	simm.s32 $0x0;
	s3 =	srdreg.scid;
	s8 =	stileid.u32  }
0x4: {  	[smem:$0x7FF] =	sst s1;
	s4 =	sand.u32 $0x1, s3;
	s19 =	sadd.s32 $0x19600, s0  }
0x5: {  	s6 =	sshll.u32 s8, $0xC;
	s21 =	sshll.u32 s8, $0x1;
	s22 =	sshll.u32 s8, $0x5  }
0x6: {  	_ =	strace $0x8000004A;
	s5 =	ssub.s32 $0x2, s4;
	[dreg:$0x4] =	wrdreg s19  }
0x7: {  	s0 =	sadd.s32 s6, s0;
	s20 =	sshll.u32 s4, $0xB;
	s23 =	sor.u32 s4, s21  }
0x8: {  	s4 =	sshll.u32 s4, $0x4;
	s7 =	sshrl.u32 s5, $0x1;
	s0 =	sadd.s32 s20, s0  }
0x9: {  	s6 =	sshll.u32 s23, $0x4;
	s5 =	ssub.s32 s5, s7;
	s0 =	sadd.s32 $0x29E600, s0  }
0xa: {  	s7 =	sor.u32 $0xA0, s23;
	s25 =	sor.u32 $0x800, s6;
	s28 =	sor.u32 $0x600, s6  }
0xb: {  	s29 =	sor.u32 $0x400, s6;
	s6 =	sor.u32 $0x200, s6;
	[dreg:$0x3] =	wrdreg s0  }
0xc: {  	s5 =	smax.u32 s5, $0x1;
	s0 =	sor.u32 s4, s22;
	[dreg:$0x6] =	wrdreg s7  }
0xd: {  	s24 =	sshll.u32 s7, $0x4;
	s8 =	sand.u32 $0x980, s25;
	s6 =	sand.u32 $0x380, s6  }
0xe: {  	[dreg:$0x5] =	wrdreg s5;
	s3 =	sand.u32 $0x70, s0;
	s26 =	sadd.s32 s8, s2  }
0xf: {  	s4 =	sand.u32 $0xB80, s24;
	s31 =	sadd.s32 s6, s2;
	[dreg:$0x8] =	wrdreg s26  }
0x10: {  	s0 =	sand.u32 $0x180, s0;
	s4 =	sadd.s32 s4, s2;
	[dreg:$0xb] =	wrdreg s31  }
0x11: {  	s0 =	sadd.s32 s0, s2;
	[dreg:$0x7] =	wrdreg s4;
	s4 =	sand.u32 $0x780, s28  }
0x12: {  	s30 =	sand.u32 $0x580, s29;
	[dreg:$0xc] =	wrdreg s0;
	s4 =	sadd.s32 s4, s2  }
0x13: {  	[dreg:$0x9] =	wrdreg s4;
	s4 =	sadd.s32 s30, s2  }
0x14: {  	s14 =	simm.s32 $0x3;
	s1 =	simm.s32 $0x0;
	[dreg:$0xa] =	wrdreg s4  }
.LBB2_1:
0x15: {  	s31 =	rddreg [dreg:$0xc]  }
0x16: {  	[dreg:$0xd] =	wrdreg s1;
	s5 =	simm.s32 $0x0;
	s0 =	sadd.s32 s31, s3  }
0x17: {  	[tilespmem:s5], [sflag:$0x3] =	stream.linear.gather [hbm4b:s0+s5], $0x80, $0x38;
	[tilespmem:$0x18300] =	vst v63  }
0x18: {  	_ =	swait.ge [sflag:s14], $0x80  }
0x19: {  	s4 =	simm.s32 $0x80;
	[sflag:s14] =	ssyncset.done $0x0;
	s7 =	rddreg [dreg:$0x4]  }
0x1a: {  	s26 =	simm.s32 $0x300;
	s21 =	rddreg [dreg:$0xb];
	[sflag:s14] =	ssyncadd.s32 $0xFFFFFF80  }
0x1b: {  	[tilespmem:s26], [sflag:$0x1] =	stream.indirect.gather [hbm4b:s7+s4], $0x80, s5, s4, $0xb8;
	[tilespmem:$0x18300] =	vst v63  }
0x1c: {  	s17 =	sadd.s32 s21, s3  }
0x1d: {  	[tilespmem:s4], [sflag:$0x3] =	stream.linear.gather [hbm4b:s17+s5], $0x80, $0x38;
	[tilespmem:$0x18300] =	vst v63  }
0x1e: {  	_ =	swait.ge [sflag:s14], $0x80  }
0x1f: {  	[sflag:s14] =	ssyncset.done $0x0  }
0x20: {  	s22 =	simm.s32 $0x4300;
	s19 =	rddreg [dreg:$0xa];
	[sflag:s14] =	ssyncadd.s32 $0xFFFFFF80  }
0x21: {  	[tilespmem:s22], [sflag:$0x1] =	stream.indirect.gather [hbm4b:s7+s4], $0x80, s4, s4, $0xb8;
	[tilespmem:$0x18300] =	vst v63  }
0x22: {  	s6 =	simm.s32 $0x100;
	s18 =	sadd.s32 s19, s3  }
0x23: {  	[tilespmem:s6], [sflag:$0x3] =	stream.linear.gather [hbm4b:s18+s5], $0x80, $0x38;
	[tilespmem:$0x18300] =	vst v63  }
0x24: {  	_ =	swait.ge [sflag:s14], $0x80  }
0x25: {  	s15 =	rddreg [dreg:$0x6]  }
0x26: {  	[sflag:s14] =	ssyncset.done $0x0;
	s20 =	sadd.s32 $0xFFFFFFC0, s15  }
0x27: {  	s11 =	simm.s32 $0x8300;
	[sflag:s14] =	ssyncadd.s32 $0xFFFFFF80;
	p1 =	sgt.u32 s20, $0x4E1  }
0x28: {  	[tilespmem:s11], [sflag:$0x1] =	stream.indirect.gather [hbm4b:s7+s4], $0x80, s6, s4, $0xb8;
	[tilespmem:$0x18300] =	vst v63  }
0x29: {  	s18 =	rddreg [dreg:$0x9];
	s23 =	sadd.s32 $0xFFFFFFE0, s15;
	s2 =	simm.s32 @!p1 $0x180  }
0x2a: {  	s0 =	simm.s32 @!p1 $0x3;
	s6 =	sadd.s32 @!p1 s18, s3;
	s4 =	simm.s32 @!p1 $0x0  }
0x2b: {  	[tilespmem:s2], [sflag:$0x3] =	stream.linear.gather @!p1 [hbm4b:s6+s4], $0x80, $0x38;
	[tilespmem:$0x18300] =	vst v63  }
0x2c: {  	p2 =	sgt.u32 s23, $0x4E1;
	_ =	swait.ge @!p1 [sflag:s0], $0x80  }
0x2d: {  	s8 =	simm.s32 @!p1 $0x80;
	s9 =	simm.s32 @!p1 $0xC300;
	[sflag:s0] =	ssyncset.done @!p1 $0x0  }
0x2e: {  	s10 =	simm.s32 @!p2 $0x200;
	s17 =	rddreg [dreg:$0x8];
	[sflag:s0] =	ssyncadd.s32 @!p1 $0xFFFFFF80  }
0x2f: {  	[tilespmem:s9], [sflag:$0x1] =	stream.indirect.gather @!p1 [hbm4b:s7+s8], $0x80, s2, s8, $0xb8;
	[tilespmem:$0x18300] =	vst v63  }
0x30: {  	s6 =	sadd.s32 @!p2 s17, s3;
	s2 =	simm.s32 @!p2 $0x3;
	s8 =	simm.s32 @!p2 $0x0  }
0x31: {  	[tilespmem:s10], [sflag:$0x3] =	stream.linear.gather @!p2 [hbm4b:s6+s8], $0x80, $0x38;
	[tilespmem:$0x18300] =	vst v63  }
0x32: {  	p0 =	sgt.u32 s15, $0x4E1;
	_ =	swait.ge @!p2 [sflag:s2], $0x80  }
0x33: {  	s13 =	simm.s32 @!p0 $0x280;
	s20 =	simm.s32 @!p2 $0x10300;
	[sflag:s2] =	ssyncset.done @!p2 $0x0  }
0x34: {  	s6 =	simm.s32 @!p2 $0x80;
	s16 =	rddreg [dreg:$0x7];
	[sflag:s2] =	ssyncadd.s32 @!p2 $0xFFFFFF80  }
0x35: {  	[tilespmem:s20], [sflag:$0x1] =	stream.indirect.gather @!p2 [hbm4b:s7+s6], $0x80, s10, s6, $0xb8;
	[tilespmem:$0x18300] =	vst v63  }
0x36: {  	s12 =	sadd.s32 @!p0 s16, s3;
	s10 =	simm.s32 @!p0 $0x3;
	s6 =	simm.s32 @!p0 $0x0  }
0x37: {  	[tilespmem:s13], [sflag:$0x3] =	stream.linear.gather @!p0 [hbm4b:s12+s6], $0x80, $0x38;
	[tilespmem:$0x18300] =	vst v63  }
0x38: {  	_ =	swait.ge @!p0 [sflag:s10], $0x80  }
0x39: {  	s24 =	simm.s32 $0x1;
	[sflag:s10] =	ssyncset.done @!p0 $0x0  }
0x3a: {  	s12 =	simm.s32 @!p0 $0x80;
	[sflag:s10] =	ssyncadd.s32 @!p0 $0xFFFFFF80;
	s10 =	simm.s32 @!p0 $0x14300  }
0x3b: {  	[tilespmem:s10], [sflag:$0x1] =	stream.indirect.gather @!p0 [hbm4b:s7+s12], $0x80, s13, s12, $0xb8;
	[tilespmem:$0x18300] =	vst v63  }
0x3c: {  	_ =	swait.ge [sflag:s24], $0x4000  }
0x3d: {  	[sflag:s24] =	ssyncset.done $0x0;
	s23 =	rddreg [dreg:$0x3]  }
0x3e: {  	s25 =	sadd.s32 $0x0, s23;
	[sflag:s24] =	ssyncadd.s32 $0xFFFFC000  }
0x3f: {  	[hbm4b:s25+s5] =	stream.linear.scatter [tilespmem:s26], [sflag:$0x3], $0x4000, $0x38;
	[tilespmem:$0x18300] =	vst v63  }
0x40: {  	_ =	swait.ge [sflag:s14], $0x4000  }
0x41: {  	[sflag:s14] =	ssyncset.done $0x0  }
0x42: {  	[sflag:s14] =	ssyncadd.s32 $0xFFFFC000  }
0x43: {  	_ =	swait.ge [sflag:s24], $0x4000  }
0x44: {  	[sflag:s24] =	ssyncset.done $0x0  }
0x45: {  	s26 =	sadd.s32 $0x10000, s25;
	[sflag:s24] =	ssyncadd.s32 $0xFFFFC000  }
0x46: {  	[hbm4b:s26+s5] =	stream.linear.scatter [tilespmem:s22], [sflag:$0x3], $0x4000, $0x38;
	[tilespmem:$0x18300] =	vst v63  }
0x47: {  	_ =	swait.ge [sflag:s14], $0x4000  }
0x48: {  	[sflag:s14] =	ssyncset.done $0x0  }
0x49: {  	[sflag:s14] =	ssyncadd.s32 $0xFFFFC000  }
0x4a: {  	_ =	swait.ge [sflag:s24], $0x4000  }
0x4b: {  	[sflag:s24] =	ssyncset.done $0x0  }
0x4c: {  	s12 =	sadd.s32 $0x20000, s25;
	[sflag:s24] =	ssyncadd.s32 $0xFFFFC000  }
0x4d: {  	[hbm4b:s12+s5] =	stream.linear.scatter [tilespmem:s11], [sflag:$0x3], $0x4000, $0x38;
	[tilespmem:$0x18300] =	vst v63  }
0x4e: {  	_ =	swait.ge [sflag:s14], $0x4000  }
0x4f: {  	[sflag:s14] =	ssyncset.done $0x0  }
0x50: {  	s12 =	simm.s32 @!p1 $0x1;
	[sflag:s14] =	ssyncadd.s32 $0xFFFFC000  }
0x51: {  	_ =	swait.ge @!p1 [sflag:s12], $0x4000  }
0x52: {  	s13 =	sadd.s32 @!p1 $0x0, s23;
	[sflag:s12] =	ssyncset.done @!p1 $0x0  }
0x53: {  	s13 =	sadd.s32 @!p1 $0x30000, s13;
	[sflag:s12] =	ssyncadd.s32 @!p1 $0xFFFFC000  }
0x54: {  	[hbm4b:s13+s4] =	stream.linear.scatter @!p1 [tilespmem:s9], [sflag:$0x3], $0x4000, $0x38;
	[tilespmem:$0x18300] =	vst v63  }
0x55: {  	_ =	swait.ge @!p1 [sflag:s0], $0x4000  }
0x56: {  	[sflag:s0] =	ssyncset.done @!p1 $0x0  }
0x57: {  	s4 =	simm.s32 @!p2 $0x1;
	[sflag:s0] =	ssyncadd.s32 @!p1 $0xFFFFC000  }
0x58: {  	_ =	swait.ge @!p2 [sflag:s4], $0x4000  }
0x59: {  	s0 =	sadd.s32 @!p2 $0x0, s23;
	[sflag:s4] =	ssyncset.done @!p2 $0x0  }
0x5a: {  	s30 =	simm.s32 $0xC0000;
	s0 =	sadd.s32 @!p2 $0x40000, s0;
	[sflag:s4] =	ssyncadd.s32 @!p2 $0xFFFFC000  }
0x5b: {  	[hbm4b:s0+s8] =	stream.linear.scatter @!p2 [tilespmem:s20], [sflag:$0x3], $0x4000, $0x38;
	[tilespmem:$0x18300] =	vst v63  }
0x5c: {  	s31 =	sadd.s32 $0xC00, s31;
	s29 =	sadd.s32 $0xC00, s21;
	_ =	swait.ge @!p2 [sflag:s2], $0x4000  }
0x5d: {  	s28 =	sadd.s32 $0xC00, s19;
	s25 =	sadd.s32 $0xC00, s17;
	[sflag:s2] =	ssyncset.done @!p2 $0x0  }
0x5e: {  	s22 =	simm.s32 $0x60000;
	s0 =	simm.s32 @!p0 $0x1;
	[sflag:s2] =	ssyncadd.s32 @!p2 $0xFFFFC000  }
0x5f: {  	s26 =	sadd.s32 $0xC00, s18;
	s24 =	sadd.s32 $0xC0, s15;
	_ =	swait.ge @!p0 [sflag:s0], $0x4000  }
0x60: {  	s2 =	sadd.s32 @!p0 $0x0, s23;
	s23 =	sadd.s32 $0xC00, s16;
	[sflag:s0] =	ssyncset.done @!p0 $0x0  }
0x61: {  	s2 =	sadd.s32 @!p0 $0x50000, s2;
	[sflag:s0] =	ssyncadd.s32 @!p0 $0xFFFFC000;
	s0 =	simm.s32 @!p0 $0x2  }
0x62: {  	[hbm4b:s2+s6] =	stream.linear.scatter @!p0 [tilespmem:s10], [sflag:$0x2], $0x4000, $0x38;
	[tilespmem:$0x18300] =	vst v63  }
.LBB2_2:
0x63: {  	_ =	swait.ge @!p0 [sflag:s0], $0x4000  }
0x64: {  	[sflag:s0] =	ssyncset.done @!p0 $0x0  }
0x65: {  	s2 =	sadd.s32 s31, s3;
	s5 =	simm.s32 $0x0;
	[sflag:s0] =	ssyncadd.s32 @!p0 $0xFFFFC000  }
0x66: {  	[tilespmem:s5], [sflag:$0x3] =	stream.linear.gather [hbm4b:s2+s5], $0x80, $0x38;
	[tilespmem:$0x18300] =	vst v63  }
0x67: {  	_ =	swait.ge [sflag:s14], $0x80  }
0x68: {  	s4 =	simm.s32 $0x80;
	[sflag:s14] =	ssyncset.done $0x0  }
0x69: {  	s1 =	simm.s32 $0x300;
	s7 =	rddreg [dreg:$0x4];
	[sflag:s14] =	ssyncadd.s32 $0xFFFFFF80  }
0x6a: {  	[tilespmem:s1], [sflag:$0x1] =	stream.indirect.gather [hbm4b:s7+s4], $0x80, s5, s4, $0xb8;
	[tilespmem:$0x18300] =	vst v63  }
0x6b: {  	s11 =	sadd.s32 s29, s3  }
0x6c: {  	[tilespmem:s4], [sflag:$0x3] =	stream.linear.gather [hbm4b:s11+s5], $0x80, $0x38;
	[tilespmem:$0x18300] =	vst v63  }
0x6d: {  	_ =	swait.ge [sflag:s14], $0x80  }
0x6e: {  	[sflag:s14] =	ssyncset.done $0x0  }
0x6f: {  	s12 =	simm.s32 $0x4300;
	[sflag:s14] =	ssyncadd.s32 $0xFFFFFF80  }
0x70: {  	[tilespmem:s12], [sflag:$0x1] =	stream.indirect.gather [hbm4b:s7+s4], $0x80, s4, s4, $0xb8;
	[tilespmem:$0x18300] =	vst v63  }
0x71: {  	s13 =	sadd.s32 s28, s3;
	s8 =	simm.s32 $0x100  }
0x72: {  	[tilespmem:s8], [sflag:$0x3] =	stream.linear.gather [hbm4b:s13+s5], $0x80, $0x38;
	[tilespmem:$0x18300] =	vst v63  }
0x73: {  	s15 =	sadd.s32 $0xFFFFFFC0, s24;
	s16 =	sadd.s32 $0xFFFFFFE0, s24;
	_ =	swait.ge [sflag:s14], $0x80  }
0x74: {  	p2 =	sgt.u32 s15, $0x4E1;
	p3 =	sgt.u32 s16, $0x4E1;
	[sflag:s14] =	ssyncset.done $0x0  }
0x75: {  	s6 =	simm.s32 @!p2 $0x180;
	s11 =	simm.s32 $0x8300;
	[sflag:s14] =	ssyncadd.s32 $0xFFFFFF80  }
0x76: {  	[tilespmem:s11], [sflag:$0x1] =	stream.indirect.gather [hbm4b:s7+s4], $0x80, s8, s4, $0xb8;
	[tilespmem:$0x18300] =	vst v63  }
0x77: {  	s0 =	simm.s32 @!p2 $0x3;
	s8 =	sadd.s32 @!p2 s26, s3;
	s4 =	simm.s32 @!p2 $0x0  }
0x78: {  	[tilespmem:s6], [sflag:$0x3] =	stream.linear.gather @!p2 [hbm4b:s8+s4], $0x80, $0x38;
	[tilespmem:$0x18300] =	vst v63  }
0x79: {  	s2 =	simm.s32 @!p3 $0x3;
	s20 =	rddreg [dreg:$0x3];
	_ =	swait.ge @!p2 [sflag:s0], $0x80  }
0x7a: {  	s12 =	sadd.s32 @!p3 s25, s3;
	s10 =	sadd.s32 @!p2 s22, s20;
	[sflag:s0] =	ssyncset.done @!p2 $0x0  }
0x7b: {  	s8 =	simm.s32 @!p2 $0x80;
	s4 =	simm.s32 @!p2 $0xC300;
	[sflag:s0] =	ssyncadd.s32 @!p2 $0xFFFFFF80  }
0x7c: {  	[tilespmem:s4], [sflag:$0x1] =	stream.indirect.gather @!p2 [hbm4b:s7+s8], $0x80, s6, s8, $0xb8;
	[tilespmem:$0x18300] =	vst v63  }
0x7d: {  	s13 =	sadd.s32 @!p2 $0x30000, s10;
	s10 =	simm.s32 @!p3 $0x0;
	s8 =	simm.s32 @!p3 $0x200  }
0x7e: {  	[tilespmem:s8], [sflag:$0x3] =	stream.linear.gather @!p3 [hbm4b:s12+s10], $0x80, $0x38;
	[tilespmem:$0x18300] =	vst v63  }
0x7f: {  	p0 =	sgt.u32 s24, $0x4E1;
	_ =	swait.ge @!p3 [sflag:s2], $0x80  }
0x80: {  	s21 =	sadd.s32 @!p0 s23, s3;
	[sflag:s2] =	ssyncset.done @!p3 $0x0  }
0x81: {  	s6 =	simm.s32 @!p3 $0x10300;
	s12 =	simm.s32 @!p3 $0x80;
	[sflag:s2] =	ssyncadd.s32 @!p3 $0xFFFFFF80  }
0x82: {  	[tilespmem:s6], [sflag:$0x1] =	stream.indirect.gather @!p3 [hbm4b:s7+s12], $0x80, s8, s12, $0xb8;
	[tilespmem:$0x18300] =	vst v63  }
0x83: {  	s17 =	simm.s32 @!p0 $0x3;
	s18 =	simm.s32 @!p0 $0x280;
	s8 =	simm.s32 @!p0 $0x0  }
0x84: {  	[tilespmem:s18], [sflag:$0x3] =	stream.linear.gather @!p0 [hbm4b:s21+s8], $0x80, $0x38;
	[tilespmem:$0x18300] =	vst v63  }
0x85: {  	_ =	swait.ge @!p0 [sflag:s17], $0x80  }
0x86: {  	[sflag:s17] =	ssyncset.done @!p0 $0x0  }
0x87: {  	s15 =	simm.s32 @!p0 $0x80;
	s12 =	simm.s32 @!p0 $0x14300;
	[sflag:s17] =	ssyncadd.s32 @!p0 $0xFFFFFF80  }
0x88: {  	[tilespmem:s12], [sflag:$0x1] =	stream.indirect.gather @!p0 [hbm4b:s7+s15], $0x80, s18, s15, $0xb8;
	[tilespmem:$0x18300] =	vst v63  }
0x89: {  	s7 =	simm.s32 $0x1  }
0x8a: {  	_ =	swait.ge [sflag:s7], $0x4000  }
0x8b: {  	[sflag:s7] =	ssyncset.done $0x0  }
0x8c: {  	s17 =	sadd.s32 s22, s20;
	[sflag:s7] =	ssyncadd.s32 $0xFFFFC000  }
0x8d: {  	[hbm4b:s17+s5] =	stream.linear.scatter [tilespmem:s1], [sflag:$0x3], $0x4000, $0x38;
	[tilespmem:$0x18300] =	vst v63  }
0x8e: {  	_ =	swait.ge [sflag:s14], $0x4000  }
0x8f: {  	[sflag:s14] =	ssyncset.done $0x0  }
0x90: {  	[sflag:s14] =	ssyncadd.s32 $0xFFFFC000  }
0x91: {  	s19 =	sadd.s32 @!p0 s22, s20;
	_ =	swait.ge [sflag:s7], $0x4000  }
0x92: {  	s21 =	sadd.s32 @!p0 $0x50000, s19;
	[sflag:s7] =	ssyncset.done $0x0  }
0x93: {  	s19 =	simm.s32 $0x4300;
	s18 =	sadd.s32 $0x10000, s17;
	[sflag:s7] =	ssyncadd.s32 $0xFFFFC000  }
0x94: {  	[hbm4b:s18+s5] =	stream.linear.scatter [tilespmem:s19], [sflag:$0x3], $0x4000, $0x38;
	[tilespmem:$0x18300] =	vst v63  }
0x95: {  	_ =	swait.ge [sflag:s14], $0x4000  }
0x96: {  	[sflag:s14] =	ssyncset.done $0x0  }
0x97: {  	[sflag:s14] =	ssyncadd.s32 $0xFFFFC000  }
0x98: {  	_ =	swait.ge [sflag:s7], $0x4000  }
0x99: {  	[sflag:s7] =	ssyncset.done $0x0  }
0x9a: {  	s16 =	sadd.s32 @!p3 s22, s20;
	s20 =	sadd.s32 $0x20000, s17;
	[sflag:s7] =	ssyncadd.s32 $0xFFFFC000  }
0x9b: {  	[hbm4b:s20+s5] =	stream.linear.scatter [tilespmem:s11], [sflag:$0x3], $0x4000, $0x38;
	[tilespmem:$0x18300] =	vst v63  }
0x9c: {  	_ =	swait.ge [sflag:s14], $0x4000  }
0x9d: {  	s9 =	smov.u32 s30;
	[sflag:s14] =	ssyncset.done $0x0  }
0x9e: {  	s22 =	smov.u32 s9;
	s9 =	simm.s32 @!p2 $0x1;
	[sflag:s14] =	ssyncadd.s32 $0xFFFFC000  }
0x9f: {  	_ =	swait.ge @!p2 [sflag:s9], $0x4000  }
0xa0: {  	[sflag:s9] =	ssyncset.done @!p2 $0x0  }
0xa1: {  	s1 =	simm.s32 @!p2 $0x0;
	[sflag:s9] =	ssyncadd.s32 @!p2 $0xFFFFC000  }
0xa2: {  	[hbm4b:s13+s1] =	stream.linear.scatter @!p2 [tilespmem:s4], [sflag:$0x3], $0x4000, $0x38;
	[tilespmem:$0x18300] =	vst v63  }
0xa3: {  	_ =	swait.ge @!p2 [sflag:s0], $0x4000  }
0xa4: {  	[sflag:s0] =	ssyncset.done @!p2 $0x0  }
0xa5: {  	s4 =	simm.s32 @!p3 $0x1;
	[sflag:s0] =	ssyncadd.s32 @!p2 $0xFFFFC000  }
0xa6: {  	_ =	swait.ge @!p3 [sflag:s4], $0x4000  }
0xa7: {  	[sflag:s4] =	ssyncset.done @!p3 $0x0  }
0xa8: {  	s16 =	sadd.s32 @!p3 $0x40000, s16;
	[sflag:s4] =	ssyncadd.s32 @!p3 $0xFFFFC000  }
0xa9: {  	[hbm4b:s16+s10] =	stream.linear.scatter @!p3 [tilespmem:s6], [sflag:$0x3], $0x4000, $0x38;
	[tilespmem:$0x18300] =	vst v63  }
0xaa: {  	s30 =	sadd.s32 $0x60000, s30;
	s29 =	sadd.s32 $0xC00, s29;
	_ =	swait.ge @!p3 [sflag:s2], $0x4000  }
0xab: {  	s28 =	sadd.s32 $0xC00, s28;
	p1 =	sne.s32 s30, $0x2A0000;
	[sflag:s2] =	ssyncset.done @!p3 $0x0  }
.Ltmp0:
0xac: {  	s4 =	simm.s32 @!p0 $0x1;
	[sflag:s2] =	ssyncadd.s32 @!p3 $0xFFFFC000;
	(pc) =	sbr.rel @p1 .LBB2_2-.Ltmp0, $4  }
0xad: {  	s31 =	sadd.s32 $0xC00, s31;
	s24 =	sadd.s32 $0xC0, s24;
	_ =	swait.ge @!p0 [sflag:s4], $0x4000  }
0xae: {  	s23 =	sadd.s32 $0xC00, s23;
	s25 =	sadd.s32 $0xC00, s25;
	[sflag:s4] =	ssyncset.done @!p0 $0x0  }
0xaf: {  	s26 =	sadd.s32 $0xC00, s26;
	s0 =	simm.s32 @!p0 $0x2;
	[sflag:s4] =	ssyncadd.s32 @!p0 $0xFFFFC000  }
0xb0: {  	[hbm4b:s21+s8] =	stream.linear.scatter @!p0 [tilespmem:s12], [sflag:$0x2], $0x4000, $0x38;
	[tilespmem:$0x18300] =	vst v63  }
0xb1: {  	_ =	swait.ge @!p0 [sflag:s0], $0x4000  }
0xb2: {  	[sflag:s0] =	ssyncset.done @!p0 $0x0  }
0xb3: {  	s2 =	sadd.s32 s31, s3;
	s5 =	simm.s32 $0x0;
	[sflag:s0] =	ssyncadd.s32 @!p0 $0xFFFFC000  }
0xb4: {  	[tilespmem:s5], [sflag:$0x3] =	stream.linear.gather [hbm4b:s2+s5], $0x80, $0x38;
	[tilespmem:$0x18300] =	vst v63  }
0xb5: {  	_ =	swait.ge [sflag:s14], $0x80  }
0xb6: {  	s4 =	simm.s32 $0x80;
	[sflag:s14] =	ssyncset.done $0x0  }
0xb7: {  	s1 =	simm.s32 $0x300;
	s7 =	rddreg [dreg:$0x4];
	[sflag:s14] =	ssyncadd.s32 $0xFFFFFF80  }
0xb8: {  	[tilespmem:s1], [sflag:$0x1] =	stream.indirect.gather [hbm4b:s7+s4], $0x80, s5, s4, $0xb8;
	[tilespmem:$0x18300] =	vst v63  }
0xb9: {  	s18 =	sadd.s32 s29, s3  }
0xba: {  	[tilespmem:s4], [sflag:$0x3] =	stream.linear.gather [hbm4b:s18+s5], $0x80, $0x38;
	[tilespmem:$0x18300] =	vst v63  }
0xbb: {  	_ =	swait.ge [sflag:s14], $0x80  }
0xbc: {  	[sflag:s14] =	ssyncset.done $0x0  }
0xbd: {  	s17 =	simm.s32 $0x4300;
	[sflag:s14] =	ssyncadd.s32 $0xFFFFFF80  }
0xbe: {  	[tilespmem:s17], [sflag:$0x1] =	stream.indirect.gather [hbm4b:s7+s4], $0x80, s4, s4, $0xb8;
	[tilespmem:$0x18300] =	vst v63  }
0xbf: {  	s19 =	sadd.s32 s28, s3;
	s6 =	simm.s32 $0x100  }
0xc0: {  	[tilespmem:s6], [sflag:$0x3] =	stream.linear.gather [hbm4b:s19+s5], $0x80, $0x38;
	[tilespmem:$0x18300] =	vst v63  }
0xc1: {  	s20 =	sadd.s32 $0xFFFFFFC0, s24;
	_ =	swait.ge [sflag:s14], $0x80  }
0xc2: {  	s11 =	simm.s32 $0x8300;
	p0 =	sgt.u32 s20, $0x4E1;
	[sflag:s14] =	ssyncset.done $0x0  }
0xc3: {  	s21 =	sadd.s32 $0xFFFFFFE0, s24;
	s2 =	simm.s32 @!p0 $0x180;
	[sflag:s14] =	ssyncadd.s32 $0xFFFFFF80  }
0xc4: {  	[tilespmem:s11], [sflag:$0x1] =	stream.indirect.gather [hbm4b:s7+s4], $0x80, s6, s4, $0xb8;
	[tilespmem:$0x18300] =	vst v63  }
0xc5: {  	s0 =	simm.s32 @!p0 $0x3;
	s6 =	sadd.s32 @!p0 s26, s3;
	s4 =	simm.s32 @!p0 $0x0  }
0xc6: {  	[tilespmem:s2], [sflag:$0x3] =	stream.linear.gather @!p0 [hbm4b:s6+s4], $0x80, $0x38;
	[tilespmem:$0x18300] =	vst v63  }
0xc7: {  	p2 =	sgt.u32 s21, $0x4E1;
	_ =	swait.ge @!p0 [sflag:s0], $0x80  }
0xc8: {  	s9 =	sadd.s32 @!p2 s25, s3;
	[sflag:s0] =	ssyncset.done @!p0 $0x0  }
0xc9: {  	s8 =	simm.s32 @!p0 $0x80;
	s6 =	simm.s32 @!p0 $0xC300;
	[sflag:s0] =	ssyncadd.s32 @!p0 $0xFFFFFF80  }
0xca: {  	[tilespmem:s6], [sflag:$0x1] =	stream.indirect.gather @!p0 [hbm4b:s7+s8], $0x80, s2, s8, $0xb8;
	[tilespmem:$0x18300] =	vst v63  }
0xcb: {  	s10 =	simm.s32 @!p2 $0x200;
	s2 =	simm.s32 @!p2 $0x3;
	s8 =	simm.s32 @!p2 $0x0  }
0xcc: {  	[tilespmem:s10], [sflag:$0x3] =	stream.linear.gather @!p2 [hbm4b:s9+s8], $0x80, $0x38;
	[tilespmem:$0x18300] =	vst v63  }
0xcd: {  	p1 =	sgt.u32 s24, $0x4E1;
	_ =	swait.ge @!p2 [sflag:s2], $0x80  }
0xce: {  	s12 =	sadd.s32 @!p1 s23, s3;
	[sflag:s2] =	ssyncset.done @!p2 $0x0  }
0xcf: {  	s16 =	simm.s32 @!p2 $0x10300;
	s9 =	simm.s32 @!p2 $0x80;
	[sflag:s2] =	ssyncadd.s32 @!p2 $0xFFFFFF80  }
0xd0: {  	[tilespmem:s16], [sflag:$0x1] =	stream.indirect.gather @!p2 [hbm4b:s7+s9], $0x80, s10, s9, $0xb8;
	[tilespmem:$0x18300] =	vst v63  }
0xd1: {  	s13 =	simm.s32 @!p1 $0x280;
	s9 =	simm.s32 @!p1 $0x3;
	s10 =	simm.s32 @!p1 $0x0  }
0xd2: {  	[tilespmem:s13], [sflag:$0x3] =	stream.linear.gather @!p1 [hbm4b:s12+s10], $0x80, $0x38;
	[tilespmem:$0x18300] =	vst v63  }
0xd3: {  	_ =	swait.ge @!p1 [sflag:s9], $0x80  }
0xd4: {  	s26 =	simm.s32 $0x1;
	[sflag:s9] =	ssyncset.done @!p1 $0x0  }
0xd5: {  	s12 =	simm.s32 @!p1 $0x80;
	[sflag:s9] =	ssyncadd.s32 @!p1 $0xFFFFFF80;
	s9 =	simm.s32 @!p1 $0x14300  }
0xd6: {  	[tilespmem:s9], [sflag:$0x1] =	stream.indirect.gather @!p1 [hbm4b:s7+s12], $0x80, s13, s12, $0xb8;
	[tilespmem:$0x18300] =	vst v63  }
0xd7: {  	_ =	swait.ge [sflag:s26], $0x4000  }
0xd8: {  	[sflag:s26] =	ssyncset.done $0x0;
	s15 =	rddreg [dreg:$0x3]  }
0xd9: {  	s28 =	sadd.s32 s22, s15;
	[sflag:s26] =	ssyncadd.s32 $0xFFFFC000  }
0xda: {  	[hbm4b:s28+s5] =	stream.linear.scatter [tilespmem:s1], [sflag:$0x3], $0x4000, $0x38;
	[tilespmem:$0x18300] =	vst v63  }
0xdb: {  	_ =	swait.ge [sflag:s14], $0x4000  }
0xdc: {  	[sflag:s14] =	ssyncset.done $0x0  }
0xdd: {  	[sflag:s14] =	ssyncadd.s32 $0xFFFFC000  }
0xde: {  	_ =	swait.ge [sflag:s26], $0x4000  }
0xdf: {  	[sflag:s26] =	ssyncset.done $0x0  }
0xe0: {  	s29 =	sadd.s32 $0x10000, s28;
	[sflag:s26] =	ssyncadd.s32 $0xFFFFC000  }
0xe1: {  	[hbm4b:s29+s5] =	stream.linear.scatter [tilespmem:s17], [sflag:$0x3], $0x4000, $0x38;
	[tilespmem:$0x18300] =	vst v63  }
0xe2: {  	_ =	swait.ge [sflag:s14], $0x4000  }
0xe3: {  	[sflag:s14] =	ssyncset.done $0x0  }
0xe4: {  	[sflag:s14] =	ssyncadd.s32 $0xFFFFC000  }
0xe5: {  	_ =	swait.ge [sflag:s26], $0x4000  }
0xe6: {  	[sflag:s26] =	ssyncset.done $0x0  }
0xe7: {  	s12 =	sadd.s32 $0x20000, s28;
	[sflag:s26] =	ssyncadd.s32 $0xFFFFC000  }
0xe8: {  	[hbm4b:s12+s5] =	stream.linear.scatter [tilespmem:s11], [sflag:$0x3], $0x4000, $0x38;
	[tilespmem:$0x18300] =	vst v63  }
0xe9: {  	_ =	swait.ge [sflag:s14], $0x4000  }
0xea: {  	[sflag:s14] =	ssyncset.done $0x0  }
0xeb: {  	s12 =	simm.s32 @!p0 $0x1;
	[sflag:s14] =	ssyncadd.s32 $0xFFFFC000  }
0xec: {  	_ =	swait.ge @!p0 [sflag:s12], $0x4000  }
0xed: {  	s13 =	sadd.s32 @!p0 s22, s15;
	[sflag:s12] =	ssyncset.done @!p0 $0x0  }
0xee: {  	[sflag:s12] =	ssyncadd.s32 @!p0 $0xFFFFC000;
	s12 =	sadd.s32 @!p0 $0x30000, s13  }
0xef: {  	[hbm4b:s12+s4] =	stream.linear.scatter @!p0 [tilespmem:s6], [sflag:$0x3], $0x4000, $0x38;
	[tilespmem:$0x18300] =	vst v63  }
0xf0: {  	_ =	swait.ge @!p0 [sflag:s0], $0x4000  }
0xf1: {  	[sflag:s0] =	ssyncset.done @!p0 $0x0  }
0xf2: {  	s4 =	simm.s32 @!p2 $0x1;
	[sflag:s0] =	ssyncadd.s32 @!p0 $0xFFFFC000  }
0xf3: {  	_ =	swait.ge @!p2 [sflag:s4], $0x4000  }
0xf4: {  	s0 =	sadd.s32 @!p2 s22, s15;
	[sflag:s4] =	ssyncset.done @!p2 $0x0  }
0xf5: {  	s0 =	sadd.s32 @!p2 $0x40000, s0;
	[sflag:s4] =	ssyncadd.s32 @!p2 $0xFFFFC000  }
0xf6: {  	[hbm4b:s0+s8] =	stream.linear.scatter @!p2 [tilespmem:s16], [sflag:$0x3], $0x4000, $0x38;
	[tilespmem:$0x18300] =	vst v63  }
0xf7: {  	_ =	swait.ge @!p2 [sflag:s2], $0x4000  }
0xf8: {  	[sflag:s2] =	ssyncset.done @!p2 $0x0  }
0xf9: {  	s0 =	simm.s32 @!p1 $0x1;
	[sflag:s2] =	ssyncadd.s32 @!p2 $0xFFFFC000  }
0xfa: {  	_ =	swait.ge @!p1 [sflag:s0], $0x4000  }
0xfb: {  	s2 =	sadd.s32 @!p1 s22, s15;
	[sflag:s0] =	ssyncset.done @!p1 $0x0  }
0xfc: {  	[sflag:s0] =	ssyncadd.s32 @!p1 $0xFFFFC000;
	s0 =	sadd.s32 @!p1 $0x50000, s2  }
0xfd: {  	[hbm4b:s0+s10] =	stream.linear.scatter @!p1 [tilespmem:s9], [sflag:$0x2], $0x4000, $0x38;
	[tilespmem:$0x18300] =	vst v63  }
0xfe: {  	s0 =	simm.s32 @!p1 $0x2  }
0xff: {  	_ =	swait.ge @!p1 [sflag:s0], $0x4000  }
0x100: {  	s30 =	rddreg [dreg:$0xd]  }
0x101: {  	s31 =	rddreg [dreg:$0x5];
	s1 =	sadd.s32 $0x1, s30  }
0x102: {  	p0 =	sne.s32 s1, s31  }
.Ltmp1:
0x103: {  	_ = 	snop;
	(pc) =	sbr.rel @p0 .LBB2_1-.Ltmp1, $3  }
0x104: {  	_ =	sdelay $0x1  }
0x105: {  	[sflag:s0] =	ssyncset.done @!p1 $0x0  }
0x106: {  	[sflag:s0] =	ssyncadd.s32 @!p1 $0xFFFFC000  }
0x107: {  	_ =	sfence.sel $0x180000  }
0x108: {  	[bflag:$0x0] =	sbarrier.arrive $0xFFFF  }
0x109: {  	_ =	strace $0x9000004A  }
0x10a: {  	s0 =	stileid.u32;
	[bflag:$0x2] =	sbarrier.arrive $0xFFFF  }
0x10b: {  	p0 =	sne.s32 s0, $0x0;
	s0 =	rddreg [dreg:$0x2]  }
0x10c: {  	s0 =	sadd.s32 @!p0 $0x100000, s0  }
0x10d: {  	[sflag:s0] =	ssyncadd.tile.s32 @!p0 $0x1;
	_ =	shalt  }
.Lfunc_end2:
_tile_overlayer_lowered:
.L_overlay_start_2:
0x10e: {  	(tag) =	ssettag $0x2  }
0x10f: {  	s0 =	rddreg [dreg:$0x0];
	s2 =	stileid.u32  }
0x110: {  	s1 =	rddreg [dreg:$0x1];
	p0 =	sne.s32 s2, $0x0  }
0x111: {  	s3 =	rddreg [dreg:$0x2];
	[bflag:$0x3] =	sbarrier.arrive $0xFFFF;
	s2 =	simm.s32 @!p0 $0x1C02  }
0x112: {  	[timem:s3], [sflag:s2] =	dma.local @!p0 [hbm:s0], s1  }
0x113: {  	s0 =	simm.s32 @!p0 $0x2  }
0x114: {  	_ =	swait.ge @!p0 [sflag:s0], s1  }
0x115: {  	s1 =	ssub.s32 @!p0 $0x0, s1;
	[sflag:s0] =	ssyncset.done @!p0 $0x0  }
0x116: {  	[sflag:s0] =	ssyncadd.s32 @!p0 s1  }
0x117: {  	[bflag:$0x3] =	sbarrier.arrive $0xFFFF  }
0x118: {  	_ =	shalt  }

// kernel: kernel.23.cloned.1.call-start
scs
__scs_entry_jumppad:
0x0: {  	(pc) =	sbr.rel $0x88, $3  }
0x1: {  	(tag) =	ssettag $0x0;
	lr =	simm.s32 $0x1  }
0x2: {  	[smem:$0x3F94] =	sst lr;
	_ =	strace $0xD0000000  }
0x3: {  	_ = 	snop  }
0x4: {  	_ = 	snop  }
0x5: {  	_ = 	snop  }
0x6: {  	_ = 	snop  }
0x7: {  	_ = 	snop  }
__scs_overlays_trampoline_lowered:
0x8: {  	[smem:$0x3FA3] =	sst s0  }
0x9: {  	[smem:$0x3FA4] =	sst s1  }
0xa: {  	[smem:$0x3FA5] =	sst s2  }
0xb: {  	[smem:$0x3FA6] =	sst s3  }
0xc: {  	[smem:$0x3FA7] =	sst s4  }
0xd: {  	[smem:$0x3FA8] =	sst s5  }
0xe: {  	[smem:$0x3FA9] =	sst s6  }
0xf: {  	[smem:$0x3FAA] =	sst s7  }
0x10: {  	[smem:$0x3FAB] =	sst s8  }
0x11: {  	[smem:$0x3FAC] =	sst s9;
	s0 =	simm.s32 @!p0 $0x0  }
0x12: {  	s1 =	sld [smem:$0x3F92];
	s0 =	simm.s32 @p0 $0x1  }
0x13: {  	[smem:$0x3FAD] =	sst s0;
	s0 =	simm.s32 @!p1 $0x0  }
0x14: {  	s2 =	sld [smem:$0x3F91];
	s0 =	simm.s32 @p1 $0x1  }
0x15: {  	[smem:$0x3FAE] =	sst s0;
	s0 =	simm.s32 @!p2 $0x0  }
0x16: {  	s3 =	sld [smem:$0x3FDB];
	s0 =	simm.s32 @p2 $0x1  }
0x17: {  	s4 =	simm.s32 $0x1BF5;
	[smem:$0x3FB0] =	sst s0  }
0x18: {  	s0 =	sld [smem:$0x3F93];
	_ =	swait.ge [sflag:s4], $0x0  }
0x19: {  	s7 =	sld [smem:$0x3F94]  }
0x1a: {  	s8 =	sadd.s32 $0xFFFFE003, lr  }
0x1b: {  	s9 =	sadd.s32 $0xFFFFFEF7, lr;
	s5 =	simm.s32 $0xFFFFFFFF;
	p2 =	slt.u32 s8, $0xFFFFF086  }
0x1c: {  	p1 =	slt.u32 s9, $0xF7A;
	s5 =	simm.s32 @!p2 $0x0  }
0x1d: {  	s5 =	simm.s32 @p1 $0x1;
	p0 =	seq.s32 s7, s2  }
0x1e: {  	s7 =	smul.u32 @!p0 $0xF7A, s2;
	p2 =	seq.s32 @!p0 s5, $0x0  }
0x1f: {  	s9 =	smul.u32 $0xF7A, s1;
	s8 =	simm.s32 @!p0 $0x1BF5;
	p2 =	por !p2, p0  }
0x20: {  	[sflag:s8] =	ssyncset.s32 @!p0 $0xFFFFF086;
	s6 =	sadd.s32 @!p0 s3, s7;
	s7 =	simm.s32 @!p0 $0x108  }
0x21: {  	s3 =	sadd.s32 s3, s9;
	s6 =	sadd.s32 @!p0 $0x88, s6;
	s7 =	simm.s32 @p2 $0x1082  }
0x22: {  	[simem:s7], [sflag:s8] =	dma.local @!p0 [hbm:s6], $0xF7A  }
0x23: {  	s9 =	sor.u32 $0xD0000000, s2;
	s6 =	simm.s32 $0x108;
	_ =	swait.ge @!p0 [sflag:s8], $0x0  }
0x24: {  	s3 =	sadd.s32 $0x88, s3;
	s6 =	simm.s32 @!p1 $0x1082;
	[sflag:s4] =	ssyncset.s32 $0xFFFFF086  }
0x25: {  	[simem:s6], [sflag:s4] =	dma.local [hbm:s3], $0xF7A  }
0x26: {  	[smem:$0x3F94] =	sst s1;
	(tag) =	ssettag s2;
	_ =	strace s9  }
0x27: {  	s1 =	sld [smem:$0x3FA4]  }
0x28: {  	s2 =	sld [smem:$0x3FA5]  }
0x29: {  	s4 =	sld [smem:$0x3FA7]  }
0x2a: {  	p0 =	seq.s32 s5, $0x0;
	s5 =	sld [smem:$0x3FA8]  }
0x2b: {  	s6 =	sld [smem:$0x3FA9]  }
0x2c: {  	s7 =	sld [smem:$0x3FAA]  }
0x2d: {  	s3 =	simm.s32 $0x108;
	s8 =	sld [smem:$0x3FAB]  }
0x2e: {  	s3 =	simm.s32 @!p0 $0x1082;
	s9 =	sld [smem:$0x3FAC]  }
0x2f: {  	lr =	sadd.s32 s0, s3;
	s0 =	sld [smem:$0x3FA3]  }
0x30: {  	s3 =	sld [smem:$0x3FA6]  }
0x31: {  	[smem:$0x3FAF] =	sst s10  }
0x32: {  	s10 =	sld [smem:$0x3FAD];
	_ =	sdelay $0x3  }
0x33: {  	p0 =	seq.s32 s10, $0x1;
	s10 =	sld [smem:$0x3FAF];
	_ =	sdelay $0x3  }
0x34: {  	[smem:$0x3FAF] =	sst s10  }
0x35: {  	s10 =	sld [smem:$0x3FAE];
	_ =	sdelay $0x3  }
0x36: {  	p1 =	seq.s32 s10, $0x1;
	s10 =	sld [smem:$0x3FAF];
	_ =	sdelay $0x3  }
0x37: {  	[smem:$0x3FAF] =	sst s10  }
0x38: {  	s10 =	sld [smem:$0x3FB0]  }
0x39: {  	_ = 	snop;
	(pc) =	sbr.ind lr, $3  }
0x3a: {  	_ = 	snop  }
0x3b: {  	_ = 	snop  }
0x3c: {  	p2 =	seq.s32 s10, $0x1;
	s10 =	sld [smem:$0x3FAF]  }
0x3d: {  	_ =	shalt  }
0x3e: {  	_ =	shalt  }
0x3f: {  	_ =	shalt  }
0x40: {  	_ =	shalt  }
0x41: {  	_ =	shalt  }
0x42: {  	_ =	shalt  }
0x43: {  	_ =	shalt  }
0x44: {  	_ =	shalt  }
0x45: {  	_ =	shalt  }
0x46: {  	_ =	shalt  }
0x47: {  	_ =	shalt  }
0x48: {  	_ =	shalt  }
0x49: {  	_ =	shalt  }
0x4a: {  	_ =	shalt  }
0x4b: {  	_ =	shalt  }
0x4c: {  	_ =	shalt  }
0x4d: {  	_ =	shalt  }
0x4e: {  	_ =	shalt  }
0x4f: {  	_ =	shalt  }
0x50: {  	_ =	shalt  }
0x51: {  	_ =	shalt  }
0x52: {  	_ =	shalt  }
0x53: {  	_ =	shalt  }
0x54: {  	_ =	shalt  }
0x55: {  	_ =	shalt  }
0x56: {  	_ =	shalt  }
0x57: {  	_ =	shalt  }
0x58: {  	_ =	shalt  }
0x59: {  	_ =	shalt  }
0x5a: {  	_ =	shalt  }
0x5b: {  	_ =	shalt  }
0x5c: {  	_ =	shalt  }
0x5d: {  	_ =	shalt  }
0x5e: {  	_ =	shalt  }
0x5f: {  	_ =	shalt  }
0x60: {  	_ =	shalt  }
0x61: {  	_ =	shalt  }
0x62: {  	_ =	shalt  }
0x63: {  	_ =	shalt  }
0x64: {  	_ =	shalt  }
0x65: {  	_ =	shalt  }
0x66: {  	_ =	shalt  }
0x67: {  	_ =	shalt  }
0x68: {  	_ =	shalt  }
0x69: {  	_ =	shalt  }
0x6a: {  	_ =	shalt  }
0x6b: {  	_ =	shalt  }
0x6c: {  	_ =	shalt  }
0x6d: {  	_ =	shalt  }
0x6e: {  	_ =	shalt  }
0x6f: {  	_ =	shalt  }
0x70: {  	_ =	shalt  }
0x71: {  	_ =	shalt  }
0x72: {  	_ =	shalt  }
0x73: {  	_ =	shalt  }
0x74: {  	_ =	shalt  }
0x75: {  	_ =	shalt  }
0x76: {  	_ =	shalt  }
0x77: {  	_ =	shalt  }
0x78: {  	_ =	shalt  }
0x79: {  	_ =	shalt  }
0x7a: {  	_ =	shalt  }
0x7b: {  	_ =	shalt  }
0x7c: {  	_ =	shalt  }
0x7d: {  	_ =	shalt  }
0x7e: {  	_ =	shalt  }
0x7f: {  	_ =	shalt  }
0x80: {  	_ =	shalt  }
0x81: {  	_ =	shalt  }
0x82: {  	_ =	shalt  }
0x83: {  	_ =	shalt  }
0x84: {  	_ =	shalt  }
0x85: {  	_ =	shalt  }
0x86: {  	_ =	shalt  }
0x87: {  	_ =	shalt  }
.Lfunc_end0:
.L_simem_size_0:
called_computation.2_lowered:
.L_overlay_start_0:
0x88: {  	s2 =	sld [smem:$0x3FD9]  }
0x89: {  	s3 =	sld [smem:$0x3FFE];
	_ =	sdelay $0x1  }
0x8a: {  	s1 =	srdreg.scid  }
0x8b: {  	s0 =	sand.u32 $0x1, s1  }
0x8c: {  	s17 =	sshll.u32 s0, $0xA;
	s2 =	sadd.s32 s3, s2  }
0x8d: {  	s2 =	sadd.s32 s2, s17  }
0x8e: {  	[smem:$0x3FBB] =	sst s2  }
0x8f: {  	_ = 	snop  }
0x90: {  	s18 =	sld [smem:$0x3FC6];
	(tm) =	ssettm $0x1  }
0x91: {  	s19 =	sld [smem:$0x3FFB];
	_ =	sdelay $0x3  }
0x92: {  	_ =	strace s19  }
0x93: {  	s2 =	sld [smem:$0x3FFC];
	_ =	sdelay $0x3  }
0x94: {  	_ =	strace s2  }
0x95: {  	s2 =	sld [smem:$0x3FFD];
	_ =	sdelay $0x3  }
0x96: {  	_ =	strace s2  }
0x97: {  	_ =	strace $0x8FFFFFFF  }
0x98: {  	s20 =	sld [smem:$0x3FDB];
	_ =	sdelay $0x1  }
0x99: {  	s4 =	simm.s32 $_scs_section_size  }
0x9a: {  	s5 =	simm.s32 $_size__tile_overlayer_lowered;
	s6 =	simm.s32 $_tile_overlayer_lowered  }
0x9b: {  	s7 =	simm.s32 $0x1BFF;
	s21 =	sshll.u32 s6, $0x1;
	s4 =	sadd.s32 s4, s20  }
0x9c: {  	s22 =	simm.s32 $0x0;
	s5 =	sshll.u32 s5, $0x1;
	s6 =	sadd.s32 s21, s4  }
0x9d: {  	[timem:s22], [sflag:s7] =	dma.local [hbm:s6], s5  }
0x9e: {  	_ =	swait.ge [sflag:s7], s5  }
0x9f: {  	s5 =	ssub.s32 $0x0, s5;
	[sflag:s7] =	ssyncset.done $0x0  }
0xa0: {  	[sflag:s7] =	ssyncadd.s32 s5;
	_ =	sdelay $0x1  }
0xa1: {  	s23 =	simm.s32 $0x1B8B  }
0xa2: {  	_ =	swait.ge [sflag:s23], $0x1  }
0xa3: {  	[sflag:s23] =	ssyncset.done $0x0  }
0xa4: {  	[sflag:s23] =	ssyncadd.s32 $0xFFFFFFFF  }
0xa5: {  	s5 =	sld [smem:$0x0]  }
0xa6: {  	s6 =	sand.u32 $0xFFFFFFFE, s1  }
0xa7: {  	p0 =	sne.s32 s1, s6  }
0xa8: {  	s6 =	sshll.u32 @p0 s6, $0xE  }
0xa9: {  	s6 =	sadd.s32 @p0 $0x11B8D, s6;
	s7 =	sshll.u32 @p0 s5, $0x11  }
0xaa: {  	s6 =	sor.u32 @p0 s7, s6  }
0xab: {  	[sflag:s6] =	ssyncadd.remote.s32 @p0 $0x1;
	_ =	sdelay $0x1  }
0xac: {  	s6 =	simm.s32 @p0 $0x1B8D  }
0xad: {  	_ =	swait.eq @p0 [sflag:s6], $0x1  }
0xae: {  	[sflag:s6] =	ssyncadd.s32 @p0 $0xFFFFFFFF  }
0xaf: {  	s7 =	sshll.u32 @!p0 s1, $0xE  }
0xb0: {  	s7 =	sor.u32 @!p0 $0x4000, s7;
	s6 =	simm.s32 @!p0 $0x1B8D  }
0xb1: {  	s5 =	sshll.u32 @!p0 s5, $0x11;
	s7 =	sadd.s32 @!p0 $0x11B8D, s7;
	_ =	swait.eq @!p0 [sflag:s6], $0x1  }
0xb2: {  	s5 =	sor.u32 @!p0 s5, s7;
	[sflag:s6] =	ssyncadd.s32 @!p0 $0xFFFFFFFF  }
0xb3: {  	s25 =	simm.s32 $0x1B8E;
	s24 =	sld [smem:$0x3FFE];
	[sflag:s5] =	ssyncadd.remote.s32 @!p0 $0x1  }
0xb4: {  	s26 =	simm.s32 $execute0_lowered;
	[smem:$0x3FD2] =	sst s25  }
0xb5: {  	s6 =	sshll.u32 s26, $0x1;
	_ =	strace $0x8000004C;
	[dreg:$0x1] =	wrdreg $0xFFFFFFFF  }
0xb6: {  	s28 =	simm.s32 $_size_execute0_lowered;
	s4 =	sadd.s32 s4, s6;
	[dreg:$0x0] =	wrdreg $0x0  }
0xb7: {  	s6 =	sshll.u32 s28, $0x1;
	[dreg:$0x2] =	wrdreg s4  }
0xb8: {  	[dreg:$0x3] =	wrdreg s6  }
0xb9: {  	[dreg:$0x4] =	wrdreg $0xC0  }
0xba: {  	_ =	task [dreg:s22], $0x5FFFF  }
0xbb: {  	[dreg:$0x1] =	wrdreg $0xFFFFFFFF  }
0xbc: {  	[dreg:$0x0] =	wrdreg $0x60  }
0xbd: {  	[dreg:$0x2] =	wrdreg s24  }
0xbe: {  	[dreg:$0x3] =	wrdreg s18  }
0xbf: {  	[dreg:$0x4] =	wrdreg $0xE0800  }
0xc0: {  	[dreg:$0x5] =	wrdreg $0xA  }
0xc1: {  	_ =	task.clear_ibuf [dreg:s22], $0x6FFFF;
	_ =	strace $0x9000004C  }
0xc2: {  	s29 =	simm.s32 $0xA;
	_ =	strace $0x8000004E  }
0xc3: {  	_ =	swait.ge [sflag:s29], $0x1  }
0xc4: {  	[sflag:s29] =	ssyncadd.s32 $0xFFFFFFFF  }
0xc5: {  	_ =	strace $0x9000004E  }
0xc6: {  	_ =	sfence  }
0xc7: {  	s30 =	sld [smem:$0x0];
	_ =	sdelay $0x2  }
0xc8: {  	s31 =	sshll.u32 s1, $0xD;
	s1 =	sshrl.u32 s1, $0x2  }
0xc9: {  	s4 =	sand.u32 $0x4000, s31;
	s1 =	sadd.s32 s1, s30  }
0xca: {  	s0 =	sor.u32 s4, s0;
	s1 =	sshll.u32 s1, $0x11  }
0xcb: {  	s0 =	sor.u32 s1, s0  }
0xcc: {  	s0 =	sadd.s32 $0x8F2B, s0  }
0xcd: {  	[sflag:s0] =	ssyncadd.remote.s32 $0x1  }
0xce: {  	_ =	sfence.sel $0xFFFF  }
0xcf: {  	[dreg:$0x0] =	wrdreg $0xFFFFFFFF;
	(pc) =	sbr.abs _section_cstart, $3  }
0xd0: {  	[dreg:$0x1] =	wrdreg $0xFFFFFFFF  }
0xd1: {  	_ =	task.clear_ibuf [dreg:s22], $0x2FFFF;
	_ =	strace $0x9FFFFFFF  }
0xd2: {  	(tm) =	ssettm $0x7FFFFFFF  }
0xd3: {  	_ =	shalt  }
tec
execute0_lowered:
.L_overlay_start_1:
0x0: {  	(tag) =	ssettag $0x1  }
0x1: {  	s4 =	rddreg [dreg:$0x0]  }
0x2: {  	s6 =	rddreg [dreg:$0x1];
	s0 =	stileid.u32  }
0x3: {  	s1 =	srdreg.scid;
	s2 =	rddreg [dreg:$0x2];
	s3 =	simm.s32 $0x0  }
0x4: {  	s9 =	sand.u32 $0x1, s1;
	s5 =	smul.u32 $0x1400, s0;
	s1 =	rddreg [dreg:$0x3]  }
0x5: {  	[smem:$0x7FF] =	sst s3;
	s8 =	sshll.u32 s0, $0xC;
	s28 =	smul.u32 $0x28000, s0  }
0x6: {  	s11 =	sshll.u32 s0, $0x5;
	s31 =	sshll.u32 s0, $0x1;
	s7 =	smul.u32 $0x14000, s9  }
0x7: {  	_ =	strace $0x8000004D;
	s8 =	sadd.s32 s8, s4;
	s26 =	ssub.s32 $0x2, s9  }
0x8: {  	s12 =	sshll.u32 s9, $0x4;
	s13 =	sshll.u32 s9, $0xB;
	s9 =	sor.u32 s9, s31  }
0x9: {  	s10 =	sshrl.u32 s26, $0x1;
	s29 =	sshrl.u32 s28, $0x2;
	s30 =	sor.u32 s12, s11  }
0xa: {  	s8 =	sadd.s32 s13, s8;
	s11 =	simm.s32 $0x1;
	s5 =	sadd.s32 s5, s7  }
0xb: {  	s10 =	ssub.s32 s26, s10;
	s12 =	sand.u32 $0x180, s30;
	s7 =	sand.u32 $0x70, s30  }
0xc: {  	s8 =	sadd.s32 $0x787E00, s8;
	s5 =	sadd.s32 s5, s4;
	s4 =	sadd.s32 s29, s2  }
0xd: {  	s12 =	sadd.s32 s12, s6;
	s6 =	smax.u32 s10, $0x1;
	s10 =	simm.s32 $0x4080  }
0xe: {  	v0 =	vimm.f32 $0.0e+00;
	s5 =	sadd.s32 $0x2D600, s5;
	s7 =	sadd.s32 s7, s12;
	s12 =	simm.s32 $0x0  }
.LBB2_1:
0xf: {  	s13 =	simm.s32 $0x0;
	s14 =	simm.s32 $0x200  }
.LBB2_2:
0x10: {  	p0 =	sne.s32 s14, $0x27E00;
	[tilespmem:s13+$0x40F0] =	vst v0  }
0x11: {  	[tilespmem:s13+$0x4080] =	vst v0  }
0x12: {  	[tilespmem:s13+$0x4090] =	vst v0  }
.Ltmp0:
0x13: {  	[tilespmem:s13+$0x40A0] =	vst v0;
	(pc) =	sbr.rel @p0 .LBB2_2-.Ltmp0, $4  }
0x14: {  	[tilespmem:s13+$0x40B0] =	vst v0  }
0x15: {  	[tilespmem:s13+$0x40C0] =	vst v0  }
0x16: {  	[tilespmem:s13+$0x40D0] =	vst v0  }
0x17: {  	[tilespmem:s13+$0x40E0] =	vst v0;
	s13 =	sshra.s32 s14, $0x2;
	s14 =	sadd.s32 $0x200, s14  }
0x18: {  	[tilespmem:s13+$0x40F0] =	vst v0  }
0x19: {  	[tilespmem:s13+$0x4080] =	vst v0  }
0x1a: {  	[tilespmem:s13+$0x4090] =	vst v0  }
0x1b: {  	[tilespmem:s13+$0x40A0] =	vst v0  }
0x1c: {  	[tilespmem:s13+$0x40B0] =	vst v0  }
0x1d: {  	[tilespmem:s13+$0x40C0] =	vst v0  }
0x1e: {  	[tilespmem:s13+$0x40D0] =	vst v0  }
0x1f: {  	[tilespmem:s13+$0x40E0] =	vst v0  }
0x20: {  	[spmem:s4] =	stream.linear.scatter [tilespmem:s10], [sflag:$0x1], $0xA000, $0x38;
	[tilespmem:$0x18080] =	vst v63  }
0x21: {  	_ =	swait.ge [sflag:s11], $0xA000  }
0x22: {  	s30 =	sadd.s32 $0x0, s9;
	[sflag:s11] =	ssyncset.done $0x0  }
0x23: {  	p0 =	sgt.u32 s30, $0x4E1;
	[sflag:s11] =	ssyncadd.s32 $0xFFFF6000  }
0x24: {  	s13 =	simm.s32 @!p0 $0x0;
	s15 =	simm.s32 @!p0 $0x2;
	[bflag:$0x0] =	sbarrier.arrive $0xFFFF  }
0x25: {  	[tilespmem:s13], [sflag:$0x2] =	stream.linear.gather @!p0 [hbm4b:s7+s13], $0x80, $0x38;
	[tilespmem:$0x18080] =	vst v63  }
0x26: {  	_ =	swait.ge @!p0 [sflag:s15], $0x80  }
0x27: {  	[sflag:s15] =	ssyncset.done @!p0 $0x0;
	p0 =	por p0, p0  }
0x28: {  	[sflag:s15] =	ssyncadd.s32 @!p0 $0xFFFFFF80;
	s17 =	simm.s32 @!p0 $0x80  }
0x29: {  	[tilespmem:s17], [sflag:$0x2] =	stream.linear.gather @!p0 [hbm4b:s8+s13], $0x4000, $0x38;
	[tilespmem:$0x18080] =	vst v63  }
0x2a: {  	_ =	swait.ge @!p0 [sflag:s15], $0x4000  }
0x2b: {  	[sflag:s15] =	ssyncset.done @!p0 $0x0  }
0x2c: {  	s31 =	sadd.s32 $0x20, s9;
	s16 =	simm.s32 @!p0 $0x1;
	[sflag:s15] =	ssyncadd.s32 @!p0 $0xFFFFC000  }
0x2d: {  	[spmem:s2] =	stream.indirect.scatter.add.f32 @!p0 [tilespmem:s17], [sflag:$0x1], $0x80, s13, s17, $0xb8;
	[tilespmem:$0x18080] =	vst v63  }
0x2e: {  	s14 =	simm.s32 $0x40;
	p1 =	sgt.u32 s31, $0x4E1;
	_ =	swait.ge @!p0 [sflag:s16], $0x4000  }
0x2f: {  	s15 =	sadd.s32 $0x200, s7;
	s13 =	sadd.s32 $0x10000, s8;
	[sflag:s16] =	ssyncset.done @!p0 $0x0  }
.LBB2_4:
0x30: {  	s17 =	simm.s32 @!p1 $0x0;
	s18 =	simm.s32 @!p1 $0x2;
	[sflag:s16] =	ssyncadd.s32 @!p0 $0xFFFFC000  }
0x31: {  	[tilespmem:s17], [sflag:$0x2] =	stream.linear.gather @!p1 [hbm4b:s15+s17], $0x80, $0x38;
	[tilespmem:$0x18080] =	vst v63  }
0x32: {  	s19 =	smov.u32 s14;
	s14 =	sadd.s32 $0x20, s14;
	_ =	swait.ge @!p1 [sflag:s18], $0x80  }
0x33: {  	p0 =	por p1, p1;
	p2 =	sne.s32 s14, $0x500;
	[sflag:s18] =	ssyncset.done @!p1 $0x0  }
0x34: {  	s20 =	simm.s32 @!p0 $0x80;
	[sflag:s18] =	ssyncadd.s32 @!p0 $0xFFFFFF80  }
0x35: {  	[tilespmem:s20], [sflag:$0x2] =	stream.linear.gather @!p0 [hbm4b:s13+s17], $0x4000, $0x38;
	[tilespmem:$0x18080] =	vst v63  }
0x36: {  	_ =	swait.ge @!p0 [sflag:s18], $0x4000  }
.Ltmp1:
0x37: {  	[sflag:s18] =	ssyncset.done @!p0 $0x0;
	(pc) =	sbr.rel @p2 .LBB2_4-.Ltmp1, $4  }
0x38: {  	s16 =	simm.s32 @!p0 $0x1;
	[sflag:s18] =	ssyncadd.s32 @!p0 $0xFFFFC000  }
0x39: {  	[spmem:s2] =	stream.indirect.scatter.add.f32 @!p0 [tilespmem:s20], [sflag:$0x1], $0x80, s17, s20, $0xb8;
	[tilespmem:$0x18080] =	vst v63  }
0x3a: {  	s13 =	sadd.s32 $0x10000, s13;
	s17 =	sadd.s32 s19, s9;
	_ =	swait.ge @!p0 [sflag:s16], $0x4000  }
0x3b: {  	s15 =	sadd.s32 $0x200, s15;
	p1 =	sgt.u32 s17, $0x4E1;
	[sflag:s16] =	ssyncset.done @!p0 $0x0  }
0x3c: {  	s14 =	simm.s32 @!p1 $0x0;
	s17 =	simm.s32 @!p1 $0x2;
	[sflag:s16] =	ssyncadd.s32 @!p0 $0xFFFFC000  }
0x3d: {  	[tilespmem:s14], [sflag:$0x2] =	stream.linear.gather @!p1 [hbm4b:s15+s14], $0x80, $0x38;
	[tilespmem:$0x18080] =	vst v63  }
0x3e: {  	_ =	swait.ge @!p1 [sflag:s17], $0x80  }
0x3f: {  	p0 =	por p1, p1;
	[sflag:s17] =	ssyncset.done @!p1 $0x0  }
0x40: {  	s15 =	simm.s32 @!p0 $0x80;
	[sflag:s17] =	ssyncadd.s32 @!p0 $0xFFFFFF80  }
0x41: {  	[tilespmem:s15], [sflag:$0x2] =	stream.linear.gather @!p0 [hbm4b:s13+s14], $0x4000, $0x38;
	[tilespmem:$0x18080] =	vst v63  }
0x42: {  	_ =	swait.ge @!p0 [sflag:s17], $0x4000  }
0x43: {  	[sflag:s17] =	ssyncset.done @!p0 $0x0  }
0x44: {  	s13 =	simm.s32 @!p0 $0x1;
	[sflag:s17] =	ssyncadd.s32 @!p0 $0xFFFFC000  }
0x45: {  	[spmem:s2] =	stream.indirect.scatter.add.f32 @!p0 [tilespmem:s15], [sflag:$0x1], $0x80, s14, s15, $0xb8;
	[tilespmem:$0x18080] =	vst v63  }
0x46: {  	_ =	swait.ge @!p0 [sflag:s13], $0x4000  }
0x47: {  	[sflag:s13] =	ssyncset.done @!p0 $0x0  }
0x48: {  	[sflag:s13] =	ssyncadd.s32 @!p0 $0xFFFFC000  }
0x49: {  	[bflag:$0x0] =	sbarrier.arrive $0xFFFF  }
0x4a: {  	[tilespmem:s10], [sflag:$0x1] =	stream.linear.gather [spmem:s4], $0xA000, $0x38;
	[tilespmem:$0x18080] =	vst v63  }
0x4b: {  	s12 =	sadd.s32 $0x1, s12;
	_ =	swait.ge [sflag:s11], $0xA000  }
0x4c: {  	p0 =	sne.s32 s12, s6;
	[sflag:s11] =	ssyncset.done $0x0  }
.Ltmp2:
0x4d: {  	[sflag:s11] =	ssyncadd.s32 $0xFFFF6000;
	(pc) =	sbr.rel @p0 .LBB2_1-.Ltmp2, $4  }
0x4e: {  	[hbm4b:s5+s3] =	stream.linear.scatter [tilespmem:s10], [sflag:$0x1], $0xA000, $0x38;
	[tilespmem:$0x18080] =	vst v63  }
0x4f: {  	_ =	swait.ge [sflag:s11], $0xA000  }
0x50: {  	[sflag:s11] =	ssyncset.done $0x0  }
0x51: {  	[sflag:s11] =	ssyncadd.s32 $0xFFFF6000  }
0x52: {  	_ =	sfence.sel $0x180000  }
0x53: {  	[bflag:$0x0] =	sbarrier.arrive $0xFFFF  }
0x54: {  	p0 =	sne.s32 s0, $0x0;
	_ =	strace $0x9000004D  }
0x55: {  	s0 =	sadd.s32 @!p0 $0x100000, s1;
	[bflag:$0x2] =	sbarrier.arrive $0xFFFF  }
0x56: {  	[sflag:s0] =	ssyncadd.tile.s32 @!p0 $0x1;
	_ =	shalt  }
.Lfunc_end2:
_tile_overlayer_lowered:
.L_overlay_start_2:
0x57: {  	(tag) =	ssettag $0x2  }
0x58: {  	s0 =	rddreg [dreg:$0x0];
	s2 =	stileid.u32  }
0x59: {  	s1 =	rddreg [dreg:$0x1];
	p0 =	sne.s32 s2, $0x0  }
0x5a: {  	s3 =	rddreg [dreg:$0x2];
	[bflag:$0x3] =	sbarrier.arrive $0xFFFF;
	s2 =	simm.s32 @!p0 $0x1C01  }
0x5b: {  	[timem:s3], [sflag:s2] =	dma.local @!p0 [hbm:s0], s1  }
0x5c: {  	s0 =	simm.s32 @!p0 $0x1  }
0x5d: {  	_ =	swait.ge @!p0 [sflag:s0], s1  }
0x5e: {  	s1 =	ssub.s32 @!p0 $0x0, s1;
	[sflag:s0] =	ssyncset.done @!p0 $0x0  }
0x5f: {  	[sflag:s0] =	ssyncadd.s32 @!p0 s1  }
0x60: {  	[bflag:$0x3] =	sbarrier.arrive $0xFFFF  }
0x61: {  	_ =	shalt  }

// kernel: kernel.26.cloned.1.call-start
scs
__scs_entry_jumppad:
0x0: {  	(pc) =	sbr.rel $0x88, $3  }
0x1: {  	(tag) =	ssettag $0x0;
	lr =	simm.s32 $0x1  }
0x2: {  	[smem:$0x3F94] =	sst lr;
	_ =	strace $0xD0000000  }
0x3: {  	_ = 	snop  }
0x4: {  	_ = 	snop  }
0x5: {  	_ = 	snop  }
0x6: {  	_ = 	snop  }
0x7: {  	_ = 	snop  }
__scs_overlays_trampoline_lowered:
0x8: {  	[smem:$0x3FA3] =	sst s0  }
0x9: {  	[smem:$0x3FA4] =	sst s1  }
0xa: {  	[smem:$0x3FA5] =	sst s2  }
0xb: {  	[smem:$0x3FA6] =	sst s3  }
0xc: {  	[smem:$0x3FA7] =	sst s4  }
0xd: {  	[smem:$0x3FA8] =	sst s5  }
0xe: {  	[smem:$0x3FA9] =	sst s6  }
0xf: {  	[smem:$0x3FAA] =	sst s7  }
0x10: {  	[smem:$0x3FAB] =	sst s8  }
0x11: {  	[smem:$0x3FAC] =	sst s9;
	s0 =	simm.s32 @!p0 $0x0  }
0x12: {  	s1 =	sld [smem:$0x3F92];
	s0 =	simm.s32 @p0 $0x1  }
0x13: {  	[smem:$0x3FAD] =	sst s0;
	s0 =	simm.s32 @!p1 $0x0  }
0x14: {  	s2 =	sld [smem:$0x3F91];
	s0 =	simm.s32 @p1 $0x1  }
0x15: {  	[smem:$0x3FAE] =	sst s0;
	s0 =	simm.s32 @!p2 $0x0  }
0x16: {  	s3 =	sld [smem:$0x3FDB];
	s0 =	simm.s32 @p2 $0x1  }
0x17: {  	s4 =	simm.s32 $0x1BF5;
	[smem:$0x3FB0] =	sst s0  }
0x18: {  	s0 =	sld [smem:$0x3F93];
	_ =	swait.ge [sflag:s4], $0x0  }
0x19: {  	s7 =	sld [smem:$0x3F94]  }
0x1a: {  	s8 =	sadd.s32 $0xFFFFE003, lr  }
0x1b: {  	s9 =	sadd.s32 $0xFFFFFEF7, lr;
	s5 =	simm.s32 $0xFFFFFFFF;
	p2 =	slt.u32 s8, $0xFFFFF086  }
0x1c: {  	p1 =	slt.u32 s9, $0xF7A;
	s5 =	simm.s32 @!p2 $0x0  }
0x1d: {  	s5 =	simm.s32 @p1 $0x1;
	p0 =	seq.s32 s7, s2  }
0x1e: {  	s7 =	smul.u32 @!p0 $0xF7A, s2;
	p2 =	seq.s32 @!p0 s5, $0x0  }
0x1f: {  	s9 =	smul.u32 $0xF7A, s1;
	s8 =	simm.s32 @!p0 $0x1BF5;
	p2 =	por !p2, p0  }
0x20: {  	[sflag:s8] =	ssyncset.s32 @!p0 $0xFFFFF086;
	s6 =	sadd.s32 @!p0 s3, s7;
	s7 =	simm.s32 @!p0 $0x108  }
0x21: {  	s3 =	sadd.s32 s3, s9;
	s6 =	sadd.s32 @!p0 $0x88, s6;
	s7 =	simm.s32 @p2 $0x1082  }
0x22: {  	[simem:s7], [sflag:s8] =	dma.local @!p0 [hbm:s6], $0xF7A  }
0x23: {  	s9 =	sor.u32 $0xD0000000, s2;
	s6 =	simm.s32 $0x108;
	_ =	swait.ge @!p0 [sflag:s8], $0x0  }
0x24: {  	s3 =	sadd.s32 $0x88, s3;
	s6 =	simm.s32 @!p1 $0x1082;
	[sflag:s4] =	ssyncset.s32 $0xFFFFF086  }
0x25: {  	[simem:s6], [sflag:s4] =	dma.local [hbm:s3], $0xF7A  }
0x26: {  	[smem:$0x3F94] =	sst s1;
	(tag) =	ssettag s2;
	_ =	strace s9  }
0x27: {  	s1 =	sld [smem:$0x3FA4]  }
0x28: {  	s2 =	sld [smem:$0x3FA5]  }
0x29: {  	s4 =	sld [smem:$0x3FA7]  }
0x2a: {  	p0 =	seq.s32 s5, $0x0;
	s5 =	sld [smem:$0x3FA8]  }
0x2b: {  	s6 =	sld [smem:$0x3FA9]  }
0x2c: {  	s7 =	sld [smem:$0x3FAA]  }
0x2d: {  	s3 =	simm.s32 $0x108;
	s8 =	sld [smem:$0x3FAB]  }
0x2e: {  	s3 =	simm.s32 @!p0 $0x1082;
	s9 =	sld [smem:$0x3FAC]  }
0x2f: {  	lr =	sadd.s32 s0, s3;
	s0 =	sld [smem:$0x3FA3]  }
0x30: {  	s3 =	sld [smem:$0x3FA6]  }
0x31: {  	[smem:$0x3FAF] =	sst s10  }
0x32: {  	s10 =	sld [smem:$0x3FAD];
	_ =	sdelay $0x3  }
0x33: {  	p0 =	seq.s32 s10, $0x1;
	s10 =	sld [smem:$0x3FAF];
	_ =	sdelay $0x3  }
0x34: {  	[smem:$0x3FAF] =	sst s10  }
0x35: {  	s10 =	sld [smem:$0x3FAE];
	_ =	sdelay $0x3  }
0x36: {  	p1 =	seq.s32 s10, $0x1;
	s10 =	sld [smem:$0x3FAF];
	_ =	sdelay $0x3  }
0x37: {  	[smem:$0x3FAF] =	sst s10  }
0x38: {  	s10 =	sld [smem:$0x3FB0]  }
0x39: {  	_ = 	snop;
	(pc) =	sbr.ind lr, $3  }
0x3a: {  	_ = 	snop  }
0x3b: {  	_ = 	snop  }
0x3c: {  	p2 =	seq.s32 s10, $0x1;
	s10 =	sld [smem:$0x3FAF]  }
0x3d: {  	_ =	shalt  }
0x3e: {  	_ =	shalt  }
0x3f: {  	_ =	shalt  }
0x40: {  	_ =	shalt  }
0x41: {  	_ =	shalt  }
0x42: {  	_ =	shalt  }
0x43: {  	_ =	shalt  }
0x44: {  	_ =	shalt  }
0x45: {  	_ =	shalt  }
0x46: {  	_ =	shalt  }
0x47: {  	_ =	shalt  }
0x48: {  	_ =	shalt  }
0x49: {  	_ =	shalt  }
0x4a: {  	_ =	shalt  }
0x4b: {  	_ =	shalt  }
0x4c: {  	_ =	shalt  }
0x4d: {  	_ =	shalt  }
0x4e: {  	_ =	shalt  }
0x4f: {  	_ =	shalt  }
0x50: {  	_ =	shalt  }
0x51: {  	_ =	shalt  }
0x52: {  	_ =	shalt  }
0x53: {  	_ =	shalt  }
0x54: {  	_ =	shalt  }
0x55: {  	_ =	shalt  }
0x56: {  	_ =	shalt  }
0x57: {  	_ =	shalt  }
0x58: {  	_ =	shalt  }
0x59: {  	_ =	shalt  }
0x5a: {  	_ =	shalt  }
0x5b: {  	_ =	shalt  }
0x5c: {  	_ =	shalt  }
0x5d: {  	_ =	shalt  }
0x5e: {  	_ =	shalt  }
0x5f: {  	_ =	shalt  }
0x60: {  	_ =	shalt  }
0x61: {  	_ =	shalt  }
0x62: {  	_ =	shalt  }
0x63: {  	_ =	shalt  }
0x64: {  	_ =	shalt  }
0x65: {  	_ =	shalt  }
0x66: {  	_ =	shalt  }
0x67: {  	_ =	shalt  }
0x68: {  	_ =	shalt  }
0x69: {  	_ =	shalt  }
0x6a: {  	_ =	shalt  }
0x6b: {  	_ =	shalt  }
0x6c: {  	_ =	shalt  }
0x6d: {  	_ =	shalt  }
0x6e: {  	_ =	shalt  }
0x6f: {  	_ =	shalt  }
0x70: {  	_ =	shalt  }
0x71: {  	_ =	shalt  }
0x72: {  	_ =	shalt  }
0x73: {  	_ =	shalt  }
0x74: {  	_ =	shalt  }
0x75: {  	_ =	shalt  }
0x76: {  	_ =	shalt  }
0x77: {  	_ =	shalt  }
0x78: {  	_ =	shalt  }
0x79: {  	_ =	shalt  }
0x7a: {  	_ =	shalt  }
0x7b: {  	_ =	shalt  }
0x7c: {  	_ =	shalt  }
0x7d: {  	_ =	shalt  }
0x7e: {  	_ =	shalt  }
0x7f: {  	_ =	shalt  }
0x80: {  	_ =	shalt  }
0x81: {  	_ =	shalt  }
0x82: {  	_ =	shalt  }
0x83: {  	_ =	shalt  }
0x84: {  	_ =	shalt  }
0x85: {  	_ =	shalt  }
0x86: {  	_ =	shalt  }
0x87: {  	_ =	shalt  }
.Lfunc_end0:
.L_simem_size_0:
called_computation.3_lowered:
.L_overlay_start_0:
0x88: {  	s2 =	sld [smem:$0x3FD9]  }
0x89: {  	s3 =	sld [smem:$0x3FFE];
	_ =	sdelay $0x1  }
0x8a: {  	s1 =	srdreg.scid  }
0x8b: {  	s0 =	sand.u32 $0x1, s1  }
0x8c: {  	s17 =	sshll.u32 s0, $0xA;
	s2 =	sadd.s32 s3, s2  }
0x8d: {  	s2 =	sadd.s32 s2, s17  }
0x8e: {  	[smem:$0x3FBB] =	sst s2  }
0x8f: {  	_ = 	snop  }
0x90: {  	s18 =	sld [smem:$0x3FC7];
	(tm) =	ssettm $0x1  }
0x91: {  	s19 =	sld [smem:$0x3FFB];
	_ =	sdelay $0x3  }
0x92: {  	_ =	strace s19  }
0x93: {  	s2 =	sld [smem:$0x3FFC];
	_ =	sdelay $0x3  }
0x94: {  	_ =	strace s2  }
0x95: {  	s2 =	sld [smem:$0x3FFD];
	_ =	sdelay $0x3  }
0x96: {  	_ =	strace s2  }
0x97: {  	_ =	strace $0x8FFFFFFF  }
0x98: {  	s20 =	sld [smem:$0x3FDB];
	_ =	sdelay $0x1  }
0x99: {  	s4 =	simm.s32 $_scs_section_size  }
0x9a: {  	s5 =	simm.s32 $_size__tile_overlayer_lowered;
	s6 =	simm.s32 $_tile_overlayer_lowered  }
0x9b: {  	s7 =	simm.s32 $0x1BFF;
	s21 =	sshll.u32 s6, $0x1;
	s4 =	sadd.s32 s4, s20  }
0x9c: {  	s22 =	simm.s32 $0x0;
	s5 =	sshll.u32 s5, $0x1;
	s6 =	sadd.s32 s21, s4  }
0x9d: {  	[timem:s22], [sflag:s7] =	dma.local [hbm:s6], s5  }
0x9e: {  	_ =	swait.ge [sflag:s7], s5  }
0x9f: {  	s5 =	ssub.s32 $0x0, s5;
	[sflag:s7] =	ssyncset.done $0x0  }
0xa0: {  	[sflag:s7] =	ssyncadd.s32 s5;
	_ =	sdelay $0x1  }
0xa1: {  	s23 =	simm.s32 $0x1B8B  }
0xa2: {  	_ =	swait.ge [sflag:s23], $0x1  }
0xa3: {  	[sflag:s23] =	ssyncset.done $0x0  }
0xa4: {  	[sflag:s23] =	ssyncadd.s32 $0xFFFFFFFF  }
0xa5: {  	s5 =	sld [smem:$0x0]  }
0xa6: {  	s6 =	sand.u32 $0xFFFFFFFE, s1  }
0xa7: {  	p0 =	sne.s32 s1, s6  }
0xa8: {  	s6 =	sshll.u32 @p0 s6, $0xE  }
0xa9: {  	s6 =	sadd.s32 @p0 $0x11B8D, s6;
	s7 =	sshll.u32 @p0 s5, $0x11  }
0xaa: {  	s6 =	sor.u32 @p0 s7, s6  }
0xab: {  	[sflag:s6] =	ssyncadd.remote.s32 @p0 $0x1;
	_ =	sdelay $0x1  }
0xac: {  	s6 =	simm.s32 @p0 $0x1B8D  }
0xad: {  	_ =	swait.eq @p0 [sflag:s6], $0x1  }
0xae: {  	[sflag:s6] =	ssyncadd.s32 @p0 $0xFFFFFFFF  }
0xaf: {  	s7 =	sshll.u32 @!p0 s1, $0xE  }
0xb0: {  	s7 =	sor.u32 @!p0 $0x4000, s7;
	s6 =	simm.s32 @!p0 $0x1B8D  }
0xb1: {  	s5 =	sshll.u32 @!p0 s5, $0x11;
	s7 =	sadd.s32 @!p0 $0x11B8D, s7;
	_ =	swait.eq @!p0 [sflag:s6], $0x1  }
0xb2: {  	s5 =	sor.u32 @!p0 s5, s7;
	[sflag:s6] =	ssyncadd.s32 @!p0 $0xFFFFFFFF  }
0xb3: {  	s25 =	simm.s32 $0x1B8E;
	s24 =	sld [smem:$0x3FFE];
	[sflag:s5] =	ssyncadd.remote.s32 @!p0 $0x1  }
0xb4: {  	s26 =	simm.s32 $execute0_lowered;
	[smem:$0x3FD2] =	sst s25  }
0xb5: {  	s6 =	sshll.u32 s26, $0x1;
	_ =	strace $0x8000004F;
	[dreg:$0x1] =	wrdreg $0xFFFFFFFF  }
0xb6: {  	s28 =	simm.s32 $_size_execute0_lowered;
	s4 =	sadd.s32 s4, s6;
	[dreg:$0x0] =	wrdreg $0x0  }
0xb7: {  	s6 =	sshll.u32 s28, $0x1;
	[dreg:$0x2] =	wrdreg s4  }
0xb8: {  	[dreg:$0x3] =	wrdreg s6  }
0xb9: {  	[dreg:$0x4] =	wrdreg $0xC0  }
0xba: {  	_ =	task [dreg:s22], $0x5FFFF  }
0xbb: {  	[dreg:$0x1] =	wrdreg $0xFFFFFFFF  }
0xbc: {  	[dreg:$0x0] =	wrdreg $0x60  }
0xbd: {  	[dreg:$0x2] =	wrdreg s24  }
0xbe: {  	[dreg:$0x3] =	wrdreg s18  }
0xbf: {  	[dreg:$0x4] =	wrdreg $0xE0800  }
0xc0: {  	[dreg:$0x5] =	wrdreg $0x9  }
0xc1: {  	_ =	task.clear_ibuf [dreg:s22], $0x6FFFF;
	_ =	strace $0x9000004F  }
0xc2: {  	s29 =	simm.s32 $0x9;
	_ =	strace $0x80000051  }
0xc3: {  	_ =	swait.ge [sflag:s29], $0x1  }
0xc4: {  	[sflag:s29] =	ssyncadd.s32 $0xFFFFFFFF  }
0xc5: {  	_ =	strace $0x90000051  }
0xc6: {  	_ =	sfence  }
0xc7: {  	s30 =	sld [smem:$0x0];
	_ =	sdelay $0x2  }
0xc8: {  	s31 =	sshll.u32 s1, $0xD;
	s1 =	sshrl.u32 s1, $0x2  }
0xc9: {  	s4 =	sand.u32 $0x4000, s31;
	s1 =	sadd.s32 s1, s30  }
0xca: {  	s0 =	sor.u32 s4, s0;
	s1 =	sshll.u32 s1, $0x11  }
0xcb: {  	s0 =	sor.u32 s1, s0  }
0xcc: {  	s0 =	sadd.s32 $0x8F2B, s0  }
0xcd: {  	[sflag:s0] =	ssyncadd.remote.s32 $0x1  }
0xce: {  	_ =	sfence.sel $0xFFFF  }
0xcf: {  	[dreg:$0x0] =	wrdreg $0xFFFFFFFF;
	(pc) =	sbr.abs _section_cstart, $3  }
0xd0: {  	[dreg:$0x1] =	wrdreg $0xFFFFFFFF  }
0xd1: {  	_ =	task.clear_ibuf [dreg:s22], $0x2FFFF;
	_ =	strace $0x9FFFFFFF  }
0xd2: {  	(tm) =	ssettm $0x7FFFFFFF  }
0xd3: {  	_ =	shalt  }
tec
execute0_lowered:
.L_overlay_start_1:
0x0: {  	(tag) =	ssettag $0x1  }
0x1: {  	s4 =	rddreg [dreg:$0x0]  }
0x2: {  	s6 =	rddreg [dreg:$0x1];
	s0 =	stileid.u32  }
0x3: {  	s1 =	srdreg.scid;
	s2 =	rddreg [dreg:$0x2];
	s3 =	simm.s32 $0x0  }
0x4: {  	s9 =	sand.u32 $0x1, s1;
	s5 =	smul.u32 $0x1400, s0;
	s1 =	rddreg [dreg:$0x3]  }
0x5: {  	[smem:$0x7FF] =	sst s3;
	s8 =	sshll.u32 s0, $0xC;
	s28 =	smul.u32 $0x28000, s0  }
0x6: {  	s11 =	sshll.u32 s0, $0x5;
	s31 =	sshll.u32 s0, $0x1;
	s7 =	smul.u32 $0x14000, s9  }
0x7: {  	_ =	strace $0x80000050;
	s8 =	sadd.s32 s8, s4;
	s26 =	ssub.s32 $0x2, s9  }
0x8: {  	s12 =	sshll.u32 s9, $0x4;
	s13 =	sshll.u32 s9, $0xB;
	s9 =	sor.u32 s9, s31  }
0x9: {  	s10 =	sshrl.u32 s26, $0x1;
	s29 =	sshrl.u32 s28, $0x2;
	s30 =	sor.u32 s12, s11  }
0xa: {  	s8 =	sadd.s32 s13, s8;
	s11 =	simm.s32 $0x1;
	s5 =	sadd.s32 s5, s7  }
0xb: {  	s10 =	ssub.s32 s26, s10;
	s12 =	sand.u32 $0x180, s30;
	s7 =	sand.u32 $0x70, s30  }
0xc: {  	s8 =	sadd.s32 $0x9F8E00, s8;
	s5 =	sadd.s32 s5, s4;
	s4 =	sadd.s32 s29, s2  }
0xd: {  	s12 =	sadd.s32 s12, s6;
	s6 =	smax.u32 s10, $0x1;
	s10 =	simm.s32 $0x4080  }
0xe: {  	v0 =	vimm.f32 $0.0e+00;
	s5 =	sadd.s32 $0x55600, s5;
	s7 =	sadd.s32 s7, s12;
	s12 =	simm.s32 $0x0  }
.LBB2_1:
0xf: {  	s13 =	simm.s32 $0x0;
	s14 =	simm.s32 $0x200  }
.LBB2_2:
0x10: {  	p0 =	sne.s32 s14, $0x27E00;
	[tilespmem:s13+$0x40F0] =	vst v0  }
0x11: {  	[tilespmem:s13+$0x4080] =	vst v0  }
0x12: {  	[tilespmem:s13+$0x4090] =	vst v0  }
.Ltmp0:
0x13: {  	[tilespmem:s13+$0x40A0] =	vst v0;
	(pc) =	sbr.rel @p0 .LBB2_2-.Ltmp0, $4  }
0x14: {  	[tilespmem:s13+$0x40B0] =	vst v0  }
0x15: {  	[tilespmem:s13+$0x40C0] =	vst v0  }
0x16: {  	[tilespmem:s13+$0x40D0] =	vst v0  }
0x17: {  	[tilespmem:s13+$0x40E0] =	vst v0;
	s13 =	sshra.s32 s14, $0x2;
	s14 =	sadd.s32 $0x200, s14  }
0x18: {  	[tilespmem:s13+$0x40F0] =	vst v0  }
0x19: {  	[tilespmem:s13+$0x4080] =	vst v0  }
0x1a: {  	[tilespmem:s13+$0x4090] =	vst v0  }
0x1b: {  	[tilespmem:s13+$0x40A0] =	vst v0  }
0x1c: {  	[tilespmem:s13+$0x40B0] =	vst v0  }
0x1d: {  	[tilespmem:s13+$0x40C0] =	vst v0  }
0x1e: {  	[tilespmem:s13+$0x40D0] =	vst v0  }
0x1f: {  	[tilespmem:s13+$0x40E0] =	vst v0  }
0x20: {  	[spmem:s4] =	stream.linear.scatter [tilespmem:s10], [sflag:$0x1], $0xA000, $0x38;
	[tilespmem:$0x18080] =	vst v63  }
0x21: {  	_ =	swait.ge [sflag:s11], $0xA000  }
0x22: {  	s30 =	sadd.s32 $0x0, s9;
	[sflag:s11] =	ssyncset.done $0x0  }
0x23: {  	p0 =	sgt.u32 s30, $0x4E1;
	[sflag:s11] =	ssyncadd.s32 $0xFFFF6000  }
0x24: {  	s13 =	simm.s32 @!p0 $0x0;
	s15 =	simm.s32 @!p0 $0x2;
	[bflag:$0x0] =	sbarrier.arrive $0xFFFF  }
0x25: {  	[tilespmem:s13], [sflag:$0x2] =	stream.linear.gather @!p0 [hbm4b:s7+s13], $0x80, $0x38;
	[tilespmem:$0x18080] =	vst v63  }
0x26: {  	_ =	swait.ge @!p0 [sflag:s15], $0x80  }
0x27: {  	[sflag:s15] =	ssyncset.done @!p0 $0x0;
	p0 =	por p0, p0  }
0x28: {  	[sflag:s15] =	ssyncadd.s32 @!p0 $0xFFFFFF80;
	s17 =	simm.s32 @!p0 $0x80  }
0x29: {  	[tilespmem:s17], [sflag:$0x2] =	stream.linear.gather @!p0 [hbm4b:s8+s13], $0x4000, $0x38;
	[tilespmem:$0x18080] =	vst v63  }
0x2a: {  	_ =	swait.ge @!p0 [sflag:s15], $0x4000  }
0x2b: {  	[sflag:s15] =	ssyncset.done @!p0 $0x0  }
0x2c: {  	s31 =	sadd.s32 $0x20, s9;
	s16 =	simm.s32 @!p0 $0x1;
	[sflag:s15] =	ssyncadd.s32 @!p0 $0xFFFFC000  }
0x2d: {  	[spmem:s2] =	stream.indirect.scatter.add.f32 @!p0 [tilespmem:s17], [sflag:$0x1], $0x80, s13, s17, $0xb8;
	[tilespmem:$0x18080] =	vst v63  }
0x2e: {  	s14 =	simm.s32 $0x40;
	p1 =	sgt.u32 s31, $0x4E1;
	_ =	swait.ge @!p0 [sflag:s16], $0x4000  }
0x2f: {  	s15 =	sadd.s32 $0x200, s7;
	s13 =	sadd.s32 $0x10000, s8;
	[sflag:s16] =	ssyncset.done @!p0 $0x0  }
.LBB2_4:
0x30: {  	s17 =	simm.s32 @!p1 $0x0;
	s18 =	simm.s32 @!p1 $0x2;
	[sflag:s16] =	ssyncadd.s32 @!p0 $0xFFFFC000  }
0x31: {  	[tilespmem:s17], [sflag:$0x2] =	stream.linear.gather @!p1 [hbm4b:s15+s17], $0x80, $0x38;
	[tilespmem:$0x18080] =	vst v63  }
0x32: {  	s19 =	smov.u32 s14;
	s14 =	sadd.s32 $0x20, s14;
	_ =	swait.ge @!p1 [sflag:s18], $0x80  }
0x33: {  	p0 =	por p1, p1;
	p2 =	sne.s32 s14, $0x500;
	[sflag:s18] =	ssyncset.done @!p1 $0x0  }
0x34: {  	s20 =	simm.s32 @!p0 $0x80;
	[sflag:s18] =	ssyncadd.s32 @!p0 $0xFFFFFF80  }
0x35: {  	[tilespmem:s20], [sflag:$0x2] =	stream.linear.gather @!p0 [hbm4b:s13+s17], $0x4000, $0x38;
	[tilespmem:$0x18080] =	vst v63  }
0x36: {  	_ =	swait.ge @!p0 [sflag:s18], $0x4000  }
.Ltmp1:
0x37: {  	[sflag:s18] =	ssyncset.done @!p0 $0x0;
	(pc) =	sbr.rel @p2 .LBB2_4-.Ltmp1, $4  }
0x38: {  	s16 =	simm.s32 @!p0 $0x1;
	[sflag:s18] =	ssyncadd.s32 @!p0 $0xFFFFC000  }
0x39: {  	[spmem:s2] =	stream.indirect.scatter.add.f32 @!p0 [tilespmem:s20], [sflag:$0x1], $0x80, s17, s20, $0xb8;
	[tilespmem:$0x18080] =	vst v63  }
0x3a: {  	s13 =	sadd.s32 $0x10000, s13;
	s17 =	sadd.s32 s19, s9;
	_ =	swait.ge @!p0 [sflag:s16], $0x4000  }
0x3b: {  	s15 =	sadd.s32 $0x200, s15;
	p1 =	sgt.u32 s17, $0x4E1;
	[sflag:s16] =	ssyncset.done @!p0 $0x0  }
0x3c: {  	s14 =	simm.s32 @!p1 $0x0;
	s17 =	simm.s32 @!p1 $0x2;
	[sflag:s16] =	ssyncadd.s32 @!p0 $0xFFFFC000  }
0x3d: {  	[tilespmem:s14], [sflag:$0x2] =	stream.linear.gather @!p1 [hbm4b:s15+s14], $0x80, $0x38;
	[tilespmem:$0x18080] =	vst v63  }
0x3e: {  	_ =	swait.ge @!p1 [sflag:s17], $0x80  }
0x3f: {  	p0 =	por p1, p1;
	[sflag:s17] =	ssyncset.done @!p1 $0x0  }
0x40: {  	s15 =	simm.s32 @!p0 $0x80;
	[sflag:s17] =	ssyncadd.s32 @!p0 $0xFFFFFF80  }
0x41: {  	[tilespmem:s15], [sflag:$0x2] =	stream.linear.gather @!p0 [hbm4b:s13+s14], $0x4000, $0x38;
	[tilespmem:$0x18080] =	vst v63  }
0x42: {  	_ =	swait.ge @!p0 [sflag:s17], $0x4000  }
0x43: {  	[sflag:s17] =	ssyncset.done @!p0 $0x0  }
0x44: {  	s13 =	simm.s32 @!p0 $0x1;
	[sflag:s17] =	ssyncadd.s32 @!p0 $0xFFFFC000  }
0x45: {  	[spmem:s2] =	stream.indirect.scatter.add.f32 @!p0 [tilespmem:s15], [sflag:$0x1], $0x80, s14, s15, $0xb8;
	[tilespmem:$0x18080] =	vst v63  }
0x46: {  	_ =	swait.ge @!p0 [sflag:s13], $0x4000  }
0x47: {  	[sflag:s13] =	ssyncset.done @!p0 $0x0  }
0x48: {  	[sflag:s13] =	ssyncadd.s32 @!p0 $0xFFFFC000  }
0x49: {  	[bflag:$0x0] =	sbarrier.arrive $0xFFFF  }
0x4a: {  	[tilespmem:s10], [sflag:$0x1] =	stream.linear.gather [spmem:s4], $0xA000, $0x38;
	[tilespmem:$0x18080] =	vst v63  }
0x4b: {  	s12 =	sadd.s32 $0x1, s12;
	_ =	swait.ge [sflag:s11], $0xA000  }
0x4c: {  	p0 =	sne.s32 s12, s6;
	[sflag:s11] =	ssyncset.done $0x0  }
.Ltmp2:
0x4d: {  	[sflag:s11] =	ssyncadd.s32 $0xFFFF6000;
	(pc) =	sbr.rel @p0 .LBB2_1-.Ltmp2, $4  }
0x4e: {  	[hbm4b:s5+s3] =	stream.linear.scatter [tilespmem:s10], [sflag:$0x1], $0xA000, $0x38;
	[tilespmem:$0x18080] =	vst v63  }
0x4f: {  	_ =	swait.ge [sflag:s11], $0xA000  }
0x50: {  	[sflag:s11] =	ssyncset.done $0x0  }
0x51: {  	[sflag:s11] =	ssyncadd.s32 $0xFFFF6000  }
0x52: {  	_ =	sfence.sel $0x180000  }
0x53: {  	[bflag:$0x0] =	sbarrier.arrive $0xFFFF  }
0x54: {  	p0 =	sne.s32 s0, $0x0;
	_ =	strace $0x90000050  }
0x55: {  	s0 =	sadd.s32 @!p0 $0x100000, s1;
	[bflag:$0x2] =	sbarrier.arrive $0xFFFF  }
0x56: {  	[sflag:s0] =	ssyncadd.tile.s32 @!p0 $0x1;
	_ =	shalt  }
.Lfunc_end2:
_tile_overlayer_lowered:
.L_overlay_start_2:
0x57: {  	(tag) =	ssettag $0x2  }
0x58: {  	s0 =	rddreg [dreg:$0x0];
	s2 =	stileid.u32  }
0x59: {  	s1 =	rddreg [dreg:$0x1];
	p0 =	sne.s32 s2, $0x0  }
0x5a: {  	s3 =	rddreg [dreg:$0x2];
	[bflag:$0x3] =	sbarrier.arrive $0xFFFF;
	s2 =	simm.s32 @!p0 $0x1C01  }
0x5b: {  	[timem:s3], [sflag:s2] =	dma.local @!p0 [hbm:s0], s1  }
0x5c: {  	s0 =	simm.s32 @!p0 $0x1  }
0x5d: {  	_ =	swait.ge @!p0 [sflag:s0], s1  }
0x5e: {  	s1 =	ssub.s32 @!p0 $0x0, s1;
	[sflag:s0] =	ssyncset.done @!p0 $0x0  }
0x5f: {  	[sflag:s0] =	ssyncadd.s32 @!p0 s1  }
0x60: {  	[bflag:$0x3] =	sbarrier.arrive $0xFFFF  }
0x61: {  	_ =	shalt  }

// kernel: kernel.29.cloned.1.call-start
scs
__scs_entry_jumppad:
0x0: {  	(pc) =	sbr.rel $0x88, $3  }
0x1: {  	(tag) =	ssettag $0x0;
	lr =	simm.s32 $0x1  }
0x2: {  	[smem:$0x3F94] =	sst lr;
	_ =	strace $0xD0000000  }
0x3: {  	_ = 	snop  }
0x4: {  	_ = 	snop  }
0x5: {  	_ = 	snop  }
0x6: {  	_ = 	snop  }
0x7: {  	_ = 	snop  }
__scs_overlays_trampoline_lowered:
0x8: {  	[smem:$0x3FA3] =	sst s0  }
0x9: {  	[smem:$0x3FA4] =	sst s1  }
0xa: {  	[smem:$0x3FA5] =	sst s2  }
0xb: {  	[smem:$0x3FA6] =	sst s3  }
0xc: {  	[smem:$0x3FA7] =	sst s4  }
0xd: {  	[smem:$0x3FA8] =	sst s5  }
0xe: {  	[smem:$0x3FA9] =	sst s6  }
0xf: {  	[smem:$0x3FAA] =	sst s7  }
0x10: {  	[smem:$0x3FAB] =	sst s8  }
0x11: {  	[smem:$0x3FAC] =	sst s9;
	s0 =	simm.s32 @!p0 $0x0  }
0x12: {  	s1 =	sld [smem:$0x3F92];
	s0 =	simm.s32 @p0 $0x1  }
0x13: {  	[smem:$0x3FAD] =	sst s0;
	s0 =	simm.s32 @!p1 $0x0  }
0x14: {  	s2 =	sld [smem:$0x3F91];
	s0 =	simm.s32 @p1 $0x1  }
0x15: {  	[smem:$0x3FAE] =	sst s0;
	s0 =	simm.s32 @!p2 $0x0  }
0x16: {  	s3 =	sld [smem:$0x3FDB];
	s0 =	simm.s32 @p2 $0x1  }
0x17: {  	s4 =	simm.s32 $0x1BF5;
	[smem:$0x3FB0] =	sst s0  }
0x18: {  	s0 =	sld [smem:$0x3F93];
	_ =	swait.ge [sflag:s4], $0x0  }
0x19: {  	s7 =	sld [smem:$0x3F94]  }
0x1a: {  	s8 =	sadd.s32 $0xFFFFE003, lr  }
0x1b: {  	s9 =	sadd.s32 $0xFFFFFEF7, lr;
	s5 =	simm.s32 $0xFFFFFFFF;
	p2 =	slt.u32 s8, $0xFFFFF086  }
0x1c: {  	p1 =	slt.u32 s9, $0xF7A;
	s5 =	simm.s32 @!p2 $0x0  }
0x1d: {  	s5 =	simm.s32 @p1 $0x1;
	p0 =	seq.s32 s7, s2  }
0x1e: {  	s7 =	smul.u32 @!p0 $0xF7A, s2;
	p2 =	seq.s32 @!p0 s5, $0x0  }
0x1f: {  	s9 =	smul.u32 $0xF7A, s1;
	s8 =	simm.s32 @!p0 $0x1BF5;
	p2 =	por !p2, p0  }
0x20: {  	[sflag:s8] =	ssyncset.s32 @!p0 $0xFFFFF086;
	s6 =	sadd.s32 @!p0 s3, s7;
	s7 =	simm.s32 @!p0 $0x108  }
0x21: {  	s3 =	sadd.s32 s3, s9;
	s6 =	sadd.s32 @!p0 $0x88, s6;
	s7 =	simm.s32 @p2 $0x1082  }
0x22: {  	[simem:s7], [sflag:s8] =	dma.local @!p0 [hbm:s6], $0xF7A  }
0x23: {  	s9 =	sor.u32 $0xD0000000, s2;
	s6 =	simm.s32 $0x108;
	_ =	swait.ge @!p0 [sflag:s8], $0x0  }
0x24: {  	s3 =	sadd.s32 $0x88, s3;
	s6 =	simm.s32 @!p1 $0x1082;
	[sflag:s4] =	ssyncset.s32 $0xFFFFF086  }
0x25: {  	[simem:s6], [sflag:s4] =	dma.local [hbm:s3], $0xF7A  }
0x26: {  	[smem:$0x3F94] =	sst s1;
	(tag) =	ssettag s2;
	_ =	strace s9  }
0x27: {  	s1 =	sld [smem:$0x3FA4]  }
0x28: {  	s2 =	sld [smem:$0x3FA5]  }
0x29: {  	s4 =	sld [smem:$0x3FA7]  }
0x2a: {  	p0 =	seq.s32 s5, $0x0;
	s5 =	sld [smem:$0x3FA8]  }
0x2b: {  	s6 =	sld [smem:$0x3FA9]  }
0x2c: {  	s7 =	sld [smem:$0x3FAA]  }
0x2d: {  	s3 =	simm.s32 $0x108;
	s8 =	sld [smem:$0x3FAB]  }
0x2e: {  	s3 =	simm.s32 @!p0 $0x1082;
	s9 =	sld [smem:$0x3FAC]  }
0x2f: {  	lr =	sadd.s32 s0, s3;
	s0 =	sld [smem:$0x3FA3]  }
0x30: {  	s3 =	sld [smem:$0x3FA6]  }
0x31: {  	[smem:$0x3FAF] =	sst s10  }
0x32: {  	s10 =	sld [smem:$0x3FAD];
	_ =	sdelay $0x3  }
0x33: {  	p0 =	seq.s32 s10, $0x1;
	s10 =	sld [smem:$0x3FAF];
	_ =	sdelay $0x3  }
0x34: {  	[smem:$0x3FAF] =	sst s10  }
0x35: {  	s10 =	sld [smem:$0x3FAE];
	_ =	sdelay $0x3  }
0x36: {  	p1 =	seq.s32 s10, $0x1;
	s10 =	sld [smem:$0x3FAF];
	_ =	sdelay $0x3  }
0x37: {  	[smem:$0x3FAF] =	sst s10  }
0x38: {  	s10 =	sld [smem:$0x3FB0]  }
0x39: {  	_ = 	snop;
	(pc) =	sbr.ind lr, $3  }
0x3a: {  	_ = 	snop  }
0x3b: {  	_ = 	snop  }
0x3c: {  	p2 =	seq.s32 s10, $0x1;
	s10 =	sld [smem:$0x3FAF]  }
0x3d: {  	_ =	shalt  }
0x3e: {  	_ =	shalt  }
0x3f: {  	_ =	shalt  }
0x40: {  	_ =	shalt  }
0x41: {  	_ =	shalt  }
0x42: {  	_ =	shalt  }
0x43: {  	_ =	shalt  }
0x44: {  	_ =	shalt  }
0x45: {  	_ =	shalt  }
0x46: {  	_ =	shalt  }
0x47: {  	_ =	shalt  }
0x48: {  	_ =	shalt  }
0x49: {  	_ =	shalt  }
0x4a: {  	_ =	shalt  }
0x4b: {  	_ =	shalt  }
0x4c: {  	_ =	shalt  }
0x4d: {  	_ =	shalt  }
0x4e: {  	_ =	shalt  }
0x4f: {  	_ =	shalt  }
0x50: {  	_ =	shalt  }
0x51: {  	_ =	shalt  }
0x52: {  	_ =	shalt  }
0x53: {  	_ =	shalt  }
0x54: {  	_ =	shalt  }
0x55: {  	_ =	shalt  }
0x56: {  	_ =	shalt  }
0x57: {  	_ =	shalt  }
0x58: {  	_ =	shalt  }
0x59: {  	_ =	shalt  }
0x5a: {  	_ =	shalt  }
0x5b: {  	_ =	shalt  }
0x5c: {  	_ =	shalt  }
0x5d: {  	_ =	shalt  }
0x5e: {  	_ =	shalt  }
0x5f: {  	_ =	shalt  }
0x60: {  	_ =	shalt  }
0x61: {  	_ =	shalt  }
0x62: {  	_ =	shalt  }
0x63: {  	_ =	shalt  }
0x64: {  	_ =	shalt  }
0x65: {  	_ =	shalt  }
0x66: {  	_ =	shalt  }
0x67: {  	_ =	shalt  }
0x68: {  	_ =	shalt  }
0x69: {  	_ =	shalt  }
0x6a: {  	_ =	shalt  }
0x6b: {  	_ =	shalt  }
0x6c: {  	_ =	shalt  }
0x6d: {  	_ =	shalt  }
0x6e: {  	_ =	shalt  }
0x6f: {  	_ =	shalt  }
0x70: {  	_ =	shalt  }
0x71: {  	_ =	shalt  }
0x72: {  	_ =	shalt  }
0x73: {  	_ =	shalt  }
0x74: {  	_ =	shalt  }
0x75: {  	_ =	shalt  }
0x76: {  	_ =	shalt  }
0x77: {  	_ =	shalt  }
0x78: {  	_ =	shalt  }
0x79: {  	_ =	shalt  }
0x7a: {  	_ =	shalt  }
0x7b: {  	_ =	shalt  }
0x7c: {  	_ =	shalt  }
0x7d: {  	_ =	shalt  }
0x7e: {  	_ =	shalt  }
0x7f: {  	_ =	shalt  }
0x80: {  	_ =	shalt  }
0x81: {  	_ =	shalt  }
0x82: {  	_ =	shalt  }
0x83: {  	_ =	shalt  }
0x84: {  	_ =	shalt  }
0x85: {  	_ =	shalt  }
0x86: {  	_ =	shalt  }
0x87: {  	_ =	shalt  }
.Lfunc_end0:
.L_simem_size_0:
called_computation.4_lowered:
.L_overlay_start_0:
0x88: {  	s2 =	sld [smem:$0x3FD9]  }
0x89: {  	s3 =	sld [smem:$0x3FFE];
	_ =	sdelay $0x1  }
0x8a: {  	s1 =	srdreg.scid  }
0x8b: {  	s0 =	sand.u32 $0x1, s1  }
0x8c: {  	s17 =	sshll.u32 s0, $0xA;
	s2 =	sadd.s32 s3, s2  }
0x8d: {  	s2 =	sadd.s32 s2, s17  }
0x8e: {  	[smem:$0x3FBB] =	sst s2  }
0x8f: {  	_ = 	snop  }
0x90: {  	s2 =	sld [smem:$0x3FC7];
	(tm) =	ssettm $0x1  }
0x91: {  	s18 =	sld [smem:$0x3FFB];
	_ =	sdelay $0x3  }
0x92: {  	_ =	strace s18  }
0x93: {  	s3 =	sld [smem:$0x3FFC];
	_ =	sdelay $0x3  }
0x94: {  	_ =	strace s3  }
0x95: {  	s3 =	sld [smem:$0x3FFD];
	_ =	sdelay $0x3  }
0x96: {  	_ =	strace s3  }
0x97: {  	_ =	strace $0x8FFFFFFF  }
0x98: {  	s19 =	sld [smem:$0x3FDB];
	_ =	sdelay $0x1  }
0x99: {  	s4 =	simm.s32 $_scs_section_size  }
0x9a: {  	s5 =	simm.s32 $_size__tile_overlayer_lowered;
	s6 =	simm.s32 $_tile_overlayer_lowered  }
0x9b: {  	s22 =	simm.s32 $0x1BFF;
	s21 =	sshll.u32 s6, $0x1;
	s3 =	sadd.s32 s4, s19  }
0x9c: {  	s7 =	simm.s32 $0x0;
	s20 =	sshll.u32 s5, $0x1;
	s5 =	sadd.s32 s21, s3  }
0x9d: {  	[timem:s7], [sflag:s22] =	dma.local [hbm:s5], s20  }
0x9e: {  	_ =	swait.ge [sflag:s22], s20  }
0x9f: {  	s4 =	ssub.s32 $0x0, s20;
	[sflag:s22] =	ssyncset.done $0x0  }
0xa0: {  	[sflag:s22] =	ssyncadd.s32 s4;
	_ =	sdelay $0x1  }
0xa1: {  	s23 =	simm.s32 $0x1B8B  }
0xa2: {  	_ =	swait.ge [sflag:s23], $0x1  }
0xa3: {  	[sflag:s23] =	ssyncset.done $0x0  }
0xa4: {  	s25 =	simm.s32 $0x1B8E;
	s24 =	sld [smem:$0x3FFE];
	[sflag:s23] =	ssyncadd.s32 $0xFFFFFFFF  }
0xa5: {  	s26 =	simm.s32 $execute0_lowered;
	[smem:$0x3FD2] =	sst s25  }
0xa6: {  	s5 =	sshll.u32 s26, $0x1;
	_ =	strace $0x80000052;
	[dreg:$0x1] =	wrdreg $0xFFFFFFFF  }
0xa7: {  	s28 =	simm.s32 $_size_execute0_lowered;
	s3 =	sadd.s32 s3, s5;
	[dreg:$0x0] =	wrdreg $0x0  }
0xa8: {  	s5 =	sshll.u32 s28, $0x1;
	[dreg:$0x2] =	wrdreg s3  }
0xa9: {  	[dreg:$0x3] =	wrdreg s5  }
0xaa: {  	[dreg:$0x4] =	wrdreg $0xC0  }
0xab: {  	_ =	task [dreg:s7], $0x5FFFF  }
0xac: {  	[dreg:$0x1] =	wrdreg $0xFFFFFFFF  }
0xad: {  	[dreg:$0x0] =	wrdreg $0x60  }
0xae: {  	[dreg:$0x2] =	wrdreg s24  }
0xaf: {  	[dreg:$0x3] =	wrdreg s2  }
0xb0: {  	[dreg:$0x4] =	wrdreg $0xA  }
0xb1: {  	_ =	task.clear_ibuf [dreg:s7], $0x5FFFF;
	_ =	strace $0x90000052  }
0xb2: {  	s29 =	simm.s32 $0xA;
	_ =	strace $0x80000054  }
0xb3: {  	_ =	swait.ge [sflag:s29], $0x1  }
0xb4: {  	[sflag:s29] =	ssyncadd.s32 $0xFFFFFFFF  }
0xb5: {  	_ =	strace $0x90000054  }
0xb6: {  	_ =	sfence  }
0xb7: {  	s30 =	sld [smem:$0x0];
	_ =	sdelay $0x2  }
0xb8: {  	s31 =	sshll.u32 s1, $0xD;
	s1 =	sshrl.u32 s1, $0x2  }
0xb9: {  	s3 =	sand.u32 $0x4000, s31;
	s1 =	sadd.s32 s1, s30  }
0xba: {  	s0 =	sor.u32 s3, s0;
	s1 =	sshll.u32 s1, $0x11  }
0xbb: {  	s0 =	sor.u32 s1, s0  }
0xbc: {  	s0 =	sadd.s32 $0x8F2B, s0  }
0xbd: {  	[sflag:s0] =	ssyncadd.remote.s32 $0x1  }
0xbe: {  	_ =	sfence.sel $0xFFFF  }
0xbf: {  	[dreg:$0x0] =	wrdreg $0xFFFFFFFF;
	(pc) =	sbr.abs _section_cstart, $3  }
0xc0: {  	[dreg:$0x1] =	wrdreg $0xFFFFFFFF  }
0xc1: {  	_ =	task.clear_ibuf [dreg:s7], $0x2FFFF;
	_ =	strace $0x9FFFFFFF  }
0xc2: {  	(tm) =	ssettm $0x7FFFFFFF  }
0xc3: {  	_ =	shalt  }
tec
execute0_lowered:
.L_overlay_start_1:
0x0: {  	(tag) =	ssettag $0x1  }
0x1: {  	s0 =	rddreg [dreg:$0x0]  }
0x2: {  	s2 =	rddreg [dreg:$0x1]  }
0x3: {  	s1 =	simm.s32 $0x0;
	s3 =	srdreg.scid;
	s8 =	stileid.u32  }
0x4: {  	[smem:$0x7FF] =	sst s1;
	s4 =	sand.u32 $0x1, s3;
	s19 =	sadd.s32 $0x5600, s0  }
0x5: {  	s6 =	sshll.u32 s8, $0xC;
	s21 =	sshll.u32 s8, $0x1;
	s22 =	sshll.u32 s8, $0x5  }
0x6: {  	_ =	strace $0x80000053;
	s5 =	ssub.s32 $0x2, s4;
	[dreg:$0x4] =	wrdreg s19  }
0x7: {  	s0 =	sadd.s32 s6, s0;
	s20 =	sshll.u32 s4, $0xB;
	s23 =	sor.u32 s4, s21  }
0x8: {  	s4 =	sshll.u32 s4, $0x4;
	s7 =	sshrl.u32 s5, $0x1;
	s0 =	sadd.s32 s20, s0  }
0x9: {  	s6 =	sshll.u32 s23, $0x4;
	s5 =	ssub.s32 s5, s7;
	s0 =	sadd.s32 $0x2D600, s0  }
0xa: {  	s7 =	sor.u32 $0xA0, s23;
	s25 =	sor.u32 $0x800, s6;
	s28 =	sor.u32 $0x600, s6  }
0xb: {  	s29 =	sor.u32 $0x400, s6;
	s6 =	sor.u32 $0x200, s6;
	[dreg:$0x3] =	wrdreg s0  }
0xc: {  	s5 =	smax.u32 s5, $0x1;
	s0 =	sor.u32 s4, s22;
	[dreg:$0x6] =	wrdreg s7  }
0xd: {  	s24 =	sshll.u32 s7, $0x4;
	s8 =	sand.u32 $0x980, s25;
	s6 =	sand.u32 $0x380, s6  }
0xe: {  	[dreg:$0x5] =	wrdreg s5;
	s3 =	sand.u32 $0x70, s0;
	s26 =	sadd.s32 s8, s2  }
0xf: {  	s4 =	sand.u32 $0xB80, s24;
	s31 =	sadd.s32 s6, s2;
	[dreg:$0x8] =	wrdreg s26  }
0x10: {  	s0 =	sand.u32 $0x180, s0;
	s4 =	sadd.s32 s4, s2;
	[dreg:$0xb] =	wrdreg s31  }
0x11: {  	s0 =	sadd.s32 s0, s2;
	[dreg:$0x7] =	wrdreg s4;
	s4 =	sand.u32 $0x780, s28  }
0x12: {  	s30 =	sand.u32 $0x580, s29;
	[dreg:$0xc] =	wrdreg s0;
	s4 =	sadd.s32 s4, s2  }
0x13: {  	[dreg:$0x9] =	wrdreg s4;
	s4 =	sadd.s32 s30, s2  }
0x14: {  	s14 =	simm.s32 $0x3;
	s1 =	simm.s32 $0x0;
	[dreg:$0xa] =	wrdreg s4  }
.LBB2_1:
0x15: {  	s31 =	rddreg [dreg:$0xc]  }
0x16: {  	[dreg:$0xd] =	wrdreg s1;
	s5 =	simm.s32 $0x0;
	s0 =	sadd.s32 s31, s3  }
0x17: {  	[tilespmem:s5], [sflag:$0x3] =	stream.linear.gather [hbm4b:s0+s5], $0x80, $0x38;
	[tilespmem:$0x18300] =	vst v63  }
0x18: {  	_ =	swait.ge [sflag:s14], $0x80  }
0x19: {  	s4 =	simm.s32 $0x80;
	[sflag:s14] =	ssyncset.done $0x0;
	s7 =	rddreg [dreg:$0x4]  }
0x1a: {  	s26 =	simm.s32 $0x300;
	s21 =	rddreg [dreg:$0xb];
	[sflag:s14] =	ssyncadd.s32 $0xFFFFFF80  }
0x1b: {  	[tilespmem:s26], [sflag:$0x1] =	stream.indirect.gather [hbm4b:s7+s4], $0x80, s5, s4, $0xb8;
	[tilespmem:$0x18300] =	vst v63  }
0x1c: {  	s17 =	sadd.s32 s21, s3  }
0x1d: {  	[tilespmem:s4], [sflag:$0x3] =	stream.linear.gather [hbm4b:s17+s5], $0x80, $0x38;
	[tilespmem:$0x18300] =	vst v63  }
0x1e: {  	_ =	swait.ge [sflag:s14], $0x80  }
0x1f: {  	[sflag:s14] =	ssyncset.done $0x0  }
0x20: {  	s22 =	simm.s32 $0x4300;
	s19 =	rddreg [dreg:$0xa];
	[sflag:s14] =	ssyncadd.s32 $0xFFFFFF80  }
0x21: {  	[tilespmem:s22], [sflag:$0x1] =	stream.indirect.gather [hbm4b:s7+s4], $0x80, s4, s4, $0xb8;
	[tilespmem:$0x18300] =	vst v63  }
0x22: {  	s6 =	simm.s32 $0x100;
	s18 =	sadd.s32 s19, s3  }
0x23: {  	[tilespmem:s6], [sflag:$0x3] =	stream.linear.gather [hbm4b:s18+s5], $0x80, $0x38;
	[tilespmem:$0x18300] =	vst v63  }
0x24: {  	_ =	swait.ge [sflag:s14], $0x80  }
0x25: {  	s15 =	rddreg [dreg:$0x6]  }
0x26: {  	[sflag:s14] =	ssyncset.done $0x0;
	s20 =	sadd.s32 $0xFFFFFFC0, s15  }
0x27: {  	s11 =	simm.s32 $0x8300;
	[sflag:s14] =	ssyncadd.s32 $0xFFFFFF80;
	p1 =	sgt.u32 s20, $0x4E1  }
0x28: {  	[tilespmem:s11], [sflag:$0x1] =	stream.indirect.gather [hbm4b:s7+s4], $0x80, s6, s4, $0xb8;
	[tilespmem:$0x18300] =	vst v63  }
0x29: {  	s18 =	rddreg [dreg:$0x9];
	s23 =	sadd.s32 $0xFFFFFFE0, s15;
	s2 =	simm.s32 @!p1 $0x180  }
0x2a: {  	s0 =	simm.s32 @!p1 $0x3;
	s6 =	sadd.s32 @!p1 s18, s3;
	s4 =	simm.s32 @!p1 $0x0  }
0x2b: {  	[tilespmem:s2], [sflag:$0x3] =	stream.linear.gather @!p1 [hbm4b:s6+s4], $0x80, $0x38;
	[tilespmem:$0x18300] =	vst v63  }
0x2c: {  	p2 =	sgt.u32 s23, $0x4E1;
	_ =	swait.ge @!p1 [sflag:s0], $0x80  }
0x2d: {  	s8 =	simm.s32 @!p1 $0x80;
	s9 =	simm.s32 @!p1 $0xC300;
	[sflag:s0] =	ssyncset.done @!p1 $0x0  }
0x2e: {  	s10 =	simm.s32 @!p2 $0x200;
	s17 =	rddreg [dreg:$0x8];
	[sflag:s0] =	ssyncadd.s32 @!p1 $0xFFFFFF80  }
0x2f: {  	[tilespmem:s9], [sflag:$0x1] =	stream.indirect.gather @!p1 [hbm4b:s7+s8], $0x80, s2, s8, $0xb8;
	[tilespmem:$0x18300] =	vst v63  }
0x30: {  	s6 =	sadd.s32 @!p2 s17, s3;
	s2 =	simm.s32 @!p2 $0x3;
	s8 =	simm.s32 @!p2 $0x0  }
0x31: {  	[tilespmem:s10], [sflag:$0x3] =	stream.linear.gather @!p2 [hbm4b:s6+s8], $0x80, $0x38;
	[tilespmem:$0x18300] =	vst v63  }
0x32: {  	p0 =	sgt.u32 s15, $0x4E1;
	_ =	swait.ge @!p2 [sflag:s2], $0x80  }
0x33: {  	s13 =	simm.s32 @!p0 $0x280;
	s20 =	simm.s32 @!p2 $0x10300;
	[sflag:s2] =	ssyncset.done @!p2 $0x0  }
0x34: {  	s6 =	simm.s32 @!p2 $0x80;
	s16 =	rddreg [dreg:$0x7];
	[sflag:s2] =	ssyncadd.s32 @!p2 $0xFFFFFF80  }
0x35: {  	[tilespmem:s20], [sflag:$0x1] =	stream.indirect.gather @!p2 [hbm4b:s7+s6], $0x80, s10, s6, $0xb8;
	[tilespmem:$0x18300] =	vst v63  }
0x36: {  	s12 =	sadd.s32 @!p0 s16, s3;
	s10 =	simm.s32 @!p0 $0x3;
	s6 =	simm.s32 @!p0 $0x0  }
0x37: {  	[tilespmem:s13], [sflag:$0x3] =	stream.linear.gather @!p0 [hbm4b:s12+s6], $0x80, $0x38;
	[tilespmem:$0x18300] =	vst v63  }
0x38: {  	_ =	swait.ge @!p0 [sflag:s10], $0x80  }
0x39: {  	s24 =	simm.s32 $0x1;
	[sflag:s10] =	ssyncset.done @!p0 $0x0  }
0x3a: {  	s12 =	simm.s32 @!p0 $0x80;
	[sflag:s10] =	ssyncadd.s32 @!p0 $0xFFFFFF80;
	s10 =	simm.s32 @!p0 $0x14300  }
0x3b: {  	[tilespmem:s10], [sflag:$0x1] =	stream.indirect.gather @!p0 [hbm4b:s7+s12], $0x80, s13, s12, $0xb8;
	[tilespmem:$0x18300] =	vst v63  }
0x3c: {  	_ =	swait.ge [sflag:s24], $0x4000  }
0x3d: {  	[sflag:s24] =	ssyncset.done $0x0;
	s23 =	rddreg [dreg:$0x3]  }
0x3e: {  	s25 =	sadd.s32 $0x0, s23;
	[sflag:s24] =	ssyncadd.s32 $0xFFFFC000  }
0x3f: {  	[hbm4b:s25+s5] =	stream.linear.scatter [tilespmem:s26], [sflag:$0x3], $0x4000, $0x38;
	[tilespmem:$0x18300] =	vst v63  }
0x40: {  	_ =	swait.ge [sflag:s14], $0x4000  }
0x41: {  	[sflag:s14] =	ssyncset.done $0x0  }
0x42: {  	[sflag:s14] =	ssyncadd.s32 $0xFFFFC000  }
0x43: {  	_ =	swait.ge [sflag:s24], $0x4000  }
0x44: {  	[sflag:s24] =	ssyncset.done $0x0  }
0x45: {  	s26 =	sadd.s32 $0x10000, s25;
	[sflag:s24] =	ssyncadd.s32 $0xFFFFC000  }
0x46: {  	[hbm4b:s26+s5] =	stream.linear.scatter [tilespmem:s22], [sflag:$0x3], $0x4000, $0x38;
	[tilespmem:$0x18300] =	vst v63  }
0x47: {  	_ =	swait.ge [sflag:s14], $0x4000  }
0x48: {  	[sflag:s14] =	ssyncset.done $0x0  }
0x49: {  	[sflag:s14] =	ssyncadd.s32 $0xFFFFC000  }
0x4a: {  	_ =	swait.ge [sflag:s24], $0x4000  }
0x4b: {  	[sflag:s24] =	ssyncset.done $0x0  }
0x4c: {  	s12 =	sadd.s32 $0x20000, s25;
	[sflag:s24] =	ssyncadd.s32 $0xFFFFC000  }
0x4d: {  	[hbm4b:s12+s5] =	stream.linear.scatter [tilespmem:s11], [sflag:$0x3], $0x4000, $0x38;
	[tilespmem:$0x18300] =	vst v63  }
0x4e: {  	_ =	swait.ge [sflag:s14], $0x4000  }
0x4f: {  	[sflag:s14] =	ssyncset.done $0x0  }
0x50: {  	s12 =	simm.s32 @!p1 $0x1;
	[sflag:s14] =	ssyncadd.s32 $0xFFFFC000  }
0x51: {  	_ =	swait.ge @!p1 [sflag:s12], $0x4000  }
0x52: {  	s13 =	sadd.s32 @!p1 $0x0, s23;
	[sflag:s12] =	ssyncset.done @!p1 $0x0  }
0x53: {  	s13 =	sadd.s32 @!p1 $0x30000, s13;
	[sflag:s12] =	ssyncadd.s32 @!p1 $0xFFFFC000  }
0x54: {  	[hbm4b:s13+s4] =	stream.linear.scatter @!p1 [tilespmem:s9], [sflag:$0x3], $0x4000, $0x38;
	[tilespmem:$0x18300] =	vst v63  }
0x55: {  	_ =	swait.ge @!p1 [sflag:s0], $0x4000  }
0x56: {  	[sflag:s0] =	ssyncset.done @!p1 $0x0  }
0x57: {  	s4 =	simm.s32 @!p2 $0x1;
	[sflag:s0] =	ssyncadd.s32 @!p1 $0xFFFFC000  }
0x58: {  	_ =	swait.ge @!p2 [sflag:s4], $0x4000  }
0x59: {  	s0 =	sadd.s32 @!p2 $0x0, s23;
	[sflag:s4] =	ssyncset.done @!p2 $0x0  }
0x5a: {  	s30 =	simm.s32 $0xC0000;
	s0 =	sadd.s32 @!p2 $0x40000, s0;
	[sflag:s4] =	ssyncadd.s32 @!p2 $0xFFFFC000  }
0x5b: {  	[hbm4b:s0+s8] =	stream.linear.scatter @!p2 [tilespmem:s20], [sflag:$0x3], $0x4000, $0x38;
	[tilespmem:$0x18300] =	vst v63  }
0x5c: {  	s31 =	sadd.s32 $0xC00, s31;
	s29 =	sadd.s32 $0xC00, s21;
	_ =	swait.ge @!p2 [sflag:s2], $0x4000  }
0x5d: {  	s28 =	sadd.s32 $0xC00, s19;
	s25 =	sadd.s32 $0xC00, s17;
	[sflag:s2] =	ssyncset.done @!p2 $0x0  }
0x5e: {  	s22 =	simm.s32 $0x60000;
	s0 =	simm.s32 @!p0 $0x1;
	[sflag:s2] =	ssyncadd.s32 @!p2 $0xFFFFC000  }
0x5f: {  	s26 =	sadd.s32 $0xC00, s18;
	s24 =	sadd.s32 $0xC0, s15;
	_ =	swait.ge @!p0 [sflag:s0], $0x4000  }
0x60: {  	s2 =	sadd.s32 @!p0 $0x0, s23;
	s23 =	sadd.s32 $0xC00, s16;
	[sflag:s0] =	ssyncset.done @!p0 $0x0  }
0x61: {  	s2 =	sadd.s32 @!p0 $0x50000, s2;
	[sflag:s0] =	ssyncadd.s32 @!p0 $0xFFFFC000;
	s0 =	simm.s32 @!p0 $0x2  }
0x62: {  	[hbm4b:s2+s6] =	stream.linear.scatter @!p0 [tilespmem:s10], [sflag:$0x2], $0x4000, $0x38;
	[tilespmem:$0x18300] =	vst v63  }
.LBB2_2:
0x63: {  	_ =	swait.ge @!p0 [sflag:s0], $0x4000  }
0x64: {  	[sflag:s0] =	ssyncset.done @!p0 $0x0  }
0x65: {  	s2 =	sadd.s32 s31, s3;
	s5 =	simm.s32 $0x0;
	[sflag:s0] =	ssyncadd.s32 @!p0 $0xFFFFC000  }
0x66: {  	[tilespmem:s5], [sflag:$0x3] =	stream.linear.gather [hbm4b:s2+s5], $0x80, $0x38;
	[tilespmem:$0x18300] =	vst v63  }
0x67: {  	_ =	swait.ge [sflag:s14], $0x80  }
0x68: {  	s4 =	simm.s32 $0x80;
	[sflag:s14] =	ssyncset.done $0x0  }
0x69: {  	s1 =	simm.s32 $0x300;
	s7 =	rddreg [dreg:$0x4];
	[sflag:s14] =	ssyncadd.s32 $0xFFFFFF80  }
0x6a: {  	[tilespmem:s1], [sflag:$0x1] =	stream.indirect.gather [hbm4b:s7+s4], $0x80, s5, s4, $0xb8;
	[tilespmem:$0x18300] =	vst v63  }
0x6b: {  	s11 =	sadd.s32 s29, s3  }
0x6c: {  	[tilespmem:s4], [sflag:$0x3] =	stream.linear.gather [hbm4b:s11+s5], $0x80, $0x38;
	[tilespmem:$0x18300] =	vst v63  }
0x6d: {  	_ =	swait.ge [sflag:s14], $0x80  }
0x6e: {  	[sflag:s14] =	ssyncset.done $0x0  }
0x6f: {  	s12 =	simm.s32 $0x4300;
	[sflag:s14] =	ssyncadd.s32 $0xFFFFFF80  }
0x70: {  	[tilespmem:s12], [sflag:$0x1] =	stream.indirect.gather [hbm4b:s7+s4], $0x80, s4, s4, $0xb8;
	[tilespmem:$0x18300] =	vst v63  }
0x71: {  	s13 =	sadd.s32 s28, s3;
	s8 =	simm.s32 $0x100  }
0x72: {  	[tilespmem:s8], [sflag:$0x3] =	stream.linear.gather [hbm4b:s13+s5], $0x80, $0x38;
	[tilespmem:$0x18300] =	vst v63  }
0x73: {  	s15 =	sadd.s32 $0xFFFFFFC0, s24;
	s16 =	sadd.s32 $0xFFFFFFE0, s24;
	_ =	swait.ge [sflag:s14], $0x80  }
0x74: {  	p2 =	sgt.u32 s15, $0x4E1;
	p3 =	sgt.u32 s16, $0x4E1;
	[sflag:s14] =	ssyncset.done $0x0  }
0x75: {  	s6 =	simm.s32 @!p2 $0x180;
	s11 =	simm.s32 $0x8300;
	[sflag:s14] =	ssyncadd.s32 $0xFFFFFF80  }
0x76: {  	[tilespmem:s11], [sflag:$0x1] =	stream.indirect.gather [hbm4b:s7+s4], $0x80, s8, s4, $0xb8;
	[tilespmem:$0x18300] =	vst v63  }
0x77: {  	s0 =	simm.s32 @!p2 $0x3;
	s8 =	sadd.s32 @!p2 s26, s3;
	s4 =	simm.s32 @!p2 $0x0  }
0x78: {  	[tilespmem:s6], [sflag:$0x3] =	stream.linear.gather @!p2 [hbm4b:s8+s4], $0x80, $0x38;
	[tilespmem:$0x18300] =	vst v63  }
0x79: {  	s2 =	simm.s32 @!p3 $0x3;
	s20 =	rddreg [dreg:$0x3];
	_ =	swait.ge @!p2 [sflag:s0], $0x80  }
0x7a: {  	s12 =	sadd.s32 @!p3 s25, s3;
	s10 =	sadd.s32 @!p2 s22, s20;
	[sflag:s0] =	ssyncset.done @!p2 $0x0  }
0x7b: {  	s8 =	simm.s32 @!p2 $0x80;
	s4 =	simm.s32 @!p2 $0xC300;
	[sflag:s0] =	ssyncadd.s32 @!p2 $0xFFFFFF80  }
0x7c: {  	[tilespmem:s4], [sflag:$0x1] =	stream.indirect.gather @!p2 [hbm4b:s7+s8], $0x80, s6, s8, $0xb8;
	[tilespmem:$0x18300] =	vst v63  }
0x7d: {  	s13 =	sadd.s32 @!p2 $0x30000, s10;
	s10 =	simm.s32 @!p3 $0x0;
	s8 =	simm.s32 @!p3 $0x200  }
0x7e: {  	[tilespmem:s8], [sflag:$0x3] =	stream.linear.gather @!p3 [hbm4b:s12+s10], $0x80, $0x38;
	[tilespmem:$0x18300] =	vst v63  }
0x7f: {  	p0 =	sgt.u32 s24, $0x4E1;
	_ =	swait.ge @!p3 [sflag:s2], $0x80  }
0x80: {  	s21 =	sadd.s32 @!p0 s23, s3;
	[sflag:s2] =	ssyncset.done @!p3 $0x0  }
0x81: {  	s6 =	simm.s32 @!p3 $0x10300;
	s12 =	simm.s32 @!p3 $0x80;
	[sflag:s2] =	ssyncadd.s32 @!p3 $0xFFFFFF80  }
0x82: {  	[tilespmem:s6], [sflag:$0x1] =	stream.indirect.gather @!p3 [hbm4b:s7+s12], $0x80, s8, s12, $0xb8;
	[tilespmem:$0x18300] =	vst v63  }
0x83: {  	s17 =	simm.s32 @!p0 $0x3;
	s18 =	simm.s32 @!p0 $0x280;
	s8 =	simm.s32 @!p0 $0x0  }
0x84: {  	[tilespmem:s18], [sflag:$0x3] =	stream.linear.gather @!p0 [hbm4b:s21+s8], $0x80, $0x38;
	[tilespmem:$0x18300] =	vst v63  }
0x85: {  	_ =	swait.ge @!p0 [sflag:s17], $0x80  }
0x86: {  	[sflag:s17] =	ssyncset.done @!p0 $0x0  }
0x87: {  	s15 =	simm.s32 @!p0 $0x80;
	s12 =	simm.s32 @!p0 $0x14300;
	[sflag:s17] =	ssyncadd.s32 @!p0 $0xFFFFFF80  }
0x88: {  	[tilespmem:s12], [sflag:$0x1] =	stream.indirect.gather @!p0 [hbm4b:s7+s15], $0x80, s18, s15, $0xb8;
	[tilespmem:$0x18300] =	vst v63  }
0x89: {  	s7 =	simm.s32 $0x1  }
0x8a: {  	_ =	swait.ge [sflag:s7], $0x4000  }
0x8b: {  	[sflag:s7] =	ssyncset.done $0x0  }
0x8c: {  	s17 =	sadd.s32 s22, s20;
	[sflag:s7] =	ssyncadd.s32 $0xFFFFC000  }
0x8d: {  	[hbm4b:s17+s5] =	stream.linear.scatter [tilespmem:s1], [sflag:$0x3], $0x4000, $0x38;
	[tilespmem:$0x18300] =	vst v63  }
0x8e: {  	_ =	swait.ge [sflag:s14], $0x4000  }
0x8f: {  	[sflag:s14] =	ssyncset.done $0x0  }
0x90: {  	[sflag:s14] =	ssyncadd.s32 $0xFFFFC000  }
0x91: {  	s19 =	sadd.s32 @!p0 s22, s20;
	_ =	swait.ge [sflag:s7], $0x4000  }
0x92: {  	s21 =	sadd.s32 @!p0 $0x50000, s19;
	[sflag:s7] =	ssyncset.done $0x0  }
0x93: {  	s19 =	simm.s32 $0x4300;
	s18 =	sadd.s32 $0x10000, s17;
	[sflag:s7] =	ssyncadd.s32 $0xFFFFC000  }
0x94: {  	[hbm4b:s18+s5] =	stream.linear.scatter [tilespmem:s19], [sflag:$0x3], $0x4000, $0x38;
	[tilespmem:$0x18300] =	vst v63  }
0x95: {  	_ =	swait.ge [sflag:s14], $0x4000  }
0x96: {  	[sflag:s14] =	ssyncset.done $0x0  }
0x97: {  	[sflag:s14] =	ssyncadd.s32 $0xFFFFC000  }
0x98: {  	_ =	swait.ge [sflag:s7], $0x4000  }
0x99: {  	[sflag:s7] =	ssyncset.done $0x0  }
0x9a: {  	s16 =	sadd.s32 @!p3 s22, s20;
	s20 =	sadd.s32 $0x20000, s17;
	[sflag:s7] =	ssyncadd.s32 $0xFFFFC000  }
0x9b: {  	[hbm4b:s20+s5] =	stream.linear.scatter [tilespmem:s11], [sflag:$0x3], $0x4000, $0x38;
	[tilespmem:$0x18300] =	vst v63  }
0x9c: {  	_ =	swait.ge [sflag:s14], $0x4000  }
0x9d: {  	s9 =	smov.u32 s30;
	[sflag:s14] =	ssyncset.done $0x0  }
0x9e: {  	s22 =	smov.u32 s9;
	s9 =	simm.s32 @!p2 $0x1;
	[sflag:s14] =	ssyncadd.s32 $0xFFFFC000  }
0x9f: {  	_ =	swait.ge @!p2 [sflag:s9], $0x4000  }
0xa0: {  	[sflag:s9] =	ssyncset.done @!p2 $0x0  }
0xa1: {  	s1 =	simm.s32 @!p2 $0x0;
	[sflag:s9] =	ssyncadd.s32 @!p2 $0xFFFFC000  }
0xa2: {  	[hbm4b:s13+s1] =	stream.linear.scatter @!p2 [tilespmem:s4], [sflag:$0x3], $0x4000, $0x38;
	[tilespmem:$0x18300] =	vst v63  }
0xa3: {  	_ =	swait.ge @!p2 [sflag:s0], $0x4000  }
0xa4: {  	[sflag:s0] =	ssyncset.done @!p2 $0x0  }
0xa5: {  	s4 =	simm.s32 @!p3 $0x1;
	[sflag:s0] =	ssyncadd.s32 @!p2 $0xFFFFC000  }
0xa6: {  	_ =	swait.ge @!p3 [sflag:s4], $0x4000  }
0xa7: {  	[sflag:s4] =	ssyncset.done @!p3 $0x0  }
0xa8: {  	s16 =	sadd.s32 @!p3 $0x40000, s16;
	[sflag:s4] =	ssyncadd.s32 @!p3 $0xFFFFC000  }
0xa9: {  	[hbm4b:s16+s10] =	stream.linear.scatter @!p3 [tilespmem:s6], [sflag:$0x3], $0x4000, $0x38;
	[tilespmem:$0x18300] =	vst v63  }
0xaa: {  	s30 =	sadd.s32 $0x60000, s30;
	s29 =	sadd.s32 $0xC00, s29;
	_ =	swait.ge @!p3 [sflag:s2], $0x4000  }
0xab: {  	s28 =	sadd.s32 $0xC00, s28;
	p1 =	sne.s32 s30, $0x2A0000;
	[sflag:s2] =	ssyncset.done @!p3 $0x0  }
.Ltmp0:
0xac: {  	s4 =	simm.s32 @!p0 $0x1;
	[sflag:s2] =	ssyncadd.s32 @!p3 $0xFFFFC000;
	(pc) =	sbr.rel @p1 .LBB2_2-.Ltmp0, $4  }
0xad: {  	s31 =	sadd.s32 $0xC00, s31;
	s24 =	sadd.s32 $0xC0, s24;
	_ =	swait.ge @!p0 [sflag:s4], $0x4000  }
0xae: {  	s23 =	sadd.s32 $0xC00, s23;
	s25 =	sadd.s32 $0xC00, s25;
	[sflag:s4] =	ssyncset.done @!p0 $0x0  }
0xaf: {  	s26 =	sadd.s32 $0xC00, s26;
	s0 =	simm.s32 @!p0 $0x2;
	[sflag:s4] =	ssyncadd.s32 @!p0 $0xFFFFC000  }
0xb0: {  	[hbm4b:s21+s8] =	stream.linear.scatter @!p0 [tilespmem:s12], [sflag:$0x2], $0x4000, $0x38;
	[tilespmem:$0x18300] =	vst v63  }
0xb1: {  	_ =	swait.ge @!p0 [sflag:s0], $0x4000  }
0xb2: {  	[sflag:s0] =	ssyncset.done @!p0 $0x0  }
0xb3: {  	s2 =	sadd.s32 s31, s3;
	s5 =	simm.s32 $0x0;
	[sflag:s0] =	ssyncadd.s32 @!p0 $0xFFFFC000  }
0xb4: {  	[tilespmem:s5], [sflag:$0x3] =	stream.linear.gather [hbm4b:s2+s5], $0x80, $0x38;
	[tilespmem:$0x18300] =	vst v63  }
0xb5: {  	_ =	swait.ge [sflag:s14], $0x80  }
0xb6: {  	s4 =	simm.s32 $0x80;
	[sflag:s14] =	ssyncset.done $0x0  }
0xb7: {  	s1 =	simm.s32 $0x300;
	s7 =	rddreg [dreg:$0x4];
	[sflag:s14] =	ssyncadd.s32 $0xFFFFFF80  }
0xb8: {  	[tilespmem:s1], [sflag:$0x1] =	stream.indirect.gather [hbm4b:s7+s4], $0x80, s5, s4, $0xb8;
	[tilespmem:$0x18300] =	vst v63  }
0xb9: {  	s18 =	sadd.s32 s29, s3  }
0xba: {  	[tilespmem:s4], [sflag:$0x3] =	stream.linear.gather [hbm4b:s18+s5], $0x80, $0x38;
	[tilespmem:$0x18300] =	vst v63  }
0xbb: {  	_ =	swait.ge [sflag:s14], $0x80  }
0xbc: {  	[sflag:s14] =	ssyncset.done $0x0  }
0xbd: {  	s17 =	simm.s32 $0x4300;
	[sflag:s14] =	ssyncadd.s32 $0xFFFFFF80  }
0xbe: {  	[tilespmem:s17], [sflag:$0x1] =	stream.indirect.gather [hbm4b:s7+s4], $0x80, s4, s4, $0xb8;
	[tilespmem:$0x18300] =	vst v63  }
0xbf: {  	s19 =	sadd.s32 s28, s3;
	s6 =	simm.s32 $0x100  }
0xc0: {  	[tilespmem:s6], [sflag:$0x3] =	stream.linear.gather [hbm4b:s19+s5], $0x80, $0x38;
	[tilespmem:$0x18300] =	vst v63  }
0xc1: {  	s20 =	sadd.s32 $0xFFFFFFC0, s24;
	_ =	swait.ge [sflag:s14], $0x80  }
0xc2: {  	s11 =	simm.s32 $0x8300;
	p0 =	sgt.u32 s20, $0x4E1;
	[sflag:s14] =	ssyncset.done $0x0  }
0xc3: {  	s21 =	sadd.s32 $0xFFFFFFE0, s24;
	s2 =	simm.s32 @!p0 $0x180;
	[sflag:s14] =	ssyncadd.s32 $0xFFFFFF80  }
0xc4: {  	[tilespmem:s11], [sflag:$0x1] =	stream.indirect.gather [hbm4b:s7+s4], $0x80, s6, s4, $0xb8;
	[tilespmem:$0x18300] =	vst v63  }
0xc5: {  	s0 =	simm.s32 @!p0 $0x3;
	s6 =	sadd.s32 @!p0 s26, s3;
	s4 =	simm.s32 @!p0 $0x0  }
0xc6: {  	[tilespmem:s2], [sflag:$0x3] =	stream.linear.gather @!p0 [hbm4b:s6+s4], $0x80, $0x38;
	[tilespmem:$0x18300] =	vst v63  }
0xc7: {  	p2 =	sgt.u32 s21, $0x4E1;
	_ =	swait.ge @!p0 [sflag:s0], $0x80  }
0xc8: {  	s9 =	sadd.s32 @!p2 s25, s3;
	[sflag:s0] =	ssyncset.done @!p0 $0x0  }
0xc9: {  	s8 =	simm.s32 @!p0 $0x80;
	s6 =	simm.s32 @!p0 $0xC300;
	[sflag:s0] =	ssyncadd.s32 @!p0 $0xFFFFFF80  }
0xca: {  	[tilespmem:s6], [sflag:$0x1] =	stream.indirect.gather @!p0 [hbm4b:s7+s8], $0x80, s2, s8, $0xb8;
	[tilespmem:$0x18300] =	vst v63  }
0xcb: {  	s10 =	simm.s32 @!p2 $0x200;
	s2 =	simm.s32 @!p2 $0x3;
	s8 =	simm.s32 @!p2 $0x0  }
0xcc: {  	[tilespmem:s10], [sflag:$0x3] =	stream.linear.gather @!p2 [hbm4b:s9+s8], $0x80, $0x38;
	[tilespmem:$0x18300] =	vst v63  }
0xcd: {  	p1 =	sgt.u32 s24, $0x4E1;
	_ =	swait.ge @!p2 [sflag:s2], $0x80  }
0xce: {  	s12 =	sadd.s32 @!p1 s23, s3;
	[sflag:s2] =	ssyncset.done @!p2 $0x0  }
0xcf: {  	s16 =	simm.s32 @!p2 $0x10300;
	s9 =	simm.s32 @!p2 $0x80;
	[sflag:s2] =	ssyncadd.s32 @!p2 $0xFFFFFF80  }
0xd0: {  	[tilespmem:s16], [sflag:$0x1] =	stream.indirect.gather @!p2 [hbm4b:s7+s9], $0x80, s10, s9, $0xb8;
	[tilespmem:$0x18300] =	vst v63  }
0xd1: {  	s13 =	simm.s32 @!p1 $0x280;
	s9 =	simm.s32 @!p1 $0x3;
	s10 =	simm.s32 @!p1 $0x0  }
0xd2: {  	[tilespmem:s13], [sflag:$0x3] =	stream.linear.gather @!p1 [hbm4b:s12+s10], $0x80, $0x38;
	[tilespmem:$0x18300] =	vst v63  }
0xd3: {  	_ =	swait.ge @!p1 [sflag:s9], $0x80  }
0xd4: {  	s26 =	simm.s32 $0x1;
	[sflag:s9] =	ssyncset.done @!p1 $0x0  }
0xd5: {  	s12 =	simm.s32 @!p1 $0x80;
	[sflag:s9] =	ssyncadd.s32 @!p1 $0xFFFFFF80;
	s9 =	simm.s32 @!p1 $0x14300  }
0xd6: {  	[tilespmem:s9], [sflag:$0x1] =	stream.indirect.gather @!p1 [hbm4b:s7+s12], $0x80, s13, s12, $0xb8;
	[tilespmem:$0x18300] =	vst v63  }
0xd7: {  	_ =	swait.ge [sflag:s26], $0x4000  }
0xd8: {  	[sflag:s26] =	ssyncset.done $0x0;
	s15 =	rddreg [dreg:$0x3]  }
0xd9: {  	s28 =	sadd.s32 s22, s15;
	[sflag:s26] =	ssyncadd.s32 $0xFFFFC000  }
0xda: {  	[hbm4b:s28+s5] =	stream.linear.scatter [tilespmem:s1], [sflag:$0x3], $0x4000, $0x38;
	[tilespmem:$0x18300] =	vst v63  }
0xdb: {  	_ =	swait.ge [sflag:s14], $0x4000  }
0xdc: {  	[sflag:s14] =	ssyncset.done $0x0  }
0xdd: {  	[sflag:s14] =	ssyncadd.s32 $0xFFFFC000  }
0xde: {  	_ =	swait.ge [sflag:s26], $0x4000  }
0xdf: {  	[sflag:s26] =	ssyncset.done $0x0  }
0xe0: {  	s29 =	sadd.s32 $0x10000, s28;
	[sflag:s26] =	ssyncadd.s32 $0xFFFFC000  }
0xe1: {  	[hbm4b:s29+s5] =	stream.linear.scatter [tilespmem:s17], [sflag:$0x3], $0x4000, $0x38;
	[tilespmem:$0x18300] =	vst v63  }
0xe2: {  	_ =	swait.ge [sflag:s14], $0x4000  }
0xe3: {  	[sflag:s14] =	ssyncset.done $0x0  }
0xe4: {  	[sflag:s14] =	ssyncadd.s32 $0xFFFFC000  }
0xe5: {  	_ =	swait.ge [sflag:s26], $0x4000  }
0xe6: {  	[sflag:s26] =	ssyncset.done $0x0  }
0xe7: {  	s12 =	sadd.s32 $0x20000, s28;
	[sflag:s26] =	ssyncadd.s32 $0xFFFFC000  }
0xe8: {  	[hbm4b:s12+s5] =	stream.linear.scatter [tilespmem:s11], [sflag:$0x3], $0x4000, $0x38;
	[tilespmem:$0x18300] =	vst v63  }
0xe9: {  	_ =	swait.ge [sflag:s14], $0x4000  }
0xea: {  	[sflag:s14] =	ssyncset.done $0x0  }
0xeb: {  	s12 =	simm.s32 @!p0 $0x1;
	[sflag:s14] =	ssyncadd.s32 $0xFFFFC000  }
0xec: {  	_ =	swait.ge @!p0 [sflag:s12], $0x4000  }
0xed: {  	s13 =	sadd.s32 @!p0 s22, s15;
	[sflag:s12] =	ssyncset.done @!p0 $0x0  }
0xee: {  	[sflag:s12] =	ssyncadd.s32 @!p0 $0xFFFFC000;
	s12 =	sadd.s32 @!p0 $0x30000, s13  }
0xef: {  	[hbm4b:s12+s4] =	stream.linear.scatter @!p0 [tilespmem:s6], [sflag:$0x3], $0x4000, $0x38;
	[tilespmem:$0x18300] =	vst v63  }
0xf0: {  	_ =	swait.ge @!p0 [sflag:s0], $0x4000  }
0xf1: {  	[sflag:s0] =	ssyncset.done @!p0 $0x0  }
0xf2: {  	s4 =	simm.s32 @!p2 $0x1;
	[sflag:s0] =	ssyncadd.s32 @!p0 $0xFFFFC000  }
0xf3: {  	_ =	swait.ge @!p2 [sflag:s4], $0x4000  }
0xf4: {  	s0 =	sadd.s32 @!p2 s22, s15;
	[sflag:s4] =	ssyncset.done @!p2 $0x0  }
0xf5: {  	s0 =	sadd.s32 @!p2 $0x40000, s0;
	[sflag:s4] =	ssyncadd.s32 @!p2 $0xFFFFC000  }
0xf6: {  	[hbm4b:s0+s8] =	stream.linear.scatter @!p2 [tilespmem:s16], [sflag:$0x3], $0x4000, $0x38;
	[tilespmem:$0x18300] =	vst v63  }
0xf7: {  	_ =	swait.ge @!p2 [sflag:s2], $0x4000  }
0xf8: {  	[sflag:s2] =	ssyncset.done @!p2 $0x0  }
0xf9: {  	s0 =	simm.s32 @!p1 $0x1;
	[sflag:s2] =	ssyncadd.s32 @!p2 $0xFFFFC000  }
0xfa: {  	_ =	swait.ge @!p1 [sflag:s0], $0x4000  }
0xfb: {  	s2 =	sadd.s32 @!p1 s22, s15;
	[sflag:s0] =	ssyncset.done @!p1 $0x0  }
0xfc: {  	[sflag:s0] =	ssyncadd.s32 @!p1 $0xFFFFC000;
	s0 =	sadd.s32 @!p1 $0x50000, s2  }
0xfd: {  	[hbm4b:s0+s10] =	stream.linear.scatter @!p1 [tilespmem:s9], [sflag:$0x2], $0x4000, $0x38;
	[tilespmem:$0x18300] =	vst v63  }
0xfe: {  	s0 =	simm.s32 @!p1 $0x2  }
0xff: {  	_ =	swait.ge @!p1 [sflag:s0], $0x4000  }
0x100: {  	s30 =	rddreg [dreg:$0xd]  }
0x101: {  	s31 =	rddreg [dreg:$0x5];
	s1 =	sadd.s32 $0x1, s30  }
0x102: {  	p0 =	sne.s32 s1, s31  }
.Ltmp1:
0x103: {  	_ = 	snop;
	(pc) =	sbr.rel @p0 .LBB2_1-.Ltmp1, $3  }
0x104: {  	_ =	sdelay $0x1  }
0x105: {  	[sflag:s0] =	ssyncset.done @!p1 $0x0  }
0x106: {  	[sflag:s0] =	ssyncadd.s32 @!p1 $0xFFFFC000  }
0x107: {  	_ =	sfence.sel $0x180000  }
0x108: {  	[bflag:$0x0] =	sbarrier.arrive $0xFFFF  }
0x109: {  	_ =	strace $0x90000053  }
0x10a: {  	s0 =	stileid.u32;
	[bflag:$0x2] =	sbarrier.arrive $0xFFFF  }
0x10b: {  	p0 =	sne.s32 s0, $0x0;
	s0 =	rddreg [dreg:$0x2]  }
0x10c: {  	s0 =	sadd.s32 @!p0 $0x100000, s0  }
0x10d: {  	[sflag:s0] =	ssyncadd.tile.s32 @!p0 $0x1;
	_ =	shalt  }
.Lfunc_end2:
_tile_overlayer_lowered:
.L_overlay_start_2:
0x10e: {  	(tag) =	ssettag $0x2  }
0x10f: {  	s0 =	rddreg [dreg:$0x0];
	s2 =	stileid.u32  }
0x110: {  	s1 =	rddreg [dreg:$0x1];
	p0 =	sne.s32 s2, $0x0  }
0x111: {  	s3 =	rddreg [dreg:$0x2];
	[bflag:$0x3] =	sbarrier.arrive $0xFFFF;
	s2 =	simm.s32 @!p0 $0x1C02  }
0x112: {  	[timem:s3], [sflag:s2] =	dma.local @!p0 [hbm:s0], s1  }
0x113: {  	s0 =	simm.s32 @!p0 $0x2  }
0x114: {  	_ =	swait.ge @!p0 [sflag:s0], s1  }
0x115: {  	s1 =	ssub.s32 @!p0 $0x0, s1;
	[sflag:s0] =	ssyncset.done @!p0 $0x0  }
0x116: {  	[sflag:s0] =	ssyncadd.s32 @!p0 s1  }
0x117: {  	[bflag:$0x3] =	sbarrier.arrive $0xFFFF  }
0x118: {  	_ =	shalt  }

// kernel: kernel.32.cloned.1.call-start
scs
__scs_entry_jumppad:
0x0: {  	(pc) =	sbr.rel $0x88, $3  }
0x1: {  	(tag) =	ssettag $0x0;
	lr =	simm.s32 $0x1  }
0x2: {  	[smem:$0x3F94] =	sst lr;
	_ =	strace $0xD0000000  }
0x3: {  	_ = 	snop  }
0x4: {  	_ = 	snop  }
0x5: {  	_ = 	snop  }
0x6: {  	_ = 	snop  }
0x7: {  	_ = 	snop  }
__scs_overlays_trampoline_lowered:
0x8: {  	[smem:$0x3FA3] =	sst s0  }
0x9: {  	[smem:$0x3FA4] =	sst s1  }
0xa: {  	[smem:$0x3FA5] =	sst s2  }
0xb: {  	[smem:$0x3FA6] =	sst s3  }
0xc: {  	[smem:$0x3FA7] =	sst s4  }
0xd: {  	[smem:$0x3FA8] =	sst s5  }
0xe: {  	[smem:$0x3FA9] =	sst s6  }
0xf: {  	[smem:$0x3FAA] =	sst s7  }
0x10: {  	[smem:$0x3FAB] =	sst s8  }
0x11: {  	[smem:$0x3FAC] =	sst s9;
	s0 =	simm.s32 @!p0 $0x0  }
0x12: {  	s1 =	sld [smem:$0x3F92];
	s0 =	simm.s32 @p0 $0x1  }
0x13: {  	[smem:$0x3FAD] =	sst s0;
	s0 =	simm.s32 @!p1 $0x0  }
0x14: {  	s2 =	sld [smem:$0x3F91];
	s0 =	simm.s32 @p1 $0x1  }
0x15: {  	[smem:$0x3FAE] =	sst s0;
	s0 =	simm.s32 @!p2 $0x0  }
0x16: {  	s3 =	sld [smem:$0x3FDB];
	s0 =	simm.s32 @p2 $0x1  }
0x17: {  	s4 =	simm.s32 $0x1BF5;
	[smem:$0x3FB0] =	sst s0  }
0x18: {  	s0 =	sld [smem:$0x3F93];
	_ =	swait.ge [sflag:s4], $0x0  }
0x19: {  	s7 =	sld [smem:$0x3F94]  }
0x1a: {  	s8 =	sadd.s32 $0xFFFFE003, lr  }
0x1b: {  	s9 =	sadd.s32 $0xFFFFFEF7, lr;
	s5 =	simm.s32 $0xFFFFFFFF;
	p2 =	slt.u32 s8, $0xFFFFF086  }
0x1c: {  	p1 =	slt.u32 s9, $0xF7A;
	s5 =	simm.s32 @!p2 $0x0  }
0x1d: {  	s5 =	simm.s32 @p1 $0x1;
	p0 =	seq.s32 s7, s2  }
0x1e: {  	s7 =	smul.u32 @!p0 $0xF7A, s2;
	p2 =	seq.s32 @!p0 s5, $0x0  }
0x1f: {  	s9 =	smul.u32 $0xF7A, s1;
	s8 =	simm.s32 @!p0 $0x1BF5;
	p2 =	por !p2, p0  }
0x20: {  	[sflag:s8] =	ssyncset.s32 @!p0 $0xFFFFF086;
	s6 =	sadd.s32 @!p0 s3, s7;
	s7 =	simm.s32 @!p0 $0x108  }
0x21: {  	s3 =	sadd.s32 s3, s9;
	s6 =	sadd.s32 @!p0 $0x88, s6;
	s7 =	simm.s32 @p2 $0x1082  }
0x22: {  	[simem:s7], [sflag:s8] =	dma.local @!p0 [hbm:s6], $0xF7A  }
0x23: {  	s9 =	sor.u32 $0xD0000000, s2;
	s6 =	simm.s32 $0x108;
	_ =	swait.ge @!p0 [sflag:s8], $0x0  }
0x24: {  	s3 =	sadd.s32 $0x88, s3;
	s6 =	simm.s32 @!p1 $0x1082;
	[sflag:s4] =	ssyncset.s32 $0xFFFFF086  }
0x25: {  	[simem:s6], [sflag:s4] =	dma.local [hbm:s3], $0xF7A  }
0x26: {  	[smem:$0x3F94] =	sst s1;
	(tag) =	ssettag s2;
	_ =	strace s9  }
0x27: {  	s1 =	sld [smem:$0x3FA4]  }
0x28: {  	s2 =	sld [smem:$0x3FA5]  }
0x29: {  	s4 =	sld [smem:$0x3FA7]  }
0x2a: {  	p0 =	seq.s32 s5, $0x0;
	s5 =	sld [smem:$0x3FA8]  }
0x2b: {  	s6 =	sld [smem:$0x3FA9]  }
0x2c: {  	s7 =	sld [smem:$0x3FAA]  }
0x2d: {  	s3 =	simm.s32 $0x108;
	s8 =	sld [smem:$0x3FAB]  }
0x2e: {  	s3 =	simm.s32 @!p0 $0x1082;
	s9 =	sld [smem:$0x3FAC]  }
0x2f: {  	lr =	sadd.s32 s0, s3;
	s0 =	sld [smem:$0x3FA3]  }
0x30: {  	s3 =	sld [smem:$0x3FA6]  }
0x31: {  	[smem:$0x3FAF] =	sst s10  }
0x32: {  	s10 =	sld [smem:$0x3FAD];
	_ =	sdelay $0x3  }
0x33: {  	p0 =	seq.s32 s10, $0x1;
	s10 =	sld [smem:$0x3FAF];
	_ =	sdelay $0x3  }
0x34: {  	[smem:$0x3FAF] =	sst s10  }
0x35: {  	s10 =	sld [smem:$0x3FAE];
	_ =	sdelay $0x3  }
0x36: {  	p1 =	seq.s32 s10, $0x1;
	s10 =	sld [smem:$0x3FAF];
	_ =	sdelay $0x3  }
0x37: {  	[smem:$0x3FAF] =	sst s10  }
0x38: {  	s10 =	sld [smem:$0x3FB0]  }
0x39: {  	_ = 	snop;
	(pc) =	sbr.ind lr, $3  }
0x3a: {  	_ = 	snop  }
0x3b: {  	_ = 	snop  }
0x3c: {  	p2 =	seq.s32 s10, $0x1;
	s10 =	sld [smem:$0x3FAF]  }
0x3d: {  	_ =	shalt  }
0x3e: {  	_ =	shalt  }
0x3f: {  	_ =	shalt  }
0x40: {  	_ =	shalt  }
0x41: {  	_ =	shalt  }
0x42: {  	_ =	shalt  }
0x43: {  	_ =	shalt  }
0x44: {  	_ =	shalt  }
0x45: {  	_ =	shalt  }
0x46: {  	_ =	shalt  }
0x47: {  	_ =	shalt  }
0x48: {  	_ =	shalt  }
0x49: {  	_ =	shalt  }
0x4a: {  	_ =	shalt  }
0x4b: {  	_ =	shalt  }
0x4c: {  	_ =	shalt  }
0x4d: {  	_ =	shalt  }
0x4e: {  	_ =	shalt  }
0x4f: {  	_ =	shalt  }
0x50: {  	_ =	shalt  }
0x51: {  	_ =	shalt  }
0x52: {  	_ =	shalt  }
0x53: {  	_ =	shalt  }
0x54: {  	_ =	shalt  }
0x55: {  	_ =	shalt  }
0x56: {  	_ =	shalt  }
0x57: {  	_ =	shalt  }
0x58: {  	_ =	shalt  }
0x59: {  	_ =	shalt  }
0x5a: {  	_ =	shalt  }
0x5b: {  	_ =	shalt  }
0x5c: {  	_ =	shalt  }
0x5d: {  	_ =	shalt  }
0x5e: {  	_ =	shalt  }
0x5f: {  	_ =	shalt  }
0x60: {  	_ =	shalt  }
0x61: {  	_ =	shalt  }
0x62: {  	_ =	shalt  }
0x63: {  	_ =	shalt  }
0x64: {  	_ =	shalt  }
0x65: {  	_ =	shalt  }
0x66: {  	_ =	shalt  }
0x67: {  	_ =	shalt  }
0x68: {  	_ =	shalt  }
0x69: {  	_ =	shalt  }
0x6a: {  	_ =	shalt  }
0x6b: {  	_ =	shalt  }
0x6c: {  	_ =	shalt  }
0x6d: {  	_ =	shalt  }
0x6e: {  	_ =	shalt  }
0x6f: {  	_ =	shalt  }
0x70: {  	_ =	shalt  }
0x71: {  	_ =	shalt  }
0x72: {  	_ =	shalt  }
0x73: {  	_ =	shalt  }
0x74: {  	_ =	shalt  }
0x75: {  	_ =	shalt  }
0x76: {  	_ =	shalt  }
0x77: {  	_ =	shalt  }
0x78: {  	_ =	shalt  }
0x79: {  	_ =	shalt  }
0x7a: {  	_ =	shalt  }
0x7b: {  	_ =	shalt  }
0x7c: {  	_ =	shalt  }
0x7d: {  	_ =	shalt  }
0x7e: {  	_ =	shalt  }
0x7f: {  	_ =	shalt  }
0x80: {  	_ =	shalt  }
0x81: {  	_ =	shalt  }
0x82: {  	_ =	shalt  }
0x83: {  	_ =	shalt  }
0x84: {  	_ =	shalt  }
0x85: {  	_ =	shalt  }
0x86: {  	_ =	shalt  }
0x87: {  	_ =	shalt  }
.Lfunc_end0:
.L_simem_size_0:
called_computation.5_lowered:
.L_overlay_start_0:
0x88: {  	s2 =	sld [smem:$0x3FD9]  }
0x89: {  	s3 =	sld [smem:$0x3FFE];
	_ =	sdelay $0x1  }
0x8a: {  	s1 =	srdreg.scid  }
0x8b: {  	s0 =	sand.u32 $0x1, s1  }
0x8c: {  	s17 =	sshll.u32 s0, $0xA;
	s2 =	sadd.s32 s3, s2  }
0x8d: {  	s2 =	sadd.s32 s2, s17  }
0x8e: {  	[smem:$0x3FBB] =	sst s2  }
0x8f: {  	_ = 	snop  }
0x90: {  	s18 =	sld [smem:$0x3FC6];
	(tm) =	ssettm $0x1  }
0x91: {  	s19 =	sld [smem:$0x3FFB];
	_ =	sdelay $0x3  }
0x92: {  	_ =	strace s19  }
0x93: {  	s2 =	sld [smem:$0x3FFC];
	_ =	sdelay $0x3  }
0x94: {  	_ =	strace s2  }
0x95: {  	s2 =	sld [smem:$0x3FFD];
	_ =	sdelay $0x3  }
0x96: {  	_ =	strace s2  }
0x97: {  	_ =	strace $0x8FFFFFFF  }
0x98: {  	s20 =	sld [smem:$0x3FDB];
	_ =	sdelay $0x1  }
0x99: {  	s4 =	simm.s32 $_scs_section_size  }
0x9a: {  	s5 =	simm.s32 $_size__tile_overlayer_lowered;
	s6 =	simm.s32 $_tile_overlayer_lowered  }
0x9b: {  	s7 =	simm.s32 $0x1BFF;
	s21 =	sshll.u32 s6, $0x1;
	s4 =	sadd.s32 s4, s20  }
0x9c: {  	s22 =	simm.s32 $0x0;
	s5 =	sshll.u32 s5, $0x1;
	s6 =	sadd.s32 s21, s4  }
0x9d: {  	[timem:s22], [sflag:s7] =	dma.local [hbm:s6], s5  }
0x9e: {  	_ =	swait.ge [sflag:s7], s5  }
0x9f: {  	s5 =	ssub.s32 $0x0, s5;
	[sflag:s7] =	ssyncset.done $0x0  }
0xa0: {  	[sflag:s7] =	ssyncadd.s32 s5;
	_ =	sdelay $0x1  }
0xa1: {  	s23 =	simm.s32 $0x1B8B  }
0xa2: {  	_ =	swait.ge [sflag:s23], $0x1  }
0xa3: {  	[sflag:s23] =	ssyncset.done $0x0  }
0xa4: {  	[sflag:s23] =	ssyncadd.s32 $0xFFFFFFFF  }
0xa5: {  	s5 =	sld [smem:$0x0]  }
0xa6: {  	s6 =	sand.u32 $0xFFFFFFFE, s1  }
0xa7: {  	p0 =	sne.s32 s1, s6  }
0xa8: {  	s6 =	sshll.u32 @p0 s6, $0xE  }
0xa9: {  	s6 =	sadd.s32 @p0 $0x11B8D, s6;
	s7 =	sshll.u32 @p0 s5, $0x11  }
0xaa: {  	s6 =	sor.u32 @p0 s7, s6  }
0xab: {  	[sflag:s6] =	ssyncadd.remote.s32 @p0 $0x1;
	_ =	sdelay $0x1  }
0xac: {  	s6 =	simm.s32 @p0 $0x1B8D  }
0xad: {  	_ =	swait.eq @p0 [sflag:s6], $0x1  }
0xae: {  	[sflag:s6] =	ssyncadd.s32 @p0 $0xFFFFFFFF  }
0xaf: {  	s7 =	sshll.u32 @!p0 s1, $0xE  }
0xb0: {  	s7 =	sor.u32 @!p0 $0x4000, s7;
	s6 =	simm.s32 @!p0 $0x1B8D  }
0xb1: {  	s5 =	sshll.u32 @!p0 s5, $0x11;
	s7 =	sadd.s32 @!p0 $0x11B8D, s7;
	_ =	swait.eq @!p0 [sflag:s6], $0x1  }
0xb2: {  	s5 =	sor.u32 @!p0 s5, s7;
	[sflag:s6] =	ssyncadd.s32 @!p0 $0xFFFFFFFF  }
0xb3: {  	s25 =	simm.s32 $0x1B8E;
	s24 =	sld [smem:$0x3FFE];
	[sflag:s5] =	ssyncadd.remote.s32 @!p0 $0x1  }
0xb4: {  	s26 =	simm.s32 $execute0_lowered;
	[smem:$0x3FD2] =	sst s25  }
0xb5: {  	s6 =	sshll.u32 s26, $0x1;
	_ =	strace $0x80000055;
	[dreg:$0x1] =	wrdreg $0xFFFFFFFF  }
0xb6: {  	s28 =	simm.s32 $_size_execute0_lowered;
	s4 =	sadd.s32 s4, s6;
	[dreg:$0x0] =	wrdreg $0x0  }
0xb7: {  	s6 =	sshll.u32 s28, $0x1;
	[dreg:$0x2] =	wrdreg s4  }
0xb8: {  	[dreg:$0x3] =	wrdreg s6  }
0xb9: {  	[dreg:$0x4] =	wrdreg $0xC0  }
0xba: {  	_ =	task [dreg:s22], $0x5FFFF  }
0xbb: {  	[dreg:$0x1] =	wrdreg $0xFFFFFFFF  }
0xbc: {  	[dreg:$0x0] =	wrdreg $0x60  }
0xbd: {  	[dreg:$0x2] =	wrdreg s24  }
0xbe: {  	[dreg:$0x3] =	wrdreg s18  }
0xbf: {  	[dreg:$0x4] =	wrdreg $0x9  }
0xc0: {  	_ =	task.clear_ibuf [dreg:s22], $0x5FFFF;
	_ =	strace $0x90000055  }
0xc1: {  	s29 =	simm.s32 $0x9;
	_ =	strace $0x80000057  }
0xc2: {  	_ =	swait.ge [sflag:s29], $0x1  }
0xc3: {  	[sflag:s29] =	ssyncadd.s32 $0xFFFFFFFF  }
0xc4: {  	_ =	strace $0x90000057  }
0xc5: {  	_ =	sfence  }
0xc6: {  	s30 =	sld [smem:$0x0];
	_ =	sdelay $0x2  }
0xc7: {  	s31 =	sshll.u32 s1, $0xD;
	s1 =	sshrl.u32 s1, $0x2  }
0xc8: {  	s4 =	sand.u32 $0x4000, s31;
	s1 =	sadd.s32 s1, s30  }
0xc9: {  	s0 =	sor.u32 s4, s0;
	s1 =	sshll.u32 s1, $0x11  }
0xca: {  	s0 =	sor.u32 s1, s0  }
0xcb: {  	s0 =	sadd.s32 $0x8F2B, s0  }
0xcc: {  	[sflag:s0] =	ssyncadd.remote.s32 $0x1  }
0xcd: {  	_ =	sfence.sel $0xFFFF  }
0xce: {  	[dreg:$0x0] =	wrdreg $0xFFFFFFFF;
	(pc) =	sbr.abs _section_cstart, $3  }
0xcf: {  	[dreg:$0x1] =	wrdreg $0xFFFFFFFF  }
0xd0: {  	_ =	task.clear_ibuf [dreg:s22], $0x2FFFF;
	_ =	strace $0x9FFFFFFF  }
0xd1: {  	(tm) =	ssettm $0x7FFFFFFF  }
tec
execute0_lowered:
.L_overlay_start_1:
0x0: {  	(tag) =	ssettag $0x1  }
0x1: {  	s0 =	rddreg [dreg:$0x0]  }
0x2: {  	s2 =	rddreg [dreg:$0x1]  }
0x3: {  	s1 =	simm.s32 $0x0;
	s3 =	srdreg.scid;
	s8 =	stileid.u32  }
0x4: {  	[smem:$0x7FF] =	sst s1;
	s4 =	sand.u32 $0x1, s3;
	s19 =	sadd.s32 $0x19600, s0  }
0x5: {  	s6 =	sshll.u32 s8, $0xC;
	s21 =	sshll.u32 s8, $0x1;
	s22 =	sshll.u32 s8, $0x5  }
0x6: {  	_ =	strace $0x80000056;
	s5 =	ssub.s32 $0x2, s4;
	[dreg:$0x4] =	wrdreg s19  }
0x7: {  	s0 =	sadd.s32 s6, s0;
	s20 =	sshll.u32 s4, $0xB;
	s23 =	sor.u32 s4, s21  }
0x8: {  	s4 =	sshll.u32 s4, $0x4;
	s7 =	sshrl.u32 s5, $0x1;
	s0 =	sadd.s32 s20, s0  }
0x9: {  	s6 =	sshll.u32 s23, $0x4;
	s5 =	ssub.s32 s5, s7;
	s0 =	sadd.s32 $0x29E600, s0  }
0xa: {  	s7 =	sor.u32 $0xA0, s23;
	s25 =	sor.u32 $0x800, s6;
	s28 =	sor.u32 $0x600, s6  }
0xb: {  	s29 =	sor.u32 $0x400, s6;
	s6 =	sor.u32 $0x200, s6;
	[dreg:$0x3] =	wrdreg s0  }
0xc: {  	s5 =	smax.u32 s5, $0x1;
	s0 =	sor.u32 s4, s22;
	[dreg:$0x6] =	wrdreg s7  }
0xd: {  	s24 =	sshll.u32 s7, $0x4;
	s8 =	sand.u32 $0x980, s25;
	s6 =	sand.u32 $0x380, s6  }
0xe: {  	[dreg:$0x5] =	wrdreg s5;
	s3 =	sand.u32 $0x70, s0;
	s26 =	sadd.s32 s8, s2  }
0xf: {  	s4 =	sand.u32 $0xB80, s24;
	s31 =	sadd.s32 s6, s2;
	[dreg:$0x8] =	wrdreg s26  }
0x10: {  	s0 =	sand.u32 $0x180, s0;
	s4 =	sadd.s32 s4, s2;
	[dreg:$0xb] =	wrdreg s31  }
0x11: {  	s0 =	sadd.s32 s0, s2;
	[dreg:$0x7] =	wrdreg s4;
	s4 =	sand.u32 $0x780, s28  }
0x12: {  	s30 =	sand.u32 $0x580, s29;
	[dreg:$0xc] =	wrdreg s0;
	s4 =	sadd.s32 s4, s2  }
0x13: {  	[dreg:$0x9] =	wrdreg s4;
	s4 =	sadd.s32 s30, s2  }
0x14: {  	s14 =	simm.s32 $0x3;
	s1 =	simm.s32 $0x0;
	[dreg:$0xa] =	wrdreg s4  }
.LBB2_1:
0x15: {  	s31 =	rddreg [dreg:$0xc]  }
0x16: {  	[dreg:$0xd] =	wrdreg s1;
	s5 =	simm.s32 $0x0;
	s0 =	sadd.s32 s31, s3  }
0x17: {  	[tilespmem:s5], [sflag:$0x3] =	stream.linear.gather [hbm4b:s0+s5], $0x80, $0x38;
	[tilespmem:$0x18300] =	vst v63  }
0x18: {  	_ =	swait.ge [sflag:s14], $0x80  }
0x19: {  	s4 =	simm.s32 $0x80;
	[sflag:s14] =	ssyncset.done $0x0;
	s7 =	rddreg [dreg:$0x4]  }
0x1a: {  	s26 =	simm.s32 $0x300;
	s21 =	rddreg [dreg:$0xb];
	[sflag:s14] =	ssyncadd.s32 $0xFFFFFF80  }
0x1b: {  	[tilespmem:s26], [sflag:$0x1] =	stream.indirect.gather [hbm4b:s7+s4], $0x80, s5, s4, $0xb8;
	[tilespmem:$0x18300] =	vst v63  }
0x1c: {  	s17 =	sadd.s32 s21, s3  }
0x1d: {  	[tilespmem:s4], [sflag:$0x3] =	stream.linear.gather [hbm4b:s17+s5], $0x80, $0x38;
	[tilespmem:$0x18300] =	vst v63  }
0x1e: {  	_ =	swait.ge [sflag:s14], $0x80  }
0x1f: {  	[sflag:s14] =	ssyncset.done $0x0  }
0x20: {  	s22 =	simm.s32 $0x4300;
	s19 =	rddreg [dreg:$0xa];
	[sflag:s14] =	ssyncadd.s32 $0xFFFFFF80  }
0x21: {  	[tilespmem:s22], [sflag:$0x1] =	stream.indirect.gather [hbm4b:s7+s4], $0x80, s4, s4, $0xb8;
	[tilespmem:$0x18300] =	vst v63  }
0x22: {  	s6 =	simm.s32 $0x100;
	s18 =	sadd.s32 s19, s3  }
0x23: {  	[tilespmem:s6], [sflag:$0x3] =	stream.linear.gather [hbm4b:s18+s5], $0x80, $0x38;
	[tilespmem:$0x18300] =	vst v63  }
0x24: {  	_ =	swait.ge [sflag:s14], $0x80  }
0x25: {  	s15 =	rddreg [dreg:$0x6]  }
0x26: {  	[sflag:s14] =	ssyncset.done $0x0;
	s20 =	sadd.s32 $0xFFFFFFC0, s15  }
0x27: {  	s11 =	simm.s32 $0x8300;
	[sflag:s14] =	ssyncadd.s32 $0xFFFFFF80;
	p1 =	sgt.u32 s20, $0x4E1  }
0x28: {  	[tilespmem:s11], [sflag:$0x1] =	stream.indirect.gather [hbm4b:s7+s4], $0x80, s6, s4, $0xb8;
	[tilespmem:$0x18300] =	vst v63  }
0x29: {  	s18 =	rddreg [dreg:$0x9];
	s23 =	sadd.s32 $0xFFFFFFE0, s15;
	s2 =	simm.s32 @!p1 $0x180  }
0x2a: {  	s0 =	simm.s32 @!p1 $0x3;
	s6 =	sadd.s32 @!p1 s18, s3;
	s4 =	simm.s32 @!p1 $0x0  }
0x2b: {  	[tilespmem:s2], [sflag:$0x3] =	stream.linear.gather @!p1 [hbm4b:s6+s4], $0x80, $0x38;
	[tilespmem:$0x18300] =	vst v63  }
0x2c: {  	p2 =	sgt.u32 s23, $0x4E1;
	_ =	swait.ge @!p1 [sflag:s0], $0x80  }
0x2d: {  	s8 =	simm.s32 @!p1 $0x80;
	s9 =	simm.s32 @!p1 $0xC300;
	[sflag:s0] =	ssyncset.done @!p1 $0x0  }
0x2e: {  	s10 =	simm.s32 @!p2 $0x200;
	s17 =	rddreg [dreg:$0x8];
	[sflag:s0] =	ssyncadd.s32 @!p1 $0xFFFFFF80  }
0x2f: {  	[tilespmem:s9], [sflag:$0x1] =	stream.indirect.gather @!p1 [hbm4b:s7+s8], $0x80, s2, s8, $0xb8;
	[tilespmem:$0x18300] =	vst v63  }
0x30: {  	s6 =	sadd.s32 @!p2 s17, s3;
	s2 =	simm.s32 @!p2 $0x3;
	s8 =	simm.s32 @!p2 $0x0  }
0x31: {  	[tilespmem:s10], [sflag:$0x3] =	stream.linear.gather @!p2 [hbm4b:s6+s8], $0x80, $0x38;
	[tilespmem:$0x18300] =	vst v63  }
0x32: {  	p0 =	sgt.u32 s15, $0x4E1;
	_ =	swait.ge @!p2 [sflag:s2], $0x80  }
0x33: {  	s13 =	simm.s32 @!p0 $0x280;
	s20 =	simm.s32 @!p2 $0x10300;
	[sflag:s2] =	ssyncset.done @!p2 $0x0  }
0x34: {  	s6 =	simm.s32 @!p2 $0x80;
	s16 =	rddreg [dreg:$0x7];
	[sflag:s2] =	ssyncadd.s32 @!p2 $0xFFFFFF80  }
0x35: {  	[tilespmem:s20], [sflag:$0x1] =	stream.indirect.gather @!p2 [hbm4b:s7+s6], $0x80, s10, s6, $0xb8;
	[tilespmem:$0x18300] =	vst v63  }
0x36: {  	s12 =	sadd.s32 @!p0 s16, s3;
	s10 =	simm.s32 @!p0 $0x3;
	s6 =	simm.s32 @!p0 $0x0  }
0x37: {  	[tilespmem:s13], [sflag:$0x3] =	stream.linear.gather @!p0 [hbm4b:s12+s6], $0x80, $0x38;
	[tilespmem:$0x18300] =	vst v63  }
0x38: {  	_ =	swait.ge @!p0 [sflag:s10], $0x80  }
0x39: {  	s24 =	simm.s32 $0x1;
	[sflag:s10] =	ssyncset.done @!p0 $0x0  }
0x3a: {  	s12 =	simm.s32 @!p0 $0x80;
	[sflag:s10] =	ssyncadd.s32 @!p0 $0xFFFFFF80;
	s10 =	simm.s32 @!p0 $0x14300  }
0x3b: {  	[tilespmem:s10], [sflag:$0x1] =	stream.indirect.gather @!p0 [hbm4b:s7+s12], $0x80, s13, s12, $0xb8;
	[tilespmem:$0x18300] =	vst v63  }
0x3c: {  	_ =	swait.ge [sflag:s24], $0x4000  }
0x3d: {  	[sflag:s24] =	ssyncset.done $0x0;
	s23 =	rddreg [dreg:$0x3]  }
0x3e: {  	s25 =	sadd.s32 $0x0, s23;
	[sflag:s24] =	ssyncadd.s32 $0xFFFFC000  }
0x3f: {  	[hbm4b:s25+s5] =	stream.linear.scatter [tilespmem:s26], [sflag:$0x3], $0x4000, $0x38;
	[tilespmem:$0x18300] =	vst v63  }
0x40: {  	_ =	swait.ge [sflag:s14], $0x4000  }
0x41: {  	[sflag:s14] =	ssyncset.done $0x0  }
0x42: {  	[sflag:s14] =	ssyncadd.s32 $0xFFFFC000  }
0x43: {  	_ =	swait.ge [sflag:s24], $0x4000  }
0x44: {  	[sflag:s24] =	ssyncset.done $0x0  }
0x45: {  	s26 =	sadd.s32 $0x10000, s25;
	[sflag:s24] =	ssyncadd.s32 $0xFFFFC000  }
0x46: {  	[hbm4b:s26+s5] =	stream.linear.scatter [tilespmem:s22], [sflag:$0x3], $0x4000, $0x38;
	[tilespmem:$0x18300] =	vst v63  }
0x47: {  	_ =	swait.ge [sflag:s14], $0x4000  }
0x48: {  	[sflag:s14] =	ssyncset.done $0x0  }
0x49: {  	[sflag:s14] =	ssyncadd.s32 $0xFFFFC000  }
0x4a: {  	_ =	swait.ge [sflag:s24], $0x4000  }
0x4b: {  	[sflag:s24] =	ssyncset.done $0x0  }
0x4c: {  	s12 =	sadd.s32 $0x20000, s25;
	[sflag:s24] =	ssyncadd.s32 $0xFFFFC000  }
0x4d: {  	[hbm4b:s12+s5] =	stream.linear.scatter [tilespmem:s11], [sflag:$0x3], $0x4000, $0x38;
	[tilespmem:$0x18300] =	vst v63  }
0x4e: {  	_ =	swait.ge [sflag:s14], $0x4000  }
0x4f: {  	[sflag:s14] =	ssyncset.done $0x0  }
0x50: {  	s12 =	simm.s32 @!p1 $0x1;
	[sflag:s14] =	ssyncadd.s32 $0xFFFFC000  }
0x51: {  	_ =	swait.ge @!p1 [sflag:s12], $0x4000  }
0x52: {  	s13 =	sadd.s32 @!p1 $0x0, s23;
	[sflag:s12] =	ssyncset.done @!p1 $0x0  }
0x53: {  	s13 =	sadd.s32 @!p1 $0x30000, s13;
	[sflag:s12] =	ssyncadd.s32 @!p1 $0xFFFFC000  }
0x54: {  	[hbm4b:s13+s4] =	stream.linear.scatter @!p1 [tilespmem:s9], [sflag:$0x3], $0x4000, $0x38;
	[tilespmem:$0x18300] =	vst v63  }
0x55: {  	_ =	swait.ge @!p1 [sflag:s0], $0x4000  }
0x56: {  	[sflag:s0] =	ssyncset.done @!p1 $0x0  }
0x57: {  	s4 =	simm.s32 @!p2 $0x1;
	[sflag:s0] =	ssyncadd.s32 @!p1 $0xFFFFC000  }
0x58: {  	_ =	swait.ge @!p2 [sflag:s4], $0x4000  }
0x59: {  	s0 =	sadd.s32 @!p2 $0x0, s23;
	[sflag:s4] =	ssyncset.done @!p2 $0x0  }
0x5a: {  	s30 =	simm.s32 $0xC0000;
	s0 =	sadd.s32 @!p2 $0x40000, s0;
	[sflag:s4] =	ssyncadd.s32 @!p2 $0xFFFFC000  }
0x5b: {  	[hbm4b:s0+s8] =	stream.linear.scatter @!p2 [tilespmem:s20], [sflag:$0x3], $0x4000, $0x38;
	[tilespmem:$0x18300] =	vst v63  }
0x5c: {  	s31 =	sadd.s32 $0xC00, s31;
	s29 =	sadd.s32 $0xC00, s21;
	_ =	swait.ge @!p2 [sflag:s2], $0x4000  }
0x5d: {  	s28 =	sadd.s32 $0xC00, s19;
	s25 =	sadd.s32 $0xC00, s17;
	[sflag:s2] =	ssyncset.done @!p2 $0x0  }
0x5e: {  	s22 =	simm.s32 $0x60000;
	s0 =	simm.s32 @!p0 $0x1;
	[sflag:s2] =	ssyncadd.s32 @!p2 $0xFFFFC000  }
0x5f: {  	s26 =	sadd.s32 $0xC00, s18;
	s24 =	sadd.s32 $0xC0, s15;
	_ =	swait.ge @!p0 [sflag:s0], $0x4000  }
0x60: {  	s2 =	sadd.s32 @!p0 $0x0, s23;
	s23 =	sadd.s32 $0xC00, s16;
	[sflag:s0] =	ssyncset.done @!p0 $0x0  }
0x61: {  	s2 =	sadd.s32 @!p0 $0x50000, s2;
	[sflag:s0] =	ssyncadd.s32 @!p0 $0xFFFFC000;
	s0 =	simm.s32 @!p0 $0x2  }
0x62: {  	[hbm4b:s2+s6] =	stream.linear.scatter @!p0 [tilespmem:s10], [sflag:$0x2], $0x4000, $0x38;
	[tilespmem:$0x18300] =	vst v63  }
.LBB2_2:
0x63: {  	_ =	swait.ge @!p0 [sflag:s0], $0x4000  }
0x64: {  	[sflag:s0] =	ssyncset.done @!p0 $0x0  }
0x65: {  	s2 =	sadd.s32 s31, s3;
	s5 =	simm.s32 $0x0;
	[sflag:s0] =	ssyncadd.s32 @!p0 $0xFFFFC000  }
0x66: {  	[tilespmem:s5], [sflag:$0x3] =	stream.linear.gather [hbm4b:s2+s5], $0x80, $0x38;
	[tilespmem:$0x18300] =	vst v63  }
0x67: {  	_ =	swait.ge [sflag:s14], $0x80  }
0x68: {  	s4 =	simm.s32 $0x80;
	[sflag:s14] =	ssyncset.done $0x0  }
0x69: {  	s1 =	simm.s32 $0x300;
	s7 =	rddreg [dreg:$0x4];
	[sflag:s14] =	ssyncadd.s32 $0xFFFFFF80  }
0x6a: {  	[tilespmem:s1], [sflag:$0x1] =	stream.indirect.gather [hbm4b:s7+s4], $0x80, s5, s4, $0xb8;
	[tilespmem:$0x18300] =	vst v63  }
0x6b: {  	s11 =	sadd.s32 s29, s3  }
0x6c: {  	[tilespmem:s4], [sflag:$0x3] =	stream.linear.gather [hbm4b:s11+s5], $0x80, $0x38;
	[tilespmem:$0x18300] =	vst v63  }
0x6d: {  	_ =	swait.ge [sflag:s14], $0x80  }
0x6e: {  	[sflag:s14] =	ssyncset.done $0x0  }
0x6f: {  	s12 =	simm.s32 $0x4300;
	[sflag:s14] =	ssyncadd.s32 $0xFFFFFF80  }
0x70: {  	[tilespmem:s12], [sflag:$0x1] =	stream.indirect.gather [hbm4b:s7+s4], $0x80, s4, s4, $0xb8;
	[tilespmem:$0x18300] =	vst v63  }
0x71: {  	s13 =	sadd.s32 s28, s3;
	s8 =	simm.s32 $0x100  }
0x72: {  	[tilespmem:s8], [sflag:$0x3] =	stream.linear.gather [hbm4b:s13+s5], $0x80, $0x38;
	[tilespmem:$0x18300] =	vst v63  }
0x73: {  	s15 =	sadd.s32 $0xFFFFFFC0, s24;
	s16 =	sadd.s32 $0xFFFFFFE0, s24;
	_ =	swait.ge [sflag:s14], $0x80  }
0x74: {  	p2 =	sgt.u32 s15, $0x4E1;
	p3 =	sgt.u32 s16, $0x4E1;
	[sflag:s14] =	ssyncset.done $0x0  }
0x75: {  	s6 =	simm.s32 @!p2 $0x180;
	s11 =	simm.s32 $0x8300;
	[sflag:s14] =	ssyncadd.s32 $0xFFFFFF80  }
0x76: {  	[tilespmem:s11], [sflag:$0x1] =	stream.indirect.gather [hbm4b:s7+s4], $0x80, s8, s4, $0xb8;
	[tilespmem:$0x18300] =	vst v63  }
0x77: {  	s0 =	simm.s32 @!p2 $0x3;
	s8 =	sadd.s32 @!p2 s26, s3;
	s4 =	simm.s32 @!p2 $0x0  }
0x78: {  	[tilespmem:s6], [sflag:$0x3] =	stream.linear.gather @!p2 [hbm4b:s8+s4], $0x80, $0x38;
	[tilespmem:$0x18300] =	vst v63  }
0x79: {  	s2 =	simm.s32 @!p3 $0x3;
	s20 =	rddreg [dreg:$0x3];
	_ =	swait.ge @!p2 [sflag:s0], $0x80  }
0x7a: {  	s12 =	sadd.s32 @!p3 s25, s3;
	s10 =	sadd.s32 @!p2 s22, s20;
	[sflag:s0] =	ssyncset.done @!p2 $0x0  }
0x7b: {  	s8 =	simm.s32 @!p2 $0x80;
	s4 =	simm.s32 @!p2 $0xC300;
	[sflag:s0] =	ssyncadd.s32 @!p2 $0xFFFFFF80  }
0x7c: {  	[tilespmem:s4], [sflag:$0x1] =	stream.indirect.gather @!p2 [hbm4b:s7+s8], $0x80, s6, s8, $0xb8;
	[tilespmem:$0x18300] =	vst v63  }
0x7d: {  	s13 =	sadd.s32 @!p2 $0x30000, s10;
	s10 =	simm.s32 @!p3 $0x0;
	s8 =	simm.s32 @!p3 $0x200  }
0x7e: {  	[tilespmem:s8], [sflag:$0x3] =	stream.linear.gather @!p3 [hbm4b:s12+s10], $0x80, $0x38;
	[tilespmem:$0x18300] =	vst v63  }
0x7f: {  	p0 =	sgt.u32 s24, $0x4E1;
	_ =	swait.ge @!p3 [sflag:s2], $0x80  }
0x80: {  	s21 =	sadd.s32 @!p0 s23, s3;
	[sflag:s2] =	ssyncset.done @!p3 $0x0  }
0x81: {  	s6 =	simm.s32 @!p3 $0x10300;
	s12 =	simm.s32 @!p3 $0x80;
	[sflag:s2] =	ssyncadd.s32 @!p3 $0xFFFFFF80  }
0x82: {  	[tilespmem:s6], [sflag:$0x1] =	stream.indirect.gather @!p3 [hbm4b:s7+s12], $0x80, s8, s12, $0xb8;
	[tilespmem:$0x18300] =	vst v63  }
0x83: {  	s17 =	simm.s32 @!p0 $0x3;
	s18 =	simm.s32 @!p0 $0x280;
	s8 =	simm.s32 @!p0 $0x0  }
0x84: {  	[tilespmem:s18], [sflag:$0x3] =	stream.linear.gather @!p0 [hbm4b:s21+s8], $0x80, $0x38;
	[tilespmem:$0x18300] =	vst v63  }
0x85: {  	_ =	swait.ge @!p0 [sflag:s17], $0x80  }
0x86: {  	[sflag:s17] =	ssyncset.done @!p0 $0x0  }
0x87: {  	s15 =	simm.s32 @!p0 $0x80;
	s12 =	simm.s32 @!p0 $0x14300;
	[sflag:s17] =	ssyncadd.s32 @!p0 $0xFFFFFF80  }
0x88: {  	[tilespmem:s12], [sflag:$0x1] =	stream.indirect.gather @!p0 [hbm4b:s7+s15], $0x80, s18, s15, $0xb8;
	[tilespmem:$0x18300] =	vst v63  }
0x89: {  	s7 =	simm.s32 $0x1  }
0x8a: {  	_ =	swait.ge [sflag:s7], $0x4000  }
0x8b: {  	[sflag:s7] =	ssyncset.done $0x0  }
0x8c: {  	s17 =	sadd.s32 s22, s20;
	[sflag:s7] =	ssyncadd.s32 $0xFFFFC000  }
0x8d: {  	[hbm4b:s17+s5] =	stream.linear.scatter [tilespmem:s1], [sflag:$0x3], $0x4000, $0x38;
	[tilespmem:$0x18300] =	vst v63  }
0x8e: {  	_ =	swait.ge [sflag:s14], $0x4000  }
0x8f: {  	[sflag:s14] =	ssyncset.done $0x0  }
0x90: {  	[sflag:s14] =	ssyncadd.s32 $0xFFFFC000  }
0x91: {  	s19 =	sadd.s32 @!p0 s22, s20;
	_ =	swait.ge [sflag:s7], $0x4000  }
0x92: {  	s21 =	sadd.s32 @!p0 $0x50000, s19;
	[sflag:s7] =	ssyncset.done $0x0  }
0x93: {  	s19 =	simm.s32 $0x4300;
	s18 =	sadd.s32 $0x10000, s17;
	[sflag:s7] =	ssyncadd.s32 $0xFFFFC000  }
0x94: {  	[hbm4b:s18+s5] =	stream.linear.scatter [tilespmem:s19], [sflag:$0x3], $0x4000, $0x38;
	[tilespmem:$0x18300] =	vst v63  }
0x95: {  	_ =	swait.ge [sflag:s14], $0x4000  }
0x96: {  	[sflag:s14] =	ssyncset.done $0x0  }
0x97: {  	[sflag:s14] =	ssyncadd.s32 $0xFFFFC000  }
0x98: {  	_ =	swait.ge [sflag:s7], $0x4000  }
0x99: {  	[sflag:s7] =	ssyncset.done $0x0  }
0x9a: {  	s16 =	sadd.s32 @!p3 s22, s20;
	s20 =	sadd.s32 $0x20000, s17;
	[sflag:s7] =	ssyncadd.s32 $0xFFFFC000  }
0x9b: {  	[hbm4b:s20+s5] =	stream.linear.scatter [tilespmem:s11], [sflag:$0x3], $0x4000, $0x38;
	[tilespmem:$0x18300] =	vst v63  }
0x9c: {  	_ =	swait.ge [sflag:s14], $0x4000  }
0x9d: {  	s9 =	smov.u32 s30;
	[sflag:s14] =	ssyncset.done $0x0  }
0x9e: {  	s22 =	smov.u32 s9;
	s9 =	simm.s32 @!p2 $0x1;
	[sflag:s14] =	ssyncadd.s32 $0xFFFFC000  }
0x9f: {  	_ =	swait.ge @!p2 [sflag:s9], $0x4000  }
0xa0: {  	[sflag:s9] =	ssyncset.done @!p2 $0x0  }
0xa1: {  	s1 =	simm.s32 @!p2 $0x0;
	[sflag:s9] =	ssyncadd.s32 @!p2 $0xFFFFC000  }
0xa2: {  	[hbm4b:s13+s1] =	stream.linear.scatter @!p2 [tilespmem:s4], [sflag:$0x3], $0x4000, $0x38;
	[tilespmem:$0x18300] =	vst v63  }
0xa3: {  	_ =	swait.ge @!p2 [sflag:s0], $0x4000  }
0xa4: {  	[sflag:s0] =	ssyncset.done @!p2 $0x0  }
0xa5: {  	s4 =	simm.s32 @!p3 $0x1;
	[sflag:s0] =	ssyncadd.s32 @!p2 $0xFFFFC000  }
0xa6: {  	_ =	swait.ge @!p3 [sflag:s4], $0x4000  }
0xa7: {  	[sflag:s4] =	ssyncset.done @!p3 $0x0  }
0xa8: {  	s16 =	sadd.s32 @!p3 $0x40000, s16;
	[sflag:s4] =	ssyncadd.s32 @!p3 $0xFFFFC000  }
0xa9: {  	[hbm4b:s16+s10] =	stream.linear.scatter @!p3 [tilespmem:s6], [sflag:$0x3], $0x4000, $0x38;
	[tilespmem:$0x18300] =	vst v63  }
0xaa: {  	s30 =	sadd.s32 $0x60000, s30;
	s29 =	sadd.s32 $0xC00, s29;
	_ =	swait.ge @!p3 [sflag:s2], $0x4000  }
0xab: {  	s28 =	sadd.s32 $0xC00, s28;
	p1 =	sne.s32 s30, $0x2A0000;
	[sflag:s2] =	ssyncset.done @!p3 $0x0  }
.Ltmp0:
0xac: {  	s4 =	simm.s32 @!p0 $0x1;
	[sflag:s2] =	ssyncadd.s32 @!p3 $0xFFFFC000;
	(pc) =	sbr.rel @p1 .LBB2_2-.Ltmp0, $4  }
0xad: {  	s31 =	sadd.s32 $0xC00, s31;
	s24 =	sadd.s32 $0xC0, s24;
	_ =	swait.ge @!p0 [sflag:s4], $0x4000  }
0xae: {  	s23 =	sadd.s32 $0xC00, s23;
	s25 =	sadd.s32 $0xC00, s25;
	[sflag:s4] =	ssyncset.done @!p0 $0x0  }
0xaf: {  	s26 =	sadd.s32 $0xC00, s26;
	s0 =	simm.s32 @!p0 $0x2;
	[sflag:s4] =	ssyncadd.s32 @!p0 $0xFFFFC000  }
0xb0: {  	[hbm4b:s21+s8] =	stream.linear.scatter @!p0 [tilespmem:s12], [sflag:$0x2], $0x4000, $0x38;
	[tilespmem:$0x18300] =	vst v63  }
0xb1: {  	_ =	swait.ge @!p0 [sflag:s0], $0x4000  }
0xb2: {  	[sflag:s0] =	ssyncset.done @!p0 $0x0  }
0xb3: {  	s2 =	sadd.s32 s31, s3;
	s5 =	simm.s32 $0x0;
	[sflag:s0] =	ssyncadd.s32 @!p0 $0xFFFFC000  }
0xb4: {  	[tilespmem:s5], [sflag:$0x3] =	stream.linear.gather [hbm4b:s2+s5], $0x80, $0x38;
	[tilespmem:$0x18300] =	vst v63  }
0xb5: {  	_ =	swait.ge [sflag:s14], $0x80  }
0xb6: {  	s4 =	simm.s32 $0x80;
	[sflag:s14] =	ssyncset.done $0x0  }
0xb7: {  	s1 =	simm.s32 $0x300;
	s7 =	rddreg [dreg:$0x4];
	[sflag:s14] =	ssyncadd.s32 $0xFFFFFF80  }
0xb8: {  	[tilespmem:s1], [sflag:$0x1] =	stream.indirect.gather [hbm4b:s7+s4], $0x80, s5, s4, $0xb8;
	[tilespmem:$0x18300] =	vst v63  }
0xb9: {  	s18 =	sadd.s32 s29, s3  }
0xba: {  	[tilespmem:s4], [sflag:$0x3] =	stream.linear.gather [hbm4b:s18+s5], $0x80, $0x38;
	[tilespmem:$0x18300] =	vst v63  }
0xbb: {  	_ =	swait.ge [sflag:s14], $0x80  }
0xbc: {  	[sflag:s14] =	ssyncset.done $0x0  }
0xbd: {  	s17 =	simm.s32 $0x4300;
	[sflag:s14] =	ssyncadd.s32 $0xFFFFFF80  }
0xbe: {  	[tilespmem:s17], [sflag:$0x1] =	stream.indirect.gather [hbm4b:s7+s4], $0x80, s4, s4, $0xb8;
	[tilespmem:$0x18300] =	vst v63  }
0xbf: {  	s19 =	sadd.s32 s28, s3;
	s6 =	simm.s32 $0x100  }
0xc0: {  	[tilespmem:s6], [sflag:$0x3] =	stream.linear.gather [hbm4b:s19+s5], $0x80, $0x38;
	[tilespmem:$0x18300] =	vst v63  }
0xc1: {  	s20 =	sadd.s32 $0xFFFFFFC0, s24;
	_ =	swait.ge [sflag:s14], $0x80  }
0xc2: {  	s11 =	simm.s32 $0x8300;
	p0 =	sgt.u32 s20, $0x4E1;
	[sflag:s14] =	ssyncset.done $0x0  }
0xc3: {  	s21 =	sadd.s32 $0xFFFFFFE0, s24;
	s2 =	simm.s32 @!p0 $0x180;
	[sflag:s14] =	ssyncadd.s32 $0xFFFFFF80  }
0xc4: {  	[tilespmem:s11], [sflag:$0x1] =	stream.indirect.gather [hbm4b:s7+s4], $0x80, s6, s4, $0xb8;
	[tilespmem:$0x18300] =	vst v63  }
0xc5: {  	s0 =	simm.s32 @!p0 $0x3;
	s6 =	sadd.s32 @!p0 s26, s3;
	s4 =	simm.s32 @!p0 $0x0  }
0xc6: {  	[tilespmem:s2], [sflag:$0x3] =	stream.linear.gather @!p0 [hbm4b:s6+s4], $0x80, $0x38;
	[tilespmem:$0x18300] =	vst v63  }
0xc7: {  	p2 =	sgt.u32 s21, $0x4E1;
	_ =	swait.ge @!p0 [sflag:s0], $0x80  }
0xc8: {  	s9 =	sadd.s32 @!p2 s25, s3;
	[sflag:s0] =	ssyncset.done @!p0 $0x0  }
0xc9: {  	s8 =	simm.s32 @!p0 $0x80;
	s6 =	simm.s32 @!p0 $0xC300;
	[sflag:s0] =	ssyncadd.s32 @!p0 $0xFFFFFF80  }
0xca: {  	[tilespmem:s6], [sflag:$0x1] =	stream.indirect.gather @!p0 [hbm4b:s7+s8], $0x80, s2, s8, $0xb8;
	[tilespmem:$0x18300] =	vst v63  }
0xcb: {  	s10 =	simm.s32 @!p2 $0x200;
	s2 =	simm.s32 @!p2 $0x3;
	s8 =	simm.s32 @!p2 $0x0  }
0xcc: {  	[tilespmem:s10], [sflag:$0x3] =	stream.linear.gather @!p2 [hbm4b:s9+s8], $0x80, $0x38;
	[tilespmem:$0x18300] =	vst v63  }
0xcd: {  	p1 =	sgt.u32 s24, $0x4E1;
	_ =	swait.ge @!p2 [sflag:s2], $0x80  }
0xce: {  	s12 =	sadd.s32 @!p1 s23, s3;
	[sflag:s2] =	ssyncset.done @!p2 $0x0  }
0xcf: {  	s16 =	simm.s32 @!p2 $0x10300;
	s9 =	simm.s32 @!p2 $0x80;
	[sflag:s2] =	ssyncadd.s32 @!p2 $0xFFFFFF80  }
0xd0: {  	[tilespmem:s16], [sflag:$0x1] =	stream.indirect.gather @!p2 [hbm4b:s7+s9], $0x80, s10, s9, $0xb8;
	[tilespmem:$0x18300] =	vst v63  }
0xd1: {  	s13 =	simm.s32 @!p1 $0x280;
	s9 =	simm.s32 @!p1 $0x3;
	s10 =	simm.s32 @!p1 $0x0  }
0xd2: {  	[tilespmem:s13], [sflag:$0x3] =	stream.linear.gather @!p1 [hbm4b:s12+s10], $0x80, $0x38;
	[tilespmem:$0x18300] =	vst v63  }
0xd3: {  	_ =	swait.ge @!p1 [sflag:s9], $0x80  }
0xd4: {  	s26 =	simm.s32 $0x1;
	[sflag:s9] =	ssyncset.done @!p1 $0x0  }
0xd5: {  	s12 =	simm.s32 @!p1 $0x80;
	[sflag:s9] =	ssyncadd.s32 @!p1 $0xFFFFFF80;
	s9 =	simm.s32 @!p1 $0x14300  }
0xd6: {  	[tilespmem:s9], [sflag:$0x1] =	stream.indirect.gather @!p1 [hbm4b:s7+s12], $0x80, s13, s12, $0xb8;
	[tilespmem:$0x18300] =	vst v63  }
0xd7: {  	_ =	swait.ge [sflag:s26], $0x4000  }
0xd8: {  	[sflag:s26] =	ssyncset.done $0x0;
	s15 =	rddreg [dreg:$0x3]  }
0xd9: {  	s28 =	sadd.s32 s22, s15;
	[sflag:s26] =	ssyncadd.s32 $0xFFFFC000  }
0xda: {  	[hbm4b:s28+s5] =	stream.linear.scatter [tilespmem:s1], [sflag:$0x3], $0x4000, $0x38;
	[tilespmem:$0x18300] =	vst v63  }
0xdb: {  	_ =	swait.ge [sflag:s14], $0x4000  }
0xdc: {  	[sflag:s14] =	ssyncset.done $0x0  }
0xdd: {  	[sflag:s14] =	ssyncadd.s32 $0xFFFFC000  }
0xde: {  	_ =	swait.ge [sflag:s26], $0x4000  }
0xdf: {  	[sflag:s26] =	ssyncset.done $0x0  }
0xe0: {  	s29 =	sadd.s32 $0x10000, s28;
	[sflag:s26] =	ssyncadd.s32 $0xFFFFC000  }
0xe1: {  	[hbm4b:s29+s5] =	stream.linear.scatter [tilespmem:s17], [sflag:$0x3], $0x4000, $0x38;
	[tilespmem:$0x18300] =	vst v63  }
0xe2: {  	_ =	swait.ge [sflag:s14], $0x4000  }
0xe3: {  	[sflag:s14] =	ssyncset.done $0x0  }
0xe4: {  	[sflag:s14] =	ssyncadd.s32 $0xFFFFC000  }
0xe5: {  	_ =	swait.ge [sflag:s26], $0x4000  }
0xe6: {  	[sflag:s26] =	ssyncset.done $0x0  }
0xe7: {  	s12 =	sadd.s32 $0x20000, s28;
	[sflag:s26] =	ssyncadd.s32 $0xFFFFC000  }
0xe8: {  	[hbm4b:s12+s5] =	stream.linear.scatter [tilespmem:s11], [sflag:$0x3], $0x4000, $0x38;
	[tilespmem:$0x18300] =	vst v63  }
0xe9: {  	_ =	swait.ge [sflag:s14], $0x4000  }
0xea: {  	[sflag:s14] =	ssyncset.done $0x0  }
0xeb: {  	s12 =	simm.s32 @!p0 $0x1;
	[sflag:s14] =	ssyncadd.s32 $0xFFFFC000  }
0xec: {  	_ =	swait.ge @!p0 [sflag:s12], $0x4000  }
0xed: {  	s13 =	sadd.s32 @!p0 s22, s15;
	[sflag:s12] =	ssyncset.done @!p0 $0x0  }
0xee: {  	[sflag:s12] =	ssyncadd.s32 @!p0 $0xFFFFC000;
	s12 =	sadd.s32 @!p0 $0x30000, s13  }
0xef: {  	[hbm4b:s12+s4] =	stream.linear.scatter @!p0 [tilespmem:s6], [sflag:$0x3], $0x4000, $0x38;
	[tilespmem:$0x18300] =	vst v63  }
0xf0: {  	_ =	swait.ge @!p0 [sflag:s0], $0x4000  }
0xf1: {  	[sflag:s0] =	ssyncset.done @!p0 $0x0  }
0xf2: {  	s4 =	simm.s32 @!p2 $0x1;
	[sflag:s0] =	ssyncadd.s32 @!p0 $0xFFFFC000  }
0xf3: {  	_ =	swait.ge @!p2 [sflag:s4], $0x4000  }
0xf4: {  	s0 =	sadd.s32 @!p2 s22, s15;
	[sflag:s4] =	ssyncset.done @!p2 $0x0  }
0xf5: {  	s0 =	sadd.s32 @!p2 $0x40000, s0;
	[sflag:s4] =	ssyncadd.s32 @!p2 $0xFFFFC000  }
0xf6: {  	[hbm4b:s0+s8] =	stream.linear.scatter @!p2 [tilespmem:s16], [sflag:$0x3], $0x4000, $0x38;
	[tilespmem:$0x18300] =	vst v63  }
0xf7: {  	_ =	swait.ge @!p2 [sflag:s2], $0x4000  }
0xf8: {  	[sflag:s2] =	ssyncset.done @!p2 $0x0  }
0xf9: {  	s0 =	simm.s32 @!p1 $0x1;
	[sflag:s2] =	ssyncadd.s32 @!p2 $0xFFFFC000  }
0xfa: {  	_ =	swait.ge @!p1 [sflag:s0], $0x4000  }
0xfb: {  	s2 =	sadd.s32 @!p1 s22, s15;
	[sflag:s0] =	ssyncset.done @!p1 $0x0  }
0xfc: {  	[sflag:s0] =	ssyncadd.s32 @!p1 $0xFFFFC000;
	s0 =	sadd.s32 @!p1 $0x50000, s2  }
0xfd: {  	[hbm4b:s0+s10] =	stream.linear.scatter @!p1 [tilespmem:s9], [sflag:$0x2], $0x4000, $0x38;
	[tilespmem:$0x18300] =	vst v63  }
0xfe: {  	s0 =	simm.s32 @!p1 $0x2  }
0xff: {  	_ =	swait.ge @!p1 [sflag:s0], $0x4000  }
0x100: {  	s30 =	rddreg [dreg:$0xd]  }
0x101: {  	s31 =	rddreg [dreg:$0x5];
	s1 =	sadd.s32 $0x1, s30  }
0x102: {  	p0 =	sne.s32 s1, s31  }
.Ltmp1:
0x103: {  	_ = 	snop;
	(pc) =	sbr.rel @p0 .LBB2_1-.Ltmp1, $3  }
0x104: {  	_ =	sdelay $0x1  }
0x105: {  	[sflag:s0] =	ssyncset.done @!p1 $0x0  }
0x106: {  	[sflag:s0] =	ssyncadd.s32 @!p1 $0xFFFFC000  }
0x107: {  	_ =	sfence.sel $0x180000  }
0x108: {  	[bflag:$0x0] =	sbarrier.arrive $0xFFFF  }
0x109: {  	_ =	strace $0x90000056  }
0x10a: {  	s0 =	stileid.u32;
	[bflag:$0x2] =	sbarrier.arrive $0xFFFF  }
0x10b: {  	p0 =	sne.s32 s0, $0x0;
	s0 =	rddreg [dreg:$0x2]  }
0x10c: {  	s0 =	sadd.s32 @!p0 $0x100000, s0  }
0x10d: {  	[sflag:s0] =	ssyncadd.tile.s32 @!p0 $0x1;
	_ =	shalt  }
.Lfunc_end2:
_tile_overlayer_lowered:
.L_overlay_start_2:
0x10e: {  	(tag) =	ssettag $0x2  }
0x10f: {  	s0 =	rddreg [dreg:$0x0];
	s2 =	stileid.u32  }
0x110: {  	s1 =	rddreg [dreg:$0x1];
	p0 =	sne.s32 s2, $0x0  }
0x111: {  	s3 =	rddreg [dreg:$0x2];
	[bflag:$0x3] =	sbarrier.arrive $0xFFFF;
	s2 =	simm.s32 @!p0 $0x1C02  }
0x112: {  	[timem:s3], [sflag:s2] =	dma.local @!p0 [hbm:s0], s1  }
0x113: {  	s0 =	simm.s32 @!p0 $0x2  }
0x114: {  	_ =	swait.ge @!p0 [sflag:s0], s1  }
0x115: {  	s1 =	ssub.s32 @!p0 $0x0, s1;
	[sflag:s0] =	ssyncset.done @!p0 $0x0  }
0x116: {  	[sflag:s0] =	ssyncadd.s32 @!p0 s1  }
0x117: {  	[bflag:$0x3] =	sbarrier.arrive $0xFFFF  }
0x118: {  	_ =	shalt  }

// kernel: kernel.35.cloned.1.call-start
scs
__scs_entry_jumppad:
0x0: {  	(pc) =	sbr.rel $0x88, $3  }
0x1: {  	(tag) =	ssettag $0x0;
	lr =	simm.s32 $0x1  }
0x2: {  	[smem:$0x3F94] =	sst lr;
	_ =	strace $0xD0000000  }
0x3: {  	_ = 	snop  }
0x4: {  	_ = 	snop  }
0x5: {  	_ = 	snop  }
0x6: {  	_ = 	snop  }
0x7: {  	_ = 	snop  }
__scs_overlays_trampoline_lowered:
0x8: {  	[smem:$0x3FA3] =	sst s0  }
0x9: {  	[smem:$0x3FA4] =	sst s1  }
0xa: {  	[smem:$0x3FA5] =	sst s2  }
0xb: {  	[smem:$0x3FA6] =	sst s3  }
0xc: {  	[smem:$0x3FA7] =	sst s4  }
0xd: {  	[smem:$0x3FA8] =	sst s5  }
0xe: {  	[smem:$0x3FA9] =	sst s6  }
0xf: {  	[smem:$0x3FAA] =	sst s7  }
0x10: {  	[smem:$0x3FAB] =	sst s8  }
0x11: {  	[smem:$0x3FAC] =	sst s9;
	s0 =	simm.s32 @!p0 $0x0  }
0x12: {  	s1 =	sld [smem:$0x3F92];
	s0 =	simm.s32 @p0 $0x1  }
0x13: {  	[smem:$0x3FAD] =	sst s0;
	s0 =	simm.s32 @!p1 $0x0  }
0x14: {  	s2 =	sld [smem:$0x3F91];
	s0 =	simm.s32 @p1 $0x1  }
0x15: {  	[smem:$0x3FAE] =	sst s0;
	s0 =	simm.s32 @!p2 $0x0  }
0x16: {  	s3 =	sld [smem:$0x3FDB];
	s0 =	simm.s32 @p2 $0x1  }
0x17: {  	s4 =	simm.s32 $0x1BF5;
	[smem:$0x3FB0] =	sst s0  }
0x18: {  	s0 =	sld [smem:$0x3F93];
	_ =	swait.ge [sflag:s4], $0x0  }
0x19: {  	s7 =	sld [smem:$0x3F94]  }
0x1a: {  	s8 =	sadd.s32 $0xFFFFE003, lr  }
0x1b: {  	s9 =	sadd.s32 $0xFFFFFEF7, lr;
	s5 =	simm.s32 $0xFFFFFFFF;
	p2 =	slt.u32 s8, $0xFFFFF086  }
0x1c: {  	p1 =	slt.u32 s9, $0xF7A;
	s5 =	simm.s32 @!p2 $0x0  }
0x1d: {  	s5 =	simm.s32 @p1 $0x1;
	p0 =	seq.s32 s7, s2  }
0x1e: {  	s7 =	smul.u32 @!p0 $0xF7A, s2;
	p2 =	seq.s32 @!p0 s5, $0x0  }
0x1f: {  	s9 =	smul.u32 $0xF7A, s1;
	s8 =	simm.s32 @!p0 $0x1BF5;
	p2 =	por !p2, p0  }
0x20: {  	[sflag:s8] =	ssyncset.s32 @!p0 $0xFFFFF086;
	s6 =	sadd.s32 @!p0 s3, s7;
	s7 =	simm.s32 @!p0 $0x108  }
0x21: {  	s3 =	sadd.s32 s3, s9;
	s6 =	sadd.s32 @!p0 $0x88, s6;
	s7 =	simm.s32 @p2 $0x1082  }
0x22: {  	[simem:s7], [sflag:s8] =	dma.local @!p0 [hbm:s6], $0xF7A  }
0x23: {  	s9 =	sor.u32 $0xD0000000, s2;
	s6 =	simm.s32 $0x108;
	_ =	swait.ge @!p0 [sflag:s8], $0x0  }
0x24: {  	s3 =	sadd.s32 $0x88, s3;
	s6 =	simm.s32 @!p1 $0x1082;
	[sflag:s4] =	ssyncset.s32 $0xFFFFF086  }
0x25: {  	[simem:s6], [sflag:s4] =	dma.local [hbm:s3], $0xF7A  }
0x26: {  	[smem:$0x3F94] =	sst s1;
	(tag) =	ssettag s2;
	_ =	strace s9  }
0x27: {  	s1 =	sld [smem:$0x3FA4]  }
0x28: {  	s2 =	sld [smem:$0x3FA5]  }
0x29: {  	s4 =	sld [smem:$0x3FA7]  }
0x2a: {  	p0 =	seq.s32 s5, $0x0;
	s5 =	sld [smem:$0x3FA8]  }
0x2b: {  	s6 =	sld [smem:$0x3FA9]  }
0x2c: {  	s7 =	sld [smem:$0x3FAA]  }
0x2d: {  	s3 =	simm.s32 $0x108;
	s8 =	sld [smem:$0x3FAB]  }
0x2e: {  	s3 =	simm.s32 @!p0 $0x1082;
	s9 =	sld [smem:$0x3FAC]  }
0x2f: {  	lr =	sadd.s32 s0, s3;
	s0 =	sld [smem:$0x3FA3]  }
0x30: {  	s3 =	sld [smem:$0x3FA6]  }
0x31: {  	[smem:$0x3FAF] =	sst s10  }
0x32: {  	s10 =	sld [smem:$0x3FAD];
	_ =	sdelay $0x3  }
0x33: {  	p0 =	seq.s32 s10, $0x1;
	s10 =	sld [smem:$0x3FAF];
	_ =	sdelay $0x3  }
0x34: {  	[smem:$0x3FAF] =	sst s10  }
0x35: {  	s10 =	sld [smem:$0x3FAE];
	_ =	sdelay $0x3  }
0x36: {  	p1 =	seq.s32 s10, $0x1;
	s10 =	sld [smem:$0x3FAF];
	_ =	sdelay $0x3  }
0x37: {  	[smem:$0x3FAF] =	sst s10  }
0x38: {  	s10 =	sld [smem:$0x3FB0]  }
0x39: {  	_ = 	snop;
	(pc) =	sbr.ind lr, $3  }
0x3a: {  	_ = 	snop  }
0x3b: {  	_ = 	snop  }
0x3c: {  	p2 =	seq.s32 s10, $0x1;
	s10 =	sld [smem:$0x3FAF]  }
0x3d: {  	_ =	shalt  }
0x3e: {  	_ =	shalt  }
0x3f: {  	_ =	shalt  }
0x40: {  	_ =	shalt  }
0x41: {  	_ =	shalt  }
0x42: {  	_ =	shalt  }
0x43: {  	_ =	shalt  }
0x44: {  	_ =	shalt  }
0x45: {  	_ =	shalt  }
0x46: {  	_ =	shalt  }
0x47: {  	_ =	shalt  }
0x48: {  	_ =	shalt  }
0x49: {  	_ =	shalt  }
0x4a: {  	_ =	shalt  }
0x4b: {  	_ =	shalt  }
0x4c: {  	_ =	shalt  }
0x4d: {  	_ =	shalt  }
0x4e: {  	_ =	shalt  }
0x4f: {  	_ =	shalt  }
0x50: {  	_ =	shalt  }
0x51: {  	_ =	shalt  }
0x52: {  	_ =	shalt  }
0x53: {  	_ =	shalt  }
0x54: {  	_ =	shalt  }
0x55: {  	_ =	shalt  }
0x56: {  	_ =	shalt  }
0x57: {  	_ =	shalt  }
0x58: {  	_ =	shalt  }
0x59: {  	_ =	shalt  }
0x5a: {  	_ =	shalt  }
0x5b: {  	_ =	shalt  }
0x5c: {  	_ =	shalt  }
0x5d: {  	_ =	shalt  }
0x5e: {  	_ =	shalt  }
0x5f: {  	_ =	shalt  }
0x60: {  	_ =	shalt  }
0x61: {  	_ =	shalt  }
0x62: {  	_ =	shalt  }
0x63: {  	_ =	shalt  }
0x64: {  	_ =	shalt  }
0x65: {  	_ =	shalt  }
0x66: {  	_ =	shalt  }
0x67: {  	_ =	shalt  }
0x68: {  	_ =	shalt  }
0x69: {  	_ =	shalt  }
0x6a: {  	_ =	shalt  }
0x6b: {  	_ =	shalt  }
0x6c: {  	_ =	shalt  }
0x6d: {  	_ =	shalt  }
0x6e: {  	_ =	shalt  }
0x6f: {  	_ =	shalt  }
0x70: {  	_ =	shalt  }
0x71: {  	_ =	shalt  }
0x72: {  	_ =	shalt  }
0x73: {  	_ =	shalt  }
0x74: {  	_ =	shalt  }
0x75: {  	_ =	shalt  }
0x76: {  	_ =	shalt  }
0x77: {  	_ =	shalt  }
0x78: {  	_ =	shalt  }
0x79: {  	_ =	shalt  }
0x7a: {  	_ =	shalt  }
0x7b: {  	_ =	shalt  }
0x7c: {  	_ =	shalt  }
0x7d: {  	_ =	shalt  }
0x7e: {  	_ =	shalt  }
0x7f: {  	_ =	shalt  }
0x80: {  	_ =	shalt  }
0x81: {  	_ =	shalt  }
0x82: {  	_ =	shalt  }
0x83: {  	_ =	shalt  }
0x84: {  	_ =	shalt  }
0x85: {  	_ =	shalt  }
0x86: {  	_ =	shalt  }
0x87: {  	_ =	shalt  }
.Lfunc_end0:
.L_simem_size_0:
called_computation.6_lowered:
.L_overlay_start_0:
0x88: {  	s2 =	sld [smem:$0x3FD9]  }
0x89: {  	s3 =	sld [smem:$0x3FFE];
	_ =	sdelay $0x1  }
0x8a: {  	s1 =	srdreg.scid  }
0x8b: {  	s0 =	sand.u32 $0x1, s1  }
0x8c: {  	s17 =	sshll.u32 s0, $0xA;
	s2 =	sadd.s32 s3, s2  }
0x8d: {  	s2 =	sadd.s32 s2, s17  }
0x8e: {  	[smem:$0x3FBB] =	sst s2  }
0x8f: {  	_ = 	snop  }
0x90: {  	s18 =	sld [smem:$0x3FC6];
	(tm) =	ssettm $0x1  }
0x91: {  	s19 =	sld [smem:$0x3FFB];
	_ =	sdelay $0x3  }
0x92: {  	_ =	strace s19  }
0x93: {  	s2 =	sld [smem:$0x3FFC];
	_ =	sdelay $0x3  }
0x94: {  	_ =	strace s2  }
0x95: {  	s2 =	sld [smem:$0x3FFD];
	_ =	sdelay $0x3  }
0x96: {  	_ =	strace s2  }
0x97: {  	_ =	strace $0x8FFFFFFF  }
0x98: {  	s20 =	sld [smem:$0x3FDB];
	_ =	sdelay $0x1  }
0x99: {  	s4 =	simm.s32 $_scs_section_size  }
0x9a: {  	s5 =	simm.s32 $_size__tile_overlayer_lowered;
	s6 =	simm.s32 $_tile_overlayer_lowered  }
0x9b: {  	s7 =	simm.s32 $0x1BFF;
	s21 =	sshll.u32 s6, $0x1;
	s4 =	sadd.s32 s4, s20  }
0x9c: {  	s22 =	simm.s32 $0x0;
	s5 =	sshll.u32 s5, $0x1;
	s6 =	sadd.s32 s21, s4  }
0x9d: {  	[timem:s22], [sflag:s7] =	dma.local [hbm:s6], s5  }
0x9e: {  	_ =	swait.ge [sflag:s7], s5  }
0x9f: {  	s5 =	ssub.s32 $0x0, s5;
	[sflag:s7] =	ssyncset.done $0x0  }
0xa0: {  	[sflag:s7] =	ssyncadd.s32 s5;
	_ =	sdelay $0x1  }
0xa1: {  	s23 =	simm.s32 $0x1B8B  }
0xa2: {  	_ =	swait.ge [sflag:s23], $0x1  }
0xa3: {  	[sflag:s23] =	ssyncset.done $0x0  }
0xa4: {  	[sflag:s23] =	ssyncadd.s32 $0xFFFFFFFF  }
0xa5: {  	s5 =	sld [smem:$0x0]  }
0xa6: {  	s6 =	sand.u32 $0xFFFFFFFE, s1  }
0xa7: {  	p0 =	sne.s32 s1, s6  }
0xa8: {  	s6 =	sshll.u32 @p0 s6, $0xE  }
0xa9: {  	s6 =	sadd.s32 @p0 $0x11B8D, s6;
	s7 =	sshll.u32 @p0 s5, $0x11  }
0xaa: {  	s6 =	sor.u32 @p0 s7, s6  }
0xab: {  	[sflag:s6] =	ssyncadd.remote.s32 @p0 $0x1;
	_ =	sdelay $0x1  }
0xac: {  	s6 =	simm.s32 @p0 $0x1B8D  }
0xad: {  	_ =	swait.eq @p0 [sflag:s6], $0x1  }
0xae: {  	[sflag:s6] =	ssyncadd.s32 @p0 $0xFFFFFFFF  }
0xaf: {  	s7 =	sshll.u32 @!p0 s1, $0xE  }
0xb0: {  	s7 =	sor.u32 @!p0 $0x4000, s7;
	s6 =	simm.s32 @!p0 $0x1B8D  }
0xb1: {  	s5 =	sshll.u32 @!p0 s5, $0x11;
	s7 =	sadd.s32 @!p0 $0x11B8D, s7;
	_ =	swait.eq @!p0 [sflag:s6], $0x1  }
0xb2: {  	s5 =	sor.u32 @!p0 s5, s7;
	[sflag:s6] =	ssyncadd.s32 @!p0 $0xFFFFFFFF  }
0xb3: {  	s25 =	simm.s32 $0x1B8E;
	s24 =	sld [smem:$0x3FFE];
	[sflag:s5] =	ssyncadd.remote.s32 @!p0 $0x1  }
0xb4: {  	s26 =	simm.s32 $execute0_lowered;
	[smem:$0x3FD2] =	sst s25  }
0xb5: {  	s6 =	sshll.u32 s26, $0x1;
	_ =	strace $0x80000058;
	[dreg:$0x1] =	wrdreg $0xFFFFFFFF  }
0xb6: {  	s28 =	simm.s32 $_size_execute0_lowered;
	s4 =	sadd.s32 s4, s6;
	[dreg:$0x0] =	wrdreg $0x0  }
0xb7: {  	s6 =	sshll.u32 s28, $0x1;
	[dreg:$0x2] =	wrdreg s4  }
0xb8: {  	[dreg:$0x3] =	wrdreg s6  }
0xb9: {  	[dreg:$0x4] =	wrdreg $0xC0  }
0xba: {  	_ =	task [dreg:s22], $0x5FFFF  }
0xbb: {  	[dreg:$0x1] =	wrdreg $0xFFFFFFFF  }
0xbc: {  	[dreg:$0x0] =	wrdreg $0x60  }
0xbd: {  	[dreg:$0x2] =	wrdreg s24  }
0xbe: {  	[dreg:$0x3] =	wrdreg s18  }
0xbf: {  	[dreg:$0x4] =	wrdreg $0xE0800  }
0xc0: {  	[dreg:$0x5] =	wrdreg $0xA  }
0xc1: {  	_ =	task.clear_ibuf [dreg:s22], $0x6FFFF;
	_ =	strace $0x90000058  }
0xc2: {  	s29 =	simm.s32 $0xA;
	_ =	strace $0x8000005A  }
0xc3: {  	_ =	swait.ge [sflag:s29], $0x1  }
0xc4: {  	[sflag:s29] =	ssyncadd.s32 $0xFFFFFFFF  }
0xc5: {  	_ =	strace $0x9000005A  }
0xc6: {  	_ =	sfence  }
0xc7: {  	s30 =	sld [smem:$0x0];
	_ =	sdelay $0x2  }
0xc8: {  	s31 =	sshll.u32 s1, $0xD;
	s1 =	sshrl.u32 s1, $0x2  }
0xc9: {  	s4 =	sand.u32 $0x4000, s31;
	s1 =	sadd.s32 s1, s30  }
0xca: {  	s0 =	sor.u32 s4, s0;
	s1 =	sshll.u32 s1, $0x11  }
0xcb: {  	s0 =	sor.u32 s1, s0  }
0xcc: {  	s0 =	sadd.s32 $0x8F2B, s0  }
0xcd: {  	[sflag:s0] =	ssyncadd.remote.s32 $0x1  }
0xce: {  	_ =	sfence.sel $0xFFFF  }
0xcf: {  	[dreg:$0x0] =	wrdreg $0xFFFFFFFF;
	(pc) =	sbr.abs _section_cstart, $3  }
0xd0: {  	[dreg:$0x1] =	wrdreg $0xFFFFFFFF  }
0xd1: {  	_ =	task.clear_ibuf [dreg:s22], $0x2FFFF;
	_ =	strace $0x9FFFFFFF  }
0xd2: {  	(tm) =	ssettm $0x7FFFFFFF  }
0xd3: {  	_ =	shalt  }
tec
execute0_lowered:
.L_overlay_start_1:
0x0: {  	(tag) =	ssettag $0x1  }
0x1: {  	s4 =	rddreg [dreg:$0x0]  }
0x2: {  	s6 =	rddreg [dreg:$0x1];
	s0 =	stileid.u32  }
0x3: {  	s1 =	srdreg.scid;
	s2 =	rddreg [dreg:$0x2];
	s3 =	simm.s32 $0x0  }
0x4: {  	s9 =	sand.u32 $0x1, s1;
	s5 =	smul.u32 $0x1400, s0;
	s1 =	rddreg [dreg:$0x3]  }
0x5: {  	[smem:$0x7FF] =	sst s3;
	s8 =	sshll.u32 s0, $0xC;
	s28 =	smul.u32 $0x28000, s0  }
0x6: {  	s11 =	sshll.u32 s0, $0x5;
	s31 =	sshll.u32 s0, $0x1;
	s7 =	smul.u32 $0x14000, s9  }
0x7: {  	_ =	strace $0x80000059;
	s8 =	sadd.s32 s8, s4;
	s26 =	ssub.s32 $0x2, s9  }
0x8: {  	s12 =	sshll.u32 s9, $0x4;
	s13 =	sshll.u32 s9, $0xB;
	s9 =	sor.u32 s9, s31  }
0x9: {  	s10 =	sshrl.u32 s26, $0x1;
	s29 =	sshrl.u32 s28, $0x2;
	s30 =	sor.u32 s12, s11  }
0xa: {  	s8 =	sadd.s32 s13, s8;
	s11 =	simm.s32 $0x1;
	s5 =	sadd.s32 s5, s7  }
0xb: {  	s10 =	ssub.s32 s26, s10;
	s12 =	sand.u32 $0x180, s30;
	s7 =	sand.u32 $0x70, s30  }
0xc: {  	s8 =	sadd.s32 $0x787E00, s8;
	s5 =	sadd.s32 s5, s4;
	s4 =	sadd.s32 s29, s2  }
0xd: {  	s12 =	sadd.s32 s12, s6;
	s6 =	smax.u32 s10, $0x1;
	s10 =	simm.s32 $0x4080  }
0xe: {  	v0 =	vimm.f32 $0.0e+00;
	s5 =	sadd.s32 $0x2D600, s5;
	s7 =	sadd.s32 s7, s12;
	s12 =	simm.s32 $0x0  }
.LBB2_1:
0xf: {  	s13 =	simm.s32 $0x0;
	s14 =	simm.s32 $0x200  }
.LBB2_2:
0x10: {  	p0 =	sne.s32 s14, $0x27E00;
	[tilespmem:s13+$0x40F0] =	vst v0  }
0x11: {  	[tilespmem:s13+$0x4080] =	vst v0  }
0x12: {  	[tilespmem:s13+$0x4090] =	vst v0  }
.Ltmp0:
0x13: {  	[tilespmem:s13+$0x40A0] =	vst v0;
	(pc) =	sbr.rel @p0 .LBB2_2-.Ltmp0, $4  }
0x14: {  	[tilespmem:s13+$0x40B0] =	vst v0  }
0x15: {  	[tilespmem:s13+$0x40C0] =	vst v0  }
0x16: {  	[tilespmem:s13+$0x40D0] =	vst v0  }
0x17: {  	[tilespmem:s13+$0x40E0] =	vst v0;
	s13 =	sshra.s32 s14, $0x2;
	s14 =	sadd.s32 $0x200, s14  }
0x18: {  	[tilespmem:s13+$0x40F0] =	vst v0  }
0x19: {  	[tilespmem:s13+$0x4080] =	vst v0  }
0x1a: {  	[tilespmem:s13+$0x4090] =	vst v0  }
0x1b: {  	[tilespmem:s13+$0x40A0] =	vst v0  }
0x1c: {  	[tilespmem:s13+$0x40B0] =	vst v0  }
0x1d: {  	[tilespmem:s13+$0x40C0] =	vst v0  }
0x1e: {  	[tilespmem:s13+$0x40D0] =	vst v0  }
0x1f: {  	[tilespmem:s13+$0x40E0] =	vst v0  }
0x20: {  	[spmem:s4] =	stream.linear.scatter [tilespmem:s10], [sflag:$0x1], $0xA000, $0x38;
	[tilespmem:$0x18080] =	vst v63  }
0x21: {  	_ =	swait.ge [sflag:s11], $0xA000  }
0x22: {  	s30 =	sadd.s32 $0x0, s9;
	[sflag:s11] =	ssyncset.done $0x0  }
0x23: {  	p0 =	sgt.u32 s30, $0x4E1;
	[sflag:s11] =	ssyncadd.s32 $0xFFFF6000  }
0x24: {  	s13 =	simm.s32 @!p0 $0x0;
	s15 =	simm.s32 @!p0 $0x2;
	[bflag:$0x0] =	sbarrier.arrive $0xFFFF  }
0x25: {  	[tilespmem:s13], [sflag:$0x2] =	stream.linear.gather @!p0 [hbm4b:s7+s13], $0x80, $0x38;
	[tilespmem:$0x18080] =	vst v63  }
0x26: {  	_ =	swait.ge @!p0 [sflag:s15], $0x80  }
0x27: {  	[sflag:s15] =	ssyncset.done @!p0 $0x0;
	p0 =	por p0, p0  }
0x28: {  	[sflag:s15] =	ssyncadd.s32 @!p0 $0xFFFFFF80;
	s17 =	simm.s32 @!p0 $0x80  }
0x29: {  	[tilespmem:s17], [sflag:$0x2] =	stream.linear.gather @!p0 [hbm4b:s8+s13], $0x4000, $0x38;
	[tilespmem:$0x18080] =	vst v63  }
0x2a: {  	_ =	swait.ge @!p0 [sflag:s15], $0x4000  }
0x2b: {  	[sflag:s15] =	ssyncset.done @!p0 $0x0  }
0x2c: {  	s31 =	sadd.s32 $0x20, s9;
	s16 =	simm.s32 @!p0 $0x1;
	[sflag:s15] =	ssyncadd.s32 @!p0 $0xFFFFC000  }
0x2d: {  	[spmem:s2] =	stream.indirect.scatter.add.f32 @!p0 [tilespmem:s17], [sflag:$0x1], $0x80, s13, s17, $0xb8;
	[tilespmem:$0x18080] =	vst v63  }
0x2e: {  	s14 =	simm.s32 $0x40;
	p1 =	sgt.u32 s31, $0x4E1;
	_ =	swait.ge @!p0 [sflag:s16], $0x4000  }
0x2f: {  	s15 =	sadd.s32 $0x200, s7;
	s13 =	sadd.s32 $0x10000, s8;
	[sflag:s16] =	ssyncset.done @!p0 $0x0  }
.LBB2_4:
0x30: {  	s17 =	simm.s32 @!p1 $0x0;
	s18 =	simm.s32 @!p1 $0x2;
	[sflag:s16] =	ssyncadd.s32 @!p0 $0xFFFFC000  }
0x31: {  	[tilespmem:s17], [sflag:$0x2] =	stream.linear.gather @!p1 [hbm4b:s15+s17], $0x80, $0x38;
	[tilespmem:$0x18080] =	vst v63  }
0x32: {  	s19 =	smov.u32 s14;
	s14 =	sadd.s32 $0x20, s14;
	_ =	swait.ge @!p1 [sflag:s18], $0x80  }
0x33: {  	p0 =	por p1, p1;
	p2 =	sne.s32 s14, $0x500;
	[sflag:s18] =	ssyncset.done @!p1 $0x0  }
0x34: {  	s20 =	simm.s32 @!p0 $0x80;
	[sflag:s18] =	ssyncadd.s32 @!p0 $0xFFFFFF80  }
0x35: {  	[tilespmem:s20], [sflag:$0x2] =	stream.linear.gather @!p0 [hbm4b:s13+s17], $0x4000, $0x38;
	[tilespmem:$0x18080] =	vst v63  }
0x36: {  	_ =	swait.ge @!p0 [sflag:s18], $0x4000  }
.Ltmp1:
0x37: {  	[sflag:s18] =	ssyncset.done @!p0 $0x0;
	(pc) =	sbr.rel @p2 .LBB2_4-.Ltmp1, $4  }
0x38: {  	s16 =	simm.s32 @!p0 $0x1;
	[sflag:s18] =	ssyncadd.s32 @!p0 $0xFFFFC000  }
0x39: {  	[spmem:s2] =	stream.indirect.scatter.add.f32 @!p0 [tilespmem:s20], [sflag:$0x1], $0x80, s17, s20, $0xb8;
	[tilespmem:$0x18080] =	vst v63  }
0x3a: {  	s13 =	sadd.s32 $0x10000, s13;
	s17 =	sadd.s32 s19, s9;
	_ =	swait.ge @!p0 [sflag:s16], $0x4000  }
0x3b: {  	s15 =	sadd.s32 $0x200, s15;
	p1 =	sgt.u32 s17, $0x4E1;
	[sflag:s16] =	ssyncset.done @!p0 $0x0  }
0x3c: {  	s14 =	simm.s32 @!p1 $0x0;
	s17 =	simm.s32 @!p1 $0x2;
	[sflag:s16] =	ssyncadd.s32 @!p0 $0xFFFFC000  }
0x3d: {  	[tilespmem:s14], [sflag:$0x2] =	stream.linear.gather @!p1 [hbm4b:s15+s14], $0x80, $0x38;
	[tilespmem:$0x18080] =	vst v63  }
0x3e: {  	_ =	swait.ge @!p1 [sflag:s17], $0x80  }
0x3f: {  	p0 =	por p1, p1;
	[sflag:s17] =	ssyncset.done @!p1 $0x0  }
0x40: {  	s15 =	simm.s32 @!p0 $0x80;
	[sflag:s17] =	ssyncadd.s32 @!p0 $0xFFFFFF80  }
0x41: {  	[tilespmem:s15], [sflag:$0x2] =	stream.linear.gather @!p0 [hbm4b:s13+s14], $0x4000, $0x38;
	[tilespmem:$0x18080] =	vst v63  }
0x42: {  	_ =	swait.ge @!p0 [sflag:s17], $0x4000  }
0x43: {  	[sflag:s17] =	ssyncset.done @!p0 $0x0  }
0x44: {  	s13 =	simm.s32 @!p0 $0x1;
	[sflag:s17] =	ssyncadd.s32 @!p0 $0xFFFFC000  }
0x45: {  	[spmem:s2] =	stream.indirect.scatter.add.f32 @!p0 [tilespmem:s15], [sflag:$0x1], $0x80, s14, s15, $0xb8;
	[tilespmem:$0x18080] =	vst v63  }
0x46: {  	_ =	swait.ge @!p0 [sflag:s13], $0x4000  }
0x47: {  	[sflag:s13] =	ssyncset.done @!p0 $0x0  }
0x48: {  	[sflag:s13] =	ssyncadd.s32 @!p0 $0xFFFFC000  }
0x49: {  	[bflag:$0x0] =	sbarrier.arrive $0xFFFF  }
0x4a: {  	[tilespmem:s10], [sflag:$0x1] =	stream.linear.gather [spmem:s4], $0xA000, $0x38;
	[tilespmem:$0x18080] =	vst v63  }
0x4b: {  	s12 =	sadd.s32 $0x1, s12;
	_ =	swait.ge [sflag:s11], $0xA000  }
0x4c: {  	p0 =	sne.s32 s12, s6;
	[sflag:s11] =	ssyncset.done $0x0  }
.Ltmp2:
0x4d: {  	[sflag:s11] =	ssyncadd.s32 $0xFFFF6000;
	(pc) =	sbr.rel @p0 .LBB2_1-.Ltmp2, $4  }
0x4e: {  	[hbm4b:s5+s3] =	stream.linear.scatter [tilespmem:s10], [sflag:$0x1], $0xA000, $0x38;
	[tilespmem:$0x18080] =	vst v63  }
0x4f: {  	_ =	swait.ge [sflag:s11], $0xA000  }
0x50: {  	[sflag:s11] =	ssyncset.done $0x0  }
0x51: {  	[sflag:s11] =	ssyncadd.s32 $0xFFFF6000  }
0x52: {  	_ =	sfence.sel $0x180000  }
0x53: {  	[bflag:$0x0] =	sbarrier.arrive $0xFFFF  }
0x54: {  	p0 =	sne.s32 s0, $0x0;
	_ =	strace $0x90000059  }
0x55: {  	s0 =	sadd.s32 @!p0 $0x100000, s1;
	[bflag:$0x2] =	sbarrier.arrive $0xFFFF  }
0x56: {  	[sflag:s0] =	ssyncadd.tile.s32 @!p0 $0x1;
	_ =	shalt  }
.Lfunc_end2:
_tile_overlayer_lowered:
.L_overlay_start_2:
0x57: {  	(tag) =	ssettag $0x2  }
0x58: {  	s0 =	rddreg [dreg:$0x0];
	s2 =	stileid.u32  }
0x59: {  	s1 =	rddreg [dreg:$0x1];
	p0 =	sne.s32 s2, $0x0  }
0x5a: {  	s3 =	rddreg [dreg:$0x2];
	[bflag:$0x3] =	sbarrier.arrive $0xFFFF;
	s2 =	simm.s32 @!p0 $0x1C01  }
0x5b: {  	[timem:s3], [sflag:s2] =	dma.local @!p0 [hbm:s0], s1  }
0x5c: {  	s0 =	simm.s32 @!p0 $0x1  }
0x5d: {  	_ =	swait.ge @!p0 [sflag:s0], s1  }
0x5e: {  	s1 =	ssub.s32 @!p0 $0x0, s1;
	[sflag:s0] =	ssyncset.done @!p0 $0x0  }
0x5f: {  	[sflag:s0] =	ssyncadd.s32 @!p0 s1  }
0x60: {  	[bflag:$0x3] =	sbarrier.arrive $0xFFFF  }
0x61: {  	_ =	shalt  }

// kernel: kernel.38.cloned.1.call-start
scs
__scs_entry_jumppad:
0x0: {  	(pc) =	sbr.rel $0x88, $3  }
0x1: {  	(tag) =	ssettag $0x0;
	lr =	simm.s32 $0x1  }
0x2: {  	[smem:$0x3F94] =	sst lr;
	_ =	strace $0xD0000000  }
0x3: {  	_ = 	snop  }
0x4: {  	_ = 	snop  }
0x5: {  	_ = 	snop  }
0x6: {  	_ = 	snop  }
0x7: {  	_ = 	snop  }
__scs_overlays_trampoline_lowered:
0x8: {  	[smem:$0x3FA3] =	sst s0  }
0x9: {  	[smem:$0x3FA4] =	sst s1  }
0xa: {  	[smem:$0x3FA5] =	sst s2  }
0xb: {  	[smem:$0x3FA6] =	sst s3  }
0xc: {  	[smem:$0x3FA7] =	sst s4  }
0xd: {  	[smem:$0x3FA8] =	sst s5  }
0xe: {  	[smem:$0x3FA9] =	sst s6  }
0xf: {  	[smem:$0x3FAA] =	sst s7  }
0x10: {  	[smem:$0x3FAB] =	sst s8  }
0x11: {  	[smem:$0x3FAC] =	sst s9;
	s0 =	simm.s32 @!p0 $0x0  }
0x12: {  	s1 =	sld [smem:$0x3F92];
	s0 =	simm.s32 @p0 $0x1  }
0x13: {  	[smem:$0x3FAD] =	sst s0;
	s0 =	simm.s32 @!p1 $0x0  }
0x14: {  	s2 =	sld [smem:$0x3F91];
	s0 =	simm.s32 @p1 $0x1  }
0x15: {  	[smem:$0x3FAE] =	sst s0;
	s0 =	simm.s32 @!p2 $0x0  }
0x16: {  	s3 =	sld [smem:$0x3FDB];
	s0 =	simm.s32 @p2 $0x1  }
0x17: {  	s4 =	simm.s32 $0x1BF5;
	[smem:$0x3FB0] =	sst s0  }
0x18: {  	s0 =	sld [smem:$0x3F93];
	_ =	swait.ge [sflag:s4], $0x0  }
0x19: {  	s7 =	sld [smem:$0x3F94]  }
0x1a: {  	s8 =	sadd.s32 $0xFFFFE003, lr  }
0x1b: {  	s9 =	sadd.s32 $0xFFFFFEF7, lr;
	s5 =	simm.s32 $0xFFFFFFFF;
	p2 =	slt.u32 s8, $0xFFFFF086  }
0x1c: {  	p1 =	slt.u32 s9, $0xF7A;
	s5 =	simm.s32 @!p2 $0x0  }
0x1d: {  	s5 =	simm.s32 @p1 $0x1;
	p0 =	seq.s32 s7, s2  }
0x1e: {  	s7 =	smul.u32 @!p0 $0xF7A, s2;
	p2 =	seq.s32 @!p0 s5, $0x0  }
0x1f: {  	s9 =	smul.u32 $0xF7A, s1;
	s8 =	simm.s32 @!p0 $0x1BF5;
	p2 =	por !p2, p0  }
0x20: {  	[sflag:s8] =	ssyncset.s32 @!p0 $0xFFFFF086;
	s6 =	sadd.s32 @!p0 s3, s7;
	s7 =	simm.s32 @!p0 $0x108  }
0x21: {  	s3 =	sadd.s32 s3, s9;
	s6 =	sadd.s32 @!p0 $0x88, s6;
	s7 =	simm.s32 @p2 $0x1082  }
0x22: {  	[simem:s7], [sflag:s8] =	dma.local @!p0 [hbm:s6], $0xF7A  }
0x23: {  	s9 =	sor.u32 $0xD0000000, s2;
	s6 =	simm.s32 $0x108;
	_ =	swait.ge @!p0 [sflag:s8], $0x0  }
0x24: {  	s3 =	sadd.s32 $0x88, s3;
	s6 =	simm.s32 @!p1 $0x1082;
	[sflag:s4] =	ssyncset.s32 $0xFFFFF086  }
0x25: {  	[simem:s6], [sflag:s4] =	dma.local [hbm:s3], $0xF7A  }
0x26: {  	[smem:$0x3F94] =	sst s1;
	(tag) =	ssettag s2;
	_ =	strace s9  }
0x27: {  	s1 =	sld [smem:$0x3FA4]  }
0x28: {  	s2 =	sld [smem:$0x3FA5]  }
0x29: {  	s4 =	sld [smem:$0x3FA7]  }
0x2a: {  	p0 =	seq.s32 s5, $0x0;
	s5 =	sld [smem:$0x3FA8]  }
0x2b: {  	s6 =	sld [smem:$0x3FA9]  }
0x2c: {  	s7 =	sld [smem:$0x3FAA]  }
0x2d: {  	s3 =	simm.s32 $0x108;
	s8 =	sld [smem:$0x3FAB]  }
0x2e: {  	s3 =	simm.s32 @!p0 $0x1082;
	s9 =	sld [smem:$0x3FAC]  }
0x2f: {  	lr =	sadd.s32 s0, s3;
	s0 =	sld [smem:$0x3FA3]  }
0x30: {  	s3 =	sld [smem:$0x3FA6]  }
0x31: {  	[smem:$0x3FAF] =	sst s10  }
0x32: {  	s10 =	sld [smem:$0x3FAD];
	_ =	sdelay $0x3  }
0x33: {  	p0 =	seq.s32 s10, $0x1;
	s10 =	sld [smem:$0x3FAF];
	_ =	sdelay $0x3  }
0x34: {  	[smem:$0x3FAF] =	sst s10  }
0x35: {  	s10 =	sld [smem:$0x3FAE];
	_ =	sdelay $0x3  }
0x36: {  	p1 =	seq.s32 s10, $0x1;
	s10 =	sld [smem:$0x3FAF];
	_ =	sdelay $0x3  }
0x37: {  	[smem:$0x3FAF] =	sst s10  }
0x38: {  	s10 =	sld [smem:$0x3FB0]  }
0x39: {  	_ = 	snop;
	(pc) =	sbr.ind lr, $3  }
0x3a: {  	_ = 	snop  }
0x3b: {  	_ = 	snop  }
0x3c: {  	p2 =	seq.s32 s10, $0x1;
	s10 =	sld [smem:$0x3FAF]  }
0x3d: {  	_ =	shalt  }
0x3e: {  	_ =	shalt  }
0x3f: {  	_ =	shalt  }
0x40: {  	_ =	shalt  }
0x41: {  	_ =	shalt  }
0x42: {  	_ =	shalt  }
0x43: {  	_ =	shalt  }
0x44: {  	_ =	shalt  }
0x45: {  	_ =	shalt  }
0x46: {  	_ =	shalt  }
0x47: {  	_ =	shalt  }
0x48: {  	_ =	shalt  }
0x49: {  	_ =	shalt  }
0x4a: {  	_ =	shalt  }
0x4b: {  	_ =	shalt  }
0x4c: {  	_ =	shalt  }
0x4d: {  	_ =	shalt  }
0x4e: {  	_ =	shalt  }
0x4f: {  	_ =	shalt  }
0x50: {  	_ =	shalt  }
0x51: {  	_ =	shalt  }
0x52: {  	_ =	shalt  }
0x53: {  	_ =	shalt  }
0x54: {  	_ =	shalt  }
0x55: {  	_ =	shalt  }
0x56: {  	_ =	shalt  }
0x57: {  	_ =	shalt  }
0x58: {  	_ =	shalt  }
0x59: {  	_ =	shalt  }
0x5a: {  	_ =	shalt  }
0x5b: {  	_ =	shalt  }
0x5c: {  	_ =	shalt  }
0x5d: {  	_ =	shalt  }
0x5e: {  	_ =	shalt  }
0x5f: {  	_ =	shalt  }
0x60: {  	_ =	shalt  }
0x61: {  	_ =	shalt  }
0x62: {  	_ =	shalt  }
0x63: {  	_ =	shalt  }
0x64: {  	_ =	shalt  }
0x65: {  	_ =	shalt  }
0x66: {  	_ =	shalt  }
0x67: {  	_ =	shalt  }
0x68: {  	_ =	shalt  }
0x69: {  	_ =	shalt  }
0x6a: {  	_ =	shalt  }
0x6b: {  	_ =	shalt  }
0x6c: {  	_ =	shalt  }
0x6d: {  	_ =	shalt  }
0x6e: {  	_ =	shalt  }
0x6f: {  	_ =	shalt  }
0x70: {  	_ =	shalt  }
0x71: {  	_ =	shalt  }
0x72: {  	_ =	shalt  }
0x73: {  	_ =	shalt  }
0x74: {  	_ =	shalt  }
0x75: {  	_ =	shalt  }
0x76: {  	_ =	shalt  }
0x77: {  	_ =	shalt  }
0x78: {  	_ =	shalt  }
0x79: {  	_ =	shalt  }
0x7a: {  	_ =	shalt  }
0x7b: {  	_ =	shalt  }
0x7c: {  	_ =	shalt  }
0x7d: {  	_ =	shalt  }
0x7e: {  	_ =	shalt  }
0x7f: {  	_ =	shalt  }
0x80: {  	_ =	shalt  }
0x81: {  	_ =	shalt  }
0x82: {  	_ =	shalt  }
0x83: {  	_ =	shalt  }
0x84: {  	_ =	shalt  }
0x85: {  	_ =	shalt  }
0x86: {  	_ =	shalt  }
0x87: {  	_ =	shalt  }
.Lfunc_end0:
.L_simem_size_0:
called_computation.7_lowered:
.L_overlay_start_0:
0x88: {  	s2 =	sld [smem:$0x3FD9]  }
0x89: {  	s3 =	sld [smem:$0x3FFE];
	_ =	sdelay $0x1  }
0x8a: {  	s1 =	srdreg.scid  }
0x8b: {  	s0 =	sand.u32 $0x1, s1  }
0x8c: {  	s17 =	sshll.u32 s0, $0xA;
	s2 =	sadd.s32 s3, s2  }
0x8d: {  	s2 =	sadd.s32 s2, s17  }
0x8e: {  	[smem:$0x3FBB] =	sst s2  }
0x8f: {  	_ = 	snop  }
0x90: {  	s18 =	sld [smem:$0x3FC7];
	(tm) =	ssettm $0x1  }
0x91: {  	s19 =	sld [smem:$0x3FFB];
	_ =	sdelay $0x3  }
0x92: {  	_ =	strace s19  }
0x93: {  	s2 =	sld [smem:$0x3FFC];
	_ =	sdelay $0x3  }
0x94: {  	_ =	strace s2  }
0x95: {  	s2 =	sld [smem:$0x3FFD];
	_ =	sdelay $0x3  }
0x96: {  	_ =	strace s2  }
0x97: {  	_ =	strace $0x8FFFFFFF  }
0x98: {  	s20 =	sld [smem:$0x3FDB];
	_ =	sdelay $0x1  }
0x99: {  	s4 =	simm.s32 $_scs_section_size  }
0x9a: {  	s5 =	simm.s32 $_size__tile_overlayer_lowered;
	s6 =	simm.s32 $_tile_overlayer_lowered  }
0x9b: {  	s7 =	simm.s32 $0x1BFF;
	s21 =	sshll.u32 s6, $0x1;
	s4 =	sadd.s32 s4, s20  }
0x9c: {  	s22 =	simm.s32 $0x0;
	s5 =	sshll.u32 s5, $0x1;
	s6 =	sadd.s32 s21, s4  }
0x9d: {  	[timem:s22], [sflag:s7] =	dma.local [hbm:s6], s5  }
0x9e: {  	_ =	swait.ge [sflag:s7], s5  }
0x9f: {  	s5 =	ssub.s32 $0x0, s5;
	[sflag:s7] =	ssyncset.done $0x0  }
0xa0: {  	[sflag:s7] =	ssyncadd.s32 s5;
	_ =	sdelay $0x1  }
0xa1: {  	s23 =	simm.s32 $0x1B8B  }
0xa2: {  	_ =	swait.ge [sflag:s23], $0x1  }
0xa3: {  	[sflag:s23] =	ssyncset.done $0x0  }
0xa4: {  	[sflag:s23] =	ssyncadd.s32 $0xFFFFFFFF  }
0xa5: {  	s5 =	sld [smem:$0x0]  }
0xa6: {  	s6 =	sand.u32 $0xFFFFFFFE, s1  }
0xa7: {  	p0 =	sne.s32 s1, s6  }
0xa8: {  	s6 =	sshll.u32 @p0 s6, $0xE  }
0xa9: {  	s6 =	sadd.s32 @p0 $0x11B8D, s6;
	s7 =	sshll.u32 @p0 s5, $0x11  }
0xaa: {  	s6 =	sor.u32 @p0 s7, s6  }
0xab: {  	[sflag:s6] =	ssyncadd.remote.s32 @p0 $0x1;
	_ =	sdelay $0x1  }
0xac: {  	s6 =	simm.s32 @p0 $0x1B8D  }
0xad: {  	_ =	swait.eq @p0 [sflag:s6], $0x1  }
0xae: {  	[sflag:s6] =	ssyncadd.s32 @p0 $0xFFFFFFFF  }
0xaf: {  	s7 =	sshll.u32 @!p0 s1, $0xE  }
0xb0: {  	s7 =	sor.u32 @!p0 $0x4000, s7;
	s6 =	simm.s32 @!p0 $0x1B8D  }
0xb1: {  	s5 =	sshll.u32 @!p0 s5, $0x11;
	s7 =	sadd.s32 @!p0 $0x11B8D, s7;
	_ =	swait.eq @!p0 [sflag:s6], $0x1  }
0xb2: {  	s5 =	sor.u32 @!p0 s5, s7;
	[sflag:s6] =	ssyncadd.s32 @!p0 $0xFFFFFFFF  }
0xb3: {  	s25 =	simm.s32 $0x1B8E;
	s24 =	sld [smem:$0x3FFE];
	[sflag:s5] =	ssyncadd.remote.s32 @!p0 $0x1  }
0xb4: {  	s26 =	simm.s32 $execute0_lowered;
	[smem:$0x3FD2] =	sst s25  }
0xb5: {  	s6 =	sshll.u32 s26, $0x1;
	_ =	strace $0x8000005B;
	[dreg:$0x1] =	wrdreg $0xFFFFFFFF  }
0xb6: {  	s28 =	simm.s32 $_size_execute0_lowered;
	s4 =	sadd.s32 s4, s6;
	[dreg:$0x0] =	wrdreg $0x0  }
0xb7: {  	s6 =	sshll.u32 s28, $0x1;
	[dreg:$0x2] =	wrdreg s4  }
0xb8: {  	[dreg:$0x3] =	wrdreg s6  }
0xb9: {  	[dreg:$0x4] =	wrdreg $0xC0  }
0xba: {  	_ =	task [dreg:s22], $0x5FFFF  }
0xbb: {  	[dreg:$0x1] =	wrdreg $0xFFFFFFFF  }
0xbc: {  	[dreg:$0x0] =	wrdreg $0x60  }
0xbd: {  	[dreg:$0x2] =	wrdreg s24  }
0xbe: {  	[dreg:$0x3] =	wrdreg s18  }
0xbf: {  	[dreg:$0x4] =	wrdreg $0xE0800  }
0xc0: {  	[dreg:$0x5] =	wrdreg $0x9  }
0xc1: {  	_ =	task.clear_ibuf [dreg:s22], $0x6FFFF;
	_ =	strace $0x9000005B  }
0xc2: {  	s29 =	simm.s32 $0x9;
	_ =	strace $0x8000005D  }
0xc3: {  	_ =	swait.ge [sflag:s29], $0x1  }
0xc4: {  	[sflag:s29] =	ssyncadd.s32 $0xFFFFFFFF  }
0xc5: {  	_ =	strace $0x9000005D  }
0xc6: {  	_ =	sfence  }
0xc7: {  	s30 =	sld [smem:$0x0];
	_ =	sdelay $0x2  }
0xc8: {  	s31 =	sshll.u32 s1, $0xD;
	s1 =	sshrl.u32 s1, $0x2  }
0xc9: {  	s4 =	sand.u32 $0x4000, s31;
	s1 =	sadd.s32 s1, s30  }
0xca: {  	s0 =	sor.u32 s4, s0;
	s1 =	sshll.u32 s1, $0x11  }
0xcb: {  	s0 =	sor.u32 s1, s0  }
0xcc: {  	s0 =	sadd.s32 $0x8F2B, s0  }
0xcd: {  	[sflag:s0] =	ssyncadd.remote.s32 $0x1  }
0xce: {  	_ =	sfence.sel $0xFFFF  }
0xcf: {  	[dreg:$0x0] =	wrdreg $0xFFFFFFFF;
	(pc) =	sbr.abs _section_cstart, $3  }
0xd0: {  	[dreg:$0x1] =	wrdreg $0xFFFFFFFF  }
0xd1: {  	_ =	task.clear_ibuf [dreg:s22], $0x2FFFF;
	_ =	strace $0x9FFFFFFF  }
0xd2: {  	(tm) =	ssettm $0x7FFFFFFF  }
0xd3: {  	_ =	shalt  }
tec
execute0_lowered:
.L_overlay_start_1:
0x0: {  	(tag) =	ssettag $0x1  }
0x1: {  	s4 =	rddreg [dreg:$0x0]  }
0x2: {  	s6 =	rddreg [dreg:$0x1];
	s0 =	stileid.u32  }
0x3: {  	s1 =	srdreg.scid;
	s2 =	rddreg [dreg:$0x2];
	s3 =	simm.s32 $0x0  }
0x4: {  	s9 =	sand.u32 $0x1, s1;
	s5 =	smul.u32 $0x1400, s0;
	s1 =	rddreg [dreg:$0x3]  }
0x5: {  	[smem:$0x7FF] =	sst s3;
	s8 =	sshll.u32 s0, $0xC;
	s28 =	smul.u32 $0x28000, s0  }
0x6: {  	s11 =	sshll.u32 s0, $0x5;
	s31 =	sshll.u32 s0, $0x1;
	s7 =	smul.u32 $0x14000, s9  }
0x7: {  	_ =	strace $0x8000005C;
	s8 =	sadd.s32 s8, s4;
	s26 =	ssub.s32 $0x2, s9  }
0x8: {  	s12 =	sshll.u32 s9, $0x4;
	s13 =	sshll.u32 s9, $0xB;
	s9 =	sor.u32 s9, s31  }
0x9: {  	s10 =	sshrl.u32 s26, $0x1;
	s29 =	sshrl.u32 s28, $0x2;
	s30 =	sor.u32 s12, s11  }
0xa: {  	s8 =	sadd.s32 s13, s8;
	s11 =	simm.s32 $0x1;
	s5 =	sadd.s32 s5, s7  }
0xb: {  	s10 =	ssub.s32 s26, s10;
	s12 =	sand.u32 $0x180, s30;
	s7 =	sand.u32 $0x70, s30  }
0xc: {  	s8 =	sadd.s32 $0x9F8E00, s8;
	s5 =	sadd.s32 s5, s4;
	s4 =	sadd.s32 s29, s2  }
0xd: {  	s12 =	sadd.s32 s12, s6;
	s6 =	smax.u32 s10, $0x1;
	s10 =	simm.s32 $0x4080  }
0xe: {  	v0 =	vimm.f32 $0.0e+00;
	s5 =	sadd.s32 $0x55600, s5;
	s7 =	sadd.s32 s7, s12;
	s12 =	simm.s32 $0x0  }
.LBB2_1:
0xf: {  	s13 =	simm.s32 $0x0;
	s14 =	simm.s32 $0x200  }
.LBB2_2:
0x10: {  	p0 =	sne.s32 s14, $0x27E00;
	[tilespmem:s13+$0x40F0] =	vst v0  }
0x11: {  	[tilespmem:s13+$0x4080] =	vst v0  }
0x12: {  	[tilespmem:s13+$0x4090] =	vst v0  }
.Ltmp0:
0x13: {  	[tilespmem:s13+$0x40A0] =	vst v0;
	(pc) =	sbr.rel @p0 .LBB2_2-.Ltmp0, $4  }
0x14: {  	[tilespmem:s13+$0x40B0] =	vst v0  }
0x15: {  	[tilespmem:s13+$0x40C0] =	vst v0  }
0x16: {  	[tilespmem:s13+$0x40D0] =	vst v0  }
0x17: {  	[tilespmem:s13+$0x40E0] =	vst v0;
	s13 =	sshra.s32 s14, $0x2;
	s14 =	sadd.s32 $0x200, s14  }
0x18: {  	[tilespmem:s13+$0x40F0] =	vst v0  }
0x19: {  	[tilespmem:s13+$0x4080] =	vst v0  }
0x1a: {  	[tilespmem:s13+$0x4090] =	vst v0  }
0x1b: {  	[tilespmem:s13+$0x40A0] =	vst v0  }
0x1c: {  	[tilespmem:s13+$0x40B0] =	vst v0  }
0x1d: {  	[tilespmem:s13+$0x40C0] =	vst v0  }
0x1e: {  	[tilespmem:s13+$0x40D0] =	vst v0  }
0x1f: {  	[tilespmem:s13+$0x40E0] =	vst v0  }
0x20: {  	[spmem:s4] =	stream.linear.scatter [tilespmem:s10], [sflag:$0x1], $0xA000, $0x38;
	[tilespmem:$0x18080] =	vst v63  }
0x21: {  	_ =	swait.ge [sflag:s11], $0xA000  }
0x22: {  	s30 =	sadd.s32 $0x0, s9;
	[sflag:s11] =	ssyncset.done $0x0  }
0x23: {  	p0 =	sgt.u32 s30, $0x4E1;
	[sflag:s11] =	ssyncadd.s32 $0xFFFF6000  }
0x24: {  	s13 =	simm.s32 @!p0 $0x0;
	s15 =	simm.s32 @!p0 $0x2;
	[bflag:$0x0] =	sbarrier.arrive $0xFFFF  }
0x25: {  	[tilespmem:s13], [sflag:$0x2] =	stream.linear.gather @!p0 [hbm4b:s7+s13], $0x80, $0x38;
	[tilespmem:$0x18080] =	vst v63  }
0x26: {  	_ =	swait.ge @!p0 [sflag:s15], $0x80  }
0x27: {  	[sflag:s15] =	ssyncset.done @!p0 $0x0;
	p0 =	por p0, p0  }
0x28: {  	[sflag:s15] =	ssyncadd.s32 @!p0 $0xFFFFFF80;
	s17 =	simm.s32 @!p0 $0x80  }
0x29: {  	[tilespmem:s17], [sflag:$0x2] =	stream.linear.gather @!p0 [hbm4b:s8+s13], $0x4000, $0x38;
	[tilespmem:$0x18080] =	vst v63  }
0x2a: {  	_ =	swait.ge @!p0 [sflag:s15], $0x4000  }
0x2b: {  	[sflag:s15] =	ssyncset.done @!p0 $0x0  }
0x2c: {  	s31 =	sadd.s32 $0x20, s9;
	s16 =	simm.s32 @!p0 $0x1;
	[sflag:s15] =	ssyncadd.s32 @!p0 $0xFFFFC000  }
0x2d: {  	[spmem:s2] =	stream.indirect.scatter.add.f32 @!p0 [tilespmem:s17], [sflag:$0x1], $0x80, s13, s17, $0xb8;
	[tilespmem:$0x18080] =	vst v63  }
0x2e: {  	s14 =	simm.s32 $0x40;
	p1 =	sgt.u32 s31, $0x4E1;
	_ =	swait.ge @!p0 [sflag:s16], $0x4000  }
0x2f: {  	s15 =	sadd.s32 $0x200, s7;
	s13 =	sadd.s32 $0x10000, s8;
	[sflag:s16] =	ssyncset.done @!p0 $0x0  }
.LBB2_4:
0x30: {  	s17 =	simm.s32 @!p1 $0x0;
	s18 =	simm.s32 @!p1 $0x2;
	[sflag:s16] =	ssyncadd.s32 @!p0 $0xFFFFC000  }
0x31: {  	[tilespmem:s17], [sflag:$0x2] =	stream.linear.gather @!p1 [hbm4b:s15+s17], $0x80, $0x38;
	[tilespmem:$0x18080] =	vst v63  }
0x32: {  	s19 =	smov.u32 s14;
	s14 =	sadd.s32 $0x20, s14;
	_ =	swait.ge @!p1 [sflag:s18], $0x80  }
0x33: {  	p0 =	por p1, p1;
	p2 =	sne.s32 s14, $0x500;
	[sflag:s18] =	ssyncset.done @!p1 $0x0  }
0x34: {  	s20 =	simm.s32 @!p0 $0x80;
	[sflag:s18] =	ssyncadd.s32 @!p0 $0xFFFFFF80  }
0x35: {  	[tilespmem:s20], [sflag:$0x2] =	stream.linear.gather @!p0 [hbm4b:s13+s17], $0x4000, $0x38;
	[tilespmem:$0x18080] =	vst v63  }
0x36: {  	_ =	swait.ge @!p0 [sflag:s18], $0x4000  }
.Ltmp1:
0x37: {  	[sflag:s18] =	ssyncset.done @!p0 $0x0;
	(pc) =	sbr.rel @p2 .LBB2_4-.Ltmp1, $4  }
0x38: {  	s16 =	simm.s32 @!p0 $0x1;
	[sflag:s18] =	ssyncadd.s32 @!p0 $0xFFFFC000  }
0x39: {  	[spmem:s2] =	stream.indirect.scatter.add.f32 @!p0 [tilespmem:s20], [sflag:$0x1], $0x80, s17, s20, $0xb8;
	[tilespmem:$0x18080] =	vst v63  }
0x3a: {  	s13 =	sadd.s32 $0x10000, s13;
	s17 =	sadd.s32 s19, s9;
	_ =	swait.ge @!p0 [sflag:s16], $0x4000  }
0x3b: {  	s15 =	sadd.s32 $0x200, s15;
	p1 =	sgt.u32 s17, $0x4E1;
	[sflag:s16] =	ssyncset.done @!p0 $0x0  }
0x3c: {  	s14 =	simm.s32 @!p1 $0x0;
	s17 =	simm.s32 @!p1 $0x2;
	[sflag:s16] =	ssyncadd.s32 @!p0 $0xFFFFC000  }
0x3d: {  	[tilespmem:s14], [sflag:$0x2] =	stream.linear.gather @!p1 [hbm4b:s15+s14], $0x80, $0x38;
	[tilespmem:$0x18080] =	vst v63  }
0x3e: {  	_ =	swait.ge @!p1 [sflag:s17], $0x80  }
0x3f: {  	p0 =	por p1, p1;
	[sflag:s17] =	ssyncset.done @!p1 $0x0  }
0x40: {  	s15 =	simm.s32 @!p0 $0x80;
	[sflag:s17] =	ssyncadd.s32 @!p0 $0xFFFFFF80  }
0x41: {  	[tilespmem:s15], [sflag:$0x2] =	stream.linear.gather @!p0 [hbm4b:s13+s14], $0x4000, $0x38;
	[tilespmem:$0x18080] =	vst v63  }
0x42: {  	_ =	swait.ge @!p0 [sflag:s17], $0x4000  }
0x43: {  	[sflag:s17] =	ssyncset.done @!p0 $0x0  }
0x44: {  	s13 =	simm.s32 @!p0 $0x1;
	[sflag:s17] =	ssyncadd.s32 @!p0 $0xFFFFC000  }
0x45: {  	[spmem:s2] =	stream.indirect.scatter.add.f32 @!p0 [tilespmem:s15], [sflag:$0x1], $0x80, s14, s15, $0xb8;
	[tilespmem:$0x18080] =	vst v63  }
0x46: {  	_ =	swait.ge @!p0 [sflag:s13], $0x4000  }
0x47: {  	[sflag:s13] =	ssyncset.done @!p0 $0x0  }
0x48: {  	[sflag:s13] =	ssyncadd.s32 @!p0 $0xFFFFC000  }
0x49: {  	[bflag:$0x0] =	sbarrier.arrive $0xFFFF  }
0x4a: {  	[tilespmem:s10], [sflag:$0x1] =	stream.linear.gather [spmem:s4], $0xA000, $0x38;
	[tilespmem:$0x18080] =	vst v63  }
0x4b: {  	s12 =	sadd.s32 $0x1, s12;
	_ =	swait.ge [sflag:s11], $0xA000  }
0x4c: {  	p0 =	sne.s32 s12, s6;
	[sflag:s11] =	ssyncset.done $0x0  }
.Ltmp2:
0x4d: {  	[sflag:s11] =	ssyncadd.s32 $0xFFFF6000;
	(pc) =	sbr.rel @p0 .LBB2_1-.Ltmp2, $4  }
0x4e: {  	[hbm4b:s5+s3] =	stream.linear.scatter [tilespmem:s10], [sflag:$0x1], $0xA000, $0x38;
	[tilespmem:$0x18080] =	vst v63  }
0x4f: {  	_ =	swait.ge [sflag:s11], $0xA000  }
0x50: {  	[sflag:s11] =	ssyncset.done $0x0  }
0x51: {  	[sflag:s11] =	ssyncadd.s32 $0xFFFF6000  }
0x52: {  	_ =	sfence.sel $0x180000  }
0x53: {  	[bflag:$0x0] =	sbarrier.arrive $0xFFFF  }
0x54: {  	p0 =	sne.s32 s0, $0x0;
	_ =	strace $0x9000005C  }
0x55: {  	s0 =	sadd.s32 @!p0 $0x100000, s1;
	[bflag:$0x2] =	sbarrier.arrive $0xFFFF  }
0x56: {  	[sflag:s0] =	ssyncadd.tile.s32 @!p0 $0x1;
	_ =	shalt  }
.Lfunc_end2:
_tile_overlayer_lowered:
.L_overlay_start_2:
0x57: {  	(tag) =	ssettag $0x2  }
0x58: {  	s0 =	rddreg [dreg:$0x0];
	s2 =	stileid.u32  }
0x59: {  	s1 =	rddreg [dreg:$0x1];
	p0 =	sne.s32 s2, $0x0  }
0x5a: {  	s3 =	rddreg [dreg:$0x2];
	[bflag:$0x3] =	sbarrier.arrive $0xFFFF;
	s2 =	simm.s32 @!p0 $0x1C01  }
0x5b: {  	[timem:s3], [sflag:s2] =	dma.local @!p0 [hbm:s0], s1  }
0x5c: {  	s0 =	simm.s32 @!p0 $0x1  }
0x5d: {  	_ =	swait.ge @!p0 [sflag:s0], s1  }
0x5e: {  	s1 =	ssub.s32 @!p0 $0x0, s1;
	[sflag:s0] =	ssyncset.done @!p0 $0x0  }
0x5f: {  	[sflag:s0] =	ssyncadd.s32 @!p0 s1  }
0x60: {  	[bflag:$0x3] =	sbarrier.arrive $0xFFFF  }
0x61: {  	_ =	shalt  }

</sc_bundles>
